<compile_context>
chip_gen: v7x
topology: tpu7x:2x2x1
jax: 0.10.2.dev20260603
libtpu: 0.0.44.dev20260713+nightly
codegen_flags: <defaults>
</compile_context>

<pallas_src>
import functools

import jax
import jax.numpy as jnp
from jax import lax
from jax.experimental import pallas as pl
from jax.experimental.pallas import tpu as pltpu
from jax.experimental.pallas import tpu_sc as plsc

N_PAD = 2048
TP = 6


def _rne_bf16_bits(bits):
    bits = bits.astype(jnp.uint32)
    return (bits + 0x7FFF + ((bits >> 16) & 1)) >> 16


def _table_body(c_ref, o_ref):
    c = c_ref[...]
    rho0, rho1, rho2 = c[0:1], c[1:2], c[2:3]
    x, y, z = c[3:4], c[4:5], c[5:6]
    th2 = x * x + y * y + z * z
    small = th2 < 1e-8
    th2s = jnp.where(small, 1.0, th2)
    th = jnp.sqrt(th2s)
    s = jnp.sin(th)
    co = jnp.cos(th)
    A = jnp.where(small, 1.0 - th2 / 6.0, s / th)
    B = jnp.where(small, 0.5 - th2 / 24.0, (1.0 - co) / th2s)
    Cc = jnp.where(small, 1.0 / 6.0 - th2 / 120.0, (th - s) / (th2s * th))
    xx, yy, zz = x * x, y * y, z * z
    xy, xz, yz = x * y, x * z, y * z
    R00 = 1.0 - B * (yy + zz)
    R01 = -A * z + B * xy
    R02 = A * y + B * xz
    R10 = A * z + B * xy
    R11 = 1.0 - B * (xx + zz)
    R12 = -A * x + B * yz
    R20 = -A * y + B * xz
    R21 = A * x + B * yz
    R22 = 1.0 - B * (xx + yy)
    J00 = 1.0 - Cc * (yy + zz)
    J01 = -B * z + Cc * xy
    J02 = B * y + Cc * xz
    J10 = B * z + Cc * xy
    J11 = 1.0 - Cc * (xx + zz)
    J12 = -B * x + Cc * yz
    J20 = -B * y + Cc * xz
    J21 = B * x + Cc * yz
    J22 = 1.0 - Cc * (xx + yy)
    t0 = J00 * rho0 + J01 * rho1 + J02 * rho2
    t1 = J10 * rho0 + J11 * rho1 + J12 * rho2
    t2 = J20 * rho0 + J21 * rho1 + J22 * rho2
    rows = (t0, t1, t2, R00, R01, R02, R10, R11, R12, R20, R21, R22)
    for p in range(TP):
        lo = _rne_bf16_bits(lax.bitcast_convert_type(rows[2 * p], jnp.uint32))
        hi = _rne_bf16_bits(lax.bitcast_convert_type(rows[2 * p + 1], jnp.uint32))
        packed = lax.bitcast_convert_type(lo | (hi << 16), jnp.int32)
        o_ref[pl.ds(p * N_PAD, N_PAD)] = packed.reshape(N_PAD)


_table_call = pl.pallas_call(
    _table_body,
    out_shape=jax.ShapeDtypeStruct((TP * N_PAD,), jnp.int32),
)


@functools.lru_cache(maxsize=None)
def _make_sc(n_tiles, n_frames, n_chunks, unroll, n_buf=4):
    info = plsc.get_sparse_core_info()
    nc, ns = info.num_cores, info.num_subcores
    nw = nc * ns
    tiles_w = n_tiles // nw
    assert tiles_w * nw == n_tiles and tiles_w % n_chunks == 0
    tiles_per_chunk = tiles_w // n_chunks
    cw = tiles_per_chunk * 1024
    ciw = tiles_per_chunk * 128
    n_rays_w = tiles_w * 128
    mesh = plsc.VectorSubcoreMesh(core_axis_name="c", subcore_axis_name="s")
    interleaved = plsc.PackFormat.INTERLEAVED

    @functools.partial(
        pl.kernel,
        out_type=jax.ShapeDtypeStruct((n_tiles * 1024,), jnp.float32),
        mesh=mesh,
        compiler_params=pltpu.CompilerParams(needs_layout_passes=False),
        scratch_types=[
            pltpu.VMEM((N_PAD * TP,), jnp.int32),
            [pltpu.VMEM((ciw + 16,), jnp.int32) for _ in range(n_buf)],
            [pltpu.VMEM((ciw + 16,), jnp.int32) for _ in range(n_buf)],
            [pltpu.VMEM((cw,), jnp.float32) for _ in range(n_buf)],
            [pltpu.VMEM((cw,), jnp.float32) for _ in range(n_buf)],
            [pltpu.SemaphoreType.DMA for _ in range(n_buf)],
            [pltpu.SemaphoreType.DMA for _ in range(n_buf)],
        ],
    )
    def sc_k(table_hbm, rays_hbm, idx_hbm, msk_hbm, out_hbm,
             tab_v, idx_vs, msk_vs, ray_vs, out_vs, in_sems, out_sems):
        wid = lax.axis_index("s") * nc + lax.axis_index("c")
        iota = lax.iota(jnp.int32, 16)
        zero16 = jnp.zeros((16,), jnp.float32)

        def fire_in(ci):
            b = ci % n_buf
            rbase = wid * n_rays_w + ci * ciw
            wbase = wid * tiles_w * 1024 + ci * cw
            return (
                pltpu.async_copy(idx_hbm.at[pl.ds(rbase, ciw)],
                                 idx_vs[b].at[pl.ds(0, ciw)], in_sems[b]),
                pltpu.async_copy(msk_hbm.at[pl.ds(rbase, ciw)],
                                 msk_vs[b].at[pl.ds(0, ciw)], in_sems[b]),
                pltpu.async_copy(rays_hbm.at[pl.ds(wbase, cw)], ray_vs[b], in_sems[b]),
            )

        in_handles = {ci: fire_in(ci) for ci in range(min(n_buf, n_chunks))}
        pltpu.sync_copy(table_hbm, tab_v)

        out_handles = {}
        for ci in range(n_chunks):
            b = ci % n_buf
            idx_v, msk_v = idx_vs[b], msk_vs[b]
            ray_v, out_v = ray_vs[b], out_vs[b]
            for h in in_handles.pop(ci):
                h.wait()
            if ci - n_buf >= 0:
                out_handles.pop(ci - n_buf).wait()

            def one(g, iv, mv):
                vbase = (g >> 3) * 1024 + (g & 7) * 16
                eff = jnp.where(mv == 1, iv, jnp.int32(n_frames))

                def tg(p):
                    w = plsc.load_gather(tab_v.at[pl.ds(p * N_PAD, N_PAD)], [eff])
                    return plsc.unpack(plsc.bitcast(w, jnp.bfloat16),
                                       format=interleaved,
                                       preferred_element_type=jnp.float32)

                t0, t1 = tg(0)
                t2, m00 = tg(1)
                m01, m02 = tg(2)
                m10, m11 = tg(3)
                m12, m20 = tg(4)
                m21, m22 = tg(5)
                r0 = ray_v[pl.ds(vbase, 16)]
                r1 = ray_v[pl.ds(vbase + 128, 16)]
                r2 = ray_v[pl.ds(vbase + 256, 16)]
                r3 = ray_v[pl.ds(vbase + 384, 16)]
                r4 = ray_v[pl.ds(vbase + 512, 16)]
                r5 = ray_v[pl.ds(vbase + 640, 16)]
                r6 = ray_v[pl.ds(vbase + 768, 16)]
                r7 = ray_v[pl.ds(vbase + 896, 16)]
                out_v[pl.ds(vbase, 16)] = r0 + t0
                out_v[pl.ds(vbase + 128, 16)] = r1 + t1
                out_v[pl.ds(vbase + 256, 16)] = r2 + t2
                out_v[pl.ds(vbase + 384, 16)] = m00 * r3 + m01 * r4 + m02 * r5
                out_v[pl.ds(vbase + 512, 16)] = m10 * r3 + m11 * r4 + m12 * r5
                out_v[pl.ds(vbase + 640, 16)] = m20 * r3 + m21 * r4 + m22 * r5
                out_v[pl.ds(vbase + 768, 16)] = r6
                out_v[pl.ds(vbase + 896, 16)] = r7

            def grp(j, carry):
                for u in range(unroll):
                    g = j * unroll + u
                    iv, mv = carry
                    noff = g * 16 + 16
                    carry = (idx_v[pl.ds(noff, 16)], msk_v[pl.ds(noff, 16)])
                    one(g, iv, mv)
                return carry

            carry0 = (idx_v[pl.ds(0, 16)], msk_v[pl.ds(0, 16)])
            lax.fori_loop(0, tiles_per_chunk * 8 // unroll, grp, carry0)

            if ci == 0:
                @pl.when(wid == 0)
                def _fixup():
                    m6 = iota < 6
                    plsc.store_scatter(out_v, [iota + 6 * 128], zero16, mask=m6)
                    plsc.store_scatter(out_v, [iota + 7 * 128], zero16, mask=m6)

            wbase = wid * tiles_w * 1024 + ci * cw
            out_handles[ci] = pltpu.async_copy(
                out_v, out_hbm.at[pl.ds(wbase, cw)], out_sems[b])
            if ci + n_buf < n_chunks:
                in_handles[ci + n_buf] = fire_in(ci + n_buf)

        for h in out_handles.values():
            h.wait()

    return sc_k


def kernel(correction_dict, rays, image_indices, depth_mask):
    n_frames, _ = correction_dict.shape
    n_rays = rays.shape[0]
    n_tiles = n_rays // 128
    corr_t = jnp.zeros((8, N_PAD), jnp.float32)
    corr_t = corr_t.at[:6, :n_frames].set(correction_dict.astype(jnp.float32).T)
    table = _table_call(corr_t)
    idx = image_indices.astype(jnp.int32)
    msk = depth_mask.reshape(-1).astype(jnp.int32)
    rays_t = rays.astype(jnp.float32).reshape(n_tiles, 128, 8)
    rays_t = rays_t.transpose(0, 2, 1).reshape(-1)
    sc_k = _make_sc(n_tiles, n_frames, 8, 2)
    out = sc_k(table, rays_t, idx, msk)
    out = out.reshape(n_tiles, 8, 128).transpose(0, 2, 1)
    return out.reshape(n_rays, 8)

# --- scband reference (transcript-rebuilt; emitter-appended) ---
"""Pipeline reference for scband-pose-correction-77180562309221 (READ-ONLY COPY).

The authoritative reference and input builder live on the scoring server;
editing this copy changes nothing except your own understanding.
"""

import jax, jax.numpy as jnp
import numpy as np

N_FRAMES = 2000
N_RAYS = 262144
D_RAY = 8


def _hat(phi):
    x, y, z = phi[..., 0], phi[..., 1], phi[..., 2]
    zeros = jnp.zeros_like(x)
    return jnp.stack([
        jnp.stack([zeros, -z, y], axis=-1),
        jnp.stack([z, zeros, -x], axis=-1),
        jnp.stack([-y, x, zeros], axis=-1),
    ], axis=-2)


def _se3_exp(xi):
    # pypose se3 layout: [rho(3) translation tangent, phi(3) rotation tangent]
    rho = xi[..., :3]
    phi = xi[..., 3:6]
    theta2 = jnp.sum(phi * phi, axis=-1)
    small = theta2 < 1e-8
    theta2s = jnp.where(small, 1.0, theta2)
    theta = jnp.sqrt(theta2s)
    A = jnp.where(small, 1.0 - theta2 / 6.0, jnp.sin(theta) / theta)
    B = jnp.where(small, 0.5 - theta2 / 24.0, (1.0 - jnp.cos(theta)) / theta2s)
    C = jnp.where(small, 1.0 / 6.0 - theta2 / 120.0, (theta - jnp.sin(theta)) / (theta2s * theta))
    K = _hat(phi)
    K2 = jnp.matmul(K, K)
    I = jnp.eye(3, dtype=xi.dtype)
    R = I + A[..., None, None] * K + B[..., None, None] * K2
    Jl = I + B[..., None, None] * K + C[..., None, None] * K2
    t = jnp.einsum('...ij,...j->...i', Jl, rho)
    return t, R


def setup_inputs(seed: int = 0) -> dict:
    key = jax.random.key(seed)
    k1, k2, k3, k4 = jax.random.split(key, 4)
    image_indices = jax.random.randint(k1, (N_RAYS,), 0, N_FRAMES)
    depth_mask = jax.random.randint(k2, (N_RAYS, 1), 0, 2)
    rays = jax.random.normal(k3, (N_RAYS, D_RAY), dtype=jnp.float32)
    correction_dict = jax.random.normal(k4, (N_FRAMES, 6), dtype=jnp.float32) * 0.01
    return {
        'correction_dict': correction_dict,
        'rays': rays,
        'image_indices': image_indices,
        'depth_mask': depth_mask,
    }


def reference(correction_dict, rays, image_indices, depth_mask):
    # embedding lookup: gather per-ray se3 correction by image index
    corr = jnp.take(correction_dict, image_indices, axis=0)
    # where depth_mask != 1, fall back to identity se3 (zeros)
    corr = jnp.where(depth_mask == 1, corr, jnp.zeros_like(corr))
    t, R = _se3_exp(corr)
    ret = jnp.zeros_like(rays)
    ret = ret.at[6:].set(rays[6:])  # copy rows 6 onward (faithful to ret[6:] = rays[6:])
    ret = ret.at[:, :3].set(rays[:, :3] + t)
    ret = ret.at[:, 3:6].set(jnp.einsum('...ij,...j->...i', R, rays[:, 3:6]))
    return ret

if __name__ == "__main__":
    import jax
    _d = setup_inputs()
    print(jax.jit(kernel)(*tuple(_d.values())))

</pallas_src>

<mosaic_0001>
#map = affine_map<(d0, d1) -> (0)>
module attributes {stable_mosaic.version = 14 : i64} {
  func.func @sc_k(%arg0: i32, %arg1: i32, %arg2: memref<12288xi32, #tpu.memory_space<hbm>>, %arg3: memref<2097152xf32, #tpu.memory_space<hbm>>, %arg4: memref<262144xi32, #tpu.memory_space<hbm>>, %arg5: memref<262144xi32, #tpu.memory_space<hbm>>, %arg6: memref<2097152xf32, #tpu.memory_space<hbm>>, %arg7: memref<12288xi32, #tpu.memory_space<vmem>>, %arg8: memref<1040xi32, #tpu.memory_space<vmem>>, %arg9: memref<1040xi32, #tpu.memory_space<vmem>>, %arg10: memref<1040xi32, #tpu.memory_space<vmem>>, %arg11: memref<1040xi32, #tpu.memory_space<vmem>>, %arg12: memref<1040xi32, #tpu.memory_space<vmem>>, %arg13: memref<1040xi32, #tpu.memory_space<vmem>>, %arg14: memref<1040xi32, #tpu.memory_space<vmem>>, %arg15: memref<1040xi32, #tpu.memory_space<vmem>>, %arg16: memref<8192xf32, #tpu.memory_space<vmem>>, %arg17: memref<8192xf32, #tpu.memory_space<vmem>>, %arg18: memref<8192xf32, #tpu.memory_space<vmem>>, %arg19: memref<8192xf32, #tpu.memory_space<vmem>>, %arg20: memref<8192xf32, #tpu.memory_space<vmem>>, %arg21: memref<8192xf32, #tpu.memory_space<vmem>>, %arg22: memref<8192xf32, #tpu.memory_space<vmem>>, %arg23: memref<8192xf32, #tpu.memory_space<vmem>>, %arg24: memref<!tpu.dma_semaphore, #tpu.memory_space<semaphore_mem>>, %arg25: memref<!tpu.dma_semaphore, #tpu.memory_space<semaphore_mem>>, %arg26: memref<!tpu.dma_semaphore, #tpu.memory_space<semaphore_mem>>, %arg27: memref<!tpu.dma_semaphore, #tpu.memory_space<semaphore_mem>>, %arg28: memref<!tpu.dma_semaphore, #tpu.memory_space<semaphore_mem>>, %arg29: memref<!tpu.dma_semaphore, #tpu.memory_space<semaphore_mem>>, %arg30: memref<!tpu.dma_semaphore, #tpu.memory_space<semaphore_mem>>, %arg31: memref<!tpu.dma_semaphore, #tpu.memory_space<semaphore_mem>>) attributes {dimension_semantics = [#tpu.dimension_semantics<core_parallel>, #tpu.dimension_semantics<subcore_parallel>], iteration_bounds = array<i64: 2, 16>, scalar_prefetch = 0 : i64, scratch_operands = 25 : i64, tpu.core_type = #tpu.core_type<sc_vector_subcore>, window_params = [{transform_indices = #map}, {transform_indices = #map}, {transform_indices = #map}, {transform_indices = #map}, {transform_indices = #map}]} {
    %mul3A = arith.constant 2 : i32
    %mul3A_0 = arith.muli %arg1, %mul3A : i32
    %add3A = arith.addi %mul3A_0, %arg0 : i32
    %iota3A = tpu.iota {dimensions = array<i32: 0>} : vector<16xi32>
    %broadcast_in_dim3A = arith.constant 0.000000e+00 : f32
    %broadcast_in_dim3A_1 = vector.broadcast %broadcast_in_dim3A : f32 to vector<16xf32>
    %mul3A_2 = arith.constant 8192 : i32
    %mul3A_3 = arith.muli %add3A, %mul3A_2 : i32
    %add3A_4 = arith.constant 0 : i32
    %add3A_5 = arith.addi %mul3A_3, %add3A_4 : i32
    %mul3A_6 = arith.constant 64 : i32
    %mul3A_7 = arith.muli %add3A, %mul3A_6 : i32
    %mul3A_8 = arith.constant 1024 : i32
    %mul3A_9 = arith.muli %mul3A_7, %mul3A_8 : i32
    %add3A_10 = arith.constant 0 : i32
    %add3A_11 = arith.addi %mul3A_9, %add3A_10 : i32
    %dma_start3A = arith.constant 0 : i32
    %dma_start3A_12 = tpu.memref_slice %arg8[%dma_start3A] : memref<1040xi32, #tpu.memory_space<vmem>> -> memref<1024xi32, #tpu.memory_space<vmem>>
    %dma_start3A_13 = tpu.memref_slice %arg4[%add3A_5] : memref<262144xi32, #tpu.memory_space<hbm>> -> memref<1024xi32, #tpu.memory_space<hbm>>
    %dma_start3A_14 = arith.constant 0 : i32
    %dma_start3A_15 = tpu.memref_slice %arg8[%dma_start3A_14] : memref<1040xi32, #tpu.memory_space<vmem>> -> memref<1024xi32, #tpu.memory_space<vmem>>
    %dma_start3A_16 = tpu.memref_slice %arg4[%add3A_5] : memref<262144xi32, #tpu.memory_space<hbm>> -> memref<1024xi32, #tpu.memory_space<hbm>>
    tpu.enqueue_dma source(%dma_start3A_16 : memref<1024xi32, #tpu.memory_space<hbm>>) target(%dma_start3A_15 : memref<1024xi32, #tpu.memory_space<vmem>>) target_semaphore(%arg24 : memref<!tpu.dma_semaphore, #tpu.memory_space<semaphore_mem>>)
    %dma_start3A_17 = arith.constant 0 : i32
    %dma_start3A_18 = tpu.memref_slice %arg12[%dma_start3A_17] : memref<1040xi32, #tpu.memory_space<vmem>> -> memref<1024xi32, #tpu.memory_space<vmem>>
    %dma_start3A_19 = tpu.memref_slice %arg5[%add3A_5] : memref<262144xi32, #tpu.memory_space<hbm>> -> memref<1024xi32, #tpu.memory_space<hbm>>
    %dma_start3A_20 = arith.constant 0 : i32
    %dma_start3A_21 = tpu.memref_slice %arg12[%dma_start3A_20] : memref<1040xi32, #tpu.memory_space<vmem>> -> memref<1024xi32, #tpu.memory_space<vmem>>
    %dma_start3A_22 = tpu.memref_slice %arg5[%add3A_5] : memref<262144xi32, #tpu.memory_space<hbm>> -> memref<1024xi32, #tpu.memory_space<hbm>>
    tpu.enqueue_dma source(%dma_start3A_22 : memref<1024xi32, #tpu.memory_space<hbm>>) target(%dma_start3A_21 : memref<1024xi32, #tpu.memory_space<vmem>>) target_semaphore(%arg24 : memref<!tpu.dma_semaphore, #tpu.memory_space<semaphore_mem>>)
    %dma_start3A_23 = tpu.memref_slice %arg3[%add3A_11] : memref<2097152xf32, #tpu.memory_space<hbm>> -> memref<8192xf32, #tpu.memory_space<hbm>>
    %dma_start3A_24 = tpu.memref_slice %arg3[%add3A_11] : memref<2097152xf32, #tpu.memory_space<hbm>> -> memref<8192xf32, #tpu.memory_space<hbm>>
    tpu.enqueue_dma source(%dma_start3A_24 : memref<8192xf32, #tpu.memory_space<hbm>>) target(%arg16 : memref<8192xf32, #tpu.memory_space<vmem>>) target_semaphore(%arg24 : memref<!tpu.dma_semaphore, #tpu.memory_space<semaphore_mem>>)
    %mul3A_25 = arith.constant 8192 : i32
    %mul3A_26 = arith.muli %add3A, %mul3A_25 : i32
    %add3A_27 = arith.constant 1024 : i32
    %add3A_28 = arith.addi %mul3A_26, %add3A_27 : i32
    %mul3A_29 = arith.constant 64 : i32
    %mul3A_30 = arith.muli %add3A, %mul3A_29 : i32
    %mul3A_31 = arith.constant 1024 : i32
    %mul3A_32 = arith.muli %mul3A_30, %mul3A_31 : i32
    %add3A_33 = arith.constant 8192 : i32
    %add3A_34 = arith.addi %mul3A_32, %add3A_33 : i32
    %dma_start3A_35 = arith.constant 0 : i32
    %dma_start3A_36 = tpu.memref_slice %arg9[%dma_start3A_35] : memref<1040xi32, #tpu.memory_space<vmem>> -> memref<1024xi32, #tpu.memory_space<vmem>>
    %dma_start3A_37 = tpu.memref_slice %arg4[%add3A_28] : memref<262144xi32, #tpu.memory_space<hbm>> -> memref<1024xi32, #tpu.memory_space<hbm>>
    %dma_start3A_38 = arith.constant 0 : i32
    %dma_start3A_39 = tpu.memref_slice %arg9[%dma_start3A_38] : memref<1040xi32, #tpu.memory_space<vmem>> -> memref<1024xi32, #tpu.memory_space<vmem>>
    %dma_start3A_40 = tpu.memref_slice %arg4[%add3A_28] : memref<262144xi32, #tpu.memory_space<hbm>> -> memref<1024xi32, #tpu.memory_space<hbm>>
    tpu.enqueue_dma source(%dma_start3A_40 : memref<1024xi32, #tpu.memory_space<hbm>>) target(%dma_start3A_39 : memref<1024xi32, #tpu.memory_space<vmem>>) target_semaphore(%arg25 : memref<!tpu.dma_semaphore, #tpu.memory_space<semaphore_mem>>)
    %dma_start3A_41 = arith.constant 0 : i32
    %dma_start3A_42 = tpu.memref_slice %arg13[%dma_start3A_41] : memref<1040xi32, #tpu.memory_space<vmem>> -> memref<1024xi32, #tpu.memory_space<vmem>>
    %dma_start3A_43 = tpu.memref_slice %arg5[%add3A_28] : memref<262144xi32, #tpu.memory_space<hbm>> -> memref<1024xi32, #tpu.memory_space<hbm>>
    %dma_start3A_44 = arith.constant 0 : i32
    %dma_start3A_45 = tpu.memref_slice %arg13[%dma_start3A_44] : memref<1040xi32, #tpu.memory_space<vmem>> -> memref<1024xi32, #tpu.memory_space<vmem>>
    %dma_start3A_46 = tpu.memref_slice %arg5[%add3A_28] : memref<262144xi32, #tpu.memory_space<hbm>> -> memref<1024xi32, #tpu.memory_space<hbm>>
    tpu.enqueue_dma source(%dma_start3A_46 : memref<1024xi32, #tpu.memory_space<hbm>>) target(%dma_start3A_45 : memref<1024xi32, #tpu.memory_space<vmem>>) target_semaphore(%arg25 : memref<!tpu.dma_semaphore, #tpu.memory_space<semaphore_mem>>)
    %dma_start3A_47 = tpu.memref_slice %arg3[%add3A_34] : memref<2097152xf32, #tpu.memory_space<hbm>> -> memref<8192xf32, #tpu.memory_space<hbm>>
    %dma_start3A_48 = tpu.memref_slice %arg3[%add3A_34] : memref<2097152xf32, #tpu.memory_space<hbm>> -> memref<8192xf32, #tpu.memory_space<hbm>>
    tpu.enqueue_dma source(%dma_start3A_48 : memref<8192xf32, #tpu.memory_space<hbm>>) target(%arg17 : memref<8192xf32, #tpu.memory_space<vmem>>) target_semaphore(%arg25 : memref<!tpu.dma_semaphore, #tpu.memory_space<semaphore_mem>>)
    %mul3A_49 = arith.constant 8192 : i32
    %mul3A_50 = arith.muli %add3A, %mul3A_49 : i32
    %add3A_51 = arith.constant 2048 : i32
    %add3A_52 = arith.addi %mul3A_50, %add3A_51 : i32
    %mul3A_53 = arith.constant 64 : i32
    %mul3A_54 = arith.muli %add3A, %mul3A_53 : i32
    %mul3A_55 = arith.constant 1024 : i32
    %mul3A_56 = arith.muli %mul3A_54, %mul3A_55 : i32
    %add3A_57 = arith.constant 16384 : i32
    %add3A_58 = arith.addi %mul3A_56, %add3A_57 : i32
    %dma_start3A_59 = arith.constant 0 : i32
    %dma_start3A_60 = tpu.memref_slice %arg10[%dma_start3A_59] : memref<1040xi32, #tpu.memory_space<vmem>> -> memref<1024xi32, #tpu.memory_space<vmem>>
    %dma_start3A_61 = tpu.memref_slice %arg4[%add3A_52] : memref<262144xi32, #tpu.memory_space<hbm>> -> memref<1024xi32, #tpu.memory_space<hbm>>
    %dma_start3A_62 = arith.constant 0 : i32
    %dma_start3A_63 = tpu.memref_slice %arg10[%dma_start3A_62] : memref<1040xi32, #tpu.memory_space<vmem>> -> memref<1024xi32, #tpu.memory_space<vmem>>
    %dma_start3A_64 = tpu.memref_slice %arg4[%add3A_52] : memref<262144xi32, #tpu.memory_space<hbm>> -> memref<1024xi32, #tpu.memory_space<hbm>>
    tpu.enqueue_dma source(%dma_start3A_64 : memref<1024xi32, #tpu.memory_space<hbm>>) target(%dma_start3A_63 : memref<1024xi32, #tpu.memory_space<vmem>>) target_semaphore(%arg26 : memref<!tpu.dma_semaphore, #tpu.memory_space<semaphore_mem>>)
    %dma_start3A_65 = arith.constant 0 : i32
    %dma_start3A_66 = tpu.memref_slice %arg14[%dma_start3A_65] : memref<1040xi32, #tpu.memory_space<vmem>> -> memref<1024xi32, #tpu.memory_space<vmem>>
    %dma_start3A_67 = tpu.memref_slice %arg5[%add3A_52] : memref<262144xi32, #tpu.memory_space<hbm>> -> memref<1024xi32, #tpu.memory_space<hbm>>
    %dma_start3A_68 = arith.constant 0 : i32
    %dma_start3A_69 = tpu.memref_slice %arg14[%dma_start3A_68] : memref<1040xi32, #tpu.memory_space<vmem>> -> memref<1024xi32, #tpu.memory_space<vmem>>
    %dma_start3A_70 = tpu.memref_slice %arg5[%add3A_52] : memref<262144xi32, #tpu.memory_space<hbm>> -> memref<1024xi32, #tpu.memory_space<hbm>>
    tpu.enqueue_dma source(%dma_start3A_70 : memref<1024xi32, #tpu.memory_space<hbm>>) target(%dma_start3A_69 : memref<1024xi32, #tpu.memory_space<vmem>>) target_semaphore(%arg26 : memref<!tpu.dma_semaphore, #tpu.memory_space<semaphore_mem>>)
    %dma_start3A_71 = tpu.memref_slice %arg3[%add3A_58] : memref<2097152xf32, #tpu.memory_space<hbm>> -> memref<8192xf32, #tpu.memory_space<hbm>>
    %dma_start3A_72 = tpu.memref_slice %arg3[%add3A_58] : memref<2097152xf32, #tpu.memory_space<hbm>> -> memref<8192xf32, #tpu.memory_space<hbm>>
    tpu.enqueue_dma source(%dma_start3A_72 : memref<8192xf32, #tpu.memory_space<hbm>>) target(%arg18 : memref<8192xf32, #tpu.memory_space<vmem>>) target_semaphore(%arg26 : memref<!tpu.dma_semaphore, #tpu.memory_space<semaphore_mem>>)
    %mul3A_73 = arith.constant 8192 : i32
    %mul3A_74 = arith.muli %add3A, %mul3A_73 : i32
    %add3A_75 = arith.constant 3072 : i32
    %add3A_76 = arith.addi %mul3A_74, %add3A_75 : i32
    %mul3A_77 = arith.constant 64 : i32
    %mul3A_78 = arith.muli %add3A, %mul3A_77 : i32
    %mul3A_79 = arith.constant 1024 : i32
    %mul3A_80 = arith.muli %mul3A_78, %mul3A_79 : i32
    %add3A_81 = arith.constant 24576 : i32
    %add3A_82 = arith.addi %mul3A_80, %add3A_81 : i32
    %dma_start3A_83 = arith.constant 0 : i32
    %dma_start3A_84 = tpu.memref_slice %arg11[%dma_start3A_83] : memref<1040xi32, #tpu.memory_space<vmem>> -> memref<1024xi32, #tpu.memory_space<vmem>>
    %dma_start3A_85 = tpu.memref_slice %arg4[%add3A_76] : memref<262144xi32, #tpu.memory_space<hbm>> -> memref<1024xi32, #tpu.memory_space<hbm>>
    %dma_start3A_86 = arith.constant 0 : i32
    %dma_start3A_87 = tpu.memref_slice %arg11[%dma_start3A_86] : memref<1040xi32, #tpu.memory_space<vmem>> -> memref<1024xi32, #tpu.memory_space<vmem>>
    %dma_start3A_88 = tpu.memref_slice %arg4[%add3A_76] : memref<262144xi32, #tpu.memory_space<hbm>> -> memref<1024xi32, #tpu.memory_space<hbm>>
    tpu.enqueue_dma source(%dma_start3A_88 : memref<1024xi32, #tpu.memory_space<hbm>>) target(%dma_start3A_87 : memref<1024xi32, #tpu.memory_space<vmem>>) target_semaphore(%arg27 : memref<!tpu.dma_semaphore, #tpu.memory_space<semaphore_mem>>)
    %dma_start3A_89 = arith.constant 0 : i32
    %dma_start3A_90 = tpu.memref_slice %arg15[%dma_start3A_89] : memref<1040xi32, #tpu.memory_space<vmem>> -> memref<1024xi32, #tpu.memory_space<vmem>>
    %dma_start3A_91 = tpu.memref_slice %arg5[%add3A_76] : memref<262144xi32, #tpu.memory_space<hbm>> -> memref<1024xi32, #tpu.memory_space<hbm>>
    %dma_start3A_92 = arith.constant 0 : i32
    %dma_start3A_93 = tpu.memref_slice %arg15[%dma_start3A_92] : memref<1040xi32, #tpu.memory_space<vmem>> -> memref<1024xi32, #tpu.memory_space<vmem>>
    %dma_start3A_94 = tpu.memref_slice %arg5[%add3A_76] : memref<262144xi32, #tpu.memory_space<hbm>> -> memref<1024xi32, #tpu.memory_space<hbm>>
    tpu.enqueue_dma source(%dma_start3A_94 : memref<1024xi32, #tpu.memory_space<hbm>>) target(%dma_start3A_93 : memref<1024xi32, #tpu.memory_space<vmem>>) target_semaphore(%arg27 : memref<!tpu.dma_semaphore, #tpu.memory_space<semaphore_mem>>)
    %dma_start3A_95 = tpu.memref_slice %arg3[%add3A_82] : memref<2097152xf32, #tpu.memory_space<hbm>> -> memref<8192xf32, #tpu.memory_space<hbm>>
    %dma_start3A_96 = tpu.memref_slice %arg3[%add3A_82] : memref<2097152xf32, #tpu.memory_space<hbm>> -> memref<8192xf32, #tpu.memory_space<hbm>>
    tpu.enqueue_dma source(%dma_start3A_96 : memref<8192xf32, #tpu.memory_space<hbm>>) target(%arg19 : memref<8192xf32, #tpu.memory_space<vmem>>) target_semaphore(%arg27 : memref<!tpu.dma_semaphore, #tpu.memory_space<semaphore_mem>>)
    "tpu.region"() ({
      %run_scoped3A = tpu.sem_alloc : memref<!tpu.dma_semaphore, #tpu.memory_space<semaphore_mem>>
      tpu.enqueue_dma source(%arg2 : memref<12288xi32, #tpu.memory_space<hbm>>) target(%arg7 : memref<12288xi32, #tpu.memory_space<vmem>>) target_semaphore(%run_scoped3A : memref<!tpu.dma_semaphore, #tpu.memory_space<semaphore_mem>>)
      tpu.wait_dma2 semaphore(%run_scoped3A : memref<!tpu.dma_semaphore, #tpu.memory_space<semaphore_mem>>) src(%arg2 : memref<12288xi32, #tpu.memory_space<hbm>>) dst(%arg7 : memref<12288xi32, #tpu.memory_space<vmem>>)
      tpu.yield
    }) : () -> ()
    %dma_wait3A = arith.constant 0 : i32
    %dma_wait3A_97 = tpu.memref_slice %arg8[%dma_wait3A] : memref<1040xi32, #tpu.memory_space<vmem>> -> memref<1024xi32, #tpu.memory_space<vmem>>
    %dma_wait3A_98 = tpu.memref_slice %arg4[%add3A_5] : memref<262144xi32, #tpu.memory_space<hbm>> -> memref<1024xi32, #tpu.memory_space<hbm>>
    %dma_wait3A_99 = arith.constant 0 : i32
    %dma_wait3A_100 = tpu.memref_slice %arg8[%dma_wait3A_99] : memref<1040xi32, #tpu.memory_space<vmem>> -> memref<1024xi32, #tpu.memory_space<vmem>>
    %dma_wait3A_101 = tpu.memref_slice %arg4[%add3A_5] : memref<262144xi32, #tpu.memory_space<hbm>> -> memref<1024xi32, #tpu.memory_space<hbm>>
    tpu.wait_dma2 semaphore(%arg24 : memref<!tpu.dma_semaphore, #tpu.memory_space<semaphore_mem>>) src(%dma_wait3A_101 : memref<1024xi32, #tpu.memory_space<hbm>>) dst(%dma_wait3A_100 : memref<1024xi32, #tpu.memory_space<vmem>>)
    %dma_wait3A_102 = arith.constant 0 : i32
    %dma_wait3A_103 = tpu.memref_slice %arg12[%dma_wait3A_102] : memref<1040xi32, #tpu.memory_space<vmem>> -> memref<1024xi32, #tpu.memory_space<vmem>>
    %dma_wait3A_104 = tpu.memref_slice %arg5[%add3A_5] : memref<262144xi32, #tpu.memory_space<hbm>> -> memref<1024xi32, #tpu.memory_space<hbm>>
    %dma_wait3A_105 = arith.constant 0 : i32
    %dma_wait3A_106 = tpu.memref_slice %arg12[%dma_wait3A_105] : memref<1040xi32, #tpu.memory_space<vmem>> -> memref<1024xi32, #tpu.memory_space<vmem>>
    %dma_wait3A_107 = tpu.memref_slice %arg5[%add3A_5] : memref<262144xi32, #tpu.memory_space<hbm>> -> memref<1024xi32, #tpu.memory_space<hbm>>
    tpu.wait_dma2 semaphore(%arg24 : memref<!tpu.dma_semaphore, #tpu.memory_space<semaphore_mem>>) src(%dma_wait3A_107 : memref<1024xi32, #tpu.memory_space<hbm>>) dst(%dma_wait3A_106 : memref<1024xi32, #tpu.memory_space<vmem>>)
    %dma_wait3A_108 = tpu.memref_slice %arg3[%add3A_11] : memref<2097152xf32, #tpu.memory_space<hbm>> -> memref<8192xf32, #tpu.memory_space<hbm>>
    %dma_wait3A_109 = tpu.memref_slice %arg3[%add3A_11] : memref<2097152xf32, #tpu.memory_space<hbm>> -> memref<8192xf32, #tpu.memory_space<hbm>>
    tpu.wait_dma2 semaphore(%arg24 : memref<!tpu.dma_semaphore, #tpu.memory_space<semaphore_mem>>) src(%dma_wait3A_109 : memref<8192xf32, #tpu.memory_space<hbm>>) dst(%arg16 : memref<8192xf32, #tpu.memory_space<vmem>>)
    %get3A = arith.constant 0 : index
    %get3A_110 = tpu.vector_load %arg8[%get3A] {strides = array<i32>} : memref<1040xi32, #tpu.memory_space<vmem>>, vector<16xi32>,
    %get3A_111 = arith.constant 0 : index
    %get3A_112 = tpu.vector_load %arg12[%get3A_111] {strides = array<i32>} : memref<1040xi32, #tpu.memory_space<vmem>>, vector<16xi32>,
    %scan3A = arith.constant 0 : i32
    %scan3A_113 = arith.constant 32 : i32
    %scan3A_114 = arith.addi %scan3A, %scan3A_113 : i32
    %scan3A_115 = arith.constant 1 : i32
    %scan3A_116:2 = scf.for %scan3A_464 = %scan3A to %scan3A_114 step %scan3A_115 iter_args(%scan3A_465 = %get3A_110, %scan3A_466 = %get3A_112) -> (vector<16xi32>, vector<16xi32>)  : i32 {
      %mul3A_467 = arith.constant 2 : i32
      %mul3A_468 = arith.muli %scan3A_464, %mul3A_467 : i32
      %add3A_469 = arith.constant 0 : i32
      %add3A_470 = arith.addi %mul3A_468, %add3A_469 : i32
      %mul3A_471 = arith.constant 16 : i32
      %mul3A_472 = arith.muli %add3A_470, %mul3A_471 : i32
      %add3A_473 = arith.constant 16 : i32
      %add3A_474 = arith.addi %mul3A_472, %add3A_473 : i32
      %get3A_475 = arith.index_cast %add3A_474 : i32 to index
      %get3A_476 = tpu.vector_load %arg8[%get3A_475] {strides = array<i32>} : memref<1040xi32, #tpu.memory_space<vmem>>, vector<16xi32>,
      %get3A_477 = arith.index_cast %add3A_474 : i32 to index
      %get3A_478 = tpu.vector_load %arg12[%get3A_477] {strides = array<i32>} : memref<1040xi32, #tpu.memory_space<vmem>>, vector<16xi32>,
      %shift_right_arithmetic3A = arith.constant 3 : i32
      %shift_right_arithmetic3A_479 = arith.shrsi %add3A_470, %shift_right_arithmetic3A : i32
      %mul3A_480 = arith.constant 1024 : i32
      %mul3A_481 = arith.muli %shift_right_arithmetic3A_479, %mul3A_480 : i32
      %and3A = arith.constant 7 : i32
      %and3A_482 = arith.andi %add3A_470, %and3A : i32
      %mul3A_483 = arith.constant 16 : i32
      %mul3A_484 = arith.muli %and3A_482, %mul3A_483 : i32
      %add3A_485 = arith.addi %mul3A_481, %mul3A_484 : i32
      %eq3A_486 = arith.constant 1 : i32
      %eq3A_487 = vector.broadcast %eq3A_486 : i32 to vector<16xi32>
      %eq3A_488 = arith.cmpi eq, %scan3A_466, %eq3A_487 : vector<16xi32>
      %jit3A = arith.constant 2000 : i32
      %broadcast_in_dim3A_489 = vector.broadcast %jit3A : i32 to vector<16xi32>
      %select_n3A = arith.select %eq3A_488, %scan3A_465, %broadcast_in_dim3A_489 : vector<16xi1>, vector<16xi32>
      %gather3A = arith.constant 0 : i32
      %gather3A_490 = tpu.memref_slice %arg7[%gather3A] : memref<12288xi32, #tpu.memory_space<vmem>> -> memref<2048xi32, #tpu.memory_space<vmem>>
      %gather3A_491 = tpu.vector_load_idx %gather3A_490[%select_n3A] : memref<2048xi32, #tpu.memory_space<vmem>>[vector<16xi32>], vector<16xi32>,
      %bitcast3A = vector.bitcast %gather3A_491 : vector<16xi32> to vector<32xbf16>
      %unpack3A = tpu.unpack_subelements %bitcast3A, 0 {pack_format = #tpu.pack_format<interleaved>} : vector<32xbf16> -> vector<16xf32>
      %unpack3A_492 = tpu.unpack_subelements %bitcast3A, 1 {pack_format = #tpu.pack_format<interleaved>} : vector<32xbf16> -> vector<16xf32>
      %gather3A_493 = arith.constant 2048 : i32
      %gather3A_494 = tpu.memref_slice %arg7[%gather3A_493] : memref<12288xi32, #tpu.memory_space<vmem>> -> memref<2048xi32, #tpu.memory_space<vmem>>
      %gather3A_495 = tpu.vector_load_idx %gather3A_494[%select_n3A] : memref<2048xi32, #tpu.memory_space<vmem>>[vector<16xi32>], vector<16xi32>,
      %bitcast3A_496 = vector.bitcast %gather3A_495 : vector<16xi32> to vector<32xbf16>
      %unpack3A_497 = tpu.unpack_subelements %bitcast3A_496, 0 {pack_format = #tpu.pack_format<interleaved>} : vector<32xbf16> -> vector<16xf32>
      %unpack3A_498 = tpu.unpack_subelements %bitcast3A_496, 1 {pack_format = #tpu.pack_format<interleaved>} : vector<32xbf16> -> vector<16xf32>
      %gather3A_499 = arith.constant 4096 : i32
      %gather3A_500 = tpu.memref_slice %arg7[%gather3A_499] : memref<12288xi32, #tpu.memory_space<vmem>> -> memref<2048xi32, #tpu.memory_space<vmem>>
      %gather3A_501 = tpu.vector_load_idx %gather3A_500[%select_n3A] : memref<2048xi32, #tpu.memory_space<vmem>>[vector<16xi32>], vector<16xi32>,
      %bitcast3A_502 = vector.bitcast %gather3A_501 : vector<16xi32> to vector<32xbf16>
      %unpack3A_503 = tpu.unpack_subelements %bitcast3A_502, 0 {pack_format = #tpu.pack_format<interleaved>} : vector<32xbf16> -> vector<16xf32>
      %unpack3A_504 = tpu.unpack_subelements %bitcast3A_502, 1 {pack_format = #tpu.pack_format<interleaved>} : vector<32xbf16> -> vector<16xf32>
      %gather3A_505 = arith.constant 6144 : i32
      %gather3A_506 = tpu.memref_slice %arg7[%gather3A_505] : memref<12288xi32, #tpu.memory_space<vmem>> -> memref<2048xi32, #tpu.memory_space<vmem>>
      %gather3A_507 = tpu.vector_load_idx %gather3A_506[%select_n3A] : memref<2048xi32, #tpu.memory_space<vmem>>[vector<16xi32>], vector<16xi32>,
      %bitcast3A_508 = vector.bitcast %gather3A_507 : vector<16xi32> to vector<32xbf16>
      %unpack3A_509 = tpu.unpack_subelements %bitcast3A_508, 0 {pack_format = #tpu.pack_format<interleaved>} : vector<32xbf16> -> vector<16xf32>
      %unpack3A_510 = tpu.unpack_subelements %bitcast3A_508, 1 {pack_format = #tpu.pack_format<interleaved>} : vector<32xbf16> -> vector<16xf32>
      %gather3A_511 = arith.constant 8192 : i32
      %gather3A_512 = tpu.memref_slice %arg7[%gather3A_511] : memref<12288xi32, #tpu.memory_space<vmem>> -> memref<2048xi32, #tpu.memory_space<vmem>>
      %gather3A_513 = tpu.vector_load_idx %gather3A_512[%select_n3A] : memref<2048xi32, #tpu.memory_space<vmem>>[vector<16xi32>], vector<16xi32>,
      %bitcast3A_514 = vector.bitcast %gather3A_513 : vector<16xi32> to vector<32xbf16>
      %unpack3A_515 = tpu.unpack_subelements %bitcast3A_514, 0 {pack_format = #tpu.pack_format<interleaved>} : vector<32xbf16> -> vector<16xf32>
      %unpack3A_516 = tpu.unpack_subelements %bitcast3A_514, 1 {pack_format = #tpu.pack_format<interleaved>} : vector<32xbf16> -> vector<16xf32>
      %gather3A_517 = arith.constant 10240 : i32
      %gather3A_518 = tpu.memref_slice %arg7[%gather3A_517] : memref<12288xi32, #tpu.memory_space<vmem>> -> memref<2048xi32, #tpu.memory_space<vmem>>
      %gather3A_519 = tpu.vector_load_idx %gather3A_518[%select_n3A] : memref<2048xi32, #tpu.memory_space<vmem>>[vector<16xi32>], vector<16xi32>,
      %bitcast3A_520 = vector.bitcast %gather3A_519 : vector<16xi32> to vector<32xbf16>
      %unpack3A_521 = tpu.unpack_subelements %bitcast3A_520, 0 {pack_format = #tpu.pack_format<interleaved>} : vector<32xbf16> -> vector<16xf32>
      %unpack3A_522 = tpu.unpack_subelements %bitcast3A_520, 1 {pack_format = #tpu.pack_format<interleaved>} : vector<32xbf16> -> vector<16xf32>
      %get3A_523 = arith.index_cast %add3A_485 : i32 to index
      %get3A_524 = tpu.vector_load %arg16[%get3A_523] {strides = array<i32>} : memref<8192xf32, #tpu.memory_space<vmem>>, vector<16xf32>,
      %add3A_525 = arith.constant 128 : i32
      %add3A_526 = arith.addi %add3A_485, %add3A_525 : i32
      %get3A_527 = arith.index_cast %add3A_526 : i32 to index
      %get3A_528 = tpu.vector_load %arg16[%get3A_527] {strides = array<i32>} : memref<8192xf32, #tpu.memory_space<vmem>>, vector<16xf32>,
      %add3A_529 = arith.constant 256 : i32
      %add3A_530 = arith.addi %add3A_485, %add3A_529 : i32
      %get3A_531 = arith.index_cast %add3A_530 : i32 to index
      %get3A_532 = tpu.vector_load %arg16[%get3A_531] {strides = array<i32>} : memref<8192xf32, #tpu.memory_space<vmem>>, vector<16xf32>,
      %add3A_533 = arith.constant 384 : i32
      %add3A_534 = arith.addi %add3A_485, %add3A_533 : i32
      %get3A_535 = arith.index_cast %add3A_534 : i32 to index
      %get3A_536 = tpu.vector_load %arg16[%get3A_535] {strides = array<i32>} : memref<8192xf32, #tpu.memory_space<vmem>>, vector<16xf32>,
      %add3A_537 = arith.constant 512 : i32
      %add3A_538 = arith.addi %add3A_485, %add3A_537 : i32
      %get3A_539 = arith.index_cast %add3A_538 : i32 to index
      %get3A_540 = tpu.vector_load %arg16[%get3A_539] {strides = array<i32>} : memref<8192xf32, #tpu.memory_space<vmem>>, vector<16xf32>,
      %add3A_541 = arith.constant 640 : i32
      %add3A_542 = arith.addi %add3A_485, %add3A_541 : i32
      %get3A_543 = arith.index_cast %add3A_542 : i32 to index
      %get3A_544 = tpu.vector_load %arg16[%get3A_543] {strides = array<i32>} : memref<8192xf32, #tpu.memory_space<vmem>>, vector<16xf32>,
      %add3A_545 = arith.constant 768 : i32
      %add3A_546 = arith.addi %add3A_485, %add3A_545 : i32
      %get3A_547 = arith.index_cast %add3A_546 : i32 to index
      %get3A_548 = tpu.vector_load %arg16[%get3A_547] {strides = array<i32>} : memref<8192xf32, #tpu.memory_space<vmem>>, vector<16xf32>,
      %add3A_549 = arith.constant 896 : i32
      %add3A_550 = arith.addi %add3A_485, %add3A_549 : i32
      %get3A_551 = arith.index_cast %add3A_550 : i32 to index
      %get3A_552 = tpu.vector_load %arg16[%get3A_551] {strides = array<i32>} : memref<8192xf32, #tpu.memory_space<vmem>>, vector<16xf32>,
      %add3A_553 = arith.addf %get3A_524, %unpack3A : vector<16xf32>
      %swap3A = arith.index_cast %add3A_485 : i32 to index
      %swap3A_554 = tpu.vector_load %arg20[%swap3A] {strides = array<i32>} : memref<8192xf32, #tpu.memory_space<vmem>>, vector<16xf32>,
      tpu.vector_store %arg20[%swap3A], %add3A_553 {strides = array<i32>} : memref<8192xf32, #tpu.memory_space<vmem>>, vector<16xf32>,
      %add3A_555 = arith.addf %get3A_528, %unpack3A_492 : vector<16xf32>
      %add3A_556 = arith.constant 128 : i32
      %add3A_557 = arith.addi %add3A_485, %add3A_556 : i32
      %swap3A_558 = arith.index_cast %add3A_557 : i32 to index
      %swap3A_559 = tpu.vector_load %arg20[%swap3A_558] {strides = array<i32>} : memref<8192xf32, #tpu.memory_space<vmem>>, vector<16xf32>,
      tpu.vector_store %arg20[%swap3A_558], %add3A_555 {strides = array<i32>} : memref<8192xf32, #tpu.memory_space<vmem>>, vector<16xf32>,
      %add3A_560 = arith.addf %get3A_532, %unpack3A_497 : vector<16xf32>
      %add3A_561 = arith.constant 256 : i32
      %add3A_562 = arith.addi %add3A_485, %add3A_561 : i32
      %swap3A_563 = arith.index_cast %add3A_562 : i32 to index
      %swap3A_564 = tpu.vector_load %arg20[%swap3A_563] {strides = array<i32>} : memref<8192xf32, #tpu.memory_space<vmem>>, vector<16xf32>,
      tpu.vector_store %arg20[%swap3A_563], %add3A_560 {strides = array<i32>} : memref<8192xf32, #tpu.memory_space<vmem>>, vector<16xf32>,
      %mul3A_565 = arith.mulf %unpack3A_498, %get3A_536 : vector<16xf32>
      %mul3A_566 = arith.mulf %unpack3A_503, %get3A_540 : vector<16xf32>
      %add3A_567 = arith.addf %mul3A_565, %mul3A_566 : vector<16xf32>
      %mul3A_568 = arith.mulf %unpack3A_504, %get3A_544 : vector<16xf32>
      %add3A_569 = arith.addf %add3A_567, %mul3A_568 : vector<16xf32>
      %add3A_570 = arith.constant 384 : i32
      %add3A_571 = arith.addi %add3A_485, %add3A_570 : i32
      %swap3A_572 = arith.index_cast %add3A_571 : i32 to index
      %swap3A_573 = tpu.vector_load %arg20[%swap3A_572] {strides = array<i32>} : memref<8192xf32, #tpu.memory_space<vmem>>, vector<16xf32>,
      tpu.vector_store %arg20[%swap3A_572], %add3A_569 {strides = array<i32>} : memref<8192xf32, #tpu.memory_space<vmem>>, vector<16xf32>,
      %mul3A_574 = arith.mulf %unpack3A_509, %get3A_536 : vector<16xf32>
      %mul3A_575 = arith.mulf %unpack3A_510, %get3A_540 : vector<16xf32>
      %add3A_576 = arith.addf %mul3A_574, %mul3A_575 : vector<16xf32>
      %mul3A_577 = arith.mulf %unpack3A_515, %get3A_544 : vector<16xf32>
      %add3A_578 = arith.addf %add3A_576, %mul3A_577 : vector<16xf32>
      %add3A_579 = arith.constant 512 : i32
      %add3A_580 = arith.addi %add3A_485, %add3A_579 : i32
      %swap3A_581 = arith.index_cast %add3A_580 : i32 to index
      %swap3A_582 = tpu.vector_load %arg20[%swap3A_581] {strides = array<i32>} : memref<8192xf32, #tpu.memory_space<vmem>>, vector<16xf32>,
      tpu.vector_store %arg20[%swap3A_581], %add3A_578 {strides = array<i32>} : memref<8192xf32, #tpu.memory_space<vmem>>, vector<16xf32>,
      %mul3A_583 = arith.mulf %unpack3A_516, %get3A_536 : vector<16xf32>
      %mul3A_584 = arith.mulf %unpack3A_521, %get3A_540 : vector<16xf32>
      %add3A_585 = arith.addf %mul3A_583, %mul3A_584 : vector<16xf32>
      %mul3A_586 = arith.mulf %unpack3A_522, %get3A_544 : vector<16xf32>
      %add3A_587 = arith.addf %add3A_585, %mul3A_586 : vector<16xf32>
      %add3A_588 = arith.constant 640 : i32
      %add3A_589 = arith.addi %add3A_485, %add3A_588 : i32
      %swap3A_590 = arith.index_cast %add3A_589 : i32 to index
      %swap3A_591 = tpu.vector_load %arg20[%swap3A_590] {strides = array<i32>} : memref<8192xf32, #tpu.memory_space<vmem>>, vector<16xf32>,
      tpu.vector_store %arg20[%swap3A_590], %add3A_587 {strides = array<i32>} : memref<8192xf32, #tpu.memory_space<vmem>>, vector<16xf32>,
      %add3A_592 = arith.constant 768 : i32
      %add3A_593 = arith.addi %add3A_485, %add3A_592 : i32
      %swap3A_594 = arith.index_cast %add3A_593 : i32 to index
      %swap3A_595 = tpu.vector_load %arg20[%swap3A_594] {strides = array<i32>} : memref<8192xf32, #tpu.memory_space<vmem>>, vector<16xf32>,
      tpu.vector_store %arg20[%swap3A_594], %get3A_548 {strides = array<i32>} : memref<8192xf32, #tpu.memory_space<vmem>>, vector<16xf32>,
      %add3A_596 = arith.constant 896 : i32
      %add3A_597 = arith.addi %add3A_485, %add3A_596 : i32
      %swap3A_598 = arith.index_cast %add3A_597 : i32 to index
      %swap3A_599 = tpu.vector_load %arg20[%swap3A_598] {strides = array<i32>} : memref<8192xf32, #tpu.memory_space<vmem>>, vector<16xf32>,
      tpu.vector_store %arg20[%swap3A_598], %get3A_552 {strides = array<i32>} : memref<8192xf32, #tpu.memory_space<vmem>>, vector<16xf32>,
      %mul3A_600 = arith.constant 2 : i32
      %mul3A_601 = arith.muli %scan3A_464, %mul3A_600 : i32
      %add3A_602 = arith.constant 1 : i32
      %add3A_603 = arith.addi %mul3A_601, %add3A_602 : i32
      %mul3A_604 = arith.constant 16 : i32
      %mul3A_605 = arith.muli %add3A_603, %mul3A_604 : i32
      %add3A_606 = arith.constant 16 : i32
      %add3A_607 = arith.addi %mul3A_605, %add3A_606 : i32
      %get3A_608 = arith.index_cast %add3A_607 : i32 to index
      %get3A_609 = tpu.vector_load %arg8[%get3A_608] {strides = array<i32>} : memref<1040xi32, #tpu.memory_space<vmem>>, vector<16xi32>,
      %get3A_610 = arith.index_cast %add3A_607 : i32 to index
      %get3A_611 = tpu.vector_load %arg12[%get3A_610] {strides = array<i32>} : memref<1040xi32, #tpu.memory_space<vmem>>, vector<16xi32>,
      %shift_right_arithmetic3A_612 = arith.constant 3 : i32
      %shift_right_arithmetic3A_613 = arith.shrsi %add3A_603, %shift_right_arithmetic3A_612 : i32
      %mul3A_614 = arith.constant 1024 : i32
      %mul3A_615 = arith.muli %shift_right_arithmetic3A_613, %mul3A_614 : i32
      %and3A_616 = arith.constant 7 : i32
      %and3A_617 = arith.andi %add3A_603, %and3A_616 : i32
      %mul3A_618 = arith.constant 16 : i32
      %mul3A_619 = arith.muli %and3A_617, %mul3A_618 : i32
      %add3A_620 = arith.addi %mul3A_615, %mul3A_619 : i32
      %eq3A_621 = arith.constant 1 : i32
      %eq3A_622 = vector.broadcast %eq3A_621 : i32 to vector<16xi32>
      %eq3A_623 = arith.cmpi eq, %get3A_478, %eq3A_622 : vector<16xi32>
      %jit3A_624 = arith.constant 2000 : i32
      %broadcast_in_dim3A_625 = vector.broadcast %jit3A_624 : i32 to vector<16xi32>
      %select_n3A_626 = arith.select %eq3A_623, %get3A_476, %broadcast_in_dim3A_625 : vector<16xi1>, vector<16xi32>
      %gather3A_627 = arith.constant 0 : i32
      %gather3A_628 = tpu.memref_slice %arg7[%gather3A_627] : memref<12288xi32, #tpu.memory_space<vmem>> -> memref<2048xi32, #tpu.memory_space<vmem>>
      %gather3A_629 = tpu.vector_load_idx %gather3A_628[%select_n3A_626] : memref<2048xi32, #tpu.memory_space<vmem>>[vector<16xi32>], vector<16xi32>,
      %bitcast3A_630 = vector.bitcast %gather3A_629 : vector<16xi32> to vector<32xbf16>
      %unpack3A_631 = tpu.unpack_subelements %bitcast3A_630, 0 {pack_format = #tpu.pack_format<interleaved>} : vector<32xbf16> -> vector<16xf32>
      %unpack3A_632 = tpu.unpack_subelements %bitcast3A_630, 1 {pack_format = #tpu.pack_format<interleaved>} : vector<32xbf16> -> vector<16xf32>
      %gather3A_633 = arith.constant 2048 : i32
      %gather3A_634 = tpu.memref_slice %arg7[%gather3A_633] : memref<12288xi32, #tpu.memory_space<vmem>> -> memref<2048xi32, #tpu.memory_space<vmem>>
      %gather3A_635 = tpu.vector_load_idx %gather3A_634[%select_n3A_626] : memref<2048xi32, #tpu.memory_space<vmem>>[vector<16xi32>], vector<16xi32>,
      %bitcast3A_636 = vector.bitcast %gather3A_635 : vector<16xi32> to vector<32xbf16>
      %unpack3A_637 = tpu.unpack_subelements %bitcast3A_636, 0 {pack_format = #tpu.pack_format<interleaved>} : vector<32xbf16> -> vector<16xf32>
      %unpack3A_638 = tpu.unpack_subelements %bitcast3A_636, 1 {pack_format = #tpu.pack_format<interleaved>} : vector<32xbf16> -> vector<16xf32>
      %gather3A_639 = arith.constant 4096 : i32
      %gather3A_640 = tpu.memref_slice %arg7[%gather3A_639] : memref<12288xi32, #tpu.memory_space<vmem>> -> memref<2048xi32, #tpu.memory_space<vmem>>
      %gather3A_641 = tpu.vector_load_idx %gather3A_640[%select_n3A_626] : memref<2048xi32, #tpu.memory_space<vmem>>[vector<16xi32>], vector<16xi32>,
      %bitcast3A_642 = vector.bitcast %gather3A_641 : vector<16xi32> to vector<32xbf16>
      %unpack3A_643 = tpu.unpack_subelements %bitcast3A_642, 0 {pack_format = #tpu.pack_format<interleaved>} : vector<32xbf16> -> vector<16xf32>
      %unpack3A_644 = tpu.unpack_subelements %bitcast3A_642, 1 {pack_format = #tpu.pack_format<interleaved>} : vector<32xbf16> -> vector<16xf32>
      %gather3A_645 = arith.constant 6144 : i32
      %gather3A_646 = tpu.memref_slice %arg7[%gather3A_645] : memref<12288xi32, #tpu.memory_space<vmem>> -> memref<2048xi32, #tpu.memory_space<vmem>>
      %gather3A_647 = tpu.vector_load_idx %gather3A_646[%select_n3A_626] : memref<2048xi32, #tpu.memory_space<vmem>>[vector<16xi32>], vector<16xi32>,
      %bitcast3A_648 = vector.bitcast %gather3A_647 : vector<16xi32> to vector<32xbf16>
      %unpack3A_649 = tpu.unpack_subelements %bitcast3A_648, 0 {pack_format = #tpu.pack_format<interleaved>} : vector<32xbf16> -> vector<16xf32>
      %unpack3A_650 = tpu.unpack_subelements %bitcast3A_648, 1 {pack_format = #tpu.pack_format<interleaved>} : vector<32xbf16> -> vector<16xf32>
      %gather3A_651 = arith.constant 8192 : i32
      %gather3A_652 = tpu.memref_slice %arg7[%gather3A_651] : memref<12288xi32, #tpu.memory_space<vmem>> -> memref<2048xi32, #tpu.memory_space<vmem>>
      %gather3A_653 = tpu.vector_load_idx %gather3A_652[%select_n3A_626] : memref<2048xi32, #tpu.memory_space<vmem>>[vector<16xi32>], vector<16xi32>,
      %bitcast3A_654 = vector.bitcast %gather3A_653 : vector<16xi32> to vector<32xbf16>
      %unpack3A_655 = tpu.unpack_subelements %bitcast3A_654, 0 {pack_format = #tpu.pack_format<interleaved>} : vector<32xbf16> -> vector<16xf32>
      %unpack3A_656 = tpu.unpack_subelements %bitcast3A_654, 1 {pack_format = #tpu.pack_format<interleaved>} : vector<32xbf16> -> vector<16xf32>
      %gather3A_657 = arith.constant 10240 : i32
      %gather3A_658 = tpu.memref_slice %arg7[%gather3A_657] : memref<12288xi32, #tpu.memory_space<vmem>> -> memref<2048xi32, #tpu.memory_space<vmem>>
      %gather3A_659 = tpu.vector_load_idx %gather3A_658[%select_n3A_626] : memref<2048xi32, #tpu.memory_space<vmem>>[vector<16xi32>], vector<16xi32>,
      %bitcast3A_660 = vector.bitcast %gather3A_659 : vector<16xi32> to vector<32xbf16>
      %unpack3A_661 = tpu.unpack_subelements %bitcast3A_660, 0 {pack_format = #tpu.pack_format<interleaved>} : vector<32xbf16> -> vector<16xf32>
      %unpack3A_662 = tpu.unpack_subelements %bitcast3A_660, 1 {pack_format = #tpu.pack_format<interleaved>} : vector<32xbf16> -> vector<16xf32>
      %get3A_663 = arith.index_cast %add3A_620 : i32 to index
      %get3A_664 = tpu.vector_load %arg16[%get3A_663] {strides = array<i32>} : memref<8192xf32, #tpu.memory_space<vmem>>, vector<16xf32>,
      %add3A_665 = arith.constant 128 : i32
      %add3A_666 = arith.addi %add3A_620, %add3A_665 : i32
      %get3A_667 = arith.index_cast %add3A_666 : i32 to index
      %get3A_668 = tpu.vector_load %arg16[%get3A_667] {strides = array<i32>} : memref<8192xf32, #tpu.memory_space<vmem>>, vector<16xf32>,
      %add3A_669 = arith.constant 256 : i32
      %add3A_670 = arith.addi %add3A_620, %add3A_669 : i32
      %get3A_671 = arith.index_cast %add3A_670 : i32 to index
      %get3A_672 = tpu.vector_load %arg16[%get3A_671] {strides = array<i32>} : memref<8192xf32, #tpu.memory_space<vmem>>, vector<16xf32>,
      %add3A_673 = arith.constant 384 : i32
      %add3A_674 = arith.addi %add3A_620, %add3A_673 : i32
      %get3A_675 = arith.index_cast %add3A_674 : i32 to index
      %get3A_676 = tpu.vector_load %arg16[%get3A_675] {strides = array<i32>} : memref<8192xf32, #tpu.memory_space<vmem>>, vector<16xf32>,
      %add3A_677 = arith.constant 512 : i32
      %add3A_678 = arith.addi %add3A_620, %add3A_677 : i32
      %get3A_679 = arith.index_cast %add3A_678 : i32 to index
      %get3A_680 = tpu.vector_load %arg16[%get3A_679] {strides = array<i32>} : memref<8192xf32, #tpu.memory_space<vmem>>, vector<16xf32>,
      %add3A_681 = arith.constant 640 : i32
      %add3A_682 = arith.addi %add3A_620, %add3A_681 : i32
      %get3A_683 = arith.index_cast %add3A_682 : i32 to index
      %get3A_684 = tpu.vector_load %arg16[%get3A_683] {strides = array<i32>} : memref<8192xf32, #tpu.memory_space<vmem>>, vector<16xf32>,
      %add3A_685 = arith.constant 768 : i32
      %add3A_686 = arith.addi %add3A_620, %add3A_685 : i32
      %get3A_687 = arith.index_cast %add3A_686 : i32 to index
      %get3A_688 = tpu.vector_load %arg16[%get3A_687] {strides = array<i32>} : memref<8192xf32, #tpu.memory_space<vmem>>, vector<16xf32>,
      %add3A_689 = arith.constant 896 : i32
      %add3A_690 = arith.addi %add3A_620, %add3A_689 : i32
      %get3A_691 = arith.index_cast %add3A_690 : i32 to index
      %get3A_692 = tpu.vector_load %arg16[%get3A_691] {strides = array<i32>} : memref<8192xf32, #tpu.memory_space<vmem>>, vector<16xf32>,
      %add3A_693 = arith.addf %get3A_664, %unpack3A_631 : vector<16xf32>
      %swap3A_694 = arith.index_cast %add3A_620 : i32 to index
      %swap3A_695 = tpu.vector_load %arg20[%swap3A_694] {strides = array<i32>} : memref<8192xf32, #tpu.memory_space<vmem>>, vector<16xf32>,
      tpu.vector_store %arg20[%swap3A_694], %add3A_693 {strides = array<i32>} : memref<8192xf32, #tpu.memory_space<vmem>>, vector<16xf32>,
      %add3A_696 = arith.addf %get3A_668, %unpack3A_632 : vector<16xf32>
      %add3A_697 = arith.constant 128 : i32
      %add3A_698 = arith.addi %add3A_620, %add3A_697 : i32
      %swap3A_699 = arith.index_cast %add3A_698 : i32 to index
      %swap3A_700 = tpu.vector_load %arg20[%swap3A_699] {strides = array<i32>} : memref<8192xf32, #tpu.memory_space<vmem>>, vector<16xf32>,
      tpu.vector_store %arg20[%swap3A_699], %add3A_696 {strides = array<i32>} : memref<8192xf32, #tpu.memory_space<vmem>>, vector<16xf32>,
      %add3A_701 = arith.addf %get3A_672, %unpack3A_637 : vector<16xf32>
      %add3A_702 = arith.constant 256 : i32
      %add3A_703 = arith.addi %add3A_620, %add3A_702 : i32
      %swap3A_704 = arith.index_cast %add3A_703 : i32 to index
      %swap3A_705 = tpu.vector_load %arg20[%swap3A_704] {strides = array<i32>} : memref<8192xf32, #tpu.memory_space<vmem>>, vector<16xf32>,
      tpu.vector_store %arg20[%swap3A_704], %add3A_701 {strides = array<i32>} : memref<8192xf32, #tpu.memory_space<vmem>>, vector<16xf32>,
      %mul3A_706 = arith.mulf %unpack3A_638, %get3A_676 : vector<16xf32>
      %mul3A_707 = arith.mulf %unpack3A_643, %get3A_680 : vector<16xf32>
      %add3A_708 = arith.addf %mul3A_706, %mul3A_707 : vector<16xf32>
      %mul3A_709 = arith.mulf %unpack3A_644, %get3A_684 : vector<16xf32>
      %add3A_710 = arith.addf %add3A_708, %mul3A_709 : vector<16xf32>
      %add3A_711 = arith.constant 384 : i32
      %add3A_712 = arith.addi %add3A_620, %add3A_711 : i32
      %swap3A_713 = arith.index_cast %add3A_712 : i32 to index
      %swap3A_714 = tpu.vector_load %arg20[%swap3A_713] {strides = array<i32>} : memref<8192xf32, #tpu.memory_space<vmem>>, vector<16xf32>,
      tpu.vector_store %arg20[%swap3A_713], %add3A_710 {strides = array<i32>} : memref<8192xf32, #tpu.memory_space<vmem>>, vector<16xf32>,
      %mul3A_715 = arith.mulf %unpack3A_649, %get3A_676 : vector<16xf32>
      %mul3A_716 = arith.mulf %unpack3A_650, %get3A_680 : vector<16xf32>
      %add3A_717 = arith.addf %mul3A_715, %mul3A_716 : vector<16xf32>
      %mul3A_718 = arith.mulf %unpack3A_655, %get3A_684 : vector<16xf32>
      %add3A_719 = arith.addf %add3A_717, %mul3A_718 : vector<16xf32>
      %add3A_720 = arith.constant 512 : i32
      %add3A_721 = arith.addi %add3A_620, %add3A_720 : i32
      %swap3A_722 = arith.index_cast %add3A_721 : i32 to index
      %swap3A_723 = tpu.vector_load %arg20[%swap3A_722] {strides = array<i32>} : memref<8192xf32, #tpu.memory_space<vmem>>, vector<16xf32>,
      tpu.vector_store %arg20[%swap3A_722], %add3A_719 {strides = array<i32>} : memref<8192xf32, #tpu.memory_space<vmem>>, vector<16xf32>,
      %mul3A_724 = arith.mulf %unpack3A_656, %get3A_676 : vector<16xf32>
      %mul3A_725 = arith.mulf %unpack3A_661, %get3A_680 : vector<16xf32>
      %add3A_726 = arith.addf %mul3A_724, %mul3A_725 : vector<16xf32>
      %mul3A_727 = arith.mulf %unpack3A_662, %get3A_684 : vector<16xf32>
      %add3A_728 = arith.addf %add3A_726, %mul3A_727 : vector<16xf32>
      %add3A_729 = arith.constant 640 : i32
      %add3A_730 = arith.addi %add3A_620, %add3A_729 : i32
      %swap3A_731 = arith.index_cast %add3A_730 : i32 to index
      %swap3A_732 = tpu.vector_load %arg20[%swap3A_731] {strides = array<i32>} : memref<8192xf32, #tpu.memory_space<vmem>>, vector<16xf32>,
      tpu.vector_store %arg20[%swap3A_731], %add3A_728 {strides = array<i32>} : memref<8192xf32, #tpu.memory_space<vmem>>, vector<16xf32>,
      %add3A_733 = arith.constant 768 : i32
      %add3A_734 = arith.addi %add3A_620, %add3A_733 : i32
      %swap3A_735 = arith.index_cast %add3A_734 : i32 to index
      %swap3A_736 = tpu.vector_load %arg20[%swap3A_735] {strides = array<i32>} : memref<8192xf32, #tpu.memory_space<vmem>>, vector<16xf32>,
      tpu.vector_store %arg20[%swap3A_735], %get3A_688 {strides = array<i32>} : memref<8192xf32, #tpu.memory_space<vmem>>, vector<16xf32>,
      %add3A_737 = arith.constant 896 : i32
      %add3A_738 = arith.addi %add3A_620, %add3A_737 : i32
      %swap3A_739 = arith.index_cast %add3A_738 : i32 to index
      %swap3A_740 = tpu.vector_load %arg20[%swap3A_739] {strides = array<i32>} : memref<8192xf32, #tpu.memory_space<vmem>>, vector<16xf32>,
      tpu.vector_store %arg20[%swap3A_739], %get3A_692 {strides = array<i32>} : memref<8192xf32, #tpu.memory_space<vmem>>, vector<16xf32>,
      scf.yield %get3A_609, %get3A_611 : vector<16xi32>, vector<16xi32>
    }
    %scan3A_117 = arith.constant 32 : i32
    %eq3A = arith.constant 0 : i32
    %eq3A_118 = arith.cmpi eq, %add3A, %eq3A : i32
    %convert_element_type3A = arith.extui %eq3A_118 : i1 to i32
    %cond3A = arith.constant 0 : i32
    %cond3A_119 = arith.cmpi ne, %convert_element_type3A, %cond3A : i32
    scf.if %cond3A_119 {
      %lt3A = arith.constant 6 : i32
      %lt3A_464 = vector.broadcast %lt3A : i32 to vector<16xi32>
      %lt3A_465 = arith.cmpi slt, %iota3A, %lt3A_464 : vector<16xi32>
      %add3A_466 = arith.constant 768 : i32
      %add3A_467 = vector.broadcast %add3A_466 : i32 to vector<16xi32>
      %add3A_468 = arith.addi %iota3A, %add3A_467 : vector<16xi32>
      tpu.vector_store_idx %arg20[%add3A_468], %broadcast_in_dim3A_1 masked %lt3A_465 : memref<8192xf32, #tpu.memory_space<vmem>>[vector<16xi32>], vector<16xf32>, vector<16xi1>
      %add3A_469 = arith.constant 896 : i32
      %add3A_470 = vector.broadcast %add3A_469 : i32 to vector<16xi32>
      %add3A_471 = arith.addi %iota3A, %add3A_470 : vector<16xi32>
      tpu.vector_store_idx %arg20[%add3A_471], %broadcast_in_dim3A_1 masked %lt3A_465 : memref<8192xf32, #tpu.memory_space<vmem>>[vector<16xi32>], vector<16xf32>, vector<16xi1>
    } else {
    }
    %mul3A_120 = arith.constant 64 : i32
    %mul3A_121 = arith.muli %add3A, %mul3A_120 : i32
    %mul3A_122 = arith.constant 1024 : i32
    %mul3A_123 = arith.muli %mul3A_121, %mul3A_122 : i32
    %add3A_124 = arith.constant 0 : i32
    %add3A_125 = arith.addi %mul3A_123, %add3A_124 : i32
    %dma_start3A_126 = tpu.memref_slice %arg6[%add3A_125] : memref<2097152xf32, #tpu.memory_space<hbm>> -> memref<8192xf32, #tpu.memory_space<hbm>>
    %dma_start3A_127 = tpu.memref_slice %arg6[%add3A_125] : memref<2097152xf32, #tpu.memory_space<hbm>> -> memref<8192xf32, #tpu.memory_space<hbm>>
    tpu.enqueue_dma source(%arg20 : memref<8192xf32, #tpu.memory_space<vmem>>) target(%dma_start3A_127 : memref<8192xf32, #tpu.memory_space<hbm>>) target_semaphore(%arg28 : memref<!tpu.dma_semaphore, #tpu.memory_space<semaphore_mem>>)
    %mul3A_128 = arith.constant 8192 : i32
    %mul3A_129 = arith.muli %add3A, %mul3A_128 : i32
    %add3A_130 = arith.constant 4096 : i32
    %add3A_131 = arith.addi %mul3A_129, %add3A_130 : i32
    %mul3A_132 = arith.constant 64 : i32
    %mul3A_133 = arith.muli %add3A, %mul3A_132 : i32
    %mul3A_134 = arith.constant 1024 : i32
    %mul3A_135 = arith.muli %mul3A_133, %mul3A_134 : i32
    %add3A_136 = arith.constant 32768 : i32
    %add3A_137 = arith.addi %mul3A_135, %add3A_136 : i32
    %dma_start3A_138 = arith.constant 0 : i32
    %dma_start3A_139 = tpu.memref_slice %arg8[%dma_start3A_138] : memref<1040xi32, #tpu.memory_space<vmem>> -> memref<1024xi32, #tpu.memory_space<vmem>>
    %dma_start3A_140 = tpu.memref_slice %arg4[%add3A_131] : memref<262144xi32, #tpu.memory_space<hbm>> -> memref<1024xi32, #tpu.memory_space<hbm>>
    %dma_start3A_141 = arith.constant 0 : i32
    %dma_start3A_142 = tpu.memref_slice %arg8[%dma_start3A_141] : memref<1040xi32, #tpu.memory_space<vmem>> -> memref<1024xi32, #tpu.memory_space<vmem>>
    %dma_start3A_143 = tpu.memref_slice %arg4[%add3A_131] : memref<262144xi32, #tpu.memory_space<hbm>> -> memref<1024xi32, #tpu.memory_space<hbm>>
    tpu.enqueue_dma source(%dma_start3A_143 : memref<1024xi32, #tpu.memory_space<hbm>>) target(%dma_start3A_142 : memref<1024xi32, #tpu.memory_space<vmem>>) target_semaphore(%arg24 : memref<!tpu.dma_semaphore, #tpu.memory_space<semaphore_mem>>)
    %dma_start3A_144 = arith.constant 0 : i32
    %dma_start3A_145 = tpu.memref_slice %arg12[%dma_start3A_144] : memref<1040xi32, #tpu.memory_space<vmem>> -> memref<1024xi32, #tpu.memory_space<vmem>>
    %dma_start3A_146 = tpu.memref_slice %arg5[%add3A_131] : memref<262144xi32, #tpu.memory_space<hbm>> -> memref<1024xi32, #tpu.memory_space<hbm>>
    %dma_start3A_147 = arith.constant 0 : i32
    %dma_start3A_148 = tpu.memref_slice %arg12[%dma_start3A_147] : memref<1040xi32, #tpu.memory_space<vmem>> -> memref<1024xi32, #tpu.memory_space<vmem>>
    %dma_start3A_149 = tpu.memref_slice %arg5[%add3A_131] : memref<262144xi32, #tpu.memory_space<hbm>> -> memref<1024xi32, #tpu.memory_space<hbm>>
    tpu.enqueue_dma source(%dma_start3A_149 : memref<1024xi32, #tpu.memory_space<hbm>>) target(%dma_start3A_148 : memref<1024xi32, #tpu.memory_space<vmem>>) target_semaphore(%arg24 : memref<!tpu.dma_semaphore, #tpu.memory_space<semaphore_mem>>)
    %dma_start3A_150 = tpu.memref_slice %arg3[%add3A_137] : memref<2097152xf32, #tpu.memory_space<hbm>> -> memref<8192xf32, #tpu.memory_space<hbm>>
    %dma_start3A_151 = tpu.memref_slice %arg3[%add3A_137] : memref<2097152xf32, #tpu.memory_space<hbm>> -> memref<8192xf32, #tpu.memory_space<hbm>>
    tpu.enqueue_dma source(%dma_start3A_151 : memref<8192xf32, #tpu.memory_space<hbm>>) target(%arg16 : memref<8192xf32, #tpu.memory_space<vmem>>) target_semaphore(%arg24 : memref<!tpu.dma_semaphore, #tpu.memory_space<semaphore_mem>>)
    %dma_wait3A_152 = arith.constant 0 : i32
    %dma_wait3A_153 = tpu.memref_slice %arg9[%dma_wait3A_152] : memref<1040xi32, #tpu.memory_space<vmem>> -> memref<1024xi32, #tpu.memory_space<vmem>>
    %dma_wait3A_154 = tpu.memref_slice %arg4[%add3A_28] : memref<262144xi32, #tpu.memory_space<hbm>> -> memref<1024xi32, #tpu.memory_space<hbm>>
    %dma_wait3A_155 = arith.constant 0 : i32
    %dma_wait3A_156 = tpu.memref_slice %arg9[%dma_wait3A_155] : memref<1040xi32, #tpu.memory_space<vmem>> -> memref<1024xi32, #tpu.memory_space<vmem>>
    %dma_wait3A_157 = tpu.memref_slice %arg4[%add3A_28] : memref<262144xi32, #tpu.memory_space<hbm>> -> memref<1024xi32, #tpu.memory_space<hbm>>
    tpu.wait_dma2 semaphore(%arg25 : memref<!tpu.dma_semaphore, #tpu.memory_space<semaphore_mem>>) src(%dma_wait3A_157 : memref<1024xi32, #tpu.memory_space<hbm>>) dst(%dma_wait3A_156 : memref<1024xi32, #tpu.memory_space<vmem>>)
    %dma_wait3A_158 = arith.constant 0 : i32
    %dma_wait3A_159 = tpu.memref_slice %arg13[%dma_wait3A_158] : memref<1040xi32, #tpu.memory_space<vmem>> -> memref<1024xi32, #tpu.memory_space<vmem>>
    %dma_wait3A_160 = tpu.memref_slice %arg5[%add3A_28] : memref<262144xi32, #tpu.memory_space<hbm>> -> memref<1024xi32, #tpu.memory_space<hbm>>
    %dma_wait3A_161 = arith.constant 0 : i32
    %dma_wait3A_162 = tpu.memref_slice %arg13[%dma_wait3A_161] : memref<1040xi32, #tpu.memory_space<vmem>> -> memref<1024xi32, #tpu.memory_space<vmem>>
    %dma_wait3A_163 = tpu.memref_slice %arg5[%add3A_28] : memref<262144xi32, #tpu.memory_space<hbm>> -> memref<1024xi32, #tpu.memory_space<hbm>>
    tpu.wait_dma2 semaphore(%arg25 : memref<!tpu.dma_semaphore, #tpu.memory_space<semaphore_mem>>) src(%dma_wait3A_163 : memref<1024xi32, #tpu.memory_space<hbm>>) dst(%dma_wait3A_162 : memref<1024xi32, #tpu.memory_space<vmem>>)
    %dma_wait3A_164 = tpu.memref_slice %arg3[%add3A_34] : memref<2097152xf32, #tpu.memory_space<hbm>> -> memref<8192xf32, #tpu.memory_space<hbm>>
    %dma_wait3A_165 = tpu.memref_slice %arg3[%add3A_34] : memref<2097152xf32, #tpu.memory_space<hbm>> -> memref<8192xf32, #tpu.memory_space<hbm>>
    tpu.wait_dma2 semaphore(%arg25 : memref<!tpu.dma_semaphore, #tpu.memory_space<semaphore_mem>>) src(%dma_wait3A_165 : memref<8192xf32, #tpu.memory_space<hbm>>) dst(%arg17 : memref<8192xf32, #tpu.memory_space<vmem>>)
    %get3A_166 = arith.constant 0 : index
    %get3A_167 = tpu.vector_load %arg9[%get3A_166] {strides = array<i32>} : memref<1040xi32, #tpu.memory_space<vmem>>, vector<16xi32>,
    %get3A_168 = arith.constant 0 : index
    %get3A_169 = tpu.vector_load %arg13[%get3A_168] {strides = array<i32>} : memref<1040xi32, #tpu.memory_space<vmem>>, vector<16xi32>,
    %scan3A_170 = arith.constant 0 : i32
    %scan3A_171 = arith.constant 32 : i32
    %scan3A_172 = arith.addi %scan3A_170, %scan3A_171 : i32
    %scan3A_173 = arith.constant 1 : i32
    %scan3A_174:2 = scf.for %scan3A_464 = %scan3A_170 to %scan3A_172 step %scan3A_173 iter_args(%scan3A_465 = %get3A_167, %scan3A_466 = %get3A_169) -> (vector<16xi32>, vector<16xi32>)  : i32 {
      %mul3A_467 = arith.constant 2 : i32
      %mul3A_468 = arith.muli %scan3A_464, %mul3A_467 : i32
      %add3A_469 = arith.constant 0 : i32
      %add3A_470 = arith.addi %mul3A_468, %add3A_469 : i32
      %mul3A_471 = arith.constant 16 : i32
      %mul3A_472 = arith.muli %add3A_470, %mul3A_471 : i32
      %add3A_473 = arith.constant 16 : i32
      %add3A_474 = arith.addi %mul3A_472, %add3A_473 : i32
      %get3A_475 = arith.index_cast %add3A_474 : i32 to index
      %get3A_476 = tpu.vector_load %arg9[%get3A_475] {strides = array<i32>} : memref<1040xi32, #tpu.memory_space<vmem>>, vector<16xi32>,
      %get3A_477 = arith.index_cast %add3A_474 : i32 to index
      %get3A_478 = tpu.vector_load %arg13[%get3A_477] {strides = array<i32>} : memref<1040xi32, #tpu.memory_space<vmem>>, vector<16xi32>,
      %shift_right_arithmetic3A = arith.constant 3 : i32
      %shift_right_arithmetic3A_479 = arith.shrsi %add3A_470, %shift_right_arithmetic3A : i32
      %mul3A_480 = arith.constant 1024 : i32
      %mul3A_481 = arith.muli %shift_right_arithmetic3A_479, %mul3A_480 : i32
      %and3A = arith.constant 7 : i32
      %and3A_482 = arith.andi %add3A_470, %and3A : i32
      %mul3A_483 = arith.constant 16 : i32
      %mul3A_484 = arith.muli %and3A_482, %mul3A_483 : i32
      %add3A_485 = arith.addi %mul3A_481, %mul3A_484 : i32
      %eq3A_486 = arith.constant 1 : i32
      %eq3A_487 = vector.broadcast %eq3A_486 : i32 to vector<16xi32>
      %eq3A_488 = arith.cmpi eq, %scan3A_466, %eq3A_487 : vector<16xi32>
      %jit3A = arith.constant 2000 : i32
      %broadcast_in_dim3A_489 = vector.broadcast %jit3A : i32 to vector<16xi32>
      %select_n3A = arith.select %eq3A_488, %scan3A_465, %broadcast_in_dim3A_489 : vector<16xi1>, vector<16xi32>
      %gather3A = arith.constant 0 : i32
      %gather3A_490 = tpu.memref_slice %arg7[%gather3A] : memref<12288xi32, #tpu.memory_space<vmem>> -> memref<2048xi32, #tpu.memory_space<vmem>>
      %gather3A_491 = tpu.vector_load_idx %gather3A_490[%select_n3A] : memref<2048xi32, #tpu.memory_space<vmem>>[vector<16xi32>], vector<16xi32>,
      %bitcast3A = vector.bitcast %gather3A_491 : vector<16xi32> to vector<32xbf16>
      %unpack3A = tpu.unpack_subelements %bitcast3A, 0 {pack_format = #tpu.pack_format<interleaved>} : vector<32xbf16> -> vector<16xf32>
      %unpack3A_492 = tpu.unpack_subelements %bitcast3A, 1 {pack_format = #tpu.pack_format<interleaved>} : vector<32xbf16> -> vector<16xf32>
      %gather3A_493 = arith.constant 2048 : i32
      %gather3A_494 = tpu.memref_slice %arg7[%gather3A_493] : memref<12288xi32, #tpu.memory_space<vmem>> -> memref<2048xi32, #tpu.memory_space<vmem>>
      %gather3A_495 = tpu.vector_load_idx %gather3A_494[%select_n3A] : memref<2048xi32, #tpu.memory_space<vmem>>[vector<16xi32>], vector<16xi32>,
      %bitcast3A_496 = vector.bitcast %gather3A_495 : vector<16xi32> to vector<32xbf16>
      %unpack3A_497 = tpu.unpack_subelements %bitcast3A_496, 0 {pack_format = #tpu.pack_format<interleaved>} : vector<32xbf16> -> vector<16xf32>
      %unpack3A_498 = tpu.unpack_subelements %bitcast3A_496, 1 {pack_format = #tpu.pack_format<interleaved>} : vector<32xbf16> -> vector<16xf32>
      %gather3A_499 = arith.constant 4096 : i32
      %gather3A_500 = tpu.memref_slice %arg7[%gather3A_499] : memref<12288xi32, #tpu.memory_space<vmem>> -> memref<2048xi32, #tpu.memory_space<vmem>>
      %gather3A_501 = tpu.vector_load_idx %gather3A_500[%select_n3A] : memref<2048xi32, #tpu.memory_space<vmem>>[vector<16xi32>], vector<16xi32>,
      %bitcast3A_502 = vector.bitcast %gather3A_501 : vector<16xi32> to vector<32xbf16>
      %unpack3A_503 = tpu.unpack_subelements %bitcast3A_502, 0 {pack_format = #tpu.pack_format<interleaved>} : vector<32xbf16> -> vector<16xf32>
      %unpack3A_504 = tpu.unpack_subelements %bitcast3A_502, 1 {pack_format = #tpu.pack_format<interleaved>} : vector<32xbf16> -> vector<16xf32>
      %gather3A_505 = arith.constant 6144 : i32
      %gather3A_506 = tpu.memref_slice %arg7[%gather3A_505] : memref<12288xi32, #tpu.memory_space<vmem>> -> memref<2048xi32, #tpu.memory_space<vmem>>
      %gather3A_507 = tpu.vector_load_idx %gather3A_506[%select_n3A] : memref<2048xi32, #tpu.memory_space<vmem>>[vector<16xi32>], vector<16xi32>,
      %bitcast3A_508 = vector.bitcast %gather3A_507 : vector<16xi32> to vector<32xbf16>
      %unpack3A_509 = tpu.unpack_subelements %bitcast3A_508, 0 {pack_format = #tpu.pack_format<interleaved>} : vector<32xbf16> -> vector<16xf32>
      %unpack3A_510 = tpu.unpack_subelements %bitcast3A_508, 1 {pack_format = #tpu.pack_format<interleaved>} : vector<32xbf16> -> vector<16xf32>
      %gather3A_511 = arith.constant 8192 : i32
      %gather3A_512 = tpu.memref_slice %arg7[%gather3A_511] : memref<12288xi32, #tpu.memory_space<vmem>> -> memref<2048xi32, #tpu.memory_space<vmem>>
      %gather3A_513 = tpu.vector_load_idx %gather3A_512[%select_n3A] : memref<2048xi32, #tpu.memory_space<vmem>>[vector<16xi32>], vector<16xi32>,
      %bitcast3A_514 = vector.bitcast %gather3A_513 : vector<16xi32> to vector<32xbf16>
      %unpack3A_515 = tpu.unpack_subelements %bitcast3A_514, 0 {pack_format = #tpu.pack_format<interleaved>} : vector<32xbf16> -> vector<16xf32>
      %unpack3A_516 = tpu.unpack_subelements %bitcast3A_514, 1 {pack_format = #tpu.pack_format<interleaved>} : vector<32xbf16> -> vector<16xf32>
      %gather3A_517 = arith.constant 10240 : i32
      %gather3A_518 = tpu.memref_slice %arg7[%gather3A_517] : memref<12288xi32, #tpu.memory_space<vmem>> -> memref<2048xi32, #tpu.memory_space<vmem>>
      %gather3A_519 = tpu.vector_load_idx %gather3A_518[%select_n3A] : memref<2048xi32, #tpu.memory_space<vmem>>[vector<16xi32>], vector<16xi32>,
      %bitcast3A_520 = vector.bitcast %gather3A_519 : vector<16xi32> to vector<32xbf16>
      %unpack3A_521 = tpu.unpack_subelements %bitcast3A_520, 0 {pack_format = #tpu.pack_format<interleaved>} : vector<32xbf16> -> vector<16xf32>
      %unpack3A_522 = tpu.unpack_subelements %bitcast3A_520, 1 {pack_format = #tpu.pack_format<interleaved>} : vector<32xbf16> -> vector<16xf32>
      %get3A_523 = arith.index_cast %add3A_485 : i32 to index
      %get3A_524 = tpu.vector_load %arg17[%get3A_523] {strides = array<i32>} : memref<8192xf32, #tpu.memory_space<vmem>>, vector<16xf32>,
      %add3A_525 = arith.constant 128 : i32
      %add3A_526 = arith.addi %add3A_485, %add3A_525 : i32
      %get3A_527 = arith.index_cast %add3A_526 : i32 to index
      %get3A_528 = tpu.vector_load %arg17[%get3A_527] {strides = array<i32>} : memref<8192xf32, #tpu.memory_space<vmem>>, vector<16xf32>,
      %add3A_529 = arith.constant 256 : i32
      %add3A_530 = arith.addi %add3A_485, %add3A_529 : i32
      %get3A_531 = arith.index_cast %add3A_530 : i32 to index
      %get3A_532 = tpu.vector_load %arg17[%get3A_531] {strides = array<i32>} : memref<8192xf32, #tpu.memory_space<vmem>>, vector<16xf32>,
      %add3A_533 = arith.constant 384 : i32
      %add3A_534 = arith.addi %add3A_485, %add3A_533 : i32
      %get3A_535 = arith.index_cast %add3A_534 : i32 to index
      %get3A_536 = tpu.vector_load %arg17[%get3A_535] {strides = array<i32>} : memref<8192xf32, #tpu.memory_space<vmem>>, vector<16xf32>,
      %add3A_537 = arith.constant 512 : i32
      %add3A_538 = arith.addi %add3A_485, %add3A_537 : i32
      %get3A_539 = arith.index_cast %add3A_538 : i32 to index
      %get3A_540 = tpu.vector_load %arg17[%get3A_539] {strides = array<i32>} : memref<8192xf32, #tpu.memory_space<vmem>>, vector<16xf32>,
      %add3A_541 = arith.constant 640 : i32
      %add3A_542 = arith.addi %add3A_485, %add3A_541 : i32
      %get3A_543 = arith.index_cast %add3A_542 : i32 to index
      %get3A_544 = tpu.vector_load %arg17[%get3A_543] {strides = array<i32>} : memref<8192xf32, #tpu.memory_space<vmem>>, vector<16xf32>,
      %add3A_545 = arith.constant 768 : i32
      %add3A_546 = arith.addi %add3A_485, %add3A_545 : i32
      %get3A_547 = arith.index_cast %add3A_546 : i32 to index
      %get3A_548 = tpu.vector_load %arg17[%get3A_547] {strides = array<i32>} : memref<8192xf32, #tpu.memory_space<vmem>>, vector<16xf32>,
      %add3A_549 = arith.constant 896 : i32
      %add3A_550 = arith.addi %add3A_485, %add3A_549 : i32
      %get3A_551 = arith.index_cast %add3A_550 : i32 to index
      %get3A_552 = tpu.vector_load %arg17[%get3A_551] {strides = array<i32>} : memref<8192xf32, #tpu.memory_space<vmem>>, vector<16xf32>,
      %add3A_553 = arith.addf %get3A_524, %unpack3A : vector<16xf32>
      %swap3A = arith.index_cast %add3A_485 : i32 to index
      %swap3A_554 = tpu.vector_load %arg21[%swap3A] {strides = array<i32>} : memref<8192xf32, #tpu.memory_space<vmem>>, vector<16xf32>,
      tpu.vector_store %arg21[%swap3A], %add3A_553 {strides = array<i32>} : memref<8192xf32, #tpu.memory_space<vmem>>, vector<16xf32>,
      %add3A_555 = arith.addf %get3A_528, %unpack3A_492 : vector<16xf32>
      %add3A_556 = arith.constant 128 : i32
      %add3A_557 = arith.addi %add3A_485, %add3A_556 : i32
      %swap3A_558 = arith.index_cast %add3A_557 : i32 to index
      %swap3A_559 = tpu.vector_load %arg21[%swap3A_558] {strides = array<i32>} : memref<8192xf32, #tpu.memory_space<vmem>>, vector<16xf32>,
      tpu.vector_store %arg21[%swap3A_558], %add3A_555 {strides = array<i32>} : memref<8192xf32, #tpu.memory_space<vmem>>, vector<16xf32>,
      %add3A_560 = arith.addf %get3A_532, %unpack3A_497 : vector<16xf32>
      %add3A_561 = arith.constant 256 : i32
      %add3A_562 = arith.addi %add3A_485, %add3A_561 : i32
      %swap3A_563 = arith.index_cast %add3A_562 : i32 to index
      %swap3A_564 = tpu.vector_load %arg21[%swap3A_563] {strides = array<i32>} : memref<8192xf32, #tpu.memory_space<vmem>>, vector<16xf32>,
      tpu.vector_store %arg21[%swap3A_563], %add3A_560 {strides = array<i32>} : memref<8192xf32, #tpu.memory_space<vmem>>, vector<16xf32>,
      %mul3A_565 = arith.mulf %unpack3A_498, %get3A_536 : vector<16xf32>
      %mul3A_566 = arith.mulf %unpack3A_503, %get3A_540 : vector<16xf32>
      %add3A_567 = arith.addf %mul3A_565, %mul3A_566 : vector<16xf32>
      %mul3A_568 = arith.mulf %unpack3A_504, %get3A_544 : vector<16xf32>
      %add3A_569 = arith.addf %add3A_567, %mul3A_568 : vector<16xf32>
      %add3A_570 = arith.constant 384 : i32
      %add3A_571 = arith.addi %add3A_485, %add3A_570 : i32
      %swap3A_572 = arith.index_cast %add3A_571 : i32 to index
      %swap3A_573 = tpu.vector_load %arg21[%swap3A_572] {strides = array<i32>} : memref<8192xf32, #tpu.memory_space<vmem>>, vector<16xf32>,
      tpu.vector_store %arg21[%swap3A_572], %add3A_569 {strides = array<i32>} : memref<8192xf32, #tpu.memory_space<vmem>>, vector<16xf32>,
      %mul3A_574 = arith.mulf %unpack3A_509, %get3A_536 : vector<16xf32>
      %mul3A_575 = arith.mulf %unpack3A_510, %get3A_540 : vector<16xf32>
      %add3A_576 = arith.addf %mul3A_574, %mul3A_575 : vector<16xf32>
      %mul3A_577 = arith.mulf %unpack3A_515, %get3A_544 : vector<16xf32>
      %add3A_578 = arith.addf %add3A_576, %mul3A_577 : vector<16xf32>
      %add3A_579 = arith.constant 512 : i32
      %add3A_580 = arith.addi %add3A_485, %add3A_579 : i32
      %swap3A_581 = arith.index_cast %add3A_580 : i32 to index
      %swap3A_582 = tpu.vector_load %arg21[%swap3A_581] {strides = array<i32>} : memref<8192xf32, #tpu.memory_space<vmem>>, vector<16xf32>,
      tpu.vector_store %arg21[%swap3A_581], %add3A_578 {strides = array<i32>} : memref<8192xf32, #tpu.memory_space<vmem>>, vector<16xf32>,
      %mul3A_583 = arith.mulf %unpack3A_516, %get3A_536 : vector<16xf32>
      %mul3A_584 = arith.mulf %unpack3A_521, %get3A_540 : vector<16xf32>
      %add3A_585 = arith.addf %mul3A_583, %mul3A_584 : vector<16xf32>
      %mul3A_586 = arith.mulf %unpack3A_522, %get3A_544 : vector<16xf32>
      %add3A_587 = arith.addf %add3A_585, %mul3A_586 : vector<16xf32>
      %add3A_588 = arith.constant 640 : i32
      %add3A_589 = arith.addi %add3A_485, %add3A_588 : i32
      %swap3A_590 = arith.index_cast %add3A_589 : i32 to index
      %swap3A_591 = tpu.vector_load %arg21[%swap3A_590] {strides = array<i32>} : memref<8192xf32, #tpu.memory_space<vmem>>, vector<16xf32>,
      tpu.vector_store %arg21[%swap3A_590], %add3A_587 {strides = array<i32>} : memref<8192xf32, #tpu.memory_space<vmem>>, vector<16xf32>,
      %add3A_592 = arith.constant 768 : i32
      %add3A_593 = arith.addi %add3A_485, %add3A_592 : i32
      %swap3A_594 = arith.index_cast %add3A_593 : i32 to index
      %swap3A_595 = tpu.vector_load %arg21[%swap3A_594] {strides = array<i32>} : memref<8192xf32, #tpu.memory_space<vmem>>, vector<16xf32>,
      tpu.vector_store %arg21[%swap3A_594], %get3A_548 {strides = array<i32>} : memref<8192xf32, #tpu.memory_space<vmem>>, vector<16xf32>,
      %add3A_596 = arith.constant 896 : i32
      %add3A_597 = arith.addi %add3A_485, %add3A_596 : i32
      %swap3A_598 = arith.index_cast %add3A_597 : i32 to index
      %swap3A_599 = tpu.vector_load %arg21[%swap3A_598] {strides = array<i32>} : memref<8192xf32, #tpu.memory_space<vmem>>, vector<16xf32>,
      tpu.vector_store %arg21[%swap3A_598], %get3A_552 {strides = array<i32>} : memref<8192xf32, #tpu.memory_space<vmem>>, vector<16xf32>,
      %mul3A_600 = arith.constant 2 : i32
      %mul3A_601 = arith.muli %scan3A_464, %mul3A_600 : i32
      %add3A_602 = arith.constant 1 : i32
      %add3A_603 = arith.addi %mul3A_601, %add3A_602 : i32
      %mul3A_604 = arith.constant 16 : i32
      %mul3A_605 = arith.muli %add3A_603, %mul3A_604 : i32
      %add3A_606 = arith.constant 16 : i32
      %add3A_607 = arith.addi %mul3A_605, %add3A_606 : i32
      %get3A_608 = arith.index_cast %add3A_607 : i32 to index
      %get3A_609 = tpu.vector_load %arg9[%get3A_608] {strides = array<i32>} : memref<1040xi32, #tpu.memory_space<vmem>>, vector<16xi32>,
      %get3A_610 = arith.index_cast %add3A_607 : i32 to index
      %get3A_611 = tpu.vector_load %arg13[%get3A_610] {strides = array<i32>} : memref<1040xi32, #tpu.memory_space<vmem>>, vector<16xi32>,
      %shift_right_arithmetic3A_612 = arith.constant 3 : i32
      %shift_right_arithmetic3A_613 = arith.shrsi %add3A_603, %shift_right_arithmetic3A_612 : i32
      %mul3A_614 = arith.constant 1024 : i32
      %mul3A_615 = arith.muli %shift_right_arithmetic3A_613, %mul3A_614 : i32
      %and3A_616 = arith.constant 7 : i32
      %and3A_617 = arith.andi %add3A_603, %and3A_616 : i32
      %mul3A_618 = arith.constant 16 : i32
      %mul3A_619 = arith.muli %and3A_617, %mul3A_618 : i32
      %add3A_620 = arith.addi %mul3A_615, %mul3A_619 : i32
      %eq3A_621 = arith.constant 1 : i32
      %eq3A_622 = vector.broadcast %eq3A_621 : i32 to vector<16xi32>
      %eq3A_623 = arith.cmpi eq, %get3A_478, %eq3A_622 : vector<16xi32>
      %jit3A_624 = arith.constant 2000 : i32
      %broadcast_in_dim3A_625 = vector.broadcast %jit3A_624 : i32 to vector<16xi32>
      %select_n3A_626 = arith.select %eq3A_623, %get3A_476, %broadcast_in_dim3A_625 : vector<16xi1>, vector<16xi32>
      %gather3A_627 = arith.constant 0 : i32
      %gather3A_628 = tpu.memref_slice %arg7[%gather3A_627] : memref<12288xi32, #tpu.memory_space<vmem>> -> memref<2048xi32, #tpu.memory_space<vmem>>
      %gather3A_629 = tpu.vector_load_idx %gather3A_628[%select_n3A_626] : memref<2048xi32, #tpu.memory_space<vmem>>[vector<16xi32>], vector<16xi32>,
      %bitcast3A_630 = vector.bitcast %gather3A_629 : vector<16xi32> to vector<32xbf16>
      %unpack3A_631 = tpu.unpack_subelements %bitcast3A_630, 0 {pack_format = #tpu.pack_format<interleaved>} : vector<32xbf16> -> vector<16xf32>
      %unpack3A_632 = tpu.unpack_subelements %bitcast3A_630, 1 {pack_format = #tpu.pack_format<interleaved>} : vector<32xbf16> -> vector<16xf32>
      %gather3A_633 = arith.constant 2048 : i32
      %gather3A_634 = tpu.memref_slice %arg7[%gather3A_633] : memref<12288xi32, #tpu.memory_space<vmem>> -> memref<2048xi32, #tpu.memory_space<vmem>>
      %gather3A_635 = tpu.vector_load_idx %gather3A_634[%select_n3A_626] : memref<2048xi32, #tpu.memory_space<vmem>>[vector<16xi32>], vector<16xi32>,
      %bitcast3A_636 = vector.bitcast %gather3A_635 : vector<16xi32> to vector<32xbf16>
      %unpack3A_637 = tpu.unpack_subelements %bitcast3A_636, 0 {pack_format = #tpu.pack_format<interleaved>} : vector<32xbf16> -> vector<16xf32>
      %unpack3A_638 = tpu.unpack_subelements %bitcast3A_636, 1 {pack_format = #tpu.pack_format<interleaved>} : vector<32xbf16> -> vector<16xf32>
      %gather3A_639 = arith.constant 4096 : i32
      %gather3A_640 = tpu.memref_slice %arg7[%gather3A_639] : memref<12288xi32, #tpu.memory_space<vmem>> -> memref<2048xi32, #tpu.memory_space<vmem>>
      %gather3A_641 = tpu.vector_load_idx %gather3A_640[%select_n3A_626] : memref<2048xi32, #tpu.memory_space<vmem>>[vector<16xi32>], vector<16xi32>,
      %bitcast3A_642 = vector.bitcast %gather3A_641 : vector<16xi32> to vector<32xbf16>
      %unpack3A_643 = tpu.unpack_subelements %bitcast3A_642, 0 {pack_format = #tpu.pack_format<interleaved>} : vector<32xbf16> -> vector<16xf32>
      %unpack3A_644 = tpu.unpack_subelements %bitcast3A_642, 1 {pack_format = #tpu.pack_format<interleaved>} : vector<32xbf16> -> vector<16xf32>
      %gather3A_645 = arith.constant 6144 : i32
      %gather3A_646 = tpu.memref_slice %arg7[%gather3A_645] : memref<12288xi32, #tpu.memory_space<vmem>> -> memref<2048xi32, #tpu.memory_space<vmem>>
      %gather3A_647 = tpu.vector_load_idx %gather3A_646[%select_n3A_626] : memref<2048xi32, #tpu.memory_space<vmem>>[vector<16xi32>], vector<16xi32>,
      %bitcast3A_648 = vector.bitcast %gather3A_647 : vector<16xi32> to vector<32xbf16>
      %unpack3A_649 = tpu.unpack_subelements %bitcast3A_648, 0 {pack_format = #tpu.pack_format<interleaved>} : vector<32xbf16> -> vector<16xf32>
      %unpack3A_650 = tpu.unpack_subelements %bitcast3A_648, 1 {pack_format = #tpu.pack_format<interleaved>} : vector<32xbf16> -> vector<16xf32>
      %gather3A_651 = arith.constant 8192 : i32
      %gather3A_652 = tpu.memref_slice %arg7[%gather3A_651] : memref<12288xi32, #tpu.memory_space<vmem>> -> memref<2048xi32, #tpu.memory_space<vmem>>
      %gather3A_653 = tpu.vector_load_idx %gather3A_652[%select_n3A_626] : memref<2048xi32, #tpu.memory_space<vmem>>[vector<16xi32>], vector<16xi32>,
      %bitcast3A_654 = vector.bitcast %gather3A_653 : vector<16xi32> to vector<32xbf16>
      %unpack3A_655 = tpu.unpack_subelements %bitcast3A_654, 0 {pack_format = #tpu.pack_format<interleaved>} : vector<32xbf16> -> vector<16xf32>
      %unpack3A_656 = tpu.unpack_subelements %bitcast3A_654, 1 {pack_format = #tpu.pack_format<interleaved>} : vector<32xbf16> -> vector<16xf32>
      %gather3A_657 = arith.constant 10240 : i32
      %gather3A_658 = tpu.memref_slice %arg7[%gather3A_657] : memref<12288xi32, #tpu.memory_space<vmem>> -> memref<2048xi32, #tpu.memory_space<vmem>>
      %gather3A_659 = tpu.vector_load_idx %gather3A_658[%select_n3A_626] : memref<2048xi32, #tpu.memory_space<vmem>>[vector<16xi32>], vector<16xi32>,
      %bitcast3A_660 = vector.bitcast %gather3A_659 : vector<16xi32> to vector<32xbf16>
      %unpack3A_661 = tpu.unpack_subelements %bitcast3A_660, 0 {pack_format = #tpu.pack_format<interleaved>} : vector<32xbf16> -> vector<16xf32>
      %unpack3A_662 = tpu.unpack_subelements %bitcast3A_660, 1 {pack_format = #tpu.pack_format<interleaved>} : vector<32xbf16> -> vector<16xf32>
      %get3A_663 = arith.index_cast %add3A_620 : i32 to index
      %get3A_664 = tpu.vector_load %arg17[%get3A_663] {strides = array<i32>} : memref<8192xf32, #tpu.memory_space<vmem>>, vector<16xf32>,
      %add3A_665 = arith.constant 128 : i32
      %add3A_666 = arith.addi %add3A_620, %add3A_665 : i32
      %get3A_667 = arith.index_cast %add3A_666 : i32 to index
      %get3A_668 = tpu.vector_load %arg17[%get3A_667] {strides = array<i32>} : memref<8192xf32, #tpu.memory_space<vmem>>, vector<16xf32>,
      %add3A_669 = arith.constant 256 : i32
      %add3A_670 = arith.addi %add3A_620, %add3A_669 : i32
      %get3A_671 = arith.index_cast %add3A_670 : i32 to index
      %get3A_672 = tpu.vector_load %arg17[%get3A_671] {strides = array<i32>} : memref<8192xf32, #tpu.memory_space<vmem>>, vector<16xf32>,
      %add3A_673 = arith.constant 384 : i32
      %add3A_674 = arith.addi %add3A_620, %add3A_673 : i32
      %get3A_675 = arith.index_cast %add3A_674 : i32 to index
      %get3A_676 = tpu.vector_load %arg17[%get3A_675] {strides = array<i32>} : memref<8192xf32, #tpu.memory_space<vmem>>, vector<16xf32>,
      %add3A_677 = arith.constant 512 : i32
      %add3A_678 = arith.addi %add3A_620, %add3A_677 : i32
      %get3A_679 = arith.index_cast %add3A_678 : i32 to index
      %get3A_680 = tpu.vector_load %arg17[%get3A_679] {strides = array<i32>} : memref<8192xf32, #tpu.memory_space<vmem>>, vector<16xf32>,
      %add3A_681 = arith.constant 640 : i32
      %add3A_682 = arith.addi %add3A_620, %add3A_681 : i32
      %get3A_683 = arith.index_cast %add3A_682 : i32 to index
      %get3A_684 = tpu.vector_load %arg17[%get3A_683] {strides = array<i32>} : memref<8192xf32, #tpu.memory_space<vmem>>, vector<16xf32>,
      %add3A_685 = arith.constant 768 : i32
      %add3A_686 = arith.addi %add3A_620, %add3A_685 : i32
      %get3A_687 = arith.index_cast %add3A_686 : i32 to index
      %get3A_688 = tpu.vector_load %arg17[%get3A_687] {strides = array<i32>} : memref<8192xf32, #tpu.memory_space<vmem>>, vector<16xf32>,
      %add3A_689 = arith.constant 896 : i32
      %add3A_690 = arith.addi %add3A_620, %add3A_689 : i32
      %get3A_691 = arith.index_cast %add3A_690 : i32 to index
      %get3A_692 = tpu.vector_load %arg17[%get3A_691] {strides = array<i32>} : memref<8192xf32, #tpu.memory_space<vmem>>, vector<16xf32>,
      %add3A_693 = arith.addf %get3A_664, %unpack3A_631 : vector<16xf32>
      %swap3A_694 = arith.index_cast %add3A_620 : i32 to index
      %swap3A_695 = tpu.vector_load %arg21[%swap3A_694] {strides = array<i32>} : memref<8192xf32, #tpu.memory_space<vmem>>, vector<16xf32>,
      tpu.vector_store %arg21[%swap3A_694], %add3A_693 {strides = array<i32>} : memref<8192xf32, #tpu.memory_space<vmem>>, vector<16xf32>,
      %add3A_696 = arith.addf %get3A_668, %unpack3A_632 : vector<16xf32>
      %add3A_697 = arith.constant 128 : i32
      %add3A_698 = arith.addi %add3A_620, %add3A_697 : i32
      %swap3A_699 = arith.index_cast %add3A_698 : i32 to index
      %swap3A_700 = tpu.vector_load %arg21[%swap3A_699] {strides = array<i32>} : memref<8192xf32, #tpu.memory_space<vmem>>, vector<16xf32>,
      tpu.vector_store %arg21[%swap3A_699], %add3A_696 {strides = array<i32>} : memref<8192xf32, #tpu.memory_space<vmem>>, vector<16xf32>,
      %add3A_701 = arith.addf %get3A_672, %unpack3A_637 : vector<16xf32>
      %add3A_702 = arith.constant 256 : i32
      %add3A_703 = arith.addi %add3A_620, %add3A_702 : i32
      %swap3A_704 = arith.index_cast %add3A_703 : i32 to index
      %swap3A_705 = tpu.vector_load %arg21[%swap3A_704] {strides = array<i32>} : memref<8192xf32, #tpu.memory_space<vmem>>, vector<16xf32>,
      tpu.vector_store %arg21[%swap3A_704], %add3A_701 {strides = array<i32>} : memref<8192xf32, #tpu.memory_space<vmem>>, vector<16xf32>,
      %mul3A_706 = arith.mulf %unpack3A_638, %get3A_676 : vector<16xf32>
      %mul3A_707 = arith.mulf %unpack3A_643, %get3A_680 : vector<16xf32>
      %add3A_708 = arith.addf %mul3A_706, %mul3A_707 : vector<16xf32>
      %mul3A_709 = arith.mulf %unpack3A_644, %get3A_684 : vector<16xf32>
      %add3A_710 = arith.addf %add3A_708, %mul3A_709 : vector<16xf32>
      %add3A_711 = arith.constant 384 : i32
      %add3A_712 = arith.addi %add3A_620, %add3A_711 : i32
      %swap3A_713 = arith.index_cast %add3A_712 : i32 to index
      %swap3A_714 = tpu.vector_load %arg21[%swap3A_713] {strides = array<i32>} : memref<8192xf32, #tpu.memory_space<vmem>>, vector<16xf32>,
      tpu.vector_store %arg21[%swap3A_713], %add3A_710 {strides = array<i32>} : memref<8192xf32, #tpu.memory_space<vmem>>, vector<16xf32>,
      %mul3A_715 = arith.mulf %unpack3A_649, %get3A_676 : vector<16xf32>
      %mul3A_716 = arith.mulf %unpack3A_650, %get3A_680 : vector<16xf32>
      %add3A_717 = arith.addf %mul3A_715, %mul3A_716 : vector<16xf32>
      %mul3A_718 = arith.mulf %unpack3A_655, %get3A_684 : vector<16xf32>
      %add3A_719 = arith.addf %add3A_717, %mul3A_718 : vector<16xf32>
      %add3A_720 = arith.constant 512 : i32
      %add3A_721 = arith.addi %add3A_620, %add3A_720 : i32
      %swap3A_722 = arith.index_cast %add3A_721 : i32 to index
      %swap3A_723 = tpu.vector_load %arg21[%swap3A_722] {strides = array<i32>} : memref<8192xf32, #tpu.memory_space<vmem>>, vector<16xf32>,
      tpu.vector_store %arg21[%swap3A_722], %add3A_719 {strides = array<i32>} : memref<8192xf32, #tpu.memory_space<vmem>>, vector<16xf32>,
      %mul3A_724 = arith.mulf %unpack3A_656, %get3A_676 : vector<16xf32>
      %mul3A_725 = arith.mulf %unpack3A_661, %get3A_680 : vector<16xf32>
      %add3A_726 = arith.addf %mul3A_724, %mul3A_725 : vector<16xf32>
      %mul3A_727 = arith.mulf %unpack3A_662, %get3A_684 : vector<16xf32>
      %add3A_728 = arith.addf %add3A_726, %mul3A_727 : vector<16xf32>
      %add3A_729 = arith.constant 640 : i32
      %add3A_730 = arith.addi %add3A_620, %add3A_729 : i32
      %swap3A_731 = arith.index_cast %add3A_730 : i32 to index
      %swap3A_732 = tpu.vector_load %arg21[%swap3A_731] {strides = array<i32>} : memref<8192xf32, #tpu.memory_space<vmem>>, vector<16xf32>,
      tpu.vector_store %arg21[%swap3A_731], %add3A_728 {strides = array<i32>} : memref<8192xf32, #tpu.memory_space<vmem>>, vector<16xf32>,
      %add3A_733 = arith.constant 768 : i32
      %add3A_734 = arith.addi %add3A_620, %add3A_733 : i32
      %swap3A_735 = arith.index_cast %add3A_734 : i32 to index
      %swap3A_736 = tpu.vector_load %arg21[%swap3A_735] {strides = array<i32>} : memref<8192xf32, #tpu.memory_space<vmem>>, vector<16xf32>,
      tpu.vector_store %arg21[%swap3A_735], %get3A_688 {strides = array<i32>} : memref<8192xf32, #tpu.memory_space<vmem>>, vector<16xf32>,
      %add3A_737 = arith.constant 896 : i32
      %add3A_738 = arith.addi %add3A_620, %add3A_737 : i32
      %swap3A_739 = arith.index_cast %add3A_738 : i32 to index
      %swap3A_740 = tpu.vector_load %arg21[%swap3A_739] {strides = array<i32>} : memref<8192xf32, #tpu.memory_space<vmem>>, vector<16xf32>,
      tpu.vector_store %arg21[%swap3A_739], %get3A_692 {strides = array<i32>} : memref<8192xf32, #tpu.memory_space<vmem>>, vector<16xf32>,
      scf.yield %get3A_609, %get3A_611 : vector<16xi32>, vector<16xi32>
    }
    %scan3A_175 = arith.constant 32 : i32
    %mul3A_176 = arith.constant 64 : i32
    %mul3A_177 = arith.muli %add3A, %mul3A_176 : i32
    %mul3A_178 = arith.constant 1024 : i32
    %mul3A_179 = arith.muli %mul3A_177, %mul3A_178 : i32
    %add3A_180 = arith.constant 8192 : i32
    %add3A_181 = arith.addi %mul3A_179, %add3A_180 : i32
    %dma_start3A_182 = tpu.memref_slice %arg6[%add3A_181] : memref<2097152xf32, #tpu.memory_space<hbm>> -> memref<8192xf32, #tpu.memory_space<hbm>>
    %dma_start3A_183 = tpu.memref_slice %arg6[%add3A_181] : memref<2097152xf32, #tpu.memory_space<hbm>> -> memref<8192xf32, #tpu.memory_space<hbm>>
    tpu.enqueue_dma source(%arg21 : memref<8192xf32, #tpu.memory_space<vmem>>) target(%dma_start3A_183 : memref<8192xf32, #tpu.memory_space<hbm>>) target_semaphore(%arg29 : memref<!tpu.dma_semaphore, #tpu.memory_space<semaphore_mem>>)
    %mul3A_184 = arith.constant 8192 : i32
    %mul3A_185 = arith.muli %add3A, %mul3A_184 : i32
    %add3A_186 = arith.constant 5120 : i32
    %add3A_187 = arith.addi %mul3A_185, %add3A_186 : i32
    %mul3A_188 = arith.constant 64 : i32
    %mul3A_189 = arith.muli %add3A, %mul3A_188 : i32
    %mul3A_190 = arith.constant 1024 : i32
    %mul3A_191 = arith.muli %mul3A_189, %mul3A_190 : i32
    %add3A_192 = arith.constant 40960 : i32
    %add3A_193 = arith.addi %mul3A_191, %add3A_192 : i32
    %dma_start3A_194 = arith.constant 0 : i32
    %dma_start3A_195 = tpu.memref_slice %arg9[%dma_start3A_194] : memref<1040xi32, #tpu.memory_space<vmem>> -> memref<1024xi32, #tpu.memory_space<vmem>>
    %dma_start3A_196 = tpu.memref_slice %arg4[%add3A_187] : memref<262144xi32, #tpu.memory_space<hbm>> -> memref<1024xi32, #tpu.memory_space<hbm>>
    %dma_start3A_197 = arith.constant 0 : i32
    %dma_start3A_198 = tpu.memref_slice %arg9[%dma_start3A_197] : memref<1040xi32, #tpu.memory_space<vmem>> -> memref<1024xi32, #tpu.memory_space<vmem>>
    %dma_start3A_199 = tpu.memref_slice %arg4[%add3A_187] : memref<262144xi32, #tpu.memory_space<hbm>> -> memref<1024xi32, #tpu.memory_space<hbm>>
    tpu.enqueue_dma source(%dma_start3A_199 : memref<1024xi32, #tpu.memory_space<hbm>>) target(%dma_start3A_198 : memref<1024xi32, #tpu.memory_space<vmem>>) target_semaphore(%arg25 : memref<!tpu.dma_semaphore, #tpu.memory_space<semaphore_mem>>)
    %dma_start3A_200 = arith.constant 0 : i32
    %dma_start3A_201 = tpu.memref_slice %arg13[%dma_start3A_200] : memref<1040xi32, #tpu.memory_space<vmem>> -> memref<1024xi32, #tpu.memory_space<vmem>>
    %dma_start3A_202 = tpu.memref_slice %arg5[%add3A_187] : memref<262144xi32, #tpu.memory_space<hbm>> -> memref<1024xi32, #tpu.memory_space<hbm>>
    %dma_start3A_203 = arith.constant 0 : i32
    %dma_start3A_204 = tpu.memref_slice %arg13[%dma_start3A_203] : memref<1040xi32, #tpu.memory_space<vmem>> -> memref<1024xi32, #tpu.memory_space<vmem>>
    %dma_start3A_205 = tpu.memref_slice %arg5[%add3A_187] : memref<262144xi32, #tpu.memory_space<hbm>> -> memref<1024xi32, #tpu.memory_space<hbm>>
    tpu.enqueue_dma source(%dma_start3A_205 : memref<1024xi32, #tpu.memory_space<hbm>>) target(%dma_start3A_204 : memref<1024xi32, #tpu.memory_space<vmem>>) target_semaphore(%arg25 : memref<!tpu.dma_semaphore, #tpu.memory_space<semaphore_mem>>)
    %dma_start3A_206 = tpu.memref_slice %arg3[%add3A_193] : memref<2097152xf32, #tpu.memory_space<hbm>> -> memref<8192xf32, #tpu.memory_space<hbm>>
    %dma_start3A_207 = tpu.memref_slice %arg3[%add3A_193] : memref<2097152xf32, #tpu.memory_space<hbm>> -> memref<8192xf32, #tpu.memory_space<hbm>>
    tpu.enqueue_dma source(%dma_start3A_207 : memref<8192xf32, #tpu.memory_space<hbm>>) target(%arg17 : memref<8192xf32, #tpu.memory_space<vmem>>) target_semaphore(%arg25 : memref<!tpu.dma_semaphore, #tpu.memory_space<semaphore_mem>>)
    %dma_wait3A_208 = arith.constant 0 : i32
    %dma_wait3A_209 = tpu.memref_slice %arg10[%dma_wait3A_208] : memref<1040xi32, #tpu.memory_space<vmem>> -> memref<1024xi32, #tpu.memory_space<vmem>>
    %dma_wait3A_210 = tpu.memref_slice %arg4[%add3A_52] : memref<262144xi32, #tpu.memory_space<hbm>> -> memref<1024xi32, #tpu.memory_space<hbm>>
    %dma_wait3A_211 = arith.constant 0 : i32
    %dma_wait3A_212 = tpu.memref_slice %arg10[%dma_wait3A_211] : memref<1040xi32, #tpu.memory_space<vmem>> -> memref<1024xi32, #tpu.memory_space<vmem>>
    %dma_wait3A_213 = tpu.memref_slice %arg4[%add3A_52] : memref<262144xi32, #tpu.memory_space<hbm>> -> memref<1024xi32, #tpu.memory_space<hbm>>
    tpu.wait_dma2 semaphore(%arg26 : memref<!tpu.dma_semaphore, #tpu.memory_space<semaphore_mem>>) src(%dma_wait3A_213 : memref<1024xi32, #tpu.memory_space<hbm>>) dst(%dma_wait3A_212 : memref<1024xi32, #tpu.memory_space<vmem>>)
    %dma_wait3A_214 = arith.constant 0 : i32
    %dma_wait3A_215 = tpu.memref_slice %arg14[%dma_wait3A_214] : memref<1040xi32, #tpu.memory_space<vmem>> -> memref<1024xi32, #tpu.memory_space<vmem>>
    %dma_wait3A_216 = tpu.memref_slice %arg5[%add3A_52] : memref<262144xi32, #tpu.memory_space<hbm>> -> memref<1024xi32, #tpu.memory_space<hbm>>
    %dma_wait3A_217 = arith.constant 0 : i32
    %dma_wait3A_218 = tpu.memref_slice %arg14[%dma_wait3A_217] : memref<1040xi32, #tpu.memory_space<vmem>> -> memref<1024xi32, #tpu.memory_space<vmem>>
    %dma_wait3A_219 = tpu.memref_slice %arg5[%add3A_52] : memref<262144xi32, #tpu.memory_space<hbm>> -> memref<1024xi32, #tpu.memory_space<hbm>>
    tpu.wait_dma2 semaphore(%arg26 : memref<!tpu.dma_semaphore, #tpu.memory_space<semaphore_mem>>) src(%dma_wait3A_219 : memref<1024xi32, #tpu.memory_space<hbm>>) dst(%dma_wait3A_218 : memref<1024xi32, #tpu.memory_space<vmem>>)
    %dma_wait3A_220 = tpu.memref_slice %arg3[%add3A_58] : memref<2097152xf32, #tpu.memory_space<hbm>> -> memref<8192xf32, #tpu.memory_space<hbm>>
    %dma_wait3A_221 = tpu.memref_slice %arg3[%add3A_58] : memref<2097152xf32, #tpu.memory_space<hbm>> -> memref<8192xf32, #tpu.memory_space<hbm>>
    tpu.wait_dma2 semaphore(%arg26 : memref<!tpu.dma_semaphore, #tpu.memory_space<semaphore_mem>>) src(%dma_wait3A_221 : memref<8192xf32, #tpu.memory_space<hbm>>) dst(%arg18 : memref<8192xf32, #tpu.memory_space<vmem>>)
    %get3A_222 = arith.constant 0 : index
    %get3A_223 = tpu.vector_load %arg10[%get3A_222] {strides = array<i32>} : memref<1040xi32, #tpu.memory_space<vmem>>, vector<16xi32>,
    %get3A_224 = arith.constant 0 : index
    %get3A_225 = tpu.vector_load %arg14[%get3A_224] {strides = array<i32>} : memref<1040xi32, #tpu.memory_space<vmem>>, vector<16xi32>,
    %scan3A_226 = arith.constant 0 : i32
    %scan3A_227 = arith.constant 32 : i32
    %scan3A_228 = arith.addi %scan3A_226, %scan3A_227 : i32
    %scan3A_229 = arith.constant 1 : i32
    %scan3A_230:2 = scf.for %scan3A_464 = %scan3A_226 to %scan3A_228 step %scan3A_229 iter_args(%scan3A_465 = %get3A_223, %scan3A_466 = %get3A_225) -> (vector<16xi32>, vector<16xi32>)  : i32 {
      %mul3A_467 = arith.constant 2 : i32
      %mul3A_468 = arith.muli %scan3A_464, %mul3A_467 : i32
      %add3A_469 = arith.constant 0 : i32
      %add3A_470 = arith.addi %mul3A_468, %add3A_469 : i32
      %mul3A_471 = arith.constant 16 : i32
      %mul3A_472 = arith.muli %add3A_470, %mul3A_471 : i32
      %add3A_473 = arith.constant 16 : i32
      %add3A_474 = arith.addi %mul3A_472, %add3A_473 : i32
      %get3A_475 = arith.index_cast %add3A_474 : i32 to index
      %get3A_476 = tpu.vector_load %arg10[%get3A_475] {strides = array<i32>} : memref<1040xi32, #tpu.memory_space<vmem>>, vector<16xi32>,
      %get3A_477 = arith.index_cast %add3A_474 : i32 to index
      %get3A_478 = tpu.vector_load %arg14[%get3A_477] {strides = array<i32>} : memref<1040xi32, #tpu.memory_space<vmem>>, vector<16xi32>,
      %shift_right_arithmetic3A = arith.constant 3 : i32
      %shift_right_arithmetic3A_479 = arith.shrsi %add3A_470, %shift_right_arithmetic3A : i32
      %mul3A_480 = arith.constant 1024 : i32
      %mul3A_481 = arith.muli %shift_right_arithmetic3A_479, %mul3A_480 : i32
      %and3A = arith.constant 7 : i32
      %and3A_482 = arith.andi %add3A_470, %and3A : i32
      %mul3A_483 = arith.constant 16 : i32
      %mul3A_484 = arith.muli %and3A_482, %mul3A_483 : i32
      %add3A_485 = arith.addi %mul3A_481, %mul3A_484 : i32
      %eq3A_486 = arith.constant 1 : i32
      %eq3A_487 = vector.broadcast %eq3A_486 : i32 to vector<16xi32>
      %eq3A_488 = arith.cmpi eq, %scan3A_466, %eq3A_487 : vector<16xi32>
      %jit3A = arith.constant 2000 : i32
      %broadcast_in_dim3A_489 = vector.broadcast %jit3A : i32 to vector<16xi32>
      %select_n3A = arith.select %eq3A_488, %scan3A_465, %broadcast_in_dim3A_489 : vector<16xi1>, vector<16xi32>
      %gather3A = arith.constant 0 : i32
      %gather3A_490 = tpu.memref_slice %arg7[%gather3A] : memref<12288xi32, #tpu.memory_space<vmem>> -> memref<2048xi32, #tpu.memory_space<vmem>>
      %gather3A_491 = tpu.vector_load_idx %gather3A_490[%select_n3A] : memref<2048xi32, #tpu.memory_space<vmem>>[vector<16xi32>], vector<16xi32>,
      %bitcast3A = vector.bitcast %gather3A_491 : vector<16xi32> to vector<32xbf16>
      %unpack3A = tpu.unpack_subelements %bitcast3A, 0 {pack_format = #tpu.pack_format<interleaved>} : vector<32xbf16> -> vector<16xf32>
      %unpack3A_492 = tpu.unpack_subelements %bitcast3A, 1 {pack_format = #tpu.pack_format<interleaved>} : vector<32xbf16> -> vector<16xf32>
      %gather3A_493 = arith.constant 2048 : i32
      %gather3A_494 = tpu.memref_slice %arg7[%gather3A_493] : memref<12288xi32, #tpu.memory_space<vmem>> -> memref<2048xi32, #tpu.memory_space<vmem>>
      %gather3A_495 = tpu.vector_load_idx %gather3A_494[%select_n3A] : memref<2048xi32, #tpu.memory_space<vmem>>[vector<16xi32>], vector<16xi32>,
      %bitcast3A_496 = vector.bitcast %gather3A_495 : vector<16xi32> to vector<32xbf16>
      %unpack3A_497 = tpu.unpack_subelements %bitcast3A_496, 0 {pack_format = #tpu.pack_format<interleaved>} : vector<32xbf16> -> vector<16xf32>
      %unpack3A_498 = tpu.unpack_subelements %bitcast3A_496, 1 {pack_format = #tpu.pack_format<interleaved>} : vector<32xbf16> -> vector<16xf32>
      %gather3A_499 = arith.constant 4096 : i32
      %gather3A_500 = tpu.memref_slice %arg7[%gather3A_499] : memref<12288xi32, #tpu.memory_space<vmem>> -> memref<2048xi32, #tpu.memory_space<vmem>>
      %gather3A_501 = tpu.vector_load_idx %gather3A_500[%select_n3A] : memref<2048xi32, #tpu.memory_space<vmem>>[vector<16xi32>], vector<16xi32>,
      %bitcast3A_502 = vector.bitcast %gather3A_501 : vector<16xi32> to vector<32xbf16>
      %unpack3A_503 = tpu.unpack_subelements %bitcast3A_502, 0 {pack_format = #tpu.pack_format<interleaved>} : vector<32xbf16> -> vector<16xf32>
      %unpack3A_504 = tpu.unpack_subelements %bitcast3A_502, 1 {pack_format = #tpu.pack_format<interleaved>} : vector<32xbf16> -> vector<16xf32>
      %gather3A_505 = arith.constant 6144 : i32
      %gather3A_506 = tpu.memref_slice %arg7[%gather3A_505] : memref<12288xi32, #tpu.memory_space<vmem>> -> memref<2048xi32, #tpu.memory_space<vmem>>
      %gather3A_507 = tpu.vector_load_idx %gather3A_506[%select_n3A] : memref<2048xi32, #tpu.memory_space<vmem>>[vector<16xi32>], vector<16xi32>,
      %bitcast3A_508 = vector.bitcast %gather3A_507 : vector<16xi32> to vector<32xbf16>
      %unpack3A_509 = tpu.unpack_subelements %bitcast3A_508, 0 {pack_format = #tpu.pack_format<interleaved>} : vector<32xbf16> -> vector<16xf32>
      %unpack3A_510 = tpu.unpack_subelements %bitcast3A_508, 1 {pack_format = #tpu.pack_format<interleaved>} : vector<32xbf16> -> vector<16xf32>
      %gather3A_511 = arith.constant 8192 : i32
      %gather3A_512 = tpu.memref_slice %arg7[%gather3A_511] : memref<12288xi32, #tpu.memory_space<vmem>> -> memref<2048xi32, #tpu.memory_space<vmem>>
      %gather3A_513 = tpu.vector_load_idx %gather3A_512[%select_n3A] : memref<2048xi32, #tpu.memory_space<vmem>>[vector<16xi32>], vector<16xi32>,
      %bitcast3A_514 = vector.bitcast %gather3A_513 : vector<16xi32> to vector<32xbf16>
      %unpack3A_515 = tpu.unpack_subelements %bitcast3A_514, 0 {pack_format = #tpu.pack_format<interleaved>} : vector<32xbf16> -> vector<16xf32>
      %unpack3A_516 = tpu.unpack_subelements %bitcast3A_514, 1 {pack_format = #tpu.pack_format<interleaved>} : vector<32xbf16> -> vector<16xf32>
      %gather3A_517 = arith.constant 10240 : i32
      %gather3A_518 = tpu.memref_slice %arg7[%gather3A_517] : memref<12288xi32, #tpu.memory_space<vmem>> -> memref<2048xi32, #tpu.memory_space<vmem>>
      %gather3A_519 = tpu.vector_load_idx %gather3A_518[%select_n3A] : memref<2048xi32, #tpu.memory_space<vmem>>[vector<16xi32>], vector<16xi32>,
      %bitcast3A_520 = vector.bitcast %gather3A_519 : vector<16xi32> to vector<32xbf16>
      %unpack3A_521 = tpu.unpack_subelements %bitcast3A_520, 0 {pack_format = #tpu.pack_format<interleaved>} : vector<32xbf16> -> vector<16xf32>
      %unpack3A_522 = tpu.unpack_subelements %bitcast3A_520, 1 {pack_format = #tpu.pack_format<interleaved>} : vector<32xbf16> -> vector<16xf32>
      %get3A_523 = arith.index_cast %add3A_485 : i32 to index
      %get3A_524 = tpu.vector_load %arg18[%get3A_523] {strides = array<i32>} : memref<8192xf32, #tpu.memory_space<vmem>>, vector<16xf32>,
      %add3A_525 = arith.constant 128 : i32
      %add3A_526 = arith.addi %add3A_485, %add3A_525 : i32
      %get3A_527 = arith.index_cast %add3A_526 : i32 to index
      %get3A_528 = tpu.vector_load %arg18[%get3A_527] {strides = array<i32>} : memref<8192xf32, #tpu.memory_space<vmem>>, vector<16xf32>,
      %add3A_529 = arith.constant 256 : i32
      %add3A_530 = arith.addi %add3A_485, %add3A_529 : i32
      %get3A_531 = arith.index_cast %add3A_530 : i32 to index
      %get3A_532 = tpu.vector_load %arg18[%get3A_531] {strides = array<i32>} : memref<8192xf32, #tpu.memory_space<vmem>>, vector<16xf32>,
      %add3A_533 = arith.constant 384 : i32
      %add3A_534 = arith.addi %add3A_485, %add3A_533 : i32
      %get3A_535 = arith.index_cast %add3A_534 : i32 to index
      %get3A_536 = tpu.vector_load %arg18[%get3A_535] {strides = array<i32>} : memref<8192xf32, #tpu.memory_space<vmem>>, vector<16xf32>,
      %add3A_537 = arith.constant 512 : i32
      %add3A_538 = arith.addi %add3A_485, %add3A_537 : i32
      %get3A_539 = arith.index_cast %add3A_538 : i32 to index
      %get3A_540 = tpu.vector_load %arg18[%get3A_539] {strides = array<i32>} : memref<8192xf32, #tpu.memory_space<vmem>>, vector<16xf32>,
      %add3A_541 = arith.constant 640 : i32
      %add3A_542 = arith.addi %add3A_485, %add3A_541 : i32
      %get3A_543 = arith.index_cast %add3A_542 : i32 to index
      %get3A_544 = tpu.vector_load %arg18[%get3A_543] {strides = array<i32>} : memref<8192xf32, #tpu.memory_space<vmem>>, vector<16xf32>,
      %add3A_545 = arith.constant 768 : i32
      %add3A_546 = arith.addi %add3A_485, %add3A_545 : i32
      %get3A_547 = arith.index_cast %add3A_546 : i32 to index
      %get3A_548 = tpu.vector_load %arg18[%get3A_547] {strides = array<i32>} : memref<8192xf32, #tpu.memory_space<vmem>>, vector<16xf32>,
      %add3A_549 = arith.constant 896 : i32
      %add3A_550 = arith.addi %add3A_485, %add3A_549 : i32
      %get3A_551 = arith.index_cast %add3A_550 : i32 to index
      %get3A_552 = tpu.vector_load %arg18[%get3A_551] {strides = array<i32>} : memref<8192xf32, #tpu.memory_space<vmem>>, vector<16xf32>,
      %add3A_553 = arith.addf %get3A_524, %unpack3A : vector<16xf32>
      %swap3A = arith.index_cast %add3A_485 : i32 to index
      %swap3A_554 = tpu.vector_load %arg22[%swap3A] {strides = array<i32>} : memref<8192xf32, #tpu.memory_space<vmem>>, vector<16xf32>,
      tpu.vector_store %arg22[%swap3A], %add3A_553 {strides = array<i32>} : memref<8192xf32, #tpu.memory_space<vmem>>, vector<16xf32>,
      %add3A_555 = arith.addf %get3A_528, %unpack3A_492 : vector<16xf32>
      %add3A_556 = arith.constant 128 : i32
      %add3A_557 = arith.addi %add3A_485, %add3A_556 : i32
      %swap3A_558 = arith.index_cast %add3A_557 : i32 to index
      %swap3A_559 = tpu.vector_load %arg22[%swap3A_558] {strides = array<i32>} : memref<8192xf32, #tpu.memory_space<vmem>>, vector<16xf32>,
      tpu.vector_store %arg22[%swap3A_558], %add3A_555 {strides = array<i32>} : memref<8192xf32, #tpu.memory_space<vmem>>, vector<16xf32>,
      %add3A_560 = arith.addf %get3A_532, %unpack3A_497 : vector<16xf32>
      %add3A_561 = arith.constant 256 : i32
      %add3A_562 = arith.addi %add3A_485, %add3A_561 : i32
      %swap3A_563 = arith.index_cast %add3A_562 : i32 to index
      %swap3A_564 = tpu.vector_load %arg22[%swap3A_563] {strides = array<i32>} : memref<8192xf32, #tpu.memory_space<vmem>>, vector<16xf32>,
      tpu.vector_store %arg22[%swap3A_563], %add3A_560 {strides = array<i32>} : memref<8192xf32, #tpu.memory_space<vmem>>, vector<16xf32>,
      %mul3A_565 = arith.mulf %unpack3A_498, %get3A_536 : vector<16xf32>
      %mul3A_566 = arith.mulf %unpack3A_503, %get3A_540 : vector<16xf32>
      %add3A_567 = arith.addf %mul3A_565, %mul3A_566 : vector<16xf32>
      %mul3A_568 = arith.mulf %unpack3A_504, %get3A_544 : vector<16xf32>
      %add3A_569 = arith.addf %add3A_567, %mul3A_568 : vector<16xf32>
      %add3A_570 = arith.constant 384 : i32
      %add3A_571 = arith.addi %add3A_485, %add3A_570 : i32
      %swap3A_572 = arith.index_cast %add3A_571 : i32 to index
      %swap3A_573 = tpu.vector_load %arg22[%swap3A_572] {strides = array<i32>} : memref<8192xf32, #tpu.memory_space<vmem>>, vector<16xf32>,
      tpu.vector_store %arg22[%swap3A_572], %add3A_569 {strides = array<i32>} : memref<8192xf32, #tpu.memory_space<vmem>>, vector<16xf32>,
      %mul3A_574 = arith.mulf %unpack3A_509, %get3A_536 : vector<16xf32>
      %mul3A_575 = arith.mulf %unpack3A_510, %get3A_540 : vector<16xf32>
      %add3A_576 = arith.addf %mul3A_574, %mul3A_575 : vector<16xf32>
      %mul3A_577 = arith.mulf %unpack3A_515, %get3A_544 : vector<16xf32>
      %add3A_578 = arith.addf %add3A_576, %mul3A_577 : vector<16xf32>
      %add3A_579 = arith.constant 512 : i32
      %add3A_580 = arith.addi %add3A_485, %add3A_579 : i32
      %swap3A_581 = arith.index_cast %add3A_580 : i32 to index
      %swap3A_582 = tpu.vector_load %arg22[%swap3A_581] {strides = array<i32>} : memref<8192xf32, #tpu.memory_space<vmem>>, vector<16xf32>,
      tpu.vector_store %arg22[%swap3A_581], %add3A_578 {strides = array<i32>} : memref<8192xf32, #tpu.memory_space<vmem>>, vector<16xf32>,
      %mul3A_583 = arith.mulf %unpack3A_516, %get3A_536 : vector<16xf32>
      %mul3A_584 = arith.mulf %unpack3A_521, %get3A_540 : vector<16xf32>
      %add3A_585 = arith.addf %mul3A_583, %mul3A_584 : vector<16xf32>
      %mul3A_586 = arith.mulf %unpack3A_522, %get3A_544 : vector<16xf32>
      %add3A_587 = arith.addf %add3A_585, %mul3A_586 : vector<16xf32>
      %add3A_588 = arith.constant 640 : i32
      %add3A_589 = arith.addi %add3A_485, %add3A_588 : i32
      %swap3A_590 = arith.index_cast %add3A_589 : i32 to index
      %swap3A_591 = tpu.vector_load %arg22[%swap3A_590] {strides = array<i32>} : memref<8192xf32, #tpu.memory_space<vmem>>, vector<16xf32>,
      tpu.vector_store %arg22[%swap3A_590], %add3A_587 {strides = array<i32>} : memref<8192xf32, #tpu.memory_space<vmem>>, vector<16xf32>,
      %add3A_592 = arith.constant 768 : i32
      %add3A_593 = arith.addi %add3A_485, %add3A_592 : i32
      %swap3A_594 = arith.index_cast %add3A_593 : i32 to index
      %swap3A_595 = tpu.vector_load %arg22[%swap3A_594] {strides = array<i32>} : memref<8192xf32, #tpu.memory_space<vmem>>, vector<16xf32>,
      tpu.vector_store %arg22[%swap3A_594], %get3A_548 {strides = array<i32>} : memref<8192xf32, #tpu.memory_space<vmem>>, vector<16xf32>,
      %add3A_596 = arith.constant 896 : i32
      %add3A_597 = arith.addi %add3A_485, %add3A_596 : i32
      %swap3A_598 = arith.index_cast %add3A_597 : i32 to index
      %swap3A_599 = tpu.vector_load %arg22[%swap3A_598] {strides = array<i32>} : memref<8192xf32, #tpu.memory_space<vmem>>, vector<16xf32>,
      tpu.vector_store %arg22[%swap3A_598], %get3A_552 {strides = array<i32>} : memref<8192xf32, #tpu.memory_space<vmem>>, vector<16xf32>,
      %mul3A_600 = arith.constant 2 : i32
      %mul3A_601 = arith.muli %scan3A_464, %mul3A_600 : i32
      %add3A_602 = arith.constant 1 : i32
      %add3A_603 = arith.addi %mul3A_601, %add3A_602 : i32
      %mul3A_604 = arith.constant 16 : i32
      %mul3A_605 = arith.muli %add3A_603, %mul3A_604 : i32
      %add3A_606 = arith.constant 16 : i32
      %add3A_607 = arith.addi %mul3A_605, %add3A_606 : i32
      %get3A_608 = arith.index_cast %add3A_607 : i32 to index
      %get3A_609 = tpu.vector_load %arg10[%get3A_608] {strides = array<i32>} : memref<1040xi32, #tpu.memory_space<vmem>>, vector<16xi32>,
      %get3A_610 = arith.index_cast %add3A_607 : i32 to index
      %get3A_611 = tpu.vector_load %arg14[%get3A_610] {strides = array<i32>} : memref<1040xi32, #tpu.memory_space<vmem>>, vector<16xi32>,
      %shift_right_arithmetic3A_612 = arith.constant 3 : i32
      %shift_right_arithmetic3A_613 = arith.shrsi %add3A_603, %shift_right_arithmetic3A_612 : i32
      %mul3A_614 = arith.constant 1024 : i32
      %mul3A_615 = arith.muli %shift_right_arithmetic3A_613, %mul3A_614 : i32
      %and3A_616 = arith.constant 7 : i32
      %and3A_617 = arith.andi %add3A_603, %and3A_616 : i32
      %mul3A_618 = arith.constant 16 : i32
      %mul3A_619 = arith.muli %and3A_617, %mul3A_618 : i32
      %add3A_620 = arith.addi %mul3A_615, %mul3A_619 : i32
      %eq3A_621 = arith.constant 1 : i32
      %eq3A_622 = vector.broadcast %eq3A_621 : i32 to vector<16xi32>
      %eq3A_623 = arith.cmpi eq, %get3A_478, %eq3A_622 : vector<16xi32>
      %jit3A_624 = arith.constant 2000 : i32
      %broadcast_in_dim3A_625 = vector.broadcast %jit3A_624 : i32 to vector<16xi32>
      %select_n3A_626 = arith.select %eq3A_623, %get3A_476, %broadcast_in_dim3A_625 : vector<16xi1>, vector<16xi32>
      %gather3A_627 = arith.constant 0 : i32
      %gather3A_628 = tpu.memref_slice %arg7[%gather3A_627] : memref<12288xi32, #tpu.memory_space<vmem>> -> memref<2048xi32, #tpu.memory_space<vmem>>
      %gather3A_629 = tpu.vector_load_idx %gather3A_628[%select_n3A_626] : memref<2048xi32, #tpu.memory_space<vmem>>[vector<16xi32>], vector<16xi32>,
      %bitcast3A_630 = vector.bitcast %gather3A_629 : vector<16xi32> to vector<32xbf16>
      %unpack3A_631 = tpu.unpack_subelements %bitcast3A_630, 0 {pack_format = #tpu.pack_format<interleaved>} : vector<32xbf16> -> vector<16xf32>
      %unpack3A_632 = tpu.unpack_subelements %bitcast3A_630, 1 {pack_format = #tpu.pack_format<interleaved>} : vector<32xbf16> -> vector<16xf32>
      %gather3A_633 = arith.constant 2048 : i32
      %gather3A_634 = tpu.memref_slice %arg7[%gather3A_633] : memref<12288xi32, #tpu.memory_space<vmem>> -> memref<2048xi32, #tpu.memory_space<vmem>>
      %gather3A_635 = tpu.vector_load_idx %gather3A_634[%select_n3A_626] : memref<2048xi32, #tpu.memory_space<vmem>>[vector<16xi32>], vector<16xi32>,
      %bitcast3A_636 = vector.bitcast %gather3A_635 : vector<16xi32> to vector<32xbf16>
      %unpack3A_637 = tpu.unpack_subelements %bitcast3A_636, 0 {pack_format = #tpu.pack_format<interleaved>} : vector<32xbf16> -> vector<16xf32>
      %unpack3A_638 = tpu.unpack_subelements %bitcast3A_636, 1 {pack_format = #tpu.pack_format<interleaved>} : vector<32xbf16> -> vector<16xf32>
      %gather3A_639 = arith.constant 4096 : i32
      %gather3A_640 = tpu.memref_slice %arg7[%gather3A_639] : memref<12288xi32, #tpu.memory_space<vmem>> -> memref<2048xi32, #tpu.memory_space<vmem>>
      %gather3A_641 = tpu.vector_load_idx %gather3A_640[%select_n3A_626] : memref<2048xi32, #tpu.memory_space<vmem>>[vector<16xi32>], vector<16xi32>,
      %bitcast3A_642 = vector.bitcast %gather3A_641 : vector<16xi32> to vector<32xbf16>
      %unpack3A_643 = tpu.unpack_subelements %bitcast3A_642, 0 {pack_format = #tpu.pack_format<interleaved>} : vector<32xbf16> -> vector<16xf32>
      %unpack3A_644 = tpu.unpack_subelements %bitcast3A_642, 1 {pack_format = #tpu.pack_format<interleaved>} : vector<32xbf16> -> vector<16xf32>
      %gather3A_645 = arith.constant 6144 : i32
      %gather3A_646 = tpu.memref_slice %arg7[%gather3A_645] : memref<12288xi32, #tpu.memory_space<vmem>> -> memref<2048xi32, #tpu.memory_space<vmem>>
      %gather3A_647 = tpu.vector_load_idx %gather3A_646[%select_n3A_626] : memref<2048xi32, #tpu.memory_space<vmem>>[vector<16xi32>], vector<16xi32>,
      %bitcast3A_648 = vector.bitcast %gather3A_647 : vector<16xi32> to vector<32xbf16>
      %unpack3A_649 = tpu.unpack_subelements %bitcast3A_648, 0 {pack_format = #tpu.pack_format<interleaved>} : vector<32xbf16> -> vector<16xf32>
      %unpack3A_650 = tpu.unpack_subelements %bitcast3A_648, 1 {pack_format = #tpu.pack_format<interleaved>} : vector<32xbf16> -> vector<16xf32>
      %gather3A_651 = arith.constant 8192 : i32
      %gather3A_652 = tpu.memref_slice %arg7[%gather3A_651] : memref<12288xi32, #tpu.memory_space<vmem>> -> memref<2048xi32, #tpu.memory_space<vmem>>
      %gather3A_653 = tpu.vector_load_idx %gather3A_652[%select_n3A_626] : memref<2048xi32, #tpu.memory_space<vmem>>[vector<16xi32>], vector<16xi32>,
      %bitcast3A_654 = vector.bitcast %gather3A_653 : vector<16xi32> to vector<32xbf16>
      %unpack3A_655 = tpu.unpack_subelements %bitcast3A_654, 0 {pack_format = #tpu.pack_format<interleaved>} : vector<32xbf16> -> vector<16xf32>
      %unpack3A_656 = tpu.unpack_subelements %bitcast3A_654, 1 {pack_format = #tpu.pack_format<interleaved>} : vector<32xbf16> -> vector<16xf32>
      %gather3A_657 = arith.constant 10240 : i32
      %gather3A_658 = tpu.memref_slice %arg7[%gather3A_657] : memref<12288xi32, #tpu.memory_space<vmem>> -> memref<2048xi32, #tpu.memory_space<vmem>>
      %gather3A_659 = tpu.vector_load_idx %gather3A_658[%select_n3A_626] : memref<2048xi32, #tpu.memory_space<vmem>>[vector<16xi32>], vector<16xi32>,
      %bitcast3A_660 = vector.bitcast %gather3A_659 : vector<16xi32> to vector<32xbf16>
      %unpack3A_661 = tpu.unpack_subelements %bitcast3A_660, 0 {pack_format = #tpu.pack_format<interleaved>} : vector<32xbf16> -> vector<16xf32>
      %unpack3A_662 = tpu.unpack_subelements %bitcast3A_660, 1 {pack_format = #tpu.pack_format<interleaved>} : vector<32xbf16> -> vector<16xf32>
      %get3A_663 = arith.index_cast %add3A_620 : i32 to index
      %get3A_664 = tpu.vector_load %arg18[%get3A_663] {strides = array<i32>} : memref<8192xf32, #tpu.memory_space<vmem>>, vector<16xf32>,
      %add3A_665 = arith.constant 128 : i32
      %add3A_666 = arith.addi %add3A_620, %add3A_665 : i32
      %get3A_667 = arith.index_cast %add3A_666 : i32 to index
      %get3A_668 = tpu.vector_load %arg18[%get3A_667] {strides = array<i32>} : memref<8192xf32, #tpu.memory_space<vmem>>, vector<16xf32>,
      %add3A_669 = arith.constant 256 : i32
      %add3A_670 = arith.addi %add3A_620, %add3A_669 : i32
      %get3A_671 = arith.index_cast %add3A_670 : i32 to index
      %get3A_672 = tpu.vector_load %arg18[%get3A_671] {strides = array<i32>} : memref<8192xf32, #tpu.memory_space<vmem>>, vector<16xf32>,
      %add3A_673 = arith.constant 384 : i32
      %add3A_674 = arith.addi %add3A_620, %add3A_673 : i32
      %get3A_675 = arith.index_cast %add3A_674 : i32 to index
      %get3A_676 = tpu.vector_load %arg18[%get3A_675] {strides = array<i32>} : memref<8192xf32, #tpu.memory_space<vmem>>, vector<16xf32>,
      %add3A_677 = arith.constant 512 : i32
      %add3A_678 = arith.addi %add3A_620, %add3A_677 : i32
      %get3A_679 = arith.index_cast %add3A_678 : i32 to index
      %get3A_680 = tpu.vector_load %arg18[%get3A_679] {strides = array<i32>} : memref<8192xf32, #tpu.memory_space<vmem>>, vector<16xf32>,
      %add3A_681 = arith.constant 640 : i32
      %add3A_682 = arith.addi %add3A_620, %add3A_681 : i32
      %get3A_683 = arith.index_cast %add3A_682 : i32 to index
      %get3A_684 = tpu.vector_load %arg18[%get3A_683] {strides = array<i32>} : memref<8192xf32, #tpu.memory_space<vmem>>, vector<16xf32>,
      %add3A_685 = arith.constant 768 : i32
      %add3A_686 = arith.addi %add3A_620, %add3A_685 : i32
      %get3A_687 = arith.index_cast %add3A_686 : i32 to index
      %get3A_688 = tpu.vector_load %arg18[%get3A_687] {strides = array<i32>} : memref<8192xf32, #tpu.memory_space<vmem>>, vector<16xf32>,
      %add3A_689 = arith.constant 896 : i32
      %add3A_690 = arith.addi %add3A_620, %add3A_689 : i32
      %get3A_691 = arith.index_cast %add3A_690 : i32 to index
      %get3A_692 = tpu.vector_load %arg18[%get3A_691] {strides = array<i32>} : memref<8192xf32, #tpu.memory_space<vmem>>, vector<16xf32>,
      %add3A_693 = arith.addf %get3A_664, %unpack3A_631 : vector<16xf32>
      %swap3A_694 = arith.index_cast %add3A_620 : i32 to index
      %swap3A_695 = tpu.vector_load %arg22[%swap3A_694] {strides = array<i32>} : memref<8192xf32, #tpu.memory_space<vmem>>, vector<16xf32>,
      tpu.vector_store %arg22[%swap3A_694], %add3A_693 {strides = array<i32>} : memref<8192xf32, #tpu.memory_space<vmem>>, vector<16xf32>,
      %add3A_696 = arith.addf %get3A_668, %unpack3A_632 : vector<16xf32>
      %add3A_697 = arith.constant 128 : i32
      %add3A_698 = arith.addi %add3A_620, %add3A_697 : i32
      %swap3A_699 = arith.index_cast %add3A_698 : i32 to index
      %swap3A_700 = tpu.vector_load %arg22[%swap3A_699] {strides = array<i32>} : memref<8192xf32, #tpu.memory_space<vmem>>, vector<16xf32>,
      tpu.vector_store %arg22[%swap3A_699], %add3A_696 {strides = array<i32>} : memref<8192xf32, #tpu.memory_space<vmem>>, vector<16xf32>,
      %add3A_701 = arith.addf %get3A_672, %unpack3A_637 : vector<16xf32>
      %add3A_702 = arith.constant 256 : i32
      %add3A_703 = arith.addi %add3A_620, %add3A_702 : i32
      %swap3A_704 = arith.index_cast %add3A_703 : i32 to index
      %swap3A_705 = tpu.vector_load %arg22[%swap3A_704] {strides = array<i32>} : memref<8192xf32, #tpu.memory_space<vmem>>, vector<16xf32>,
      tpu.vector_store %arg22[%swap3A_704], %add3A_701 {strides = array<i32>} : memref<8192xf32, #tpu.memory_space<vmem>>, vector<16xf32>,
      %mul3A_706 = arith.mulf %unpack3A_638, %get3A_676 : vector<16xf32>
      %mul3A_707 = arith.mulf %unpack3A_643, %get3A_680 : vector<16xf32>
      %add3A_708 = arith.addf %mul3A_706, %mul3A_707 : vector<16xf32>
      %mul3A_709 = arith.mulf %unpack3A_644, %get3A_684 : vector<16xf32>
      %add3A_710 = arith.addf %add3A_708, %mul3A_709 : vector<16xf32>
      %add3A_711 = arith.constant 384 : i32
      %add3A_712 = arith.addi %add3A_620, %add3A_711 : i32
      %swap3A_713 = arith.index_cast %add3A_712 : i32 to index
      %swap3A_714 = tpu.vector_load %arg22[%swap3A_713] {strides = array<i32>} : memref<8192xf32, #tpu.memory_space<vmem>>, vector<16xf32>,
      tpu.vector_store %arg22[%swap3A_713], %add3A_710 {strides = array<i32>} : memref<8192xf32, #tpu.memory_space<vmem>>, vector<16xf32>,
      %mul3A_715 = arith.mulf %unpack3A_649, %get3A_676 : vector<16xf32>
      %mul3A_716 = arith.mulf %unpack3A_650, %get3A_680 : vector<16xf32>
      %add3A_717 = arith.addf %mul3A_715, %mul3A_716 : vector<16xf32>
      %mul3A_718 = arith.mulf %unpack3A_655, %get3A_684 : vector<16xf32>
      %add3A_719 = arith.addf %add3A_717, %mul3A_718 : vector<16xf32>
      %add3A_720 = arith.constant 512 : i32
      %add3A_721 = arith.addi %add3A_620, %add3A_720 : i32
      %swap3A_722 = arith.index_cast %add3A_721 : i32 to index
      %swap3A_723 = tpu.vector_load %arg22[%swap3A_722] {strides = array<i32>} : memref<8192xf32, #tpu.memory_space<vmem>>, vector<16xf32>,
      tpu.vector_store %arg22[%swap3A_722], %add3A_719 {strides = array<i32>} : memref<8192xf32, #tpu.memory_space<vmem>>, vector<16xf32>,
      %mul3A_724 = arith.mulf %unpack3A_656, %get3A_676 : vector<16xf32>
      %mul3A_725 = arith.mulf %unpack3A_661, %get3A_680 : vector<16xf32>
      %add3A_726 = arith.addf %mul3A_724, %mul3A_725 : vector<16xf32>
      %mul3A_727 = arith.mulf %unpack3A_662, %get3A_684 : vector<16xf32>
      %add3A_728 = arith.addf %add3A_726, %mul3A_727 : vector<16xf32>
      %add3A_729 = arith.constant 640 : i32
      %add3A_730 = arith.addi %add3A_620, %add3A_729 : i32
      %swap3A_731 = arith.index_cast %add3A_730 : i32 to index
      %swap3A_732 = tpu.vector_load %arg22[%swap3A_731] {strides = array<i32>} : memref<8192xf32, #tpu.memory_space<vmem>>, vector<16xf32>,
      tpu.vector_store %arg22[%swap3A_731], %add3A_728 {strides = array<i32>} : memref<8192xf32, #tpu.memory_space<vmem>>, vector<16xf32>,
      %add3A_733 = arith.constant 768 : i32
      %add3A_734 = arith.addi %add3A_620, %add3A_733 : i32
      %swap3A_735 = arith.index_cast %add3A_734 : i32 to index
      %swap3A_736 = tpu.vector_load %arg22[%swap3A_735] {strides = array<i32>} : memref<8192xf32, #tpu.memory_space<vmem>>, vector<16xf32>,
      tpu.vector_store %arg22[%swap3A_735], %get3A_688 {strides = array<i32>} : memref<8192xf32, #tpu.memory_space<vmem>>, vector<16xf32>,
      %add3A_737 = arith.constant 896 : i32
      %add3A_738 = arith.addi %add3A_620, %add3A_737 : i32
      %swap3A_739 = arith.index_cast %add3A_738 : i32 to index
      %swap3A_740 = tpu.vector_load %arg22[%swap3A_739] {strides = array<i32>} : memref<8192xf32, #tpu.memory_space<vmem>>, vector<16xf32>,
      tpu.vector_store %arg22[%swap3A_739], %get3A_692 {strides = array<i32>} : memref<8192xf32, #tpu.memory_space<vmem>>, vector<16xf32>,
      scf.yield %get3A_609, %get3A_611 : vector<16xi32>, vector<16xi32>
    }
    %scan3A_231 = arith.constant 32 : i32
    %mul3A_232 = arith.constant 64 : i32
    %mul3A_233 = arith.muli %add3A, %mul3A_232 : i32
    %mul3A_234 = arith.constant 1024 : i32
    %mul3A_235 = arith.muli %mul3A_233, %mul3A_234 : i32
    %add3A_236 = arith.constant 16384 : i32
    %add3A_237 = arith.addi %mul3A_235, %add3A_236 : i32
    %dma_start3A_238 = tpu.memref_slice %arg6[%add3A_237] : memref<2097152xf32, #tpu.memory_space<hbm>> -> memref<8192xf32, #tpu.memory_space<hbm>>
    %dma_start3A_239 = tpu.memref_slice %arg6[%add3A_237] : memref<2097152xf32, #tpu.memory_space<hbm>> -> memref<8192xf32, #tpu.memory_space<hbm>>
    tpu.enqueue_dma source(%arg22 : memref<8192xf32, #tpu.memory_space<vmem>>) target(%dma_start3A_239 : memref<8192xf32, #tpu.memory_space<hbm>>) target_semaphore(%arg30 : memref<!tpu.dma_semaphore, #tpu.memory_space<semaphore_mem>>)
    %mul3A_240 = arith.constant 8192 : i32
    %mul3A_241 = arith.muli %add3A, %mul3A_240 : i32
    %add3A_242 = arith.constant 6144 : i32
    %add3A_243 = arith.addi %mul3A_241, %add3A_242 : i32
    %mul3A_244 = arith.constant 64 : i32
    %mul3A_245 = arith.muli %add3A, %mul3A_244 : i32
    %mul3A_246 = arith.constant 1024 : i32
    %mul3A_247 = arith.muli %mul3A_245, %mul3A_246 : i32
    %add3A_248 = arith.constant 49152 : i32
    %add3A_249 = arith.addi %mul3A_247, %add3A_248 : i32
    %dma_start3A_250 = arith.constant 0 : i32
    %dma_start3A_251 = tpu.memref_slice %arg10[%dma_start3A_250] : memref<1040xi32, #tpu.memory_space<vmem>> -> memref<1024xi32, #tpu.memory_space<vmem>>
    %dma_start3A_252 = tpu.memref_slice %arg4[%add3A_243] : memref<262144xi32, #tpu.memory_space<hbm>> -> memref<1024xi32, #tpu.memory_space<hbm>>
    %dma_start3A_253 = arith.constant 0 : i32
    %dma_start3A_254 = tpu.memref_slice %arg10[%dma_start3A_253] : memref<1040xi32, #tpu.memory_space<vmem>> -> memref<1024xi32, #tpu.memory_space<vmem>>
    %dma_start3A_255 = tpu.memref_slice %arg4[%add3A_243] : memref<262144xi32, #tpu.memory_space<hbm>> -> memref<1024xi32, #tpu.memory_space<hbm>>
    tpu.enqueue_dma source(%dma_start3A_255 : memref<1024xi32, #tpu.memory_space<hbm>>) target(%dma_start3A_254 : memref<1024xi32, #tpu.memory_space<vmem>>) target_semaphore(%arg26 : memref<!tpu.dma_semaphore, #tpu.memory_space<semaphore_mem>>)
    %dma_start3A_256 = arith.constant 0 : i32
    %dma_start3A_257 = tpu.memref_slice %arg14[%dma_start3A_256] : memref<1040xi32, #tpu.memory_space<vmem>> -> memref<1024xi32, #tpu.memory_space<vmem>>
    %dma_start3A_258 = tpu.memref_slice %arg5[%add3A_243] : memref<262144xi32, #tpu.memory_space<hbm>> -> memref<1024xi32, #tpu.memory_space<hbm>>
    %dma_start3A_259 = arith.constant 0 : i32
    %dma_start3A_260 = tpu.memref_slice %arg14[%dma_start3A_259] : memref<1040xi32, #tpu.memory_space<vmem>> -> memref<1024xi32, #tpu.memory_space<vmem>>
    %dma_start3A_261 = tpu.memref_slice %arg5[%add3A_243] : memref<262144xi32, #tpu.memory_space<hbm>> -> memref<1024xi32, #tpu.memory_space<hbm>>
    tpu.enqueue_dma source(%dma_start3A_261 : memref<1024xi32, #tpu.memory_space<hbm>>) target(%dma_start3A_260 : memref<1024xi32, #tpu.memory_space<vmem>>) target_semaphore(%arg26 : memref<!tpu.dma_semaphore, #tpu.memory_space<semaphore_mem>>)
    %dma_start3A_262 = tpu.memref_slice %arg3[%add3A_249] : memref<2097152xf32, #tpu.memory_space<hbm>> -> memref<8192xf32, #tpu.memory_space<hbm>>
    %dma_start3A_263 = tpu.memref_slice %arg3[%add3A_249] : memref<2097152xf32, #tpu.memory_space<hbm>> -> memref<8192xf32, #tpu.memory_space<hbm>>
    tpu.enqueue_dma source(%dma_start3A_263 : memref<8192xf32, #tpu.memory_space<hbm>>) target(%arg18 : memref<8192xf32, #tpu.memory_space<vmem>>) target_semaphore(%arg26 : memref<!tpu.dma_semaphore, #tpu.memory_space<semaphore_mem>>)
    %dma_wait3A_264 = arith.constant 0 : i32
    %dma_wait3A_265 = tpu.memref_slice %arg11[%dma_wait3A_264] : memref<1040xi32, #tpu.memory_space<vmem>> -> memref<1024xi32, #tpu.memory_space<vmem>>
    %dma_wait3A_266 = tpu.memref_slice %arg4[%add3A_76] : memref<262144xi32, #tpu.memory_space<hbm>> -> memref<1024xi32, #tpu.memory_space<hbm>>
    %dma_wait3A_267 = arith.constant 0 : i32
    %dma_wait3A_268 = tpu.memref_slice %arg11[%dma_wait3A_267] : memref<1040xi32, #tpu.memory_space<vmem>> -> memref<1024xi32, #tpu.memory_space<vmem>>
    %dma_wait3A_269 = tpu.memref_slice %arg4[%add3A_76] : memref<262144xi32, #tpu.memory_space<hbm>> -> memref<1024xi32, #tpu.memory_space<hbm>>
    tpu.wait_dma2 semaphore(%arg27 : memref<!tpu.dma_semaphore, #tpu.memory_space<semaphore_mem>>) src(%dma_wait3A_269 : memref<1024xi32, #tpu.memory_space<hbm>>) dst(%dma_wait3A_268 : memref<1024xi32, #tpu.memory_space<vmem>>)
    %dma_wait3A_270 = arith.constant 0 : i32
    %dma_wait3A_271 = tpu.memref_slice %arg15[%dma_wait3A_270] : memref<1040xi32, #tpu.memory_space<vmem>> -> memref<1024xi32, #tpu.memory_space<vmem>>
    %dma_wait3A_272 = tpu.memref_slice %arg5[%add3A_76] : memref<262144xi32, #tpu.memory_space<hbm>> -> memref<1024xi32, #tpu.memory_space<hbm>>
    %dma_wait3A_273 = arith.constant 0 : i32
    %dma_wait3A_274 = tpu.memref_slice %arg15[%dma_wait3A_273] : memref<1040xi32, #tpu.memory_space<vmem>> -> memref<1024xi32, #tpu.memory_space<vmem>>
    %dma_wait3A_275 = tpu.memref_slice %arg5[%add3A_76] : memref<262144xi32, #tpu.memory_space<hbm>> -> memref<1024xi32, #tpu.memory_space<hbm>>
    tpu.wait_dma2 semaphore(%arg27 : memref<!tpu.dma_semaphore, #tpu.memory_space<semaphore_mem>>) src(%dma_wait3A_275 : memref<1024xi32, #tpu.memory_space<hbm>>) dst(%dma_wait3A_274 : memref<1024xi32, #tpu.memory_space<vmem>>)
    %dma_wait3A_276 = tpu.memref_slice %arg3[%add3A_82] : memref<2097152xf32, #tpu.memory_space<hbm>> -> memref<8192xf32, #tpu.memory_space<hbm>>
    %dma_wait3A_277 = tpu.memref_slice %arg3[%add3A_82] : memref<2097152xf32, #tpu.memory_space<hbm>> -> memref<8192xf32, #tpu.memory_space<hbm>>
    tpu.wait_dma2 semaphore(%arg27 : memref<!tpu.dma_semaphore, #tpu.memory_space<semaphore_mem>>) src(%dma_wait3A_277 : memref<8192xf32, #tpu.memory_space<hbm>>) dst(%arg19 : memref<8192xf32, #tpu.memory_space<vmem>>)
    %get3A_278 = arith.constant 0 : index
    %get3A_279 = tpu.vector_load %arg11[%get3A_278] {strides = array<i32>} : memref<1040xi32, #tpu.memory_space<vmem>>, vector<16xi32>,
    %get3A_280 = arith.constant 0 : index
    %get3A_281 = tpu.vector_load %arg15[%get3A_280] {strides = array<i32>} : memref<1040xi32, #tpu.memory_space<vmem>>, vector<16xi32>,
    %scan3A_282 = arith.constant 0 : i32
    %scan3A_283 = arith.constant 32 : i32
    %scan3A_284 = arith.addi %scan3A_282, %scan3A_283 : i32
    %scan3A_285 = arith.constant 1 : i32
    %scan3A_286:2 = scf.for %scan3A_464 = %scan3A_282 to %scan3A_284 step %scan3A_285 iter_args(%scan3A_465 = %get3A_279, %scan3A_466 = %get3A_281) -> (vector<16xi32>, vector<16xi32>)  : i32 {
      %mul3A_467 = arith.constant 2 : i32
      %mul3A_468 = arith.muli %scan3A_464, %mul3A_467 : i32
      %add3A_469 = arith.constant 0 : i32
      %add3A_470 = arith.addi %mul3A_468, %add3A_469 : i32
      %mul3A_471 = arith.constant 16 : i32
      %mul3A_472 = arith.muli %add3A_470, %mul3A_471 : i32
      %add3A_473 = arith.constant 16 : i32
      %add3A_474 = arith.addi %mul3A_472, %add3A_473 : i32
      %get3A_475 = arith.index_cast %add3A_474 : i32 to index
      %get3A_476 = tpu.vector_load %arg11[%get3A_475] {strides = array<i32>} : memref<1040xi32, #tpu.memory_space<vmem>>, vector<16xi32>,
      %get3A_477 = arith.index_cast %add3A_474 : i32 to index
      %get3A_478 = tpu.vector_load %arg15[%get3A_477] {strides = array<i32>} : memref<1040xi32, #tpu.memory_space<vmem>>, vector<16xi32>,
      %shift_right_arithmetic3A = arith.constant 3 : i32
      %shift_right_arithmetic3A_479 = arith.shrsi %add3A_470, %shift_right_arithmetic3A : i32
      %mul3A_480 = arith.constant 1024 : i32
      %mul3A_481 = arith.muli %shift_right_arithmetic3A_479, %mul3A_480 : i32
      %and3A = arith.constant 7 : i32
      %and3A_482 = arith.andi %add3A_470, %and3A : i32
      %mul3A_483 = arith.constant 16 : i32
      %mul3A_484 = arith.muli %and3A_482, %mul3A_483 : i32
      %add3A_485 = arith.addi %mul3A_481, %mul3A_484 : i32
      %eq3A_486 = arith.constant 1 : i32
      %eq3A_487 = vector.broadcast %eq3A_486 : i32 to vector<16xi32>
      %eq3A_488 = arith.cmpi eq, %scan3A_466, %eq3A_487 : vector<16xi32>
      %jit3A = arith.constant 2000 : i32
      %broadcast_in_dim3A_489 = vector.broadcast %jit3A : i32 to vector<16xi32>
      %select_n3A = arith.select %eq3A_488, %scan3A_465, %broadcast_in_dim3A_489 : vector<16xi1>, vector<16xi32>
      %gather3A = arith.constant 0 : i32
      %gather3A_490 = tpu.memref_slice %arg7[%gather3A] : memref<12288xi32, #tpu.memory_space<vmem>> -> memref<2048xi32, #tpu.memory_space<vmem>>
      %gather3A_491 = tpu.vector_load_idx %gather3A_490[%select_n3A] : memref<2048xi32, #tpu.memory_space<vmem>>[vector<16xi32>], vector<16xi32>,
      %bitcast3A = vector.bitcast %gather3A_491 : vector<16xi32> to vector<32xbf16>
      %unpack3A = tpu.unpack_subelements %bitcast3A, 0 {pack_format = #tpu.pack_format<interleaved>} : vector<32xbf16> -> vector<16xf32>
      %unpack3A_492 = tpu.unpack_subelements %bitcast3A, 1 {pack_format = #tpu.pack_format<interleaved>} : vector<32xbf16> -> vector<16xf32>
      %gather3A_493 = arith.constant 2048 : i32
      %gather3A_494 = tpu.memref_slice %arg7[%gather3A_493] : memref<12288xi32, #tpu.memory_space<vmem>> -> memref<2048xi32, #tpu.memory_space<vmem>>
      %gather3A_495 = tpu.vector_load_idx %gather3A_494[%select_n3A] : memref<2048xi32, #tpu.memory_space<vmem>>[vector<16xi32>], vector<16xi32>,
      %bitcast3A_496 = vector.bitcast %gather3A_495 : vector<16xi32> to vector<32xbf16>
      %unpack3A_497 = tpu.unpack_subelements %bitcast3A_496, 0 {pack_format = #tpu.pack_format<interleaved>} : vector<32xbf16> -> vector<16xf32>
      %unpack3A_498 = tpu.unpack_subelements %bitcast3A_496, 1 {pack_format = #tpu.pack_format<interleaved>} : vector<32xbf16> -> vector<16xf32>
      %gather3A_499 = arith.constant 4096 : i32
      %gather3A_500 = tpu.memref_slice %arg7[%gather3A_499] : memref<12288xi32, #tpu.memory_space<vmem>> -> memref<2048xi32, #tpu.memory_space<vmem>>
      %gather3A_501 = tpu.vector_load_idx %gather3A_500[%select_n3A] : memref<2048xi32, #tpu.memory_space<vmem>>[vector<16xi32>], vector<16xi32>,
      %bitcast3A_502 = vector.bitcast %gather3A_501 : vector<16xi32> to vector<32xbf16>
      %unpack3A_503 = tpu.unpack_subelements %bitcast3A_502, 0 {pack_format = #tpu.pack_format<interleaved>} : vector<32xbf16> -> vector<16xf32>
      %unpack3A_504 = tpu.unpack_subelements %bitcast3A_502, 1 {pack_format = #tpu.pack_format<interleaved>} : vector<32xbf16> -> vector<16xf32>
      %gather3A_505 = arith.constant 6144 : i32
      %gather3A_506 = tpu.memref_slice %arg7[%gather3A_505] : memref<12288xi32, #tpu.memory_space<vmem>> -> memref<2048xi32, #tpu.memory_space<vmem>>
      %gather3A_507 = tpu.vector_load_idx %gather3A_506[%select_n3A] : memref<2048xi32, #tpu.memory_space<vmem>>[vector<16xi32>], vector<16xi32>,
      %bitcast3A_508 = vector.bitcast %gather3A_507 : vector<16xi32> to vector<32xbf16>
      %unpack3A_509 = tpu.unpack_subelements %bitcast3A_508, 0 {pack_format = #tpu.pack_format<interleaved>} : vector<32xbf16> -> vector<16xf32>
      %unpack3A_510 = tpu.unpack_subelements %bitcast3A_508, 1 {pack_format = #tpu.pack_format<interleaved>} : vector<32xbf16> -> vector<16xf32>
      %gather3A_511 = arith.constant 8192 : i32
      %gather3A_512 = tpu.memref_slice %arg7[%gather3A_511] : memref<12288xi32, #tpu.memory_space<vmem>> -> memref<2048xi32, #tpu.memory_space<vmem>>
      %gather3A_513 = tpu.vector_load_idx %gather3A_512[%select_n3A] : memref<2048xi32, #tpu.memory_space<vmem>>[vector<16xi32>], vector<16xi32>,
      %bitcast3A_514 = vector.bitcast %gather3A_513 : vector<16xi32> to vector<32xbf16>
      %unpack3A_515 = tpu.unpack_subelements %bitcast3A_514, 0 {pack_format = #tpu.pack_format<interleaved>} : vector<32xbf16> -> vector<16xf32>
      %unpack3A_516 = tpu.unpack_subelements %bitcast3A_514, 1 {pack_format = #tpu.pack_format<interleaved>} : vector<32xbf16> -> vector<16xf32>
      %gather3A_517 = arith.constant 10240 : i32
      %gather3A_518 = tpu.memref_slice %arg7[%gather3A_517] : memref<12288xi32, #tpu.memory_space<vmem>> -> memref<2048xi32, #tpu.memory_space<vmem>>
      %gather3A_519 = tpu.vector_load_idx %gather3A_518[%select_n3A] : memref<2048xi32, #tpu.memory_space<vmem>>[vector<16xi32>], vector<16xi32>,
      %bitcast3A_520 = vector.bitcast %gather3A_519 : vector<16xi32> to vector<32xbf16>
      %unpack3A_521 = tpu.unpack_subelements %bitcast3A_520, 0 {pack_format = #tpu.pack_format<interleaved>} : vector<32xbf16> -> vector<16xf32>
      %unpack3A_522 = tpu.unpack_subelements %bitcast3A_520, 1 {pack_format = #tpu.pack_format<interleaved>} : vector<32xbf16> -> vector<16xf32>
      %get3A_523 = arith.index_cast %add3A_485 : i32 to index
      %get3A_524 = tpu.vector_load %arg19[%get3A_523] {strides = array<i32>} : memref<8192xf32, #tpu.memory_space<vmem>>, vector<16xf32>,
      %add3A_525 = arith.constant 128 : i32
      %add3A_526 = arith.addi %add3A_485, %add3A_525 : i32
      %get3A_527 = arith.index_cast %add3A_526 : i32 to index
      %get3A_528 = tpu.vector_load %arg19[%get3A_527] {strides = array<i32>} : memref<8192xf32, #tpu.memory_space<vmem>>, vector<16xf32>,
      %add3A_529 = arith.constant 256 : i32
      %add3A_530 = arith.addi %add3A_485, %add3A_529 : i32
      %get3A_531 = arith.index_cast %add3A_530 : i32 to index
      %get3A_532 = tpu.vector_load %arg19[%get3A_531] {strides = array<i32>} : memref<8192xf32, #tpu.memory_space<vmem>>, vector<16xf32>,
      %add3A_533 = arith.constant 384 : i32
      %add3A_534 = arith.addi %add3A_485, %add3A_533 : i32
      %get3A_535 = arith.index_cast %add3A_534 : i32 to index
      %get3A_536 = tpu.vector_load %arg19[%get3A_535] {strides = array<i32>} : memref<8192xf32, #tpu.memory_space<vmem>>, vector<16xf32>,
      %add3A_537 = arith.constant 512 : i32
      %add3A_538 = arith.addi %add3A_485, %add3A_537 : i32
      %get3A_539 = arith.index_cast %add3A_538 : i32 to index
      %get3A_540 = tpu.vector_load %arg19[%get3A_539] {strides = array<i32>} : memref<8192xf32, #tpu.memory_space<vmem>>, vector<16xf32>,
      %add3A_541 = arith.constant 640 : i32
      %add3A_542 = arith.addi %add3A_485, %add3A_541 : i32
      %get3A_543 = arith.index_cast %add3A_542 : i32 to index
      %get3A_544 = tpu.vector_load %arg19[%get3A_543] {strides = array<i32>} : memref<8192xf32, #tpu.memory_space<vmem>>, vector<16xf32>,
      %add3A_545 = arith.constant 768 : i32
      %add3A_546 = arith.addi %add3A_485, %add3A_545 : i32
      %get3A_547 = arith.index_cast %add3A_546 : i32 to index
      %get3A_548 = tpu.vector_load %arg19[%get3A_547] {strides = array<i32>} : memref<8192xf32, #tpu.memory_space<vmem>>, vector<16xf32>,
      %add3A_549 = arith.constant 896 : i32
      %add3A_550 = arith.addi %add3A_485, %add3A_549 : i32
      %get3A_551 = arith.index_cast %add3A_550 : i32 to index
      %get3A_552 = tpu.vector_load %arg19[%get3A_551] {strides = array<i32>} : memref<8192xf32, #tpu.memory_space<vmem>>, vector<16xf32>,
      %add3A_553 = arith.addf %get3A_524, %unpack3A : vector<16xf32>
      %swap3A = arith.index_cast %add3A_485 : i32 to index
      %swap3A_554 = tpu.vector_load %arg23[%swap3A] {strides = array<i32>} : memref<8192xf32, #tpu.memory_space<vmem>>, vector<16xf32>,
      tpu.vector_store %arg23[%swap3A], %add3A_553 {strides = array<i32>} : memref<8192xf32, #tpu.memory_space<vmem>>, vector<16xf32>,
      %add3A_555 = arith.addf %get3A_528, %unpack3A_492 : vector<16xf32>
      %add3A_556 = arith.constant 128 : i32
      %add3A_557 = arith.addi %add3A_485, %add3A_556 : i32
      %swap3A_558 = arith.index_cast %add3A_557 : i32 to index
      %swap3A_559 = tpu.vector_load %arg23[%swap3A_558] {strides = array<i32>} : memref<8192xf32, #tpu.memory_space<vmem>>, vector<16xf32>,
      tpu.vector_store %arg23[%swap3A_558], %add3A_555 {strides = array<i32>} : memref<8192xf32, #tpu.memory_space<vmem>>, vector<16xf32>,
      %add3A_560 = arith.addf %get3A_532, %unpack3A_497 : vector<16xf32>
      %add3A_561 = arith.constant 256 : i32
      %add3A_562 = arith.addi %add3A_485, %add3A_561 : i32
      %swap3A_563 = arith.index_cast %add3A_562 : i32 to index
      %swap3A_564 = tpu.vector_load %arg23[%swap3A_563] {strides = array<i32>} : memref<8192xf32, #tpu.memory_space<vmem>>, vector<16xf32>,
      tpu.vector_store %arg23[%swap3A_563], %add3A_560 {strides = array<i32>} : memref<8192xf32, #tpu.memory_space<vmem>>, vector<16xf32>,
      %mul3A_565 = arith.mulf %unpack3A_498, %get3A_536 : vector<16xf32>
      %mul3A_566 = arith.mulf %unpack3A_503, %get3A_540 : vector<16xf32>
      %add3A_567 = arith.addf %mul3A_565, %mul3A_566 : vector<16xf32>
      %mul3A_568 = arith.mulf %unpack3A_504, %get3A_544 : vector<16xf32>
      %add3A_569 = arith.addf %add3A_567, %mul3A_568 : vector<16xf32>
      %add3A_570 = arith.constant 384 : i32
      %add3A_571 = arith.addi %add3A_485, %add3A_570 : i32
      %swap3A_572 = arith.index_cast %add3A_571 : i32 to index
      %swap3A_573 = tpu.vector_load %arg23[%swap3A_572] {strides = array<i32>} : memref<8192xf32, #tpu.memory_space<vmem>>, vector<16xf32>,
      tpu.vector_store %arg23[%swap3A_572], %add3A_569 {strides = array<i32>} : memref<8192xf32, #tpu.memory_space<vmem>>, vector<16xf32>,
      %mul3A_574 = arith.mulf %unpack3A_509, %get3A_536 : vector<16xf32>
      %mul3A_575 = arith.mulf %unpack3A_510, %get3A_540 : vector<16xf32>
      %add3A_576 = arith.addf %mul3A_574, %mul3A_575 : vector<16xf32>
      %mul3A_577 = arith.mulf %unpack3A_515, %get3A_544 : vector<16xf32>
      %add3A_578 = arith.addf %add3A_576, %mul3A_577 : vector<16xf32>
      %add3A_579 = arith.constant 512 : i32
      %add3A_580 = arith.addi %add3A_485, %add3A_579 : i32
      %swap3A_581 = arith.index_cast %add3A_580 : i32 to index
      %swap3A_582 = tpu.vector_load %arg23[%swap3A_581] {strides = array<i32>} : memref<8192xf32, #tpu.memory_space<vmem>>, vector<16xf32>,
      tpu.vector_store %arg23[%swap3A_581], %add3A_578 {strides = array<i32>} : memref<8192xf32, #tpu.memory_space<vmem>>, vector<16xf32>,
      %mul3A_583 = arith.mulf %unpack3A_516, %get3A_536 : vector<16xf32>
      %mul3A_584 = arith.mulf %unpack3A_521, %get3A_540 : vector<16xf32>
      %add3A_585 = arith.addf %mul3A_583, %mul3A_584 : vector<16xf32>
      %mul3A_586 = arith.mulf %unpack3A_522, %get3A_544 : vector<16xf32>
      %add3A_587 = arith.addf %add3A_585, %mul3A_586 : vector<16xf32>
      %add3A_588 = arith.constant 640 : i32
      %add3A_589 = arith.addi %add3A_485, %add3A_588 : i32
      %swap3A_590 = arith.index_cast %add3A_589 : i32 to index
      %swap3A_591 = tpu.vector_load %arg23[%swap3A_590] {strides = array<i32>} : memref<8192xf32, #tpu.memory_space<vmem>>, vector<16xf32>,
      tpu.vector_store %arg23[%swap3A_590], %add3A_587 {strides = array<i32>} : memref<8192xf32, #tpu.memory_space<vmem>>, vector<16xf32>,
      %add3A_592 = arith.constant 768 : i32
      %add3A_593 = arith.addi %add3A_485, %add3A_592 : i32
      %swap3A_594 = arith.index_cast %add3A_593 : i32 to index
      %swap3A_595 = tpu.vector_load %arg23[%swap3A_594] {strides = array<i32>} : memref<8192xf32, #tpu.memory_space<vmem>>, vector<16xf32>,
      tpu.vector_store %arg23[%swap3A_594], %get3A_548 {strides = array<i32>} : memref<8192xf32, #tpu.memory_space<vmem>>, vector<16xf32>,
      %add3A_596 = arith.constant 896 : i32
      %add3A_597 = arith.addi %add3A_485, %add3A_596 : i32
      %swap3A_598 = arith.index_cast %add3A_597 : i32 to index
      %swap3A_599 = tpu.vector_load %arg23[%swap3A_598] {strides = array<i32>} : memref<8192xf32, #tpu.memory_space<vmem>>, vector<16xf32>,
      tpu.vector_store %arg23[%swap3A_598], %get3A_552 {strides = array<i32>} : memref<8192xf32, #tpu.memory_space<vmem>>, vector<16xf32>,
      %mul3A_600 = arith.constant 2 : i32
      %mul3A_601 = arith.muli %scan3A_464, %mul3A_600 : i32
      %add3A_602 = arith.constant 1 : i32
      %add3A_603 = arith.addi %mul3A_601, %add3A_602 : i32
      %mul3A_604 = arith.constant 16 : i32
      %mul3A_605 = arith.muli %add3A_603, %mul3A_604 : i32
      %add3A_606 = arith.constant 16 : i32
      %add3A_607 = arith.addi %mul3A_605, %add3A_606 : i32
      %get3A_608 = arith.index_cast %add3A_607 : i32 to index
      %get3A_609 = tpu.vector_load %arg11[%get3A_608] {strides = array<i32>} : memref<1040xi32, #tpu.memory_space<vmem>>, vector<16xi32>,
      %get3A_610 = arith.index_cast %add3A_607 : i32 to index
      %get3A_611 = tpu.vector_load %arg15[%get3A_610] {strides = array<i32>} : memref<1040xi32, #tpu.memory_space<vmem>>, vector<16xi32>,
      %shift_right_arithmetic3A_612 = arith.constant 3 : i32
      %shift_right_arithmetic3A_613 = arith.shrsi %add3A_603, %shift_right_arithmetic3A_612 : i32
      %mul3A_614 = arith.constant 1024 : i32
      %mul3A_615 = arith.muli %shift_right_arithmetic3A_613, %mul3A_614 : i32
      %and3A_616 = arith.constant 7 : i32
      %and3A_617 = arith.andi %add3A_603, %and3A_616 : i32
      %mul3A_618 = arith.constant 16 : i32
      %mul3A_619 = arith.muli %and3A_617, %mul3A_618 : i32
      %add3A_620 = arith.addi %mul3A_615, %mul3A_619 : i32
      %eq3A_621 = arith.constant 1 : i32
      %eq3A_622 = vector.broadcast %eq3A_621 : i32 to vector<16xi32>
      %eq3A_623 = arith.cmpi eq, %get3A_478, %eq3A_622 : vector<16xi32>
      %jit3A_624 = arith.constant 2000 : i32
      %broadcast_in_dim3A_625 = vector.broadcast %jit3A_624 : i32 to vector<16xi32>
      %select_n3A_626 = arith.select %eq3A_623, %get3A_476, %broadcast_in_dim3A_625 : vector<16xi1>, vector<16xi32>
      %gather3A_627 = arith.constant 0 : i32
      %gather3A_628 = tpu.memref_slice %arg7[%gather3A_627] : memref<12288xi32, #tpu.memory_space<vmem>> -> memref<2048xi32, #tpu.memory_space<vmem>>
      %gather3A_629 = tpu.vector_load_idx %gather3A_628[%select_n3A_626] : memref<2048xi32, #tpu.memory_space<vmem>>[vector<16xi32>], vector<16xi32>,
      %bitcast3A_630 = vector.bitcast %gather3A_629 : vector<16xi32> to vector<32xbf16>
      %unpack3A_631 = tpu.unpack_subelements %bitcast3A_630, 0 {pack_format = #tpu.pack_format<interleaved>} : vector<32xbf16> -> vector<16xf32>
      %unpack3A_632 = tpu.unpack_subelements %bitcast3A_630, 1 {pack_format = #tpu.pack_format<interleaved>} : vector<32xbf16> -> vector<16xf32>
      %gather3A_633 = arith.constant 2048 : i32
      %gather3A_634 = tpu.memref_slice %arg7[%gather3A_633] : memref<12288xi32, #tpu.memory_space<vmem>> -> memref<2048xi32, #tpu.memory_space<vmem>>
      %gather3A_635 = tpu.vector_load_idx %gather3A_634[%select_n3A_626] : memref<2048xi32, #tpu.memory_space<vmem>>[vector<16xi32>], vector<16xi32>,
      %bitcast3A_636 = vector.bitcast %gather3A_635 : vector<16xi32> to vector<32xbf16>
      %unpack3A_637 = tpu.unpack_subelements %bitcast3A_636, 0 {pack_format = #tpu.pack_format<interleaved>} : vector<32xbf16> -> vector<16xf32>
      %unpack3A_638 = tpu.unpack_subelements %bitcast3A_636, 1 {pack_format = #tpu.pack_format<interleaved>} : vector<32xbf16> -> vector<16xf32>
      %gather3A_639 = arith.constant 4096 : i32
      %gather3A_640 = tpu.memref_slice %arg7[%gather3A_639] : memref<12288xi32, #tpu.memory_space<vmem>> -> memref<2048xi32, #tpu.memory_space<vmem>>
      %gather3A_641 = tpu.vector_load_idx %gather3A_640[%select_n3A_626] : memref<2048xi32, #tpu.memory_space<vmem>>[vector<16xi32>], vector<16xi32>,
      %bitcast3A_642 = vector.bitcast %gather3A_641 : vector<16xi32> to vector<32xbf16>
      %unpack3A_643 = tpu.unpack_subelements %bitcast3A_642, 0 {pack_format = #tpu.pack_format<interleaved>} : vector<32xbf16> -> vector<16xf32>
      %unpack3A_644 = tpu.unpack_subelements %bitcast3A_642, 1 {pack_format = #tpu.pack_format<interleaved>} : vector<32xbf16> -> vector<16xf32>
      %gather3A_645 = arith.constant 6144 : i32
      %gather3A_646 = tpu.memref_slice %arg7[%gather3A_645] : memref<12288xi32, #tpu.memory_space<vmem>> -> memref<2048xi32, #tpu.memory_space<vmem>>
      %gather3A_647 = tpu.vector_load_idx %gather3A_646[%select_n3A_626] : memref<2048xi32, #tpu.memory_space<vmem>>[vector<16xi32>], vector<16xi32>,
      %bitcast3A_648 = vector.bitcast %gather3A_647 : vector<16xi32> to vector<32xbf16>
      %unpack3A_649 = tpu.unpack_subelements %bitcast3A_648, 0 {pack_format = #tpu.pack_format<interleaved>} : vector<32xbf16> -> vector<16xf32>
      %unpack3A_650 = tpu.unpack_subelements %bitcast3A_648, 1 {pack_format = #tpu.pack_format<interleaved>} : vector<32xbf16> -> vector<16xf32>
      %gather3A_651 = arith.constant 8192 : i32
      %gather3A_652 = tpu.memref_slice %arg7[%gather3A_651] : memref<12288xi32, #tpu.memory_space<vmem>> -> memref<2048xi32, #tpu.memory_space<vmem>>
      %gather3A_653 = tpu.vector_load_idx %gather3A_652[%select_n3A_626] : memref<2048xi32, #tpu.memory_space<vmem>>[vector<16xi32>], vector<16xi32>,
      %bitcast3A_654 = vector.bitcast %gather3A_653 : vector<16xi32> to vector<32xbf16>
      %unpack3A_655 = tpu.unpack_subelements %bitcast3A_654, 0 {pack_format = #tpu.pack_format<interleaved>} : vector<32xbf16> -> vector<16xf32>
      %unpack3A_656 = tpu.unpack_subelements %bitcast3A_654, 1 {pack_format = #tpu.pack_format<interleaved>} : vector<32xbf16> -> vector<16xf32>
      %gather3A_657 = arith.constant 10240 : i32
      %gather3A_658 = tpu.memref_slice %arg7[%gather3A_657] : memref<12288xi32, #tpu.memory_space<vmem>> -> memref<2048xi32, #tpu.memory_space<vmem>>
      %gather3A_659 = tpu.vector_load_idx %gather3A_658[%select_n3A_626] : memref<2048xi32, #tpu.memory_space<vmem>>[vector<16xi32>], vector<16xi32>,
      %bitcast3A_660 = vector.bitcast %gather3A_659 : vector<16xi32> to vector<32xbf16>
      %unpack3A_661 = tpu.unpack_subelements %bitcast3A_660, 0 {pack_format = #tpu.pack_format<interleaved>} : vector<32xbf16> -> vector<16xf32>
      %unpack3A_662 = tpu.unpack_subelements %bitcast3A_660, 1 {pack_format = #tpu.pack_format<interleaved>} : vector<32xbf16> -> vector<16xf32>
      %get3A_663 = arith.index_cast %add3A_620 : i32 to index
      %get3A_664 = tpu.vector_load %arg19[%get3A_663] {strides = array<i32>} : memref<8192xf32, #tpu.memory_space<vmem>>, vector<16xf32>,
      %add3A_665 = arith.constant 128 : i32
      %add3A_666 = arith.addi %add3A_620, %add3A_665 : i32
      %get3A_667 = arith.index_cast %add3A_666 : i32 to index
      %get3A_668 = tpu.vector_load %arg19[%get3A_667] {strides = array<i32>} : memref<8192xf32, #tpu.memory_space<vmem>>, vector<16xf32>,
      %add3A_669 = arith.constant 256 : i32
      %add3A_670 = arith.addi %add3A_620, %add3A_669 : i32
      %get3A_671 = arith.index_cast %add3A_670 : i32 to index
      %get3A_672 = tpu.vector_load %arg19[%get3A_671] {strides = array<i32>} : memref<8192xf32, #tpu.memory_space<vmem>>, vector<16xf32>,
      %add3A_673 = arith.constant 384 : i32
      %add3A_674 = arith.addi %add3A_620, %add3A_673 : i32
      %get3A_675 = arith.index_cast %add3A_674 : i32 to index
      %get3A_676 = tpu.vector_load %arg19[%get3A_675] {strides = array<i32>} : memref<8192xf32, #tpu.memory_space<vmem>>, vector<16xf32>,
      %add3A_677 = arith.constant 512 : i32
      %add3A_678 = arith.addi %add3A_620, %add3A_677 : i32
      %get3A_679 = arith.index_cast %add3A_678 : i32 to index
      %get3A_680 = tpu.vector_load %arg19[%get3A_679] {strides = array<i32>} : memref<8192xf32, #tpu.memory_space<vmem>>, vector<16xf32>,
      %add3A_681 = arith.constant 640 : i32
      %add3A_682 = arith.addi %add3A_620, %add3A_681 : i32
      %get3A_683 = arith.index_cast %add3A_682 : i32 to index
      %get3A_684 = tpu.vector_load %arg19[%get3A_683] {strides = array<i32>} : memref<8192xf32, #tpu.memory_space<vmem>>, vector<16xf32>,
      %add3A_685 = arith.constant 768 : i32
      %add3A_686 = arith.addi %add3A_620, %add3A_685 : i32
      %get3A_687 = arith.index_cast %add3A_686 : i32 to index
      %get3A_688 = tpu.vector_load %arg19[%get3A_687] {strides = array<i32>} : memref<8192xf32, #tpu.memory_space<vmem>>, vector<16xf32>,
      %add3A_689 = arith.constant 896 : i32
      %add3A_690 = arith.addi %add3A_620, %add3A_689 : i32
      %get3A_691 = arith.index_cast %add3A_690 : i32 to index
      %get3A_692 = tpu.vector_load %arg19[%get3A_691] {strides = array<i32>} : memref<8192xf32, #tpu.memory_space<vmem>>, vector<16xf32>,
      %add3A_693 = arith.addf %get3A_664, %unpack3A_631 : vector<16xf32>
      %swap3A_694 = arith.index_cast %add3A_620 : i32 to index
      %swap3A_695 = tpu.vector_load %arg23[%swap3A_694] {strides = array<i32>} : memref<8192xf32, #tpu.memory_space<vmem>>, vector<16xf32>,
      tpu.vector_store %arg23[%swap3A_694], %add3A_693 {strides = array<i32>} : memref<8192xf32, #tpu.memory_space<vmem>>, vector<16xf32>,
      %add3A_696 = arith.addf %get3A_668, %unpack3A_632 : vector<16xf32>
      %add3A_697 = arith.constant 128 : i32
      %add3A_698 = arith.addi %add3A_620, %add3A_697 : i32
      %swap3A_699 = arith.index_cast %add3A_698 : i32 to index
      %swap3A_700 = tpu.vector_load %arg23[%swap3A_699] {strides = array<i32>} : memref<8192xf32, #tpu.memory_space<vmem>>, vector<16xf32>,
      tpu.vector_store %arg23[%swap3A_699], %add3A_696 {strides = array<i32>} : memref<8192xf32, #tpu.memory_space<vmem>>, vector<16xf32>,
      %add3A_701 = arith.addf %get3A_672, %unpack3A_637 : vector<16xf32>
      %add3A_702 = arith.constant 256 : i32
      %add3A_703 = arith.addi %add3A_620, %add3A_702 : i32
      %swap3A_704 = arith.index_cast %add3A_703 : i32 to index
      %swap3A_705 = tpu.vector_load %arg23[%swap3A_704] {strides = array<i32>} : memref<8192xf32, #tpu.memory_space<vmem>>, vector<16xf32>,
      tpu.vector_store %arg23[%swap3A_704], %add3A_701 {strides = array<i32>} : memref<8192xf32, #tpu.memory_space<vmem>>, vector<16xf32>,
      %mul3A_706 = arith.mulf %unpack3A_638, %get3A_676 : vector<16xf32>
      %mul3A_707 = arith.mulf %unpack3A_643, %get3A_680 : vector<16xf32>
      %add3A_708 = arith.addf %mul3A_706, %mul3A_707 : vector<16xf32>
      %mul3A_709 = arith.mulf %unpack3A_644, %get3A_684 : vector<16xf32>
      %add3A_710 = arith.addf %add3A_708, %mul3A_709 : vector<16xf32>
      %add3A_711 = arith.constant 384 : i32
      %add3A_712 = arith.addi %add3A_620, %add3A_711 : i32
      %swap3A_713 = arith.index_cast %add3A_712 : i32 to index
      %swap3A_714 = tpu.vector_load %arg23[%swap3A_713] {strides = array<i32>} : memref<8192xf32, #tpu.memory_space<vmem>>, vector<16xf32>,
      tpu.vector_store %arg23[%swap3A_713], %add3A_710 {strides = array<i32>} : memref<8192xf32, #tpu.memory_space<vmem>>, vector<16xf32>,
      %mul3A_715 = arith.mulf %unpack3A_649, %get3A_676 : vector<16xf32>
      %mul3A_716 = arith.mulf %unpack3A_650, %get3A_680 : vector<16xf32>
      %add3A_717 = arith.addf %mul3A_715, %mul3A_716 : vector<16xf32>
      %mul3A_718 = arith.mulf %unpack3A_655, %get3A_684 : vector<16xf32>
      %add3A_719 = arith.addf %add3A_717, %mul3A_718 : vector<16xf32>
      %add3A_720 = arith.constant 512 : i32
      %add3A_721 = arith.addi %add3A_620, %add3A_720 : i32
      %swap3A_722 = arith.index_cast %add3A_721 : i32 to index
      %swap3A_723 = tpu.vector_load %arg23[%swap3A_722] {strides = array<i32>} : memref<8192xf32, #tpu.memory_space<vmem>>, vector<16xf32>,
      tpu.vector_store %arg23[%swap3A_722], %add3A_719 {strides = array<i32>} : memref<8192xf32, #tpu.memory_space<vmem>>, vector<16xf32>,
      %mul3A_724 = arith.mulf %unpack3A_656, %get3A_676 : vector<16xf32>
      %mul3A_725 = arith.mulf %unpack3A_661, %get3A_680 : vector<16xf32>
      %add3A_726 = arith.addf %mul3A_724, %mul3A_725 : vector<16xf32>
      %mul3A_727 = arith.mulf %unpack3A_662, %get3A_684 : vector<16xf32>
      %add3A_728 = arith.addf %add3A_726, %mul3A_727 : vector<16xf32>
      %add3A_729 = arith.constant 640 : i32
      %add3A_730 = arith.addi %add3A_620, %add3A_729 : i32
      %swap3A_731 = arith.index_cast %add3A_730 : i32 to index
      %swap3A_732 = tpu.vector_load %arg23[%swap3A_731] {strides = array<i32>} : memref<8192xf32, #tpu.memory_space<vmem>>, vector<16xf32>,
      tpu.vector_store %arg23[%swap3A_731], %add3A_728 {strides = array<i32>} : memref<8192xf32, #tpu.memory_space<vmem>>, vector<16xf32>,
      %add3A_733 = arith.constant 768 : i32
      %add3A_734 = arith.addi %add3A_620, %add3A_733 : i32
      %swap3A_735 = arith.index_cast %add3A_734 : i32 to index
      %swap3A_736 = tpu.vector_load %arg23[%swap3A_735] {strides = array<i32>} : memref<8192xf32, #tpu.memory_space<vmem>>, vector<16xf32>,
      tpu.vector_store %arg23[%swap3A_735], %get3A_688 {strides = array<i32>} : memref<8192xf32, #tpu.memory_space<vmem>>, vector<16xf32>,
      %add3A_737 = arith.constant 896 : i32
      %add3A_738 = arith.addi %add3A_620, %add3A_737 : i32
      %swap3A_739 = arith.index_cast %add3A_738 : i32 to index
      %swap3A_740 = tpu.vector_load %arg23[%swap3A_739] {strides = array<i32>} : memref<8192xf32, #tpu.memory_space<vmem>>, vector<16xf32>,
      tpu.vector_store %arg23[%swap3A_739], %get3A_692 {strides = array<i32>} : memref<8192xf32, #tpu.memory_space<vmem>>, vector<16xf32>,
      scf.yield %get3A_609, %get3A_611 : vector<16xi32>, vector<16xi32>
    }
    %scan3A_287 = arith.constant 32 : i32
    %mul3A_288 = arith.constant 64 : i32
    %mul3A_289 = arith.muli %add3A, %mul3A_288 : i32
    %mul3A_290 = arith.constant 1024 : i32
    %mul3A_291 = arith.muli %mul3A_289, %mul3A_290 : i32
    %add3A_292 = arith.constant 24576 : i32
    %add3A_293 = arith.addi %mul3A_291, %add3A_292 : i32
    %dma_start3A_294 = tpu.memref_slice %arg6[%add3A_293] : memref<2097152xf32, #tpu.memory_space<hbm>> -> memref<8192xf32, #tpu.memory_space<hbm>>
    %dma_start3A_295 = tpu.memref_slice %arg6[%add3A_293] : memref<2097152xf32, #tpu.memory_space<hbm>> -> memref<8192xf32, #tpu.memory_space<hbm>>
    tpu.enqueue_dma source(%arg23 : memref<8192xf32, #tpu.memory_space<vmem>>) target(%dma_start3A_295 : memref<8192xf32, #tpu.memory_space<hbm>>) target_semaphore(%arg31 : memref<!tpu.dma_semaphore, #tpu.memory_space<semaphore_mem>>)
    %mul3A_296 = arith.constant 8192 : i32
    %mul3A_297 = arith.muli %add3A, %mul3A_296 : i32
    %add3A_298 = arith.constant 7168 : i32
    %add3A_299 = arith.addi %mul3A_297, %add3A_298 : i32
    %mul3A_300 = arith.constant 64 : i32
    %mul3A_301 = arith.muli %add3A, %mul3A_300 : i32
    %mul3A_302 = arith.constant 1024 : i32
    %mul3A_303 = arith.muli %mul3A_301, %mul3A_302 : i32
    %add3A_304 = arith.constant 57344 : i32
    %add3A_305 = arith.addi %mul3A_303, %add3A_304 : i32
    %dma_start3A_306 = arith.constant 0 : i32
    %dma_start3A_307 = tpu.memref_slice %arg11[%dma_start3A_306] : memref<1040xi32, #tpu.memory_space<vmem>> -> memref<1024xi32, #tpu.memory_space<vmem>>
    %dma_start3A_308 = tpu.memref_slice %arg4[%add3A_299] : memref<262144xi32, #tpu.memory_space<hbm>> -> memref<1024xi32, #tpu.memory_space<hbm>>
    %dma_start3A_309 = arith.constant 0 : i32
    %dma_start3A_310 = tpu.memref_slice %arg11[%dma_start3A_309] : memref<1040xi32, #tpu.memory_space<vmem>> -> memref<1024xi32, #tpu.memory_space<vmem>>
    %dma_start3A_311 = tpu.memref_slice %arg4[%add3A_299] : memref<262144xi32, #tpu.memory_space<hbm>> -> memref<1024xi32, #tpu.memory_space<hbm>>
    tpu.enqueue_dma source(%dma_start3A_311 : memref<1024xi32, #tpu.memory_space<hbm>>) target(%dma_start3A_310 : memref<1024xi32, #tpu.memory_space<vmem>>) target_semaphore(%arg27 : memref<!tpu.dma_semaphore, #tpu.memory_space<semaphore_mem>>)
    %dma_start3A_312 = arith.constant 0 : i32
    %dma_start3A_313 = tpu.memref_slice %arg15[%dma_start3A_312] : memref<1040xi32, #tpu.memory_space<vmem>> -> memref<1024xi32, #tpu.memory_space<vmem>>
    %dma_start3A_314 = tpu.memref_slice %arg5[%add3A_299] : memref<262144xi32, #tpu.memory_space<hbm>> -> memref<1024xi32, #tpu.memory_space<hbm>>
    %dma_start3A_315 = arith.constant 0 : i32
    %dma_start3A_316 = tpu.memref_slice %arg15[%dma_start3A_315] : memref<1040xi32, #tpu.memory_space<vmem>> -> memref<1024xi32, #tpu.memory_space<vmem>>
    %dma_start3A_317 = tpu.memref_slice %arg5[%add3A_299] : memref<262144xi32, #tpu.memory_space<hbm>> -> memref<1024xi32, #tpu.memory_space<hbm>>
    tpu.enqueue_dma source(%dma_start3A_317 : memref<1024xi32, #tpu.memory_space<hbm>>) target(%dma_start3A_316 : memref<1024xi32, #tpu.memory_space<vmem>>) target_semaphore(%arg27 : memref<!tpu.dma_semaphore, #tpu.memory_space<semaphore_mem>>)
    %dma_start3A_318 = tpu.memref_slice %arg3[%add3A_305] : memref<2097152xf32, #tpu.memory_space<hbm>> -> memref<8192xf32, #tpu.memory_space<hbm>>
    %dma_start3A_319 = tpu.memref_slice %arg3[%add3A_305] : memref<2097152xf32, #tpu.memory_space<hbm>> -> memref<8192xf32, #tpu.memory_space<hbm>>
    tpu.enqueue_dma source(%dma_start3A_319 : memref<8192xf32, #tpu.memory_space<hbm>>) target(%arg19 : memref<8192xf32, #tpu.memory_space<vmem>>) target_semaphore(%arg27 : memref<!tpu.dma_semaphore, #tpu.memory_space<semaphore_mem>>)
    %dma_wait3A_320 = arith.constant 0 : i32
    %dma_wait3A_321 = tpu.memref_slice %arg8[%dma_wait3A_320] : memref<1040xi32, #tpu.memory_space<vmem>> -> memref<1024xi32, #tpu.memory_space<vmem>>
    %dma_wait3A_322 = tpu.memref_slice %arg4[%add3A_131] : memref<262144xi32, #tpu.memory_space<hbm>> -> memref<1024xi32, #tpu.memory_space<hbm>>
    %dma_wait3A_323 = arith.constant 0 : i32
    %dma_wait3A_324 = tpu.memref_slice %arg8[%dma_wait3A_323] : memref<1040xi32, #tpu.memory_space<vmem>> -> memref<1024xi32, #tpu.memory_space<vmem>>
    %dma_wait3A_325 = tpu.memref_slice %arg4[%add3A_131] : memref<262144xi32, #tpu.memory_space<hbm>> -> memref<1024xi32, #tpu.memory_space<hbm>>
    tpu.wait_dma2 semaphore(%arg24 : memref<!tpu.dma_semaphore, #tpu.memory_space<semaphore_mem>>) src(%dma_wait3A_325 : memref<1024xi32, #tpu.memory_space<hbm>>) dst(%dma_wait3A_324 : memref<1024xi32, #tpu.memory_space<vmem>>)
    %dma_wait3A_326 = arith.constant 0 : i32
    %dma_wait3A_327 = tpu.memref_slice %arg12[%dma_wait3A_326] : memref<1040xi32, #tpu.memory_space<vmem>> -> memref<1024xi32, #tpu.memory_space<vmem>>
    %dma_wait3A_328 = tpu.memref_slice %arg5[%add3A_131] : memref<262144xi32, #tpu.memory_space<hbm>> -> memref<1024xi32, #tpu.memory_space<hbm>>
    %dma_wait3A_329 = arith.constant 0 : i32
    %dma_wait3A_330 = tpu.memref_slice %arg12[%dma_wait3A_329] : memref<1040xi32, #tpu.memory_space<vmem>> -> memref<1024xi32, #tpu.memory_space<vmem>>
    %dma_wait3A_331 = tpu.memref_slice %arg5[%add3A_131] : memref<262144xi32, #tpu.memory_space<hbm>> -> memref<1024xi32, #tpu.memory_space<hbm>>
    tpu.wait_dma2 semaphore(%arg24 : memref<!tpu.dma_semaphore, #tpu.memory_space<semaphore_mem>>) src(%dma_wait3A_331 : memref<1024xi32, #tpu.memory_space<hbm>>) dst(%dma_wait3A_330 : memref<1024xi32, #tpu.memory_space<vmem>>)
    %dma_wait3A_332 = tpu.memref_slice %arg3[%add3A_137] : memref<2097152xf32, #tpu.memory_space<hbm>> -> memref<8192xf32, #tpu.memory_space<hbm>>
    %dma_wait3A_333 = tpu.memref_slice %arg3[%add3A_137] : memref<2097152xf32, #tpu.memory_space<hbm>> -> memref<8192xf32, #tpu.memory_space<hbm>>
    tpu.wait_dma2 semaphore(%arg24 : memref<!tpu.dma_semaphore, #tpu.memory_space<semaphore_mem>>) src(%dma_wait3A_333 : memref<8192xf32, #tpu.memory_space<hbm>>) dst(%arg16 : memref<8192xf32, #tpu.memory_space<vmem>>)
    %dma_wait3A_334 = tpu.memref_slice %arg6[%add3A_125] : memref<2097152xf32, #tpu.memory_space<hbm>> -> memref<8192xf32, #tpu.memory_space<hbm>>
    %dma_wait3A_335 = tpu.memref_slice %arg6[%add3A_125] : memref<2097152xf32, #tpu.memory_space<hbm>> -> memref<8192xf32, #tpu.memory_space<hbm>>
    tpu.wait_dma2 semaphore(%arg28 : memref<!tpu.dma_semaphore, #tpu.memory_space<semaphore_mem>>) src(%arg20 : memref<8192xf32, #tpu.memory_space<vmem>>) dst(%dma_wait3A_335 : memref<8192xf32, #tpu.memory_space<hbm>>)
    %get3A_336 = arith.constant 0 : index
    %get3A_337 = tpu.vector_load %arg8[%get3A_336] {strides = array<i32>} : memref<1040xi32, #tpu.memory_space<vmem>>, vector<16xi32>,
    %get3A_338 = arith.constant 0 : index
    %get3A_339 = tpu.vector_load %arg12[%get3A_338] {strides = array<i32>} : memref<1040xi32, #tpu.memory_space<vmem>>, vector<16xi32>,
    %scan3A_340 = arith.constant 0 : i32
    %scan3A_341 = arith.constant 32 : i32
    %scan3A_342 = arith.addi %scan3A_340, %scan3A_341 : i32
    %scan3A_343 = arith.constant 1 : i32
    %scan3A_344:2 = scf.for %scan3A_464 = %scan3A_340 to %scan3A_342 step %scan3A_343 iter_args(%scan3A_465 = %get3A_337, %scan3A_466 = %get3A_339) -> (vector<16xi32>, vector<16xi32>)  : i32 {
      %mul3A_467 = arith.constant 2 : i32
      %mul3A_468 = arith.muli %scan3A_464, %mul3A_467 : i32
      %add3A_469 = arith.constant 0 : i32
      %add3A_470 = arith.addi %mul3A_468, %add3A_469 : i32
      %mul3A_471 = arith.constant 16 : i32
      %mul3A_472 = arith.muli %add3A_470, %mul3A_471 : i32
      %add3A_473 = arith.constant 16 : i32
      %add3A_474 = arith.addi %mul3A_472, %add3A_473 : i32
      %get3A_475 = arith.index_cast %add3A_474 : i32 to index
      %get3A_476 = tpu.vector_load %arg8[%get3A_475] {strides = array<i32>} : memref<1040xi32, #tpu.memory_space<vmem>>, vector<16xi32>,
      %get3A_477 = arith.index_cast %add3A_474 : i32 to index
      %get3A_478 = tpu.vector_load %arg12[%get3A_477] {strides = array<i32>} : memref<1040xi32, #tpu.memory_space<vmem>>, vector<16xi32>,
      %shift_right_arithmetic3A = arith.constant 3 : i32
      %shift_right_arithmetic3A_479 = arith.shrsi %add3A_470, %shift_right_arithmetic3A : i32
      %mul3A_480 = arith.constant 1024 : i32
      %mul3A_481 = arith.muli %shift_right_arithmetic3A_479, %mul3A_480 : i32
      %and3A = arith.constant 7 : i32
      %and3A_482 = arith.andi %add3A_470, %and3A : i32
      %mul3A_483 = arith.constant 16 : i32
      %mul3A_484 = arith.muli %and3A_482, %mul3A_483 : i32
      %add3A_485 = arith.addi %mul3A_481, %mul3A_484 : i32
      %eq3A_486 = arith.constant 1 : i32
      %eq3A_487 = vector.broadcast %eq3A_486 : i32 to vector<16xi32>
      %eq3A_488 = arith.cmpi eq, %scan3A_466, %eq3A_487 : vector<16xi32>
      %jit3A = arith.constant 2000 : i32
      %broadcast_in_dim3A_489 = vector.broadcast %jit3A : i32 to vector<16xi32>
      %select_n3A = arith.select %eq3A_488, %scan3A_465, %broadcast_in_dim3A_489 : vector<16xi1>, vector<16xi32>
      %gather3A = arith.constant 0 : i32
      %gather3A_490 = tpu.memref_slice %arg7[%gather3A] : memref<12288xi32, #tpu.memory_space<vmem>> -> memref<2048xi32, #tpu.memory_space<vmem>>
      %gather3A_491 = tpu.vector_load_idx %gather3A_490[%select_n3A] : memref<2048xi32, #tpu.memory_space<vmem>>[vector<16xi32>], vector<16xi32>,
      %bitcast3A = vector.bitcast %gather3A_491 : vector<16xi32> to vector<32xbf16>
      %unpack3A = tpu.unpack_subelements %bitcast3A, 0 {pack_format = #tpu.pack_format<interleaved>} : vector<32xbf16> -> vector<16xf32>
      %unpack3A_492 = tpu.unpack_subelements %bitcast3A, 1 {pack_format = #tpu.pack_format<interleaved>} : vector<32xbf16> -> vector<16xf32>
      %gather3A_493 = arith.constant 2048 : i32
      %gather3A_494 = tpu.memref_slice %arg7[%gather3A_493] : memref<12288xi32, #tpu.memory_space<vmem>> -> memref<2048xi32, #tpu.memory_space<vmem>>
      %gather3A_495 = tpu.vector_load_idx %gather3A_494[%select_n3A] : memref<2048xi32, #tpu.memory_space<vmem>>[vector<16xi32>], vector<16xi32>,
      %bitcast3A_496 = vector.bitcast %gather3A_495 : vector<16xi32> to vector<32xbf16>
      %unpack3A_497 = tpu.unpack_subelements %bitcast3A_496, 0 {pack_format = #tpu.pack_format<interleaved>} : vector<32xbf16> -> vector<16xf32>
      %unpack3A_498 = tpu.unpack_subelements %bitcast3A_496, 1 {pack_format = #tpu.pack_format<interleaved>} : vector<32xbf16> -> vector<16xf32>
      %gather3A_499 = arith.constant 4096 : i32
      %gather3A_500 = tpu.memref_slice %arg7[%gather3A_499] : memref<12288xi32, #tpu.memory_space<vmem>> -> memref<2048xi32, #tpu.memory_space<vmem>>
      %gather3A_501 = tpu.vector_load_idx %gather3A_500[%select_n3A] : memref<2048xi32, #tpu.memory_space<vmem>>[vector<16xi32>], vector<16xi32>,
      %bitcast3A_502 = vector.bitcast %gather3A_501 : vector<16xi32> to vector<32xbf16>
      %unpack3A_503 = tpu.unpack_subelements %bitcast3A_502, 0 {pack_format = #tpu.pack_format<interleaved>} : vector<32xbf16> -> vector<16xf32>
      %unpack3A_504 = tpu.unpack_subelements %bitcast3A_502, 1 {pack_format = #tpu.pack_format<interleaved>} : vector<32xbf16> -> vector<16xf32>
      %gather3A_505 = arith.constant 6144 : i32
      %gather3A_506 = tpu.memref_slice %arg7[%gather3A_505] : memref<12288xi32, #tpu.memory_space<vmem>> -> memref<2048xi32, #tpu.memory_space<vmem>>
      %gather3A_507 = tpu.vector_load_idx %gather3A_506[%select_n3A] : memref<2048xi32, #tpu.memory_space<vmem>>[vector<16xi32>], vector<16xi32>,
      %bitcast3A_508 = vector.bitcast %gather3A_507 : vector<16xi32> to vector<32xbf16>
      %unpack3A_509 = tpu.unpack_subelements %bitcast3A_508, 0 {pack_format = #tpu.pack_format<interleaved>} : vector<32xbf16> -> vector<16xf32>
      %unpack3A_510 = tpu.unpack_subelements %bitcast3A_508, 1 {pack_format = #tpu.pack_format<interleaved>} : vector<32xbf16> -> vector<16xf32>
      %gather3A_511 = arith.constant 8192 : i32
      %gather3A_512 = tpu.memref_slice %arg7[%gather3A_511] : memref<12288xi32, #tpu.memory_space<vmem>> -> memref<2048xi32, #tpu.memory_space<vmem>>
      %gather3A_513 = tpu.vector_load_idx %gather3A_512[%select_n3A] : memref<2048xi32, #tpu.memory_space<vmem>>[vector<16xi32>], vector<16xi32>,
      %bitcast3A_514 = vector.bitcast %gather3A_513 : vector<16xi32> to vector<32xbf16>
      %unpack3A_515 = tpu.unpack_subelements %bitcast3A_514, 0 {pack_format = #tpu.pack_format<interleaved>} : vector<32xbf16> -> vector<16xf32>
      %unpack3A_516 = tpu.unpack_subelements %bitcast3A_514, 1 {pack_format = #tpu.pack_format<interleaved>} : vector<32xbf16> -> vector<16xf32>
      %gather3A_517 = arith.constant 10240 : i32
      %gather3A_518 = tpu.memref_slice %arg7[%gather3A_517] : memref<12288xi32, #tpu.memory_space<vmem>> -> memref<2048xi32, #tpu.memory_space<vmem>>
      %gather3A_519 = tpu.vector_load_idx %gather3A_518[%select_n3A] : memref<2048xi32, #tpu.memory_space<vmem>>[vector<16xi32>], vector<16xi32>,
      %bitcast3A_520 = vector.bitcast %gather3A_519 : vector<16xi32> to vector<32xbf16>
      %unpack3A_521 = tpu.unpack_subelements %bitcast3A_520, 0 {pack_format = #tpu.pack_format<interleaved>} : vector<32xbf16> -> vector<16xf32>
      %unpack3A_522 = tpu.unpack_subelements %bitcast3A_520, 1 {pack_format = #tpu.pack_format<interleaved>} : vector<32xbf16> -> vector<16xf32>
      %get3A_523 = arith.index_cast %add3A_485 : i32 to index
      %get3A_524 = tpu.vector_load %arg16[%get3A_523] {strides = array<i32>} : memref<8192xf32, #tpu.memory_space<vmem>>, vector<16xf32>,
      %add3A_525 = arith.constant 128 : i32
      %add3A_526 = arith.addi %add3A_485, %add3A_525 : i32
      %get3A_527 = arith.index_cast %add3A_526 : i32 to index
      %get3A_528 = tpu.vector_load %arg16[%get3A_527] {strides = array<i32>} : memref<8192xf32, #tpu.memory_space<vmem>>, vector<16xf32>,
      %add3A_529 = arith.constant 256 : i32
      %add3A_530 = arith.addi %add3A_485, %add3A_529 : i32
      %get3A_531 = arith.index_cast %add3A_530 : i32 to index
      %get3A_532 = tpu.vector_load %arg16[%get3A_531] {strides = array<i32>} : memref<8192xf32, #tpu.memory_space<vmem>>, vector<16xf32>,
      %add3A_533 = arith.constant 384 : i32
      %add3A_534 = arith.addi %add3A_485, %add3A_533 : i32
      %get3A_535 = arith.index_cast %add3A_534 : i32 to index
      %get3A_536 = tpu.vector_load %arg16[%get3A_535] {strides = array<i32>} : memref<8192xf32, #tpu.memory_space<vmem>>, vector<16xf32>,
      %add3A_537 = arith.constant 512 : i32
      %add3A_538 = arith.addi %add3A_485, %add3A_537 : i32
      %get3A_539 = arith.index_cast %add3A_538 : i32 to index
      %get3A_540 = tpu.vector_load %arg16[%get3A_539] {strides = array<i32>} : memref<8192xf32, #tpu.memory_space<vmem>>, vector<16xf32>,
      %add3A_541 = arith.constant 640 : i32
      %add3A_542 = arith.addi %add3A_485, %add3A_541 : i32
      %get3A_543 = arith.index_cast %add3A_542 : i32 to index
      %get3A_544 = tpu.vector_load %arg16[%get3A_543] {strides = array<i32>} : memref<8192xf32, #tpu.memory_space<vmem>>, vector<16xf32>,
      %add3A_545 = arith.constant 768 : i32
      %add3A_546 = arith.addi %add3A_485, %add3A_545 : i32
      %get3A_547 = arith.index_cast %add3A_546 : i32 to index
      %get3A_548 = tpu.vector_load %arg16[%get3A_547] {strides = array<i32>} : memref<8192xf32, #tpu.memory_space<vmem>>, vector<16xf32>,
      %add3A_549 = arith.constant 896 : i32
      %add3A_550 = arith.addi %add3A_485, %add3A_549 : i32
      %get3A_551 = arith.index_cast %add3A_550 : i32 to index
      %get3A_552 = tpu.vector_load %arg16[%get3A_551] {strides = array<i32>} : memref<8192xf32, #tpu.memory_space<vmem>>, vector<16xf32>,
      %add3A_553 = arith.addf %get3A_524, %unpack3A : vector<16xf32>
      %swap3A = arith.index_cast %add3A_485 : i32 to index
      %swap3A_554 = tpu.vector_load %arg20[%swap3A] {strides = array<i32>} : memref<8192xf32, #tpu.memory_space<vmem>>, vector<16xf32>,
      tpu.vector_store %arg20[%swap3A], %add3A_553 {strides = array<i32>} : memref<8192xf32, #tpu.memory_space<vmem>>, vector<16xf32>,
      %add3A_555 = arith.addf %get3A_528, %unpack3A_492 : vector<16xf32>
      %add3A_556 = arith.constant 128 : i32
      %add3A_557 = arith.addi %add3A_485, %add3A_556 : i32
      %swap3A_558 = arith.index_cast %add3A_557 : i32 to index
      %swap3A_559 = tpu.vector_load %arg20[%swap3A_558] {strides = array<i32>} : memref<8192xf32, #tpu.memory_space<vmem>>, vector<16xf32>,
      tpu.vector_store %arg20[%swap3A_558], %add3A_555 {strides = array<i32>} : memref<8192xf32, #tpu.memory_space<vmem>>, vector<16xf32>,
      %add3A_560 = arith.addf %get3A_532, %unpack3A_497 : vector<16xf32>
      %add3A_561 = arith.constant 256 : i32
      %add3A_562 = arith.addi %add3A_485, %add3A_561 : i32
      %swap3A_563 = arith.index_cast %add3A_562 : i32 to index
      %swap3A_564 = tpu.vector_load %arg20[%swap3A_563] {strides = array<i32>} : memref<8192xf32, #tpu.memory_space<vmem>>, vector<16xf32>,
      tpu.vector_store %arg20[%swap3A_563], %add3A_560 {strides = array<i32>} : memref<8192xf32, #tpu.memory_space<vmem>>, vector<16xf32>,
      %mul3A_565 = arith.mulf %unpack3A_498, %get3A_536 : vector<16xf32>
      %mul3A_566 = arith.mulf %unpack3A_503, %get3A_540 : vector<16xf32>
      %add3A_567 = arith.addf %mul3A_565, %mul3A_566 : vector<16xf32>
      %mul3A_568 = arith.mulf %unpack3A_504, %get3A_544 : vector<16xf32>
      %add3A_569 = arith.addf %add3A_567, %mul3A_568 : vector<16xf32>
      %add3A_570 = arith.constant 384 : i32
      %add3A_571 = arith.addi %add3A_485, %add3A_570 : i32
      %swap3A_572 = arith.index_cast %add3A_571 : i32 to index
      %swap3A_573 = tpu.vector_load %arg20[%swap3A_572] {strides = array<i32>} : memref<8192xf32, #tpu.memory_space<vmem>>, vector<16xf32>,
      tpu.vector_store %arg20[%swap3A_572], %add3A_569 {strides = array<i32>} : memref<8192xf32, #tpu.memory_space<vmem>>, vector<16xf32>,
      %mul3A_574 = arith.mulf %unpack3A_509, %get3A_536 : vector<16xf32>
      %mul3A_575 = arith.mulf %unpack3A_510, %get3A_540 : vector<16xf32>
      %add3A_576 = arith.addf %mul3A_574, %mul3A_575 : vector<16xf32>
      %mul3A_577 = arith.mulf %unpack3A_515, %get3A_544 : vector<16xf32>
      %add3A_578 = arith.addf %add3A_576, %mul3A_577 : vector<16xf32>
      %add3A_579 = arith.constant 512 : i32
      %add3A_580 = arith.addi %add3A_485, %add3A_579 : i32
      %swap3A_581 = arith.index_cast %add3A_580 : i32 to index
      %swap3A_582 = tpu.vector_load %arg20[%swap3A_581] {strides = array<i32>} : memref<8192xf32, #tpu.memory_space<vmem>>, vector<16xf32>,
      tpu.vector_store %arg20[%swap3A_581], %add3A_578 {strides = array<i32>} : memref<8192xf32, #tpu.memory_space<vmem>>, vector<16xf32>,
      %mul3A_583 = arith.mulf %unpack3A_516, %get3A_536 : vector<16xf32>
      %mul3A_584 = arith.mulf %unpack3A_521, %get3A_540 : vector<16xf32>
      %add3A_585 = arith.addf %mul3A_583, %mul3A_584 : vector<16xf32>
      %mul3A_586 = arith.mulf %unpack3A_522, %get3A_544 : vector<16xf32>
      %add3A_587 = arith.addf %add3A_585, %mul3A_586 : vector<16xf32>
      %add3A_588 = arith.constant 640 : i32
      %add3A_589 = arith.addi %add3A_485, %add3A_588 : i32
      %swap3A_590 = arith.index_cast %add3A_589 : i32 to index
      %swap3A_591 = tpu.vector_load %arg20[%swap3A_590] {strides = array<i32>} : memref<8192xf32, #tpu.memory_space<vmem>>, vector<16xf32>,
      tpu.vector_store %arg20[%swap3A_590], %add3A_587 {strides = array<i32>} : memref<8192xf32, #tpu.memory_space<vmem>>, vector<16xf32>,
      %add3A_592 = arith.constant 768 : i32
      %add3A_593 = arith.addi %add3A_485, %add3A_592 : i32
      %swap3A_594 = arith.index_cast %add3A_593 : i32 to index
      %swap3A_595 = tpu.vector_load %arg20[%swap3A_594] {strides = array<i32>} : memref<8192xf32, #tpu.memory_space<vmem>>, vector<16xf32>,
      tpu.vector_store %arg20[%swap3A_594], %get3A_548 {strides = array<i32>} : memref<8192xf32, #tpu.memory_space<vmem>>, vector<16xf32>,
      %add3A_596 = arith.constant 896 : i32
      %add3A_597 = arith.addi %add3A_485, %add3A_596 : i32
      %swap3A_598 = arith.index_cast %add3A_597 : i32 to index
      %swap3A_599 = tpu.vector_load %arg20[%swap3A_598] {strides = array<i32>} : memref<8192xf32, #tpu.memory_space<vmem>>, vector<16xf32>,
      tpu.vector_store %arg20[%swap3A_598], %get3A_552 {strides = array<i32>} : memref<8192xf32, #tpu.memory_space<vmem>>, vector<16xf32>,
      %mul3A_600 = arith.constant 2 : i32
      %mul3A_601 = arith.muli %scan3A_464, %mul3A_600 : i32
      %add3A_602 = arith.constant 1 : i32
      %add3A_603 = arith.addi %mul3A_601, %add3A_602 : i32
      %mul3A_604 = arith.constant 16 : i32
      %mul3A_605 = arith.muli %add3A_603, %mul3A_604 : i32
      %add3A_606 = arith.constant 16 : i32
      %add3A_607 = arith.addi %mul3A_605, %add3A_606 : i32
      %get3A_608 = arith.index_cast %add3A_607 : i32 to index
      %get3A_609 = tpu.vector_load %arg8[%get3A_608] {strides = array<i32>} : memref<1040xi32, #tpu.memory_space<vmem>>, vector<16xi32>,
      %get3A_610 = arith.index_cast %add3A_607 : i32 to index
      %get3A_611 = tpu.vector_load %arg12[%get3A_610] {strides = array<i32>} : memref<1040xi32, #tpu.memory_space<vmem>>, vector<16xi32>,
      %shift_right_arithmetic3A_612 = arith.constant 3 : i32
      %shift_right_arithmetic3A_613 = arith.shrsi %add3A_603, %shift_right_arithmetic3A_612 : i32
      %mul3A_614 = arith.constant 1024 : i32
      %mul3A_615 = arith.muli %shift_right_arithmetic3A_613, %mul3A_614 : i32
      %and3A_616 = arith.constant 7 : i32
      %and3A_617 = arith.andi %add3A_603, %and3A_616 : i32
      %mul3A_618 = arith.constant 16 : i32
      %mul3A_619 = arith.muli %and3A_617, %mul3A_618 : i32
      %add3A_620 = arith.addi %mul3A_615, %mul3A_619 : i32
      %eq3A_621 = arith.constant 1 : i32
      %eq3A_622 = vector.broadcast %eq3A_621 : i32 to vector<16xi32>
      %eq3A_623 = arith.cmpi eq, %get3A_478, %eq3A_622 : vector<16xi32>
      %jit3A_624 = arith.constant 2000 : i32
      %broadcast_in_dim3A_625 = vector.broadcast %jit3A_624 : i32 to vector<16xi32>
      %select_n3A_626 = arith.select %eq3A_623, %get3A_476, %broadcast_in_dim3A_625 : vector<16xi1>, vector<16xi32>
      %gather3A_627 = arith.constant 0 : i32
      %gather3A_628 = tpu.memref_slice %arg7[%gather3A_627] : memref<12288xi32, #tpu.memory_space<vmem>> -> memref<2048xi32, #tpu.memory_space<vmem>>
      %gather3A_629 = tpu.vector_load_idx %gather3A_628[%select_n3A_626] : memref<2048xi32, #tpu.memory_space<vmem>>[vector<16xi32>], vector<16xi32>,
      %bitcast3A_630 = vector.bitcast %gather3A_629 : vector<16xi32> to vector<32xbf16>
      %unpack3A_631 = tpu.unpack_subelements %bitcast3A_630, 0 {pack_format = #tpu.pack_format<interleaved>} : vector<32xbf16> -> vector<16xf32>
      %unpack3A_632 = tpu.unpack_subelements %bitcast3A_630, 1 {pack_format = #tpu.pack_format<interleaved>} : vector<32xbf16> -> vector<16xf32>
      %gather3A_633 = arith.constant 2048 : i32
      %gather3A_634 = tpu.memref_slice %arg7[%gather3A_633] : memref<12288xi32, #tpu.memory_space<vmem>> -> memref<2048xi32, #tpu.memory_space<vmem>>
      %gather3A_635 = tpu.vector_load_idx %gather3A_634[%select_n3A_626] : memref<2048xi32, #tpu.memory_space<vmem>>[vector<16xi32>], vector<16xi32>,
      %bitcast3A_636 = vector.bitcast %gather3A_635 : vector<16xi32> to vector<32xbf16>
      %unpack3A_637 = tpu.unpack_subelements %bitcast3A_636, 0 {pack_format = #tpu.pack_format<interleaved>} : vector<32xbf16> -> vector<16xf32>
      %unpack3A_638 = tpu.unpack_subelements %bitcast3A_636, 1 {pack_format = #tpu.pack_format<interleaved>} : vector<32xbf16> -> vector<16xf32>
      %gather3A_639 = arith.constant 4096 : i32
      %gather3A_640 = tpu.memref_slice %arg7[%gather3A_639] : memref<12288xi32, #tpu.memory_space<vmem>> -> memref<2048xi32, #tpu.memory_space<vmem>>
      %gather3A_641 = tpu.vector_load_idx %gather3A_640[%select_n3A_626] : memref<2048xi32, #tpu.memory_space<vmem>>[vector<16xi32>], vector<16xi32>,
      %bitcast3A_642 = vector.bitcast %gather3A_641 : vector<16xi32> to vector<32xbf16>
      %unpack3A_643 = tpu.unpack_subelements %bitcast3A_642, 0 {pack_format = #tpu.pack_format<interleaved>} : vector<32xbf16> -> vector<16xf32>
      %unpack3A_644 = tpu.unpack_subelements %bitcast3A_642, 1 {pack_format = #tpu.pack_format<interleaved>} : vector<32xbf16> -> vector<16xf32>
      %gather3A_645 = arith.constant 6144 : i32
      %gather3A_646 = tpu.memref_slice %arg7[%gather3A_645] : memref<12288xi32, #tpu.memory_space<vmem>> -> memref<2048xi32, #tpu.memory_space<vmem>>
      %gather3A_647 = tpu.vector_load_idx %gather3A_646[%select_n3A_626] : memref<2048xi32, #tpu.memory_space<vmem>>[vector<16xi32>], vector<16xi32>,
      %bitcast3A_648 = vector.bitcast %gather3A_647 : vector<16xi32> to vector<32xbf16>
      %unpack3A_649 = tpu.unpack_subelements %bitcast3A_648, 0 {pack_format = #tpu.pack_format<interleaved>} : vector<32xbf16> -> vector<16xf32>
      %unpack3A_650 = tpu.unpack_subelements %bitcast3A_648, 1 {pack_format = #tpu.pack_format<interleaved>} : vector<32xbf16> -> vector<16xf32>
      %gather3A_651 = arith.constant 8192 : i32
      %gather3A_652 = tpu.memref_slice %arg7[%gather3A_651] : memref<12288xi32, #tpu.memory_space<vmem>> -> memref<2048xi32, #tpu.memory_space<vmem>>
      %gather3A_653 = tpu.vector_load_idx %gather3A_652[%select_n3A_626] : memref<2048xi32, #tpu.memory_space<vmem>>[vector<16xi32>], vector<16xi32>,
      %bitcast3A_654 = vector.bitcast %gather3A_653 : vector<16xi32> to vector<32xbf16>
      %unpack3A_655 = tpu.unpack_subelements %bitcast3A_654, 0 {pack_format = #tpu.pack_format<interleaved>} : vector<32xbf16> -> vector<16xf32>
      %unpack3A_656 = tpu.unpack_subelements %bitcast3A_654, 1 {pack_format = #tpu.pack_format<interleaved>} : vector<32xbf16> -> vector<16xf32>
      %gather3A_657 = arith.constant 10240 : i32
      %gather3A_658 = tpu.memref_slice %arg7[%gather3A_657] : memref<12288xi32, #tpu.memory_space<vmem>> -> memref<2048xi32, #tpu.memory_space<vmem>>
      %gather3A_659 = tpu.vector_load_idx %gather3A_658[%select_n3A_626] : memref<2048xi32, #tpu.memory_space<vmem>>[vector<16xi32>], vector<16xi32>,
      %bitcast3A_660 = vector.bitcast %gather3A_659 : vector<16xi32> to vector<32xbf16>
      %unpack3A_661 = tpu.unpack_subelements %bitcast3A_660, 0 {pack_format = #tpu.pack_format<interleaved>} : vector<32xbf16> -> vector<16xf32>
      %unpack3A_662 = tpu.unpack_subelements %bitcast3A_660, 1 {pack_format = #tpu.pack_format<interleaved>} : vector<32xbf16> -> vector<16xf32>
      %get3A_663 = arith.index_cast %add3A_620 : i32 to index
      %get3A_664 = tpu.vector_load %arg16[%get3A_663] {strides = array<i32>} : memref<8192xf32, #tpu.memory_space<vmem>>, vector<16xf32>,
      %add3A_665 = arith.constant 128 : i32
      %add3A_666 = arith.addi %add3A_620, %add3A_665 : i32
      %get3A_667 = arith.index_cast %add3A_666 : i32 to index
      %get3A_668 = tpu.vector_load %arg16[%get3A_667] {strides = array<i32>} : memref<8192xf32, #tpu.memory_space<vmem>>, vector<16xf32>,
      %add3A_669 = arith.constant 256 : i32
      %add3A_670 = arith.addi %add3A_620, %add3A_669 : i32
      %get3A_671 = arith.index_cast %add3A_670 : i32 to index
      %get3A_672 = tpu.vector_load %arg16[%get3A_671] {strides = array<i32>} : memref<8192xf32, #tpu.memory_space<vmem>>, vector<16xf32>,
      %add3A_673 = arith.constant 384 : i32
      %add3A_674 = arith.addi %add3A_620, %add3A_673 : i32
      %get3A_675 = arith.index_cast %add3A_674 : i32 to index
      %get3A_676 = tpu.vector_load %arg16[%get3A_675] {strides = array<i32>} : memref<8192xf32, #tpu.memory_space<vmem>>, vector<16xf32>,
      %add3A_677 = arith.constant 512 : i32
      %add3A_678 = arith.addi %add3A_620, %add3A_677 : i32
      %get3A_679 = arith.index_cast %add3A_678 : i32 to index
      %get3A_680 = tpu.vector_load %arg16[%get3A_679] {strides = array<i32>} : memref<8192xf32, #tpu.memory_space<vmem>>, vector<16xf32>,
      %add3A_681 = arith.constant 640 : i32
      %add3A_682 = arith.addi %add3A_620, %add3A_681 : i32
      %get3A_683 = arith.index_cast %add3A_682 : i32 to index
      %get3A_684 = tpu.vector_load %arg16[%get3A_683] {strides = array<i32>} : memref<8192xf32, #tpu.memory_space<vmem>>, vector<16xf32>,
      %add3A_685 = arith.constant 768 : i32
      %add3A_686 = arith.addi %add3A_620, %add3A_685 : i32
      %get3A_687 = arith.index_cast %add3A_686 : i32 to index
      %get3A_688 = tpu.vector_load %arg16[%get3A_687] {strides = array<i32>} : memref<8192xf32, #tpu.memory_space<vmem>>, vector<16xf32>,
      %add3A_689 = arith.constant 896 : i32
      %add3A_690 = arith.addi %add3A_620, %add3A_689 : i32
      %get3A_691 = arith.index_cast %add3A_690 : i32 to index
      %get3A_692 = tpu.vector_load %arg16[%get3A_691] {strides = array<i32>} : memref<8192xf32, #tpu.memory_space<vmem>>, vector<16xf32>,
      %add3A_693 = arith.addf %get3A_664, %unpack3A_631 : vector<16xf32>
      %swap3A_694 = arith.index_cast %add3A_620 : i32 to index
      %swap3A_695 = tpu.vector_load %arg20[%swap3A_694] {strides = array<i32>} : memref<8192xf32, #tpu.memory_space<vmem>>, vector<16xf32>,
      tpu.vector_store %arg20[%swap3A_694], %add3A_693 {strides = array<i32>} : memref<8192xf32, #tpu.memory_space<vmem>>, vector<16xf32>,
      %add3A_696 = arith.addf %get3A_668, %unpack3A_632 : vector<16xf32>
      %add3A_697 = arith.constant 128 : i32
      %add3A_698 = arith.addi %add3A_620, %add3A_697 : i32
      %swap3A_699 = arith.index_cast %add3A_698 : i32 to index
      %swap3A_700 = tpu.vector_load %arg20[%swap3A_699] {strides = array<i32>} : memref<8192xf32, #tpu.memory_space<vmem>>, vector<16xf32>,
      tpu.vector_store %arg20[%swap3A_699], %add3A_696 {strides = array<i32>} : memref<8192xf32, #tpu.memory_space<vmem>>, vector<16xf32>,
      %add3A_701 = arith.addf %get3A_672, %unpack3A_637 : vector<16xf32>
      %add3A_702 = arith.constant 256 : i32
      %add3A_703 = arith.addi %add3A_620, %add3A_702 : i32
      %swap3A_704 = arith.index_cast %add3A_703 : i32 to index
      %swap3A_705 = tpu.vector_load %arg20[%swap3A_704] {strides = array<i32>} : memref<8192xf32, #tpu.memory_space<vmem>>, vector<16xf32>,
      tpu.vector_store %arg20[%swap3A_704], %add3A_701 {strides = array<i32>} : memref<8192xf32, #tpu.memory_space<vmem>>, vector<16xf32>,
      %mul3A_706 = arith.mulf %unpack3A_638, %get3A_676 : vector<16xf32>
      %mul3A_707 = arith.mulf %unpack3A_643, %get3A_680 : vector<16xf32>
      %add3A_708 = arith.addf %mul3A_706, %mul3A_707 : vector<16xf32>
      %mul3A_709 = arith.mulf %unpack3A_644, %get3A_684 : vector<16xf32>
      %add3A_710 = arith.addf %add3A_708, %mul3A_709 : vector<16xf32>
      %add3A_711 = arith.constant 384 : i32
      %add3A_712 = arith.addi %add3A_620, %add3A_711 : i32
      %swap3A_713 = arith.index_cast %add3A_712 : i32 to index
      %swap3A_714 = tpu.vector_load %arg20[%swap3A_713] {strides = array<i32>} : memref<8192xf32, #tpu.memory_space<vmem>>, vector<16xf32>,
      tpu.vector_store %arg20[%swap3A_713], %add3A_710 {strides = array<i32>} : memref<8192xf32, #tpu.memory_space<vmem>>, vector<16xf32>,
      %mul3A_715 = arith.mulf %unpack3A_649, %get3A_676 : vector<16xf32>
      %mul3A_716 = arith.mulf %unpack3A_650, %get3A_680 : vector<16xf32>
      %add3A_717 = arith.addf %mul3A_715, %mul3A_716 : vector<16xf32>
      %mul3A_718 = arith.mulf %unpack3A_655, %get3A_684 : vector<16xf32>
      %add3A_719 = arith.addf %add3A_717, %mul3A_718 : vector<16xf32>
      %add3A_720 = arith.constant 512 : i32
      %add3A_721 = arith.addi %add3A_620, %add3A_720 : i32
      %swap3A_722 = arith.index_cast %add3A_721 : i32 to index
      %swap3A_723 = tpu.vector_load %arg20[%swap3A_722] {strides = array<i32>} : memref<8192xf32, #tpu.memory_space<vmem>>, vector<16xf32>,
      tpu.vector_store %arg20[%swap3A_722], %add3A_719 {strides = array<i32>} : memref<8192xf32, #tpu.memory_space<vmem>>, vector<16xf32>,
      %mul3A_724 = arith.mulf %unpack3A_656, %get3A_676 : vector<16xf32>
      %mul3A_725 = arith.mulf %unpack3A_661, %get3A_680 : vector<16xf32>
      %add3A_726 = arith.addf %mul3A_724, %mul3A_725 : vector<16xf32>
      %mul3A_727 = arith.mulf %unpack3A_662, %get3A_684 : vector<16xf32>
      %add3A_728 = arith.addf %add3A_726, %mul3A_727 : vector<16xf32>
      %add3A_729 = arith.constant 640 : i32
      %add3A_730 = arith.addi %add3A_620, %add3A_729 : i32
      %swap3A_731 = arith.index_cast %add3A_730 : i32 to index
      %swap3A_732 = tpu.vector_load %arg20[%swap3A_731] {strides = array<i32>} : memref<8192xf32, #tpu.memory_space<vmem>>, vector<16xf32>,
      tpu.vector_store %arg20[%swap3A_731], %add3A_728 {strides = array<i32>} : memref<8192xf32, #tpu.memory_space<vmem>>, vector<16xf32>,
      %add3A_733 = arith.constant 768 : i32
      %add3A_734 = arith.addi %add3A_620, %add3A_733 : i32
      %swap3A_735 = arith.index_cast %add3A_734 : i32 to index
      %swap3A_736 = tpu.vector_load %arg20[%swap3A_735] {strides = array<i32>} : memref<8192xf32, #tpu.memory_space<vmem>>, vector<16xf32>,
      tpu.vector_store %arg20[%swap3A_735], %get3A_688 {strides = array<i32>} : memref<8192xf32, #tpu.memory_space<vmem>>, vector<16xf32>,
      %add3A_737 = arith.constant 896 : i32
      %add3A_738 = arith.addi %add3A_620, %add3A_737 : i32
      %swap3A_739 = arith.index_cast %add3A_738 : i32 to index
      %swap3A_740 = tpu.vector_load %arg20[%swap3A_739] {strides = array<i32>} : memref<8192xf32, #tpu.memory_space<vmem>>, vector<16xf32>,
      tpu.vector_store %arg20[%swap3A_739], %get3A_692 {strides = array<i32>} : memref<8192xf32, #tpu.memory_space<vmem>>, vector<16xf32>,
      scf.yield %get3A_609, %get3A_611 : vector<16xi32>, vector<16xi32>
    }
    %scan3A_345 = arith.constant 32 : i32
    %mul3A_346 = arith.constant 64 : i32
    %mul3A_347 = arith.muli %add3A, %mul3A_346 : i32
    %mul3A_348 = arith.constant 1024 : i32
    %mul3A_349 = arith.muli %mul3A_347, %mul3A_348 : i32
    %add3A_350 = arith.constant 32768 : i32
    %add3A_351 = arith.addi %mul3A_349, %add3A_350 : i32
    %dma_start3A_352 = tpu.memref_slice %arg6[%add3A_351] : memref<2097152xf32, #tpu.memory_space<hbm>> -> memref<8192xf32, #tpu.memory_space<hbm>>
    %dma_start3A_353 = tpu.memref_slice %arg6[%add3A_351] : memref<2097152xf32, #tpu.memory_space<hbm>> -> memref<8192xf32, #tpu.memory_space<hbm>>
    tpu.enqueue_dma source(%arg20 : memref<8192xf32, #tpu.memory_space<vmem>>) target(%dma_start3A_353 : memref<8192xf32, #tpu.memory_space<hbm>>) target_semaphore(%arg28 : memref<!tpu.dma_semaphore, #tpu.memory_space<semaphore_mem>>)
    %dma_wait3A_354 = arith.constant 0 : i32
    %dma_wait3A_355 = tpu.memref_slice %arg9[%dma_wait3A_354] : memref<1040xi32, #tpu.memory_space<vmem>> -> memref<1024xi32, #tpu.memory_space<vmem>>
    %dma_wait3A_356 = tpu.memref_slice %arg4[%add3A_187] : memref<262144xi32, #tpu.memory_space<hbm>> -> memref<1024xi32, #tpu.memory_space<hbm>>
    %dma_wait3A_357 = arith.constant 0 : i32
    %dma_wait3A_358 = tpu.memref_slice %arg9[%dma_wait3A_357] : memref<1040xi32, #tpu.memory_space<vmem>> -> memref<1024xi32, #tpu.memory_space<vmem>>
    %dma_wait3A_359 = tpu.memref_slice %arg4[%add3A_187] : memref<262144xi32, #tpu.memory_space<hbm>> -> memref<1024xi32, #tpu.memory_space<hbm>>
    tpu.wait_dma2 semaphore(%arg25 : memref<!tpu.dma_semaphore, #tpu.memory_space<semaphore_mem>>) src(%dma_wait3A_359 : memref<1024xi32, #tpu.memory_space<hbm>>) dst(%dma_wait3A_358 : memref<1024xi32, #tpu.memory_space<vmem>>)
    %dma_wait3A_360 = arith.constant 0 : i32
    %dma_wait3A_361 = tpu.memref_slice %arg13[%dma_wait3A_360] : memref<1040xi32, #tpu.memory_space<vmem>> -> memref<1024xi32, #tpu.memory_space<vmem>>
    %dma_wait3A_362 = tpu.memref_slice %arg5[%add3A_187] : memref<262144xi32, #tpu.memory_space<hbm>> -> memref<1024xi32, #tpu.memory_space<hbm>>
    %dma_wait3A_363 = arith.constant 0 : i32
    %dma_wait3A_364 = tpu.memref_slice %arg13[%dma_wait3A_363] : memref<1040xi32, #tpu.memory_space<vmem>> -> memref<1024xi32, #tpu.memory_space<vmem>>
    %dma_wait3A_365 = tpu.memref_slice %arg5[%add3A_187] : memref<262144xi32, #tpu.memory_space<hbm>> -> memref<1024xi32, #tpu.memory_space<hbm>>
    tpu.wait_dma2 semaphore(%arg25 : memref<!tpu.dma_semaphore, #tpu.memory_space<semaphore_mem>>) src(%dma_wait3A_365 : memref<1024xi32, #tpu.memory_space<hbm>>) dst(%dma_wait3A_364 : memref<1024xi32, #tpu.memory_space<vmem>>)
    %dma_wait3A_366 = tpu.memref_slice %arg3[%add3A_193] : memref<2097152xf32, #tpu.memory_space<hbm>> -> memref<8192xf32, #tpu.memory_space<hbm>>
    %dma_wait3A_367 = tpu.memref_slice %arg3[%add3A_193] : memref<2097152xf32, #tpu.memory_space<hbm>> -> memref<8192xf32, #tpu.memory_space<hbm>>
    tpu.wait_dma2 semaphore(%arg25 : memref<!tpu.dma_semaphore, #tpu.memory_space<semaphore_mem>>) src(%dma_wait3A_367 : memref<8192xf32, #tpu.memory_space<hbm>>) dst(%arg17 : memref<8192xf32, #tpu.memory_space<vmem>>)
    %dma_wait3A_368 = tpu.memref_slice %arg6[%add3A_181] : memref<2097152xf32, #tpu.memory_space<hbm>> -> memref<8192xf32, #tpu.memory_space<hbm>>
    %dma_wait3A_369 = tpu.memref_slice %arg6[%add3A_181] : memref<2097152xf32, #tpu.memory_space<hbm>> -> memref<8192xf32, #tpu.memory_space<hbm>>
    tpu.wait_dma2 semaphore(%arg29 : memref<!tpu.dma_semaphore, #tpu.memory_space<semaphore_mem>>) src(%arg21 : memref<8192xf32, #tpu.memory_space<vmem>>) dst(%dma_wait3A_369 : memref<8192xf32, #tpu.memory_space<hbm>>)
    %get3A_370 = arith.constant 0 : index
    %get3A_371 = tpu.vector_load %arg9[%get3A_370] {strides = array<i32>} : memref<1040xi32, #tpu.memory_space<vmem>>, vector<16xi32>,
    %get3A_372 = arith.constant 0 : index
    %get3A_373 = tpu.vector_load %arg13[%get3A_372] {strides = array<i32>} : memref<1040xi32, #tpu.memory_space<vmem>>, vector<16xi32>,
    %scan3A_374 = arith.constant 0 : i32
    %scan3A_375 = arith.constant 32 : i32
    %scan3A_376 = arith.addi %scan3A_374, %scan3A_375 : i32
    %scan3A_377 = arith.constant 1 : i32
    %scan3A_378:2 = scf.for %scan3A_464 = %scan3A_374 to %scan3A_376 step %scan3A_377 iter_args(%scan3A_465 = %get3A_371, %scan3A_466 = %get3A_373) -> (vector<16xi32>, vector<16xi32>)  : i32 {
      %mul3A_467 = arith.constant 2 : i32
      %mul3A_468 = arith.muli %scan3A_464, %mul3A_467 : i32
      %add3A_469 = arith.constant 0 : i32
      %add3A_470 = arith.addi %mul3A_468, %add3A_469 : i32
      %mul3A_471 = arith.constant 16 : i32
      %mul3A_472 = arith.muli %add3A_470, %mul3A_471 : i32
      %add3A_473 = arith.constant 16 : i32
      %add3A_474 = arith.addi %mul3A_472, %add3A_473 : i32
      %get3A_475 = arith.index_cast %add3A_474 : i32 to index
      %get3A_476 = tpu.vector_load %arg9[%get3A_475] {strides = array<i32>} : memref<1040xi32, #tpu.memory_space<vmem>>, vector<16xi32>,
      %get3A_477 = arith.index_cast %add3A_474 : i32 to index
      %get3A_478 = tpu.vector_load %arg13[%get3A_477] {strides = array<i32>} : memref<1040xi32, #tpu.memory_space<vmem>>, vector<16xi32>,
      %shift_right_arithmetic3A = arith.constant 3 : i32
      %shift_right_arithmetic3A_479 = arith.shrsi %add3A_470, %shift_right_arithmetic3A : i32
      %mul3A_480 = arith.constant 1024 : i32
      %mul3A_481 = arith.muli %shift_right_arithmetic3A_479, %mul3A_480 : i32
      %and3A = arith.constant 7 : i32
      %and3A_482 = arith.andi %add3A_470, %and3A : i32
      %mul3A_483 = arith.constant 16 : i32
      %mul3A_484 = arith.muli %and3A_482, %mul3A_483 : i32
      %add3A_485 = arith.addi %mul3A_481, %mul3A_484 : i32
      %eq3A_486 = arith.constant 1 : i32
      %eq3A_487 = vector.broadcast %eq3A_486 : i32 to vector<16xi32>
      %eq3A_488 = arith.cmpi eq, %scan3A_466, %eq3A_487 : vector<16xi32>
      %jit3A = arith.constant 2000 : i32
      %broadcast_in_dim3A_489 = vector.broadcast %jit3A : i32 to vector<16xi32>
      %select_n3A = arith.select %eq3A_488, %scan3A_465, %broadcast_in_dim3A_489 : vector<16xi1>, vector<16xi32>
      %gather3A = arith.constant 0 : i32
      %gather3A_490 = tpu.memref_slice %arg7[%gather3A] : memref<12288xi32, #tpu.memory_space<vmem>> -> memref<2048xi32, #tpu.memory_space<vmem>>
      %gather3A_491 = tpu.vector_load_idx %gather3A_490[%select_n3A] : memref<2048xi32, #tpu.memory_space<vmem>>[vector<16xi32>], vector<16xi32>,
      %bitcast3A = vector.bitcast %gather3A_491 : vector<16xi32> to vector<32xbf16>
      %unpack3A = tpu.unpack_subelements %bitcast3A, 0 {pack_format = #tpu.pack_format<interleaved>} : vector<32xbf16> -> vector<16xf32>
      %unpack3A_492 = tpu.unpack_subelements %bitcast3A, 1 {pack_format = #tpu.pack_format<interleaved>} : vector<32xbf16> -> vector<16xf32>
      %gather3A_493 = arith.constant 2048 : i32
      %gather3A_494 = tpu.memref_slice %arg7[%gather3A_493] : memref<12288xi32, #tpu.memory_space<vmem>> -> memref<2048xi32, #tpu.memory_space<vmem>>
      %gather3A_495 = tpu.vector_load_idx %gather3A_494[%select_n3A] : memref<2048xi32, #tpu.memory_space<vmem>>[vector<16xi32>], vector<16xi32>,
      %bitcast3A_496 = vector.bitcast %gather3A_495 : vector<16xi32> to vector<32xbf16>
      %unpack3A_497 = tpu.unpack_subelements %bitcast3A_496, 0 {pack_format = #tpu.pack_format<interleaved>} : vector<32xbf16> -> vector<16xf32>
      %unpack3A_498 = tpu.unpack_subelements %bitcast3A_496, 1 {pack_format = #tpu.pack_format<interleaved>} : vector<32xbf16> -> vector<16xf32>
      %gather3A_499 = arith.constant 4096 : i32
      %gather3A_500 = tpu.memref_slice %arg7[%gather3A_499] : memref<12288xi32, #tpu.memory_space<vmem>> -> memref<2048xi32, #tpu.memory_space<vmem>>
      %gather3A_501 = tpu.vector_load_idx %gather3A_500[%select_n3A] : memref<2048xi32, #tpu.memory_space<vmem>>[vector<16xi32>], vector<16xi32>,
      %bitcast3A_502 = vector.bitcast %gather3A_501 : vector<16xi32> to vector<32xbf16>
      %unpack3A_503 = tpu.unpack_subelements %bitcast3A_502, 0 {pack_format = #tpu.pack_format<interleaved>} : vector<32xbf16> -> vector<16xf32>
      %unpack3A_504 = tpu.unpack_subelements %bitcast3A_502, 1 {pack_format = #tpu.pack_format<interleaved>} : vector<32xbf16> -> vector<16xf32>
      %gather3A_505 = arith.constant 6144 : i32
      %gather3A_506 = tpu.memref_slice %arg7[%gather3A_505] : memref<12288xi32, #tpu.memory_space<vmem>> -> memref<2048xi32, #tpu.memory_space<vmem>>
      %gather3A_507 = tpu.vector_load_idx %gather3A_506[%select_n3A] : memref<2048xi32, #tpu.memory_space<vmem>>[vector<16xi32>], vector<16xi32>,
      %bitcast3A_508 = vector.bitcast %gather3A_507 : vector<16xi32> to vector<32xbf16>
      %unpack3A_509 = tpu.unpack_subelements %bitcast3A_508, 0 {pack_format = #tpu.pack_format<interleaved>} : vector<32xbf16> -> vector<16xf32>
      %unpack3A_510 = tpu.unpack_subelements %bitcast3A_508, 1 {pack_format = #tpu.pack_format<interleaved>} : vector<32xbf16> -> vector<16xf32>
      %gather3A_511 = arith.constant 8192 : i32
      %gather3A_512 = tpu.memref_slice %arg7[%gather3A_511] : memref<12288xi32, #tpu.memory_space<vmem>> -> memref<2048xi32, #tpu.memory_space<vmem>>
      %gather3A_513 = tpu.vector_load_idx %gather3A_512[%select_n3A] : memref<2048xi32, #tpu.memory_space<vmem>>[vector<16xi32>], vector<16xi32>,
      %bitcast3A_514 = vector.bitcast %gather3A_513 : vector<16xi32> to vector<32xbf16>
      %unpack3A_515 = tpu.unpack_subelements %bitcast3A_514, 0 {pack_format = #tpu.pack_format<interleaved>} : vector<32xbf16> -> vector<16xf32>
      %unpack3A_516 = tpu.unpack_subelements %bitcast3A_514, 1 {pack_format = #tpu.pack_format<interleaved>} : vector<32xbf16> -> vector<16xf32>
      %gather3A_517 = arith.constant 10240 : i32
      %gather3A_518 = tpu.memref_slice %arg7[%gather3A_517] : memref<12288xi32, #tpu.memory_space<vmem>> -> memref<2048xi32, #tpu.memory_space<vmem>>
      %gather3A_519 = tpu.vector_load_idx %gather3A_518[%select_n3A] : memref<2048xi32, #tpu.memory_space<vmem>>[vector<16xi32>], vector<16xi32>,
      %bitcast3A_520 = vector.bitcast %gather3A_519 : vector<16xi32> to vector<32xbf16>
      %unpack3A_521 = tpu.unpack_subelements %bitcast3A_520, 0 {pack_format = #tpu.pack_format<interleaved>} : vector<32xbf16> -> vector<16xf32>
      %unpack3A_522 = tpu.unpack_subelements %bitcast3A_520, 1 {pack_format = #tpu.pack_format<interleaved>} : vector<32xbf16> -> vector<16xf32>
      %get3A_523 = arith.index_cast %add3A_485 : i32 to index
      %get3A_524 = tpu.vector_load %arg17[%get3A_523] {strides = array<i32>} : memref<8192xf32, #tpu.memory_space<vmem>>, vector<16xf32>,
      %add3A_525 = arith.constant 128 : i32
      %add3A_526 = arith.addi %add3A_485, %add3A_525 : i32
      %get3A_527 = arith.index_cast %add3A_526 : i32 to index
      %get3A_528 = tpu.vector_load %arg17[%get3A_527] {strides = array<i32>} : memref<8192xf32, #tpu.memory_space<vmem>>, vector<16xf32>,
      %add3A_529 = arith.constant 256 : i32
      %add3A_530 = arith.addi %add3A_485, %add3A_529 : i32
      %get3A_531 = arith.index_cast %add3A_530 : i32 to index
      %get3A_532 = tpu.vector_load %arg17[%get3A_531] {strides = array<i32>} : memref<8192xf32, #tpu.memory_space<vmem>>, vector<16xf32>,
      %add3A_533 = arith.constant 384 : i32
      %add3A_534 = arith.addi %add3A_485, %add3A_533 : i32
      %get3A_535 = arith.index_cast %add3A_534 : i32 to index
      %get3A_536 = tpu.vector_load %arg17[%get3A_535] {strides = array<i32>} : memref<8192xf32, #tpu.memory_space<vmem>>, vector<16xf32>,
      %add3A_537 = arith.constant 512 : i32
      %add3A_538 = arith.addi %add3A_485, %add3A_537 : i32
      %get3A_539 = arith.index_cast %add3A_538 : i32 to index
      %get3A_540 = tpu.vector_load %arg17[%get3A_539] {strides = array<i32>} : memref<8192xf32, #tpu.memory_space<vmem>>, vector<16xf32>,
      %add3A_541 = arith.constant 640 : i32
      %add3A_542 = arith.addi %add3A_485, %add3A_541 : i32
      %get3A_543 = arith.index_cast %add3A_542 : i32 to index
      %get3A_544 = tpu.vector_load %arg17[%get3A_543] {strides = array<i32>} : memref<8192xf32, #tpu.memory_space<vmem>>, vector<16xf32>,
      %add3A_545 = arith.constant 768 : i32
      %add3A_546 = arith.addi %add3A_485, %add3A_545 : i32
      %get3A_547 = arith.index_cast %add3A_546 : i32 to index
      %get3A_548 = tpu.vector_load %arg17[%get3A_547] {strides = array<i32>} : memref<8192xf32, #tpu.memory_space<vmem>>, vector<16xf32>,
      %add3A_549 = arith.constant 896 : i32
      %add3A_550 = arith.addi %add3A_485, %add3A_549 : i32
      %get3A_551 = arith.index_cast %add3A_550 : i32 to index
      %get3A_552 = tpu.vector_load %arg17[%get3A_551] {strides = array<i32>} : memref<8192xf32, #tpu.memory_space<vmem>>, vector<16xf32>,
      %add3A_553 = arith.addf %get3A_524, %unpack3A : vector<16xf32>
      %swap3A = arith.index_cast %add3A_485 : i32 to index
      %swap3A_554 = tpu.vector_load %arg21[%swap3A] {strides = array<i32>} : memref<8192xf32, #tpu.memory_space<vmem>>, vector<16xf32>,
      tpu.vector_store %arg21[%swap3A], %add3A_553 {strides = array<i32>} : memref<8192xf32, #tpu.memory_space<vmem>>, vector<16xf32>,
      %add3A_555 = arith.addf %get3A_528, %unpack3A_492 : vector<16xf32>
      %add3A_556 = arith.constant 128 : i32
      %add3A_557 = arith.addi %add3A_485, %add3A_556 : i32
      %swap3A_558 = arith.index_cast %add3A_557 : i32 to index
      %swap3A_559 = tpu.vector_load %arg21[%swap3A_558] {strides = array<i32>} : memref<8192xf32, #tpu.memory_space<vmem>>, vector<16xf32>,
      tpu.vector_store %arg21[%swap3A_558], %add3A_555 {strides = array<i32>} : memref<8192xf32, #tpu.memory_space<vmem>>, vector<16xf32>,
      %add3A_560 = arith.addf %get3A_532, %unpack3A_497 : vector<16xf32>
      %add3A_561 = arith.constant 256 : i32
      %add3A_562 = arith.addi %add3A_485, %add3A_561 : i32
      %swap3A_563 = arith.index_cast %add3A_562 : i32 to index
      %swap3A_564 = tpu.vector_load %arg21[%swap3A_563] {strides = array<i32>} : memref<8192xf32, #tpu.memory_space<vmem>>, vector<16xf32>,
      tpu.vector_store %arg21[%swap3A_563], %add3A_560 {strides = array<i32>} : memref<8192xf32, #tpu.memory_space<vmem>>, vector<16xf32>,
      %mul3A_565 = arith.mulf %unpack3A_498, %get3A_536 : vector<16xf32>
      %mul3A_566 = arith.mulf %unpack3A_503, %get3A_540 : vector<16xf32>
      %add3A_567 = arith.addf %mul3A_565, %mul3A_566 : vector<16xf32>
      %mul3A_568 = arith.mulf %unpack3A_504, %get3A_544 : vector<16xf32>
      %add3A_569 = arith.addf %add3A_567, %mul3A_568 : vector<16xf32>
      %add3A_570 = arith.constant 384 : i32
      %add3A_571 = arith.addi %add3A_485, %add3A_570 : i32
      %swap3A_572 = arith.index_cast %add3A_571 : i32 to index
      %swap3A_573 = tpu.vector_load %arg21[%swap3A_572] {strides = array<i32>} : memref<8192xf32, #tpu.memory_space<vmem>>, vector<16xf32>,
      tpu.vector_store %arg21[%swap3A_572], %add3A_569 {strides = array<i32>} : memref<8192xf32, #tpu.memory_space<vmem>>, vector<16xf32>,
      %mul3A_574 = arith.mulf %unpack3A_509, %get3A_536 : vector<16xf32>
      %mul3A_575 = arith.mulf %unpack3A_510, %get3A_540 : vector<16xf32>
      %add3A_576 = arith.addf %mul3A_574, %mul3A_575 : vector<16xf32>
      %mul3A_577 = arith.mulf %unpack3A_515, %get3A_544 : vector<16xf32>
      %add3A_578 = arith.addf %add3A_576, %mul3A_577 : vector<16xf32>
      %add3A_579 = arith.constant 512 : i32
      %add3A_580 = arith.addi %add3A_485, %add3A_579 : i32
      %swap3A_581 = arith.index_cast %add3A_580 : i32 to index
      %swap3A_582 = tpu.vector_load %arg21[%swap3A_581] {strides = array<i32>} : memref<8192xf32, #tpu.memory_space<vmem>>, vector<16xf32>,
      tpu.vector_store %arg21[%swap3A_581], %add3A_578 {strides = array<i32>} : memref<8192xf32, #tpu.memory_space<vmem>>, vector<16xf32>,
      %mul3A_583 = arith.mulf %unpack3A_516, %get3A_536 : vector<16xf32>
      %mul3A_584 = arith.mulf %unpack3A_521, %get3A_540 : vector<16xf32>
      %add3A_585 = arith.addf %mul3A_583, %mul3A_584 : vector<16xf32>
      %mul3A_586 = arith.mulf %unpack3A_522, %get3A_544 : vector<16xf32>
      %add3A_587 = arith.addf %add3A_585, %mul3A_586 : vector<16xf32>
      %add3A_588 = arith.constant 640 : i32
      %add3A_589 = arith.addi %add3A_485, %add3A_588 : i32
      %swap3A_590 = arith.index_cast %add3A_589 : i32 to index
      %swap3A_591 = tpu.vector_load %arg21[%swap3A_590] {strides = array<i32>} : memref<8192xf32, #tpu.memory_space<vmem>>, vector<16xf32>,
      tpu.vector_store %arg21[%swap3A_590], %add3A_587 {strides = array<i32>} : memref<8192xf32, #tpu.memory_space<vmem>>, vector<16xf32>,
      %add3A_592 = arith.constant 768 : i32
      %add3A_593 = arith.addi %add3A_485, %add3A_592 : i32
      %swap3A_594 = arith.index_cast %add3A_593 : i32 to index
      %swap3A_595 = tpu.vector_load %arg21[%swap3A_594] {strides = array<i32>} : memref<8192xf32, #tpu.memory_space<vmem>>, vector<16xf32>,
      tpu.vector_store %arg21[%swap3A_594], %get3A_548 {strides = array<i32>} : memref<8192xf32, #tpu.memory_space<vmem>>, vector<16xf32>,
      %add3A_596 = arith.constant 896 : i32
      %add3A_597 = arith.addi %add3A_485, %add3A_596 : i32
      %swap3A_598 = arith.index_cast %add3A_597 : i32 to index
      %swap3A_599 = tpu.vector_load %arg21[%swap3A_598] {strides = array<i32>} : memref<8192xf32, #tpu.memory_space<vmem>>, vector<16xf32>,
      tpu.vector_store %arg21[%swap3A_598], %get3A_552 {strides = array<i32>} : memref<8192xf32, #tpu.memory_space<vmem>>, vector<16xf32>,
      %mul3A_600 = arith.constant 2 : i32
      %mul3A_601 = arith.muli %scan3A_464, %mul3A_600 : i32
      %add3A_602 = arith.constant 1 : i32
      %add3A_603 = arith.addi %mul3A_601, %add3A_602 : i32
      %mul3A_604 = arith.constant 16 : i32
      %mul3A_605 = arith.muli %add3A_603, %mul3A_604 : i32
      %add3A_606 = arith.constant 16 : i32
      %add3A_607 = arith.addi %mul3A_605, %add3A_606 : i32
      %get3A_608 = arith.index_cast %add3A_607 : i32 to index
      %get3A_609 = tpu.vector_load %arg9[%get3A_608] {strides = array<i32>} : memref<1040xi32, #tpu.memory_space<vmem>>, vector<16xi32>,
      %get3A_610 = arith.index_cast %add3A_607 : i32 to index
      %get3A_611 = tpu.vector_load %arg13[%get3A_610] {strides = array<i32>} : memref<1040xi32, #tpu.memory_space<vmem>>, vector<16xi32>,
      %shift_right_arithmetic3A_612 = arith.constant 3 : i32
      %shift_right_arithmetic3A_613 = arith.shrsi %add3A_603, %shift_right_arithmetic3A_612 : i32
      %mul3A_614 = arith.constant 1024 : i32
      %mul3A_615 = arith.muli %shift_right_arithmetic3A_613, %mul3A_614 : i32
      %and3A_616 = arith.constant 7 : i32
      %and3A_617 = arith.andi %add3A_603, %and3A_616 : i32
      %mul3A_618 = arith.constant 16 : i32
      %mul3A_619 = arith.muli %and3A_617, %mul3A_618 : i32
      %add3A_620 = arith.addi %mul3A_615, %mul3A_619 : i32
      %eq3A_621 = arith.constant 1 : i32
      %eq3A_622 = vector.broadcast %eq3A_621 : i32 to vector<16xi32>
      %eq3A_623 = arith.cmpi eq, %get3A_478, %eq3A_622 : vector<16xi32>
      %jit3A_624 = arith.constant 2000 : i32
      %broadcast_in_dim3A_625 = vector.broadcast %jit3A_624 : i32 to vector<16xi32>
      %select_n3A_626 = arith.select %eq3A_623, %get3A_476, %broadcast_in_dim3A_625 : vector<16xi1>, vector<16xi32>
      %gather3A_627 = arith.constant 0 : i32
      %gather3A_628 = tpu.memref_slice %arg7[%gather3A_627] : memref<12288xi32, #tpu.memory_space<vmem>> -> memref<2048xi32, #tpu.memory_space<vmem>>
      %gather3A_629 = tpu.vector_load_idx %gather3A_628[%select_n3A_626] : memref<2048xi32, #tpu.memory_space<vmem>>[vector<16xi32>], vector<16xi32>,
      %bitcast3A_630 = vector.bitcast %gather3A_629 : vector<16xi32> to vector<32xbf16>
      %unpack3A_631 = tpu.unpack_subelements %bitcast3A_630, 0 {pack_format = #tpu.pack_format<interleaved>} : vector<32xbf16> -> vector<16xf32>
      %unpack3A_632 = tpu.unpack_subelements %bitcast3A_630, 1 {pack_format = #tpu.pack_format<interleaved>} : vector<32xbf16> -> vector<16xf32>
      %gather3A_633 = arith.constant 2048 : i32
      %gather3A_634 = tpu.memref_slice %arg7[%gather3A_633] : memref<12288xi32, #tpu.memory_space<vmem>> -> memref<2048xi32, #tpu.memory_space<vmem>>
      %gather3A_635 = tpu.vector_load_idx %gather3A_634[%select_n3A_626] : memref<2048xi32, #tpu.memory_space<vmem>>[vector<16xi32>], vector<16xi32>,
      %bitcast3A_636 = vector.bitcast %gather3A_635 : vector<16xi32> to vector<32xbf16>
      %unpack3A_637 = tpu.unpack_subelements %bitcast3A_636, 0 {pack_format = #tpu.pack_format<interleaved>} : vector<32xbf16> -> vector<16xf32>
      %unpack3A_638 = tpu.unpack_subelements %bitcast3A_636, 1 {pack_format = #tpu.pack_format<interleaved>} : vector<32xbf16> -> vector<16xf32>
      %gather3A_639 = arith.constant 4096 : i32
      %gather3A_640 = tpu.memref_slice %arg7[%gather3A_639] : memref<12288xi32, #tpu.memory_space<vmem>> -> memref<2048xi32, #tpu.memory_space<vmem>>
      %gather3A_641 = tpu.vector_load_idx %gather3A_640[%select_n3A_626] : memref<2048xi32, #tpu.memory_space<vmem>>[vector<16xi32>], vector<16xi32>,
      %bitcast3A_642 = vector.bitcast %gather3A_641 : vector<16xi32> to vector<32xbf16>
      %unpack3A_643 = tpu.unpack_subelements %bitcast3A_642, 0 {pack_format = #tpu.pack_format<interleaved>} : vector<32xbf16> -> vector<16xf32>
      %unpack3A_644 = tpu.unpack_subelements %bitcast3A_642, 1 {pack_format = #tpu.pack_format<interleaved>} : vector<32xbf16> -> vector<16xf32>
      %gather3A_645 = arith.constant 6144 : i32
      %gather3A_646 = tpu.memref_slice %arg7[%gather3A_645] : memref<12288xi32, #tpu.memory_space<vmem>> -> memref<2048xi32, #tpu.memory_space<vmem>>
      %gather3A_647 = tpu.vector_load_idx %gather3A_646[%select_n3A_626] : memref<2048xi32, #tpu.memory_space<vmem>>[vector<16xi32>], vector<16xi32>,
      %bitcast3A_648 = vector.bitcast %gather3A_647 : vector<16xi32> to vector<32xbf16>
      %unpack3A_649 = tpu.unpack_subelements %bitcast3A_648, 0 {pack_format = #tpu.pack_format<interleaved>} : vector<32xbf16> -> vector<16xf32>
      %unpack3A_650 = tpu.unpack_subelements %bitcast3A_648, 1 {pack_format = #tpu.pack_format<interleaved>} : vector<32xbf16> -> vector<16xf32>
      %gather3A_651 = arith.constant 8192 : i32
      %gather3A_652 = tpu.memref_slice %arg7[%gather3A_651] : memref<12288xi32, #tpu.memory_space<vmem>> -> memref<2048xi32, #tpu.memory_space<vmem>>
      %gather3A_653 = tpu.vector_load_idx %gather3A_652[%select_n3A_626] : memref<2048xi32, #tpu.memory_space<vmem>>[vector<16xi32>], vector<16xi32>,
      %bitcast3A_654 = vector.bitcast %gather3A_653 : vector<16xi32> to vector<32xbf16>
      %unpack3A_655 = tpu.unpack_subelements %bitcast3A_654, 0 {pack_format = #tpu.pack_format<interleaved>} : vector<32xbf16> -> vector<16xf32>
      %unpack3A_656 = tpu.unpack_subelements %bitcast3A_654, 1 {pack_format = #tpu.pack_format<interleaved>} : vector<32xbf16> -> vector<16xf32>
      %gather3A_657 = arith.constant 10240 : i32
      %gather3A_658 = tpu.memref_slice %arg7[%gather3A_657] : memref<12288xi32, #tpu.memory_space<vmem>> -> memref<2048xi32, #tpu.memory_space<vmem>>
      %gather3A_659 = tpu.vector_load_idx %gather3A_658[%select_n3A_626] : memref<2048xi32, #tpu.memory_space<vmem>>[vector<16xi32>], vector<16xi32>,
      %bitcast3A_660 = vector.bitcast %gather3A_659 : vector<16xi32> to vector<32xbf16>
      %unpack3A_661 = tpu.unpack_subelements %bitcast3A_660, 0 {pack_format = #tpu.pack_format<interleaved>} : vector<32xbf16> -> vector<16xf32>
      %unpack3A_662 = tpu.unpack_subelements %bitcast3A_660, 1 {pack_format = #tpu.pack_format<interleaved>} : vector<32xbf16> -> vector<16xf32>
      %get3A_663 = arith.index_cast %add3A_620 : i32 to index
      %get3A_664 = tpu.vector_load %arg17[%get3A_663] {strides = array<i32>} : memref<8192xf32, #tpu.memory_space<vmem>>, vector<16xf32>,
      %add3A_665 = arith.constant 128 : i32
      %add3A_666 = arith.addi %add3A_620, %add3A_665 : i32
      %get3A_667 = arith.index_cast %add3A_666 : i32 to index
      %get3A_668 = tpu.vector_load %arg17[%get3A_667] {strides = array<i32>} : memref<8192xf32, #tpu.memory_space<vmem>>, vector<16xf32>,
      %add3A_669 = arith.constant 256 : i32
      %add3A_670 = arith.addi %add3A_620, %add3A_669 : i32
      %get3A_671 = arith.index_cast %add3A_670 : i32 to index
      %get3A_672 = tpu.vector_load %arg17[%get3A_671] {strides = array<i32>} : memref<8192xf32, #tpu.memory_space<vmem>>, vector<16xf32>,
      %add3A_673 = arith.constant 384 : i32
      %add3A_674 = arith.addi %add3A_620, %add3A_673 : i32
      %get3A_675 = arith.index_cast %add3A_674 : i32 to index
      %get3A_676 = tpu.vector_load %arg17[%get3A_675] {strides = array<i32>} : memref<8192xf32, #tpu.memory_space<vmem>>, vector<16xf32>,
      %add3A_677 = arith.constant 512 : i32
      %add3A_678 = arith.addi %add3A_620, %add3A_677 : i32
      %get3A_679 = arith.index_cast %add3A_678 : i32 to index
      %get3A_680 = tpu.vector_load %arg17[%get3A_679] {strides = array<i32>} : memref<8192xf32, #tpu.memory_space<vmem>>, vector<16xf32>,
      %add3A_681 = arith.constant 640 : i32
      %add3A_682 = arith.addi %add3A_620, %add3A_681 : i32
      %get3A_683 = arith.index_cast %add3A_682 : i32 to index
      %get3A_684 = tpu.vector_load %arg17[%get3A_683] {strides = array<i32>} : memref<8192xf32, #tpu.memory_space<vmem>>, vector<16xf32>,
      %add3A_685 = arith.constant 768 : i32
      %add3A_686 = arith.addi %add3A_620, %add3A_685 : i32
      %get3A_687 = arith.index_cast %add3A_686 : i32 to index
      %get3A_688 = tpu.vector_load %arg17[%get3A_687] {strides = array<i32>} : memref<8192xf32, #tpu.memory_space<vmem>>, vector<16xf32>,
      %add3A_689 = arith.constant 896 : i32
      %add3A_690 = arith.addi %add3A_620, %add3A_689 : i32
      %get3A_691 = arith.index_cast %add3A_690 : i32 to index
      %get3A_692 = tpu.vector_load %arg17[%get3A_691] {strides = array<i32>} : memref<8192xf32, #tpu.memory_space<vmem>>, vector<16xf32>,
      %add3A_693 = arith.addf %get3A_664, %unpack3A_631 : vector<16xf32>
      %swap3A_694 = arith.index_cast %add3A_620 : i32 to index
      %swap3A_695 = tpu.vector_load %arg21[%swap3A_694] {strides = array<i32>} : memref<8192xf32, #tpu.memory_space<vmem>>, vector<16xf32>,
      tpu.vector_store %arg21[%swap3A_694], %add3A_693 {strides = array<i32>} : memref<8192xf32, #tpu.memory_space<vmem>>, vector<16xf32>,
      %add3A_696 = arith.addf %get3A_668, %unpack3A_632 : vector<16xf32>
      %add3A_697 = arith.constant 128 : i32
      %add3A_698 = arith.addi %add3A_620, %add3A_697 : i32
      %swap3A_699 = arith.index_cast %add3A_698 : i32 to index
      %swap3A_700 = tpu.vector_load %arg21[%swap3A_699] {strides = array<i32>} : memref<8192xf32, #tpu.memory_space<vmem>>, vector<16xf32>,
      tpu.vector_store %arg21[%swap3A_699], %add3A_696 {strides = array<i32>} : memref<8192xf32, #tpu.memory_space<vmem>>, vector<16xf32>,
      %add3A_701 = arith.addf %get3A_672, %unpack3A_637 : vector<16xf32>
      %add3A_702 = arith.constant 256 : i32
      %add3A_703 = arith.addi %add3A_620, %add3A_702 : i32
      %swap3A_704 = arith.index_cast %add3A_703 : i32 to index
      %swap3A_705 = tpu.vector_load %arg21[%swap3A_704] {strides = array<i32>} : memref<8192xf32, #tpu.memory_space<vmem>>, vector<16xf32>,
      tpu.vector_store %arg21[%swap3A_704], %add3A_701 {strides = array<i32>} : memref<8192xf32, #tpu.memory_space<vmem>>, vector<16xf32>,
      %mul3A_706 = arith.mulf %unpack3A_638, %get3A_676 : vector<16xf32>
      %mul3A_707 = arith.mulf %unpack3A_643, %get3A_680 : vector<16xf32>
      %add3A_708 = arith.addf %mul3A_706, %mul3A_707 : vector<16xf32>
      %mul3A_709 = arith.mulf %unpack3A_644, %get3A_684 : vector<16xf32>
      %add3A_710 = arith.addf %add3A_708, %mul3A_709 : vector<16xf32>
      %add3A_711 = arith.constant 384 : i32
      %add3A_712 = arith.addi %add3A_620, %add3A_711 : i32
      %swap3A_713 = arith.index_cast %add3A_712 : i32 to index
      %swap3A_714 = tpu.vector_load %arg21[%swap3A_713] {strides = array<i32>} : memref<8192xf32, #tpu.memory_space<vmem>>, vector<16xf32>,
      tpu.vector_store %arg21[%swap3A_713], %add3A_710 {strides = array<i32>} : memref<8192xf32, #tpu.memory_space<vmem>>, vector<16xf32>,
      %mul3A_715 = arith.mulf %unpack3A_649, %get3A_676 : vector<16xf32>
      %mul3A_716 = arith.mulf %unpack3A_650, %get3A_680 : vector<16xf32>
      %add3A_717 = arith.addf %mul3A_715, %mul3A_716 : vector<16xf32>
      %mul3A_718 = arith.mulf %unpack3A_655, %get3A_684 : vector<16xf32>
      %add3A_719 = arith.addf %add3A_717, %mul3A_718 : vector<16xf32>
      %add3A_720 = arith.constant 512 : i32
      %add3A_721 = arith.addi %add3A_620, %add3A_720 : i32
      %swap3A_722 = arith.index_cast %add3A_721 : i32 to index
      %swap3A_723 = tpu.vector_load %arg21[%swap3A_722] {strides = array<i32>} : memref<8192xf32, #tpu.memory_space<vmem>>, vector<16xf32>,
      tpu.vector_store %arg21[%swap3A_722], %add3A_719 {strides = array<i32>} : memref<8192xf32, #tpu.memory_space<vmem>>, vector<16xf32>,
      %mul3A_724 = arith.mulf %unpack3A_656, %get3A_676 : vector<16xf32>
      %mul3A_725 = arith.mulf %unpack3A_661, %get3A_680 : vector<16xf32>
      %add3A_726 = arith.addf %mul3A_724, %mul3A_725 : vector<16xf32>
      %mul3A_727 = arith.mulf %unpack3A_662, %get3A_684 : vector<16xf32>
      %add3A_728 = arith.addf %add3A_726, %mul3A_727 : vector<16xf32>
      %add3A_729 = arith.constant 640 : i32
      %add3A_730 = arith.addi %add3A_620, %add3A_729 : i32
      %swap3A_731 = arith.index_cast %add3A_730 : i32 to index
      %swap3A_732 = tpu.vector_load %arg21[%swap3A_731] {strides = array<i32>} : memref<8192xf32, #tpu.memory_space<vmem>>, vector<16xf32>,
      tpu.vector_store %arg21[%swap3A_731], %add3A_728 {strides = array<i32>} : memref<8192xf32, #tpu.memory_space<vmem>>, vector<16xf32>,
      %add3A_733 = arith.constant 768 : i32
      %add3A_734 = arith.addi %add3A_620, %add3A_733 : i32
      %swap3A_735 = arith.index_cast %add3A_734 : i32 to index
      %swap3A_736 = tpu.vector_load %arg21[%swap3A_735] {strides = array<i32>} : memref<8192xf32, #tpu.memory_space<vmem>>, vector<16xf32>,
      tpu.vector_store %arg21[%swap3A_735], %get3A_688 {strides = array<i32>} : memref<8192xf32, #tpu.memory_space<vmem>>, vector<16xf32>,
      %add3A_737 = arith.constant 896 : i32
      %add3A_738 = arith.addi %add3A_620, %add3A_737 : i32
      %swap3A_739 = arith.index_cast %add3A_738 : i32 to index
      %swap3A_740 = tpu.vector_load %arg21[%swap3A_739] {strides = array<i32>} : memref<8192xf32, #tpu.memory_space<vmem>>, vector<16xf32>,
      tpu.vector_store %arg21[%swap3A_739], %get3A_692 {strides = array<i32>} : memref<8192xf32, #tpu.memory_space<vmem>>, vector<16xf32>,
      scf.yield %get3A_609, %get3A_611 : vector<16xi32>, vector<16xi32>
    }
    %scan3A_379 = arith.constant 32 : i32
    %mul3A_380 = arith.constant 64 : i32
    %mul3A_381 = arith.muli %add3A, %mul3A_380 : i32
    %mul3A_382 = arith.constant 1024 : i32
    %mul3A_383 = arith.muli %mul3A_381, %mul3A_382 : i32
    %add3A_384 = arith.constant 40960 : i32
    %add3A_385 = arith.addi %mul3A_383, %add3A_384 : i32
    %dma_start3A_386 = tpu.memref_slice %arg6[%add3A_385] : memref<2097152xf32, #tpu.memory_space<hbm>> -> memref<8192xf32, #tpu.memory_space<hbm>>
    %dma_start3A_387 = tpu.memref_slice %arg6[%add3A_385] : memref<2097152xf32, #tpu.memory_space<hbm>> -> memref<8192xf32, #tpu.memory_space<hbm>>
    tpu.enqueue_dma source(%arg21 : memref<8192xf32, #tpu.memory_space<vmem>>) target(%dma_start3A_387 : memref<8192xf32, #tpu.memory_space<hbm>>) target_semaphore(%arg29 : memref<!tpu.dma_semaphore, #tpu.memory_space<semaphore_mem>>)
    %dma_wait3A_388 = arith.constant 0 : i32
    %dma_wait3A_389 = tpu.memref_slice %arg10[%dma_wait3A_388] : memref<1040xi32, #tpu.memory_space<vmem>> -> memref<1024xi32, #tpu.memory_space<vmem>>
    %dma_wait3A_390 = tpu.memref_slice %arg4[%add3A_243] : memref<262144xi32, #tpu.memory_space<hbm>> -> memref<1024xi32, #tpu.memory_space<hbm>>
    %dma_wait3A_391 = arith.constant 0 : i32
    %dma_wait3A_392 = tpu.memref_slice %arg10[%dma_wait3A_391] : memref<1040xi32, #tpu.memory_space<vmem>> -> memref<1024xi32, #tpu.memory_space<vmem>>
    %dma_wait3A_393 = tpu.memref_slice %arg4[%add3A_243] : memref<262144xi32, #tpu.memory_space<hbm>> -> memref<1024xi32, #tpu.memory_space<hbm>>
    tpu.wait_dma2 semaphore(%arg26 : memref<!tpu.dma_semaphore, #tpu.memory_space<semaphore_mem>>) src(%dma_wait3A_393 : memref<1024xi32, #tpu.memory_space<hbm>>) dst(%dma_wait3A_392 : memref<1024xi32, #tpu.memory_space<vmem>>)
    %dma_wait3A_394 = arith.constant 0 : i32
    %dma_wait3A_395 = tpu.memref_slice %arg14[%dma_wait3A_394] : memref<1040xi32, #tpu.memory_space<vmem>> -> memref<1024xi32, #tpu.memory_space<vmem>>
    %dma_wait3A_396 = tpu.memref_slice %arg5[%add3A_243] : memref<262144xi32, #tpu.memory_space<hbm>> -> memref<1024xi32, #tpu.memory_space<hbm>>
    %dma_wait3A_397 = arith.constant 0 : i32
    %dma_wait3A_398 = tpu.memref_slice %arg14[%dma_wait3A_397] : memref<1040xi32, #tpu.memory_space<vmem>> -> memref<1024xi32, #tpu.memory_space<vmem>>
    %dma_wait3A_399 = tpu.memref_slice %arg5[%add3A_243] : memref<262144xi32, #tpu.memory_space<hbm>> -> memref<1024xi32, #tpu.memory_space<hbm>>
    tpu.wait_dma2 semaphore(%arg26 : memref<!tpu.dma_semaphore, #tpu.memory_space<semaphore_mem>>) src(%dma_wait3A_399 : memref<1024xi32, #tpu.memory_space<hbm>>) dst(%dma_wait3A_398 : memref<1024xi32, #tpu.memory_space<vmem>>)
    %dma_wait3A_400 = tpu.memref_slice %arg3[%add3A_249] : memref<2097152xf32, #tpu.memory_space<hbm>> -> memref<8192xf32, #tpu.memory_space<hbm>>
    %dma_wait3A_401 = tpu.memref_slice %arg3[%add3A_249] : memref<2097152xf32, #tpu.memory_space<hbm>> -> memref<8192xf32, #tpu.memory_space<hbm>>
    tpu.wait_dma2 semaphore(%arg26 : memref<!tpu.dma_semaphore, #tpu.memory_space<semaphore_mem>>) src(%dma_wait3A_401 : memref<8192xf32, #tpu.memory_space<hbm>>) dst(%arg18 : memref<8192xf32, #tpu.memory_space<vmem>>)
    %dma_wait3A_402 = tpu.memref_slice %arg6[%add3A_237] : memref<2097152xf32, #tpu.memory_space<hbm>> -> memref<8192xf32, #tpu.memory_space<hbm>>
    %dma_wait3A_403 = tpu.memref_slice %arg6[%add3A_237] : memref<2097152xf32, #tpu.memory_space<hbm>> -> memref<8192xf32, #tpu.memory_space<hbm>>
    tpu.wait_dma2 semaphore(%arg30 : memref<!tpu.dma_semaphore, #tpu.memory_space<semaphore_mem>>) src(%arg22 : memref<8192xf32, #tpu.memory_space<vmem>>) dst(%dma_wait3A_403 : memref<8192xf32, #tpu.memory_space<hbm>>)
    %get3A_404 = arith.constant 0 : index
    %get3A_405 = tpu.vector_load %arg10[%get3A_404] {strides = array<i32>} : memref<1040xi32, #tpu.memory_space<vmem>>, vector<16xi32>,
    %get3A_406 = arith.constant 0 : index
    %get3A_407 = tpu.vector_load %arg14[%get3A_406] {strides = array<i32>} : memref<1040xi32, #tpu.memory_space<vmem>>, vector<16xi32>,
    %scan3A_408 = arith.constant 0 : i32
    %scan3A_409 = arith.constant 32 : i32
    %scan3A_410 = arith.addi %scan3A_408, %scan3A_409 : i32
    %scan3A_411 = arith.constant 1 : i32
    %scan3A_412:2 = scf.for %scan3A_464 = %scan3A_408 to %scan3A_410 step %scan3A_411 iter_args(%scan3A_465 = %get3A_405, %scan3A_466 = %get3A_407) -> (vector<16xi32>, vector<16xi32>)  : i32 {
      %mul3A_467 = arith.constant 2 : i32
      %mul3A_468 = arith.muli %scan3A_464, %mul3A_467 : i32
      %add3A_469 = arith.constant 0 : i32
      %add3A_470 = arith.addi %mul3A_468, %add3A_469 : i32
      %mul3A_471 = arith.constant 16 : i32
      %mul3A_472 = arith.muli %add3A_470, %mul3A_471 : i32
      %add3A_473 = arith.constant 16 : i32
      %add3A_474 = arith.addi %mul3A_472, %add3A_473 : i32
      %get3A_475 = arith.index_cast %add3A_474 : i32 to index
      %get3A_476 = tpu.vector_load %arg10[%get3A_475] {strides = array<i32>} : memref<1040xi32, #tpu.memory_space<vmem>>, vector<16xi32>,
      %get3A_477 = arith.index_cast %add3A_474 : i32 to index
      %get3A_478 = tpu.vector_load %arg14[%get3A_477] {strides = array<i32>} : memref<1040xi32, #tpu.memory_space<vmem>>, vector<16xi32>,
      %shift_right_arithmetic3A = arith.constant 3 : i32
      %shift_right_arithmetic3A_479 = arith.shrsi %add3A_470, %shift_right_arithmetic3A : i32
      %mul3A_480 = arith.constant 1024 : i32
      %mul3A_481 = arith.muli %shift_right_arithmetic3A_479, %mul3A_480 : i32
      %and3A = arith.constant 7 : i32
      %and3A_482 = arith.andi %add3A_470, %and3A : i32
      %mul3A_483 = arith.constant 16 : i32
      %mul3A_484 = arith.muli %and3A_482, %mul3A_483 : i32
      %add3A_485 = arith.addi %mul3A_481, %mul3A_484 : i32
      %eq3A_486 = arith.constant 1 : i32
      %eq3A_487 = vector.broadcast %eq3A_486 : i32 to vector<16xi32>
      %eq3A_488 = arith.cmpi eq, %scan3A_466, %eq3A_487 : vector<16xi32>
      %jit3A = arith.constant 2000 : i32
      %broadcast_in_dim3A_489 = vector.broadcast %jit3A : i32 to vector<16xi32>
      %select_n3A = arith.select %eq3A_488, %scan3A_465, %broadcast_in_dim3A_489 : vector<16xi1>, vector<16xi32>
      %gather3A = arith.constant 0 : i32
      %gather3A_490 = tpu.memref_slice %arg7[%gather3A] : memref<12288xi32, #tpu.memory_space<vmem>> -> memref<2048xi32, #tpu.memory_space<vmem>>
      %gather3A_491 = tpu.vector_load_idx %gather3A_490[%select_n3A] : memref<2048xi32, #tpu.memory_space<vmem>>[vector<16xi32>], vector<16xi32>,
      %bitcast3A = vector.bitcast %gather3A_491 : vector<16xi32> to vector<32xbf16>
      %unpack3A = tpu.unpack_subelements %bitcast3A, 0 {pack_format = #tpu.pack_format<interleaved>} : vector<32xbf16> -> vector<16xf32>
      %unpack3A_492 = tpu.unpack_subelements %bitcast3A, 1 {pack_format = #tpu.pack_format<interleaved>} : vector<32xbf16> -> vector<16xf32>
      %gather3A_493 = arith.constant 2048 : i32
      %gather3A_494 = tpu.memref_slice %arg7[%gather3A_493] : memref<12288xi32, #tpu.memory_space<vmem>> -> memref<2048xi32, #tpu.memory_space<vmem>>
      %gather3A_495 = tpu.vector_load_idx %gather3A_494[%select_n3A] : memref<2048xi32, #tpu.memory_space<vmem>>[vector<16xi32>], vector<16xi32>,
      %bitcast3A_496 = vector.bitcast %gather3A_495 : vector<16xi32> to vector<32xbf16>
      %unpack3A_497 = tpu.unpack_subelements %bitcast3A_496, 0 {pack_format = #tpu.pack_format<interleaved>} : vector<32xbf16> -> vector<16xf32>
      %unpack3A_498 = tpu.unpack_subelements %bitcast3A_496, 1 {pack_format = #tpu.pack_format<interleaved>} : vector<32xbf16> -> vector<16xf32>
      %gather3A_499 = arith.constant 4096 : i32
      %gather3A_500 = tpu.memref_slice %arg7[%gather3A_499] : memref<12288xi32, #tpu.memory_space<vmem>> -> memref<2048xi32, #tpu.memory_space<vmem>>
      %gather3A_501 = tpu.vector_load_idx %gather3A_500[%select_n3A] : memref<2048xi32, #tpu.memory_space<vmem>>[vector<16xi32>], vector<16xi32>,
      %bitcast3A_502 = vector.bitcast %gather3A_501 : vector<16xi32> to vector<32xbf16>
      %unpack3A_503 = tpu.unpack_subelements %bitcast3A_502, 0 {pack_format = #tpu.pack_format<interleaved>} : vector<32xbf16> -> vector<16xf32>
      %unpack3A_504 = tpu.unpack_subelements %bitcast3A_502, 1 {pack_format = #tpu.pack_format<interleaved>} : vector<32xbf16> -> vector<16xf32>
      %gather3A_505 = arith.constant 6144 : i32
      %gather3A_506 = tpu.memref_slice %arg7[%gather3A_505] : memref<12288xi32, #tpu.memory_space<vmem>> -> memref<2048xi32, #tpu.memory_space<vmem>>
      %gather3A_507 = tpu.vector_load_idx %gather3A_506[%select_n3A] : memref<2048xi32, #tpu.memory_space<vmem>>[vector<16xi32>], vector<16xi32>,
      %bitcast3A_508 = vector.bitcast %gather3A_507 : vector<16xi32> to vector<32xbf16>
      %unpack3A_509 = tpu.unpack_subelements %bitcast3A_508, 0 {pack_format = #tpu.pack_format<interleaved>} : vector<32xbf16> -> vector<16xf32>
      %unpack3A_510 = tpu.unpack_subelements %bitcast3A_508, 1 {pack_format = #tpu.pack_format<interleaved>} : vector<32xbf16> -> vector<16xf32>
      %gather3A_511 = arith.constant 8192 : i32
      %gather3A_512 = tpu.memref_slice %arg7[%gather3A_511] : memref<12288xi32, #tpu.memory_space<vmem>> -> memref<2048xi32, #tpu.memory_space<vmem>>
      %gather3A_513 = tpu.vector_load_idx %gather3A_512[%select_n3A] : memref<2048xi32, #tpu.memory_space<vmem>>[vector<16xi32>], vector<16xi32>,
      %bitcast3A_514 = vector.bitcast %gather3A_513 : vector<16xi32> to vector<32xbf16>
      %unpack3A_515 = tpu.unpack_subelements %bitcast3A_514, 0 {pack_format = #tpu.pack_format<interleaved>} : vector<32xbf16> -> vector<16xf32>
      %unpack3A_516 = tpu.unpack_subelements %bitcast3A_514, 1 {pack_format = #tpu.pack_format<interleaved>} : vector<32xbf16> -> vector<16xf32>
      %gather3A_517 = arith.constant 10240 : i32
      %gather3A_518 = tpu.memref_slice %arg7[%gather3A_517] : memref<12288xi32, #tpu.memory_space<vmem>> -> memref<2048xi32, #tpu.memory_space<vmem>>
      %gather3A_519 = tpu.vector_load_idx %gather3A_518[%select_n3A] : memref<2048xi32, #tpu.memory_space<vmem>>[vector<16xi32>], vector<16xi32>,
      %bitcast3A_520 = vector.bitcast %gather3A_519 : vector<16xi32> to vector<32xbf16>
      %unpack3A_521 = tpu.unpack_subelements %bitcast3A_520, 0 {pack_format = #tpu.pack_format<interleaved>} : vector<32xbf16> -> vector<16xf32>
      %unpack3A_522 = tpu.unpack_subelements %bitcast3A_520, 1 {pack_format = #tpu.pack_format<interleaved>} : vector<32xbf16> -> vector<16xf32>
      %get3A_523 = arith.index_cast %add3A_485 : i32 to index
      %get3A_524 = tpu.vector_load %arg18[%get3A_523] {strides = array<i32>} : memref<8192xf32, #tpu.memory_space<vmem>>, vector<16xf32>,
      %add3A_525 = arith.constant 128 : i32
      %add3A_526 = arith.addi %add3A_485, %add3A_525 : i32
      %get3A_527 = arith.index_cast %add3A_526 : i32 to index
      %get3A_528 = tpu.vector_load %arg18[%get3A_527] {strides = array<i32>} : memref<8192xf32, #tpu.memory_space<vmem>>, vector<16xf32>,
      %add3A_529 = arith.constant 256 : i32
      %add3A_530 = arith.addi %add3A_485, %add3A_529 : i32
      %get3A_531 = arith.index_cast %add3A_530 : i32 to index
      %get3A_532 = tpu.vector_load %arg18[%get3A_531] {strides = array<i32>} : memref<8192xf32, #tpu.memory_space<vmem>>, vector<16xf32>,
      %add3A_533 = arith.constant 384 : i32
      %add3A_534 = arith.addi %add3A_485, %add3A_533 : i32
      %get3A_535 = arith.index_cast %add3A_534 : i32 to index
      %get3A_536 = tpu.vector_load %arg18[%get3A_535] {strides = array<i32>} : memref<8192xf32, #tpu.memory_space<vmem>>, vector<16xf32>,
      %add3A_537 = arith.constant 512 : i32
      %add3A_538 = arith.addi %add3A_485, %add3A_537 : i32
      %get3A_539 = arith.index_cast %add3A_538 : i32 to index
      %get3A_540 = tpu.vector_load %arg18[%get3A_539] {strides = array<i32>} : memref<8192xf32, #tpu.memory_space<vmem>>, vector<16xf32>,
      %add3A_541 = arith.constant 640 : i32
      %add3A_542 = arith.addi %add3A_485, %add3A_541 : i32
      %get3A_543 = arith.index_cast %add3A_542 : i32 to index
      %get3A_544 = tpu.vector_load %arg18[%get3A_543] {strides = array<i32>} : memref<8192xf32, #tpu.memory_space<vmem>>, vector<16xf32>,
      %add3A_545 = arith.constant 768 : i32
      %add3A_546 = arith.addi %add3A_485, %add3A_545 : i32
      %get3A_547 = arith.index_cast %add3A_546 : i32 to index
      %get3A_548 = tpu.vector_load %arg18[%get3A_547] {strides = array<i32>} : memref<8192xf32, #tpu.memory_space<vmem>>, vector<16xf32>,
      %add3A_549 = arith.constant 896 : i32
      %add3A_550 = arith.addi %add3A_485, %add3A_549 : i32
      %get3A_551 = arith.index_cast %add3A_550 : i32 to index
      %get3A_552 = tpu.vector_load %arg18[%get3A_551] {strides = array<i32>} : memref<8192xf32, #tpu.memory_space<vmem>>, vector<16xf32>,
      %add3A_553 = arith.addf %get3A_524, %unpack3A : vector<16xf32>
      %swap3A = arith.index_cast %add3A_485 : i32 to index
      %swap3A_554 = tpu.vector_load %arg22[%swap3A] {strides = array<i32>} : memref<8192xf32, #tpu.memory_space<vmem>>, vector<16xf32>,
      tpu.vector_store %arg22[%swap3A], %add3A_553 {strides = array<i32>} : memref<8192xf32, #tpu.memory_space<vmem>>, vector<16xf32>,
      %add3A_555 = arith.addf %get3A_528, %unpack3A_492 : vector<16xf32>
      %add3A_556 = arith.constant 128 : i32
      %add3A_557 = arith.addi %add3A_485, %add3A_556 : i32
      %swap3A_558 = arith.index_cast %add3A_557 : i32 to index
      %swap3A_559 = tpu.vector_load %arg22[%swap3A_558] {strides = array<i32>} : memref<8192xf32, #tpu.memory_space<vmem>>, vector<16xf32>,
      tpu.vector_store %arg22[%swap3A_558], %add3A_555 {strides = array<i32>} : memref<8192xf32, #tpu.memory_space<vmem>>, vector<16xf32>,
      %add3A_560 = arith.addf %get3A_532, %unpack3A_497 : vector<16xf32>
      %add3A_561 = arith.constant 256 : i32
      %add3A_562 = arith.addi %add3A_485, %add3A_561 : i32
      %swap3A_563 = arith.index_cast %add3A_562 : i32 to index
      %swap3A_564 = tpu.vector_load %arg22[%swap3A_563] {strides = array<i32>} : memref<8192xf32, #tpu.memory_space<vmem>>, vector<16xf32>,
      tpu.vector_store %arg22[%swap3A_563], %add3A_560 {strides = array<i32>} : memref<8192xf32, #tpu.memory_space<vmem>>, vector<16xf32>,
      %mul3A_565 = arith.mulf %unpack3A_498, %get3A_536 : vector<16xf32>
      %mul3A_566 = arith.mulf %unpack3A_503, %get3A_540 : vector<16xf32>
      %add3A_567 = arith.addf %mul3A_565, %mul3A_566 : vector<16xf32>
      %mul3A_568 = arith.mulf %unpack3A_504, %get3A_544 : vector<16xf32>
      %add3A_569 = arith.addf %add3A_567, %mul3A_568 : vector<16xf32>
      %add3A_570 = arith.constant 384 : i32
      %add3A_571 = arith.addi %add3A_485, %add3A_570 : i32
      %swap3A_572 = arith.index_cast %add3A_571 : i32 to index
      %swap3A_573 = tpu.vector_load %arg22[%swap3A_572] {strides = array<i32>} : memref<8192xf32, #tpu.memory_space<vmem>>, vector<16xf32>,
      tpu.vector_store %arg22[%swap3A_572], %add3A_569 {strides = array<i32>} : memref<8192xf32, #tpu.memory_space<vmem>>, vector<16xf32>,
      %mul3A_574 = arith.mulf %unpack3A_509, %get3A_536 : vector<16xf32>
      %mul3A_575 = arith.mulf %unpack3A_510, %get3A_540 : vector<16xf32>
      %add3A_576 = arith.addf %mul3A_574, %mul3A_575 : vector<16xf32>
      %mul3A_577 = arith.mulf %unpack3A_515, %get3A_544 : vector<16xf32>
      %add3A_578 = arith.addf %add3A_576, %mul3A_577 : vector<16xf32>
      %add3A_579 = arith.constant 512 : i32
      %add3A_580 = arith.addi %add3A_485, %add3A_579 : i32
      %swap3A_581 = arith.index_cast %add3A_580 : i32 to index
      %swap3A_582 = tpu.vector_load %arg22[%swap3A_581] {strides = array<i32>} : memref<8192xf32, #tpu.memory_space<vmem>>, vector<16xf32>,
      tpu.vector_store %arg22[%swap3A_581], %add3A_578 {strides = array<i32>} : memref<8192xf32, #tpu.memory_space<vmem>>, vector<16xf32>,
      %mul3A_583 = arith.mulf %unpack3A_516, %get3A_536 : vector<16xf32>
      %mul3A_584 = arith.mulf %unpack3A_521, %get3A_540 : vector<16xf32>
      %add3A_585 = arith.addf %mul3A_583, %mul3A_584 : vector<16xf32>
      %mul3A_586 = arith.mulf %unpack3A_522, %get3A_544 : vector<16xf32>
      %add3A_587 = arith.addf %add3A_585, %mul3A_586 : vector<16xf32>
      %add3A_588 = arith.constant 640 : i32
      %add3A_589 = arith.addi %add3A_485, %add3A_588 : i32
      %swap3A_590 = arith.index_cast %add3A_589 : i32 to index
      %swap3A_591 = tpu.vector_load %arg22[%swap3A_590] {strides = array<i32>} : memref<8192xf32, #tpu.memory_space<vmem>>, vector<16xf32>,
      tpu.vector_store %arg22[%swap3A_590], %add3A_587 {strides = array<i32>} : memref<8192xf32, #tpu.memory_space<vmem>>, vector<16xf32>,
      %add3A_592 = arith.constant 768 : i32
      %add3A_593 = arith.addi %add3A_485, %add3A_592 : i32
      %swap3A_594 = arith.index_cast %add3A_593 : i32 to index
      %swap3A_595 = tpu.vector_load %arg22[%swap3A_594] {strides = array<i32>} : memref<8192xf32, #tpu.memory_space<vmem>>, vector<16xf32>,
      tpu.vector_store %arg22[%swap3A_594], %get3A_548 {strides = array<i32>} : memref<8192xf32, #tpu.memory_space<vmem>>, vector<16xf32>,
      %add3A_596 = arith.constant 896 : i32
      %add3A_597 = arith.addi %add3A_485, %add3A_596 : i32
      %swap3A_598 = arith.index_cast %add3A_597 : i32 to index
      %swap3A_599 = tpu.vector_load %arg22[%swap3A_598] {strides = array<i32>} : memref<8192xf32, #tpu.memory_space<vmem>>, vector<16xf32>,
      tpu.vector_store %arg22[%swap3A_598], %get3A_552 {strides = array<i32>} : memref<8192xf32, #tpu.memory_space<vmem>>, vector<16xf32>,
      %mul3A_600 = arith.constant 2 : i32
      %mul3A_601 = arith.muli %scan3A_464, %mul3A_600 : i32
      %add3A_602 = arith.constant 1 : i32
      %add3A_603 = arith.addi %mul3A_601, %add3A_602 : i32
      %mul3A_604 = arith.constant 16 : i32
      %mul3A_605 = arith.muli %add3A_603, %mul3A_604 : i32
      %add3A_606 = arith.constant 16 : i32
      %add3A_607 = arith.addi %mul3A_605, %add3A_606 : i32
      %get3A_608 = arith.index_cast %add3A_607 : i32 to index
      %get3A_609 = tpu.vector_load %arg10[%get3A_608] {strides = array<i32>} : memref<1040xi32, #tpu.memory_space<vmem>>, vector<16xi32>,
      %get3A_610 = arith.index_cast %add3A_607 : i32 to index
      %get3A_611 = tpu.vector_load %arg14[%get3A_610] {strides = array<i32>} : memref<1040xi32, #tpu.memory_space<vmem>>, vector<16xi32>,
      %shift_right_arithmetic3A_612 = arith.constant 3 : i32
      %shift_right_arithmetic3A_613 = arith.shrsi %add3A_603, %shift_right_arithmetic3A_612 : i32
      %mul3A_614 = arith.constant 1024 : i32
      %mul3A_615 = arith.muli %shift_right_arithmetic3A_613, %mul3A_614 : i32
      %and3A_616 = arith.constant 7 : i32
      %and3A_617 = arith.andi %add3A_603, %and3A_616 : i32
      %mul3A_618 = arith.constant 16 : i32
      %mul3A_619 = arith.muli %and3A_617, %mul3A_618 : i32
      %add3A_620 = arith.addi %mul3A_615, %mul3A_619 : i32
      %eq3A_621 = arith.constant 1 : i32
      %eq3A_622 = vector.broadcast %eq3A_621 : i32 to vector<16xi32>
      %eq3A_623 = arith.cmpi eq, %get3A_478, %eq3A_622 : vector<16xi32>
      %jit3A_624 = arith.constant 2000 : i32
      %broadcast_in_dim3A_625 = vector.broadcast %jit3A_624 : i32 to vector<16xi32>
      %select_n3A_626 = arith.select %eq3A_623, %get3A_476, %broadcast_in_dim3A_625 : vector<16xi1>, vector<16xi32>
      %gather3A_627 = arith.constant 0 : i32
      %gather3A_628 = tpu.memref_slice %arg7[%gather3A_627] : memref<12288xi32, #tpu.memory_space<vmem>> -> memref<2048xi32, #tpu.memory_space<vmem>>
      %gather3A_629 = tpu.vector_load_idx %gather3A_628[%select_n3A_626] : memref<2048xi32, #tpu.memory_space<vmem>>[vector<16xi32>], vector<16xi32>,
      %bitcast3A_630 = vector.bitcast %gather3A_629 : vector<16xi32> to vector<32xbf16>
      %unpack3A_631 = tpu.unpack_subelements %bitcast3A_630, 0 {pack_format = #tpu.pack_format<interleaved>} : vector<32xbf16> -> vector<16xf32>
      %unpack3A_632 = tpu.unpack_subelements %bitcast3A_630, 1 {pack_format = #tpu.pack_format<interleaved>} : vector<32xbf16> -> vector<16xf32>
      %gather3A_633 = arith.constant 2048 : i32
      %gather3A_634 = tpu.memref_slice %arg7[%gather3A_633] : memref<12288xi32, #tpu.memory_space<vmem>> -> memref<2048xi32, #tpu.memory_space<vmem>>
      %gather3A_635 = tpu.vector_load_idx %gather3A_634[%select_n3A_626] : memref<2048xi32, #tpu.memory_space<vmem>>[vector<16xi32>], vector<16xi32>,
      %bitcast3A_636 = vector.bitcast %gather3A_635 : vector<16xi32> to vector<32xbf16>
      %unpack3A_637 = tpu.unpack_subelements %bitcast3A_636, 0 {pack_format = #tpu.pack_format<interleaved>} : vector<32xbf16> -> vector<16xf32>
      %unpack3A_638 = tpu.unpack_subelements %bitcast3A_636, 1 {pack_format = #tpu.pack_format<interleaved>} : vector<32xbf16> -> vector<16xf32>
      %gather3A_639 = arith.constant 4096 : i32
      %gather3A_640 = tpu.memref_slice %arg7[%gather3A_639] : memref<12288xi32, #tpu.memory_space<vmem>> -> memref<2048xi32, #tpu.memory_space<vmem>>
      %gather3A_641 = tpu.vector_load_idx %gather3A_640[%select_n3A_626] : memref<2048xi32, #tpu.memory_space<vmem>>[vector<16xi32>], vector<16xi32>,
      %bitcast3A_642 = vector.bitcast %gather3A_641 : vector<16xi32> to vector<32xbf16>
      %unpack3A_643 = tpu.unpack_subelements %bitcast3A_642, 0 {pack_format = #tpu.pack_format<interleaved>} : vector<32xbf16> -> vector<16xf32>
      %unpack3A_644 = tpu.unpack_subelements %bitcast3A_642, 1 {pack_format = #tpu.pack_format<interleaved>} : vector<32xbf16> -> vector<16xf32>
      %gather3A_645 = arith.constant 6144 : i32
      %gather3A_646 = tpu.memref_slice %arg7[%gather3A_645] : memref<12288xi32, #tpu.memory_space<vmem>> -> memref<2048xi32, #tpu.memory_space<vmem>>
      %gather3A_647 = tpu.vector_load_idx %gather3A_646[%select_n3A_626] : memref<2048xi32, #tpu.memory_space<vmem>>[vector<16xi32>], vector<16xi32>,
      %bitcast3A_648 = vector.bitcast %gather3A_647 : vector<16xi32> to vector<32xbf16>
      %unpack3A_649 = tpu.unpack_subelements %bitcast3A_648, 0 {pack_format = #tpu.pack_format<interleaved>} : vector<32xbf16> -> vector<16xf32>
      %unpack3A_650 = tpu.unpack_subelements %bitcast3A_648, 1 {pack_format = #tpu.pack_format<interleaved>} : vector<32xbf16> -> vector<16xf32>
      %gather3A_651 = arith.constant 8192 : i32
      %gather3A_652 = tpu.memref_slice %arg7[%gather3A_651] : memref<12288xi32, #tpu.memory_space<vmem>> -> memref<2048xi32, #tpu.memory_space<vmem>>
      %gather3A_653 = tpu.vector_load_idx %gather3A_652[%select_n3A_626] : memref<2048xi32, #tpu.memory_space<vmem>>[vector<16xi32>], vector<16xi32>,
      %bitcast3A_654 = vector.bitcast %gather3A_653 : vector<16xi32> to vector<32xbf16>
      %unpack3A_655 = tpu.unpack_subelements %bitcast3A_654, 0 {pack_format = #tpu.pack_format<interleaved>} : vector<32xbf16> -> vector<16xf32>
      %unpack3A_656 = tpu.unpack_subelements %bitcast3A_654, 1 {pack_format = #tpu.pack_format<interleaved>} : vector<32xbf16> -> vector<16xf32>
      %gather3A_657 = arith.constant 10240 : i32
      %gather3A_658 = tpu.memref_slice %arg7[%gather3A_657] : memref<12288xi32, #tpu.memory_space<vmem>> -> memref<2048xi32, #tpu.memory_space<vmem>>
      %gather3A_659 = tpu.vector_load_idx %gather3A_658[%select_n3A_626] : memref<2048xi32, #tpu.memory_space<vmem>>[vector<16xi32>], vector<16xi32>,
      %bitcast3A_660 = vector.bitcast %gather3A_659 : vector<16xi32> to vector<32xbf16>
      %unpack3A_661 = tpu.unpack_subelements %bitcast3A_660, 0 {pack_format = #tpu.pack_format<interleaved>} : vector<32xbf16> -> vector<16xf32>
      %unpack3A_662 = tpu.unpack_subelements %bitcast3A_660, 1 {pack_format = #tpu.pack_format<interleaved>} : vector<32xbf16> -> vector<16xf32>
      %get3A_663 = arith.index_cast %add3A_620 : i32 to index
      %get3A_664 = tpu.vector_load %arg18[%get3A_663] {strides = array<i32>} : memref<8192xf32, #tpu.memory_space<vmem>>, vector<16xf32>,
      %add3A_665 = arith.constant 128 : i32
      %add3A_666 = arith.addi %add3A_620, %add3A_665 : i32
      %get3A_667 = arith.index_cast %add3A_666 : i32 to index
      %get3A_668 = tpu.vector_load %arg18[%get3A_667] {strides = array<i32>} : memref<8192xf32, #tpu.memory_space<vmem>>, vector<16xf32>,
      %add3A_669 = arith.constant 256 : i32
      %add3A_670 = arith.addi %add3A_620, %add3A_669 : i32
      %get3A_671 = arith.index_cast %add3A_670 : i32 to index
      %get3A_672 = tpu.vector_load %arg18[%get3A_671] {strides = array<i32>} : memref<8192xf32, #tpu.memory_space<vmem>>, vector<16xf32>,
      %add3A_673 = arith.constant 384 : i32
      %add3A_674 = arith.addi %add3A_620, %add3A_673 : i32
      %get3A_675 = arith.index_cast %add3A_674 : i32 to index
      %get3A_676 = tpu.vector_load %arg18[%get3A_675] {strides = array<i32>} : memref<8192xf32, #tpu.memory_space<vmem>>, vector<16xf32>,
      %add3A_677 = arith.constant 512 : i32
      %add3A_678 = arith.addi %add3A_620, %add3A_677 : i32
      %get3A_679 = arith.index_cast %add3A_678 : i32 to index
      %get3A_680 = tpu.vector_load %arg18[%get3A_679] {strides = array<i32>} : memref<8192xf32, #tpu.memory_space<vmem>>, vector<16xf32>,
      %add3A_681 = arith.constant 640 : i32
      %add3A_682 = arith.addi %add3A_620, %add3A_681 : i32
      %get3A_683 = arith.index_cast %add3A_682 : i32 to index
      %get3A_684 = tpu.vector_load %arg18[%get3A_683] {strides = array<i32>} : memref<8192xf32, #tpu.memory_space<vmem>>, vector<16xf32>,
      %add3A_685 = arith.constant 768 : i32
      %add3A_686 = arith.addi %add3A_620, %add3A_685 : i32
      %get3A_687 = arith.index_cast %add3A_686 : i32 to index
      %get3A_688 = tpu.vector_load %arg18[%get3A_687] {strides = array<i32>} : memref<8192xf32, #tpu.memory_space<vmem>>, vector<16xf32>,
      %add3A_689 = arith.constant 896 : i32
      %add3A_690 = arith.addi %add3A_620, %add3A_689 : i32
      %get3A_691 = arith.index_cast %add3A_690 : i32 to index
      %get3A_692 = tpu.vector_load %arg18[%get3A_691] {strides = array<i32>} : memref<8192xf32, #tpu.memory_space<vmem>>, vector<16xf32>,
      %add3A_693 = arith.addf %get3A_664, %unpack3A_631 : vector<16xf32>
      %swap3A_694 = arith.index_cast %add3A_620 : i32 to index
      %swap3A_695 = tpu.vector_load %arg22[%swap3A_694] {strides = array<i32>} : memref<8192xf32, #tpu.memory_space<vmem>>, vector<16xf32>,
      tpu.vector_store %arg22[%swap3A_694], %add3A_693 {strides = array<i32>} : memref<8192xf32, #tpu.memory_space<vmem>>, vector<16xf32>,
      %add3A_696 = arith.addf %get3A_668, %unpack3A_632 : vector<16xf32>
      %add3A_697 = arith.constant 128 : i32
      %add3A_698 = arith.addi %add3A_620, %add3A_697 : i32
      %swap3A_699 = arith.index_cast %add3A_698 : i32 to index
      %swap3A_700 = tpu.vector_load %arg22[%swap3A_699] {strides = array<i32>} : memref<8192xf32, #tpu.memory_space<vmem>>, vector<16xf32>,
      tpu.vector_store %arg22[%swap3A_699], %add3A_696 {strides = array<i32>} : memref<8192xf32, #tpu.memory_space<vmem>>, vector<16xf32>,
      %add3A_701 = arith.addf %get3A_672, %unpack3A_637 : vector<16xf32>
      %add3A_702 = arith.constant 256 : i32
      %add3A_703 = arith.addi %add3A_620, %add3A_702 : i32
      %swap3A_704 = arith.index_cast %add3A_703 : i32 to index
      %swap3A_705 = tpu.vector_load %arg22[%swap3A_704] {strides = array<i32>} : memref<8192xf32, #tpu.memory_space<vmem>>, vector<16xf32>,
      tpu.vector_store %arg22[%swap3A_704], %add3A_701 {strides = array<i32>} : memref<8192xf32, #tpu.memory_space<vmem>>, vector<16xf32>,
      %mul3A_706 = arith.mulf %unpack3A_638, %get3A_676 : vector<16xf32>
      %mul3A_707 = arith.mulf %unpack3A_643, %get3A_680 : vector<16xf32>
      %add3A_708 = arith.addf %mul3A_706, %mul3A_707 : vector<16xf32>
      %mul3A_709 = arith.mulf %unpack3A_644, %get3A_684 : vector<16xf32>
      %add3A_710 = arith.addf %add3A_708, %mul3A_709 : vector<16xf32>
      %add3A_711 = arith.constant 384 : i32
      %add3A_712 = arith.addi %add3A_620, %add3A_711 : i32
      %swap3A_713 = arith.index_cast %add3A_712 : i32 to index
      %swap3A_714 = tpu.vector_load %arg22[%swap3A_713] {strides = array<i32>} : memref<8192xf32, #tpu.memory_space<vmem>>, vector<16xf32>,
      tpu.vector_store %arg22[%swap3A_713], %add3A_710 {strides = array<i32>} : memref<8192xf32, #tpu.memory_space<vmem>>, vector<16xf32>,
      %mul3A_715 = arith.mulf %unpack3A_649, %get3A_676 : vector<16xf32>
      %mul3A_716 = arith.mulf %unpack3A_650, %get3A_680 : vector<16xf32>
      %add3A_717 = arith.addf %mul3A_715, %mul3A_716 : vector<16xf32>
      %mul3A_718 = arith.mulf %unpack3A_655, %get3A_684 : vector<16xf32>
      %add3A_719 = arith.addf %add3A_717, %mul3A_718 : vector<16xf32>
      %add3A_720 = arith.constant 512 : i32
      %add3A_721 = arith.addi %add3A_620, %add3A_720 : i32
      %swap3A_722 = arith.index_cast %add3A_721 : i32 to index
      %swap3A_723 = tpu.vector_load %arg22[%swap3A_722] {strides = array<i32>} : memref<8192xf32, #tpu.memory_space<vmem>>, vector<16xf32>,
      tpu.vector_store %arg22[%swap3A_722], %add3A_719 {strides = array<i32>} : memref<8192xf32, #tpu.memory_space<vmem>>, vector<16xf32>,
      %mul3A_724 = arith.mulf %unpack3A_656, %get3A_676 : vector<16xf32>
      %mul3A_725 = arith.mulf %unpack3A_661, %get3A_680 : vector<16xf32>
      %add3A_726 = arith.addf %mul3A_724, %mul3A_725 : vector<16xf32>
      %mul3A_727 = arith.mulf %unpack3A_662, %get3A_684 : vector<16xf32>
      %add3A_728 = arith.addf %add3A_726, %mul3A_727 : vector<16xf32>
      %add3A_729 = arith.constant 640 : i32
      %add3A_730 = arith.addi %add3A_620, %add3A_729 : i32
      %swap3A_731 = arith.index_cast %add3A_730 : i32 to index
      %swap3A_732 = tpu.vector_load %arg22[%swap3A_731] {strides = array<i32>} : memref<8192xf32, #tpu.memory_space<vmem>>, vector<16xf32>,
      tpu.vector_store %arg22[%swap3A_731], %add3A_728 {strides = array<i32>} : memref<8192xf32, #tpu.memory_space<vmem>>, vector<16xf32>,
      %add3A_733 = arith.constant 768 : i32
      %add3A_734 = arith.addi %add3A_620, %add3A_733 : i32
      %swap3A_735 = arith.index_cast %add3A_734 : i32 to index
      %swap3A_736 = tpu.vector_load %arg22[%swap3A_735] {strides = array<i32>} : memref<8192xf32, #tpu.memory_space<vmem>>, vector<16xf32>,
      tpu.vector_store %arg22[%swap3A_735], %get3A_688 {strides = array<i32>} : memref<8192xf32, #tpu.memory_space<vmem>>, vector<16xf32>,
      %add3A_737 = arith.constant 896 : i32
      %add3A_738 = arith.addi %add3A_620, %add3A_737 : i32
      %swap3A_739 = arith.index_cast %add3A_738 : i32 to index
      %swap3A_740 = tpu.vector_load %arg22[%swap3A_739] {strides = array<i32>} : memref<8192xf32, #tpu.memory_space<vmem>>, vector<16xf32>,
      tpu.vector_store %arg22[%swap3A_739], %get3A_692 {strides = array<i32>} : memref<8192xf32, #tpu.memory_space<vmem>>, vector<16xf32>,
      scf.yield %get3A_609, %get3A_611 : vector<16xi32>, vector<16xi32>
    }
    %scan3A_413 = arith.constant 32 : i32
    %mul3A_414 = arith.constant 64 : i32
    %mul3A_415 = arith.muli %add3A, %mul3A_414 : i32
    %mul3A_416 = arith.constant 1024 : i32
    %mul3A_417 = arith.muli %mul3A_415, %mul3A_416 : i32
    %add3A_418 = arith.constant 49152 : i32
    %add3A_419 = arith.addi %mul3A_417, %add3A_418 : i32
    %dma_start3A_420 = tpu.memref_slice %arg6[%add3A_419] : memref<2097152xf32, #tpu.memory_space<hbm>> -> memref<8192xf32, #tpu.memory_space<hbm>>
    %dma_start3A_421 = tpu.memref_slice %arg6[%add3A_419] : memref<2097152xf32, #tpu.memory_space<hbm>> -> memref<8192xf32, #tpu.memory_space<hbm>>
    tpu.enqueue_dma source(%arg22 : memref<8192xf32, #tpu.memory_space<vmem>>) target(%dma_start3A_421 : memref<8192xf32, #tpu.memory_space<hbm>>) target_semaphore(%arg30 : memref<!tpu.dma_semaphore, #tpu.memory_space<semaphore_mem>>)
    %dma_wait3A_422 = arith.constant 0 : i32
    %dma_wait3A_423 = tpu.memref_slice %arg11[%dma_wait3A_422] : memref<1040xi32, #tpu.memory_space<vmem>> -> memref<1024xi32, #tpu.memory_space<vmem>>
    %dma_wait3A_424 = tpu.memref_slice %arg4[%add3A_299] : memref<262144xi32, #tpu.memory_space<hbm>> -> memref<1024xi32, #tpu.memory_space<hbm>>
    %dma_wait3A_425 = arith.constant 0 : i32
    %dma_wait3A_426 = tpu.memref_slice %arg11[%dma_wait3A_425] : memref<1040xi32, #tpu.memory_space<vmem>> -> memref<1024xi32, #tpu.memory_space<vmem>>
    %dma_wait3A_427 = tpu.memref_slice %arg4[%add3A_299] : memref<262144xi32, #tpu.memory_space<hbm>> -> memref<1024xi32, #tpu.memory_space<hbm>>
    tpu.wait_dma2 semaphore(%arg27 : memref<!tpu.dma_semaphore, #tpu.memory_space<semaphore_mem>>) src(%dma_wait3A_427 : memref<1024xi32, #tpu.memory_space<hbm>>) dst(%dma_wait3A_426 : memref<1024xi32, #tpu.memory_space<vmem>>)
    %dma_wait3A_428 = arith.constant 0 : i32
    %dma_wait3A_429 = tpu.memref_slice %arg15[%dma_wait3A_428] : memref<1040xi32, #tpu.memory_space<vmem>> -> memref<1024xi32, #tpu.memory_space<vmem>>
    %dma_wait3A_430 = tpu.memref_slice %arg5[%add3A_299] : memref<262144xi32, #tpu.memory_space<hbm>> -> memref<1024xi32, #tpu.memory_space<hbm>>
    %dma_wait3A_431 = arith.constant 0 : i32
    %dma_wait3A_432 = tpu.memref_slice %arg15[%dma_wait3A_431] : memref<1040xi32, #tpu.memory_space<vmem>> -> memref<1024xi32, #tpu.memory_space<vmem>>
    %dma_wait3A_433 = tpu.memref_slice %arg5[%add3A_299] : memref<262144xi32, #tpu.memory_space<hbm>> -> memref<1024xi32, #tpu.memory_space<hbm>>
    tpu.wait_dma2 semaphore(%arg27 : memref<!tpu.dma_semaphore, #tpu.memory_space<semaphore_mem>>) src(%dma_wait3A_433 : memref<1024xi32, #tpu.memory_space<hbm>>) dst(%dma_wait3A_432 : memref<1024xi32, #tpu.memory_space<vmem>>)
    %dma_wait3A_434 = tpu.memref_slice %arg3[%add3A_305] : memref<2097152xf32, #tpu.memory_space<hbm>> -> memref<8192xf32, #tpu.memory_space<hbm>>
    %dma_wait3A_435 = tpu.memref_slice %arg3[%add3A_305] : memref<2097152xf32, #tpu.memory_space<hbm>> -> memref<8192xf32, #tpu.memory_space<hbm>>
    tpu.wait_dma2 semaphore(%arg27 : memref<!tpu.dma_semaphore, #tpu.memory_space<semaphore_mem>>) src(%dma_wait3A_435 : memref<8192xf32, #tpu.memory_space<hbm>>) dst(%arg19 : memref<8192xf32, #tpu.memory_space<vmem>>)
    %dma_wait3A_436 = tpu.memref_slice %arg6[%add3A_293] : memref<2097152xf32, #tpu.memory_space<hbm>> -> memref<8192xf32, #tpu.memory_space<hbm>>
    %dma_wait3A_437 = tpu.memref_slice %arg6[%add3A_293] : memref<2097152xf32, #tpu.memory_space<hbm>> -> memref<8192xf32, #tpu.memory_space<hbm>>
    tpu.wait_dma2 semaphore(%arg31 : memref<!tpu.dma_semaphore, #tpu.memory_space<semaphore_mem>>) src(%arg23 : memref<8192xf32, #tpu.memory_space<vmem>>) dst(%dma_wait3A_437 : memref<8192xf32, #tpu.memory_space<hbm>>)
    %get3A_438 = arith.constant 0 : index
    %get3A_439 = tpu.vector_load %arg11[%get3A_438] {strides = array<i32>} : memref<1040xi32, #tpu.memory_space<vmem>>, vector<16xi32>,
    %get3A_440 = arith.constant 0 : index
    %get3A_441 = tpu.vector_load %arg15[%get3A_440] {strides = array<i32>} : memref<1040xi32, #tpu.memory_space<vmem>>, vector<16xi32>,
    %scan3A_442 = arith.constant 0 : i32
    %scan3A_443 = arith.constant 32 : i32
    %scan3A_444 = arith.addi %scan3A_442, %scan3A_443 : i32
    %scan3A_445 = arith.constant 1 : i32
    %scan3A_446:2 = scf.for %scan3A_464 = %scan3A_442 to %scan3A_444 step %scan3A_445 iter_args(%scan3A_465 = %get3A_439, %scan3A_466 = %get3A_441) -> (vector<16xi32>, vector<16xi32>)  : i32 {
      %mul3A_467 = arith.constant 2 : i32
      %mul3A_468 = arith.muli %scan3A_464, %mul3A_467 : i32
      %add3A_469 = arith.constant 0 : i32
      %add3A_470 = arith.addi %mul3A_468, %add3A_469 : i32
      %mul3A_471 = arith.constant 16 : i32
      %mul3A_472 = arith.muli %add3A_470, %mul3A_471 : i32
      %add3A_473 = arith.constant 16 : i32
      %add3A_474 = arith.addi %mul3A_472, %add3A_473 : i32
      %get3A_475 = arith.index_cast %add3A_474 : i32 to index
      %get3A_476 = tpu.vector_load %arg11[%get3A_475] {strides = array<i32>} : memref<1040xi32, #tpu.memory_space<vmem>>, vector<16xi32>,
      %get3A_477 = arith.index_cast %add3A_474 : i32 to index
      %get3A_478 = tpu.vector_load %arg15[%get3A_477] {strides = array<i32>} : memref<1040xi32, #tpu.memory_space<vmem>>, vector<16xi32>,
      %shift_right_arithmetic3A = arith.constant 3 : i32
      %shift_right_arithmetic3A_479 = arith.shrsi %add3A_470, %shift_right_arithmetic3A : i32
      %mul3A_480 = arith.constant 1024 : i32
      %mul3A_481 = arith.muli %shift_right_arithmetic3A_479, %mul3A_480 : i32
      %and3A = arith.constant 7 : i32
      %and3A_482 = arith.andi %add3A_470, %and3A : i32
      %mul3A_483 = arith.constant 16 : i32
      %mul3A_484 = arith.muli %and3A_482, %mul3A_483 : i32
      %add3A_485 = arith.addi %mul3A_481, %mul3A_484 : i32
      %eq3A_486 = arith.constant 1 : i32
      %eq3A_487 = vector.broadcast %eq3A_486 : i32 to vector<16xi32>
      %eq3A_488 = arith.cmpi eq, %scan3A_466, %eq3A_487 : vector<16xi32>
      %jit3A = arith.constant 2000 : i32
      %broadcast_in_dim3A_489 = vector.broadcast %jit3A : i32 to vector<16xi32>
      %select_n3A = arith.select %eq3A_488, %scan3A_465, %broadcast_in_dim3A_489 : vector<16xi1>, vector<16xi32>
      %gather3A = arith.constant 0 : i32
      %gather3A_490 = tpu.memref_slice %arg7[%gather3A] : memref<12288xi32, #tpu.memory_space<vmem>> -> memref<2048xi32, #tpu.memory_space<vmem>>
      %gather3A_491 = tpu.vector_load_idx %gather3A_490[%select_n3A] : memref<2048xi32, #tpu.memory_space<vmem>>[vector<16xi32>], vector<16xi32>,
      %bitcast3A = vector.bitcast %gather3A_491 : vector<16xi32> to vector<32xbf16>
      %unpack3A = tpu.unpack_subelements %bitcast3A, 0 {pack_format = #tpu.pack_format<interleaved>} : vector<32xbf16> -> vector<16xf32>
      %unpack3A_492 = tpu.unpack_subelements %bitcast3A, 1 {pack_format = #tpu.pack_format<interleaved>} : vector<32xbf16> -> vector<16xf32>
      %gather3A_493 = arith.constant 2048 : i32
      %gather3A_494 = tpu.memref_slice %arg7[%gather3A_493] : memref<12288xi32, #tpu.memory_space<vmem>> -> memref<2048xi32, #tpu.memory_space<vmem>>
      %gather3A_495 = tpu.vector_load_idx %gather3A_494[%select_n3A] : memref<2048xi32, #tpu.memory_space<vmem>>[vector<16xi32>], vector<16xi32>,
      %bitcast3A_496 = vector.bitcast %gather3A_495 : vector<16xi32> to vector<32xbf16>
      %unpack3A_497 = tpu.unpack_subelements %bitcast3A_496, 0 {pack_format = #tpu.pack_format<interleaved>} : vector<32xbf16> -> vector<16xf32>
      %unpack3A_498 = tpu.unpack_subelements %bitcast3A_496, 1 {pack_format = #tpu.pack_format<interleaved>} : vector<32xbf16> -> vector<16xf32>
      %gather3A_499 = arith.constant 4096 : i32
      %gather3A_500 = tpu.memref_slice %arg7[%gather3A_499] : memref<12288xi32, #tpu.memory_space<vmem>> -> memref<2048xi32, #tpu.memory_space<vmem>>
      %gather3A_501 = tpu.vector_load_idx %gather3A_500[%select_n3A] : memref<2048xi32, #tpu.memory_space<vmem>>[vector<16xi32>], vector<16xi32>,
      %bitcast3A_502 = vector.bitcast %gather3A_501 : vector<16xi32> to vector<32xbf16>
      %unpack3A_503 = tpu.unpack_subelements %bitcast3A_502, 0 {pack_format = #tpu.pack_format<interleaved>} : vector<32xbf16> -> vector<16xf32>
      %unpack3A_504 = tpu.unpack_subelements %bitcast3A_502, 1 {pack_format = #tpu.pack_format<interleaved>} : vector<32xbf16> -> vector<16xf32>
      %gather3A_505 = arith.constant 6144 : i32
      %gather3A_506 = tpu.memref_slice %arg7[%gather3A_505] : memref<12288xi32, #tpu.memory_space<vmem>> -> memref<2048xi32, #tpu.memory_space<vmem>>
      %gather3A_507 = tpu.vector_load_idx %gather3A_506[%select_n3A] : memref<2048xi32, #tpu.memory_space<vmem>>[vector<16xi32>], vector<16xi32>,
      %bitcast3A_508 = vector.bitcast %gather3A_507 : vector<16xi32> to vector<32xbf16>
      %unpack3A_509 = tpu.unpack_subelements %bitcast3A_508, 0 {pack_format = #tpu.pack_format<interleaved>} : vector<32xbf16> -> vector<16xf32>
      %unpack3A_510 = tpu.unpack_subelements %bitcast3A_508, 1 {pack_format = #tpu.pack_format<interleaved>} : vector<32xbf16> -> vector<16xf32>
      %gather3A_511 = arith.constant 8192 : i32
      %gather3A_512 = tpu.memref_slice %arg7[%gather3A_511] : memref<12288xi32, #tpu.memory_space<vmem>> -> memref<2048xi32, #tpu.memory_space<vmem>>
      %gather3A_513 = tpu.vector_load_idx %gather3A_512[%select_n3A] : memref<2048xi32, #tpu.memory_space<vmem>>[vector<16xi32>], vector<16xi32>,
      %bitcast3A_514 = vector.bitcast %gather3A_513 : vector<16xi32> to vector<32xbf16>
      %unpack3A_515 = tpu.unpack_subelements %bitcast3A_514, 0 {pack_format = #tpu.pack_format<interleaved>} : vector<32xbf16> -> vector<16xf32>
      %unpack3A_516 = tpu.unpack_subelements %bitcast3A_514, 1 {pack_format = #tpu.pack_format<interleaved>} : vector<32xbf16> -> vector<16xf32>
      %gather3A_517 = arith.constant 10240 : i32
      %gather3A_518 = tpu.memref_slice %arg7[%gather3A_517] : memref<12288xi32, #tpu.memory_space<vmem>> -> memref<2048xi32, #tpu.memory_space<vmem>>
      %gather3A_519 = tpu.vector_load_idx %gather3A_518[%select_n3A] : memref<2048xi32, #tpu.memory_space<vmem>>[vector<16xi32>], vector<16xi32>,
      %bitcast3A_520 = vector.bitcast %gather3A_519 : vector<16xi32> to vector<32xbf16>
      %unpack3A_521 = tpu.unpack_subelements %bitcast3A_520, 0 {pack_format = #tpu.pack_format<interleaved>} : vector<32xbf16> -> vector<16xf32>
      %unpack3A_522 = tpu.unpack_subelements %bitcast3A_520, 1 {pack_format = #tpu.pack_format<interleaved>} : vector<32xbf16> -> vector<16xf32>
      %get3A_523 = arith.index_cast %add3A_485 : i32 to index
      %get3A_524 = tpu.vector_load %arg19[%get3A_523] {strides = array<i32>} : memref<8192xf32, #tpu.memory_space<vmem>>, vector<16xf32>,
      %add3A_525 = arith.constant 128 : i32
      %add3A_526 = arith.addi %add3A_485, %add3A_525 : i32
      %get3A_527 = arith.index_cast %add3A_526 : i32 to index
      %get3A_528 = tpu.vector_load %arg19[%get3A_527] {strides = array<i32>} : memref<8192xf32, #tpu.memory_space<vmem>>, vector<16xf32>,
      %add3A_529 = arith.constant 256 : i32
      %add3A_530 = arith.addi %add3A_485, %add3A_529 : i32
      %get3A_531 = arith.index_cast %add3A_530 : i32 to index
      %get3A_532 = tpu.vector_load %arg19[%get3A_531] {strides = array<i32>} : memref<8192xf32, #tpu.memory_space<vmem>>, vector<16xf32>,
      %add3A_533 = arith.constant 384 : i32
      %add3A_534 = arith.addi %add3A_485, %add3A_533 : i32
      %get3A_535 = arith.index_cast %add3A_534 : i32 to index
      %get3A_536 = tpu.vector_load %arg19[%get3A_535] {strides = array<i32>} : memref<8192xf32, #tpu.memory_space<vmem>>, vector<16xf32>,
      %add3A_537 = arith.constant 512 : i32
      %add3A_538 = arith.addi %add3A_485, %add3A_537 : i32
      %get3A_539 = arith.index_cast %add3A_538 : i32 to index
      %get3A_540 = tpu.vector_load %arg19[%get3A_539] {strides = array<i32>} : memref<8192xf32, #tpu.memory_space<vmem>>, vector<16xf32>,
      %add3A_541 = arith.constant 640 : i32
      %add3A_542 = arith.addi %add3A_485, %add3A_541 : i32
      %get3A_543 = arith.index_cast %add3A_542 : i32 to index
      %get3A_544 = tpu.vector_load %arg19[%get3A_543] {strides = array<i32>} : memref<8192xf32, #tpu.memory_space<vmem>>, vector<16xf32>,
      %add3A_545 = arith.constant 768 : i32
      %add3A_546 = arith.addi %add3A_485, %add3A_545 : i32
      %get3A_547 = arith.index_cast %add3A_546 : i32 to index
      %get3A_548 = tpu.vector_load %arg19[%get3A_547] {strides = array<i32>} : memref<8192xf32, #tpu.memory_space<vmem>>, vector<16xf32>,
      %add3A_549 = arith.constant 896 : i32
      %add3A_550 = arith.addi %add3A_485, %add3A_549 : i32
      %get3A_551 = arith.index_cast %add3A_550 : i32 to index
      %get3A_552 = tpu.vector_load %arg19[%get3A_551] {strides = array<i32>} : memref<8192xf32, #tpu.memory_space<vmem>>, vector<16xf32>,
      %add3A_553 = arith.addf %get3A_524, %unpack3A : vector<16xf32>
      %swap3A = arith.index_cast %add3A_485 : i32 to index
      %swap3A_554 = tpu.vector_load %arg23[%swap3A] {strides = array<i32>} : memref<8192xf32, #tpu.memory_space<vmem>>, vector<16xf32>,
      tpu.vector_store %arg23[%swap3A], %add3A_553 {strides = array<i32>} : memref<8192xf32, #tpu.memory_space<vmem>>, vector<16xf32>,
      %add3A_555 = arith.addf %get3A_528, %unpack3A_492 : vector<16xf32>
      %add3A_556 = arith.constant 128 : i32
      %add3A_557 = arith.addi %add3A_485, %add3A_556 : i32
      %swap3A_558 = arith.index_cast %add3A_557 : i32 to index
      %swap3A_559 = tpu.vector_load %arg23[%swap3A_558] {strides = array<i32>} : memref<8192xf32, #tpu.memory_space<vmem>>, vector<16xf32>,
      tpu.vector_store %arg23[%swap3A_558], %add3A_555 {strides = array<i32>} : memref<8192xf32, #tpu.memory_space<vmem>>, vector<16xf32>,
      %add3A_560 = arith.addf %get3A_532, %unpack3A_497 : vector<16xf32>
      %add3A_561 = arith.constant 256 : i32
      %add3A_562 = arith.addi %add3A_485, %add3A_561 : i32
      %swap3A_563 = arith.index_cast %add3A_562 : i32 to index
      %swap3A_564 = tpu.vector_load %arg23[%swap3A_563] {strides = array<i32>} : memref<8192xf32, #tpu.memory_space<vmem>>, vector<16xf32>,
      tpu.vector_store %arg23[%swap3A_563], %add3A_560 {strides = array<i32>} : memref<8192xf32, #tpu.memory_space<vmem>>, vector<16xf32>,
      %mul3A_565 = arith.mulf %unpack3A_498, %get3A_536 : vector<16xf32>
      %mul3A_566 = arith.mulf %unpack3A_503, %get3A_540 : vector<16xf32>
      %add3A_567 = arith.addf %mul3A_565, %mul3A_566 : vector<16xf32>
      %mul3A_568 = arith.mulf %unpack3A_504, %get3A_544 : vector<16xf32>
      %add3A_569 = arith.addf %add3A_567, %mul3A_568 : vector<16xf32>
      %add3A_570 = arith.constant 384 : i32
      %add3A_571 = arith.addi %add3A_485, %add3A_570 : i32
      %swap3A_572 = arith.index_cast %add3A_571 : i32 to index
      %swap3A_573 = tpu.vector_load %arg23[%swap3A_572] {strides = array<i32>} : memref<8192xf32, #tpu.memory_space<vmem>>, vector<16xf32>,
      tpu.vector_store %arg23[%swap3A_572], %add3A_569 {strides = array<i32>} : memref<8192xf32, #tpu.memory_space<vmem>>, vector<16xf32>,
      %mul3A_574 = arith.mulf %unpack3A_509, %get3A_536 : vector<16xf32>
      %mul3A_575 = arith.mulf %unpack3A_510, %get3A_540 : vector<16xf32>
      %add3A_576 = arith.addf %mul3A_574, %mul3A_575 : vector<16xf32>
      %mul3A_577 = arith.mulf %unpack3A_515, %get3A_544 : vector<16xf32>
      %add3A_578 = arith.addf %add3A_576, %mul3A_577 : vector<16xf32>
      %add3A_579 = arith.constant 512 : i32
      %add3A_580 = arith.addi %add3A_485, %add3A_579 : i32
      %swap3A_581 = arith.index_cast %add3A_580 : i32 to index
      %swap3A_582 = tpu.vector_load %arg23[%swap3A_581] {strides = array<i32>} : memref<8192xf32, #tpu.memory_space<vmem>>, vector<16xf32>,
      tpu.vector_store %arg23[%swap3A_581], %add3A_578 {strides = array<i32>} : memref<8192xf32, #tpu.memory_space<vmem>>, vector<16xf32>,
      %mul3A_583 = arith.mulf %unpack3A_516, %get3A_536 : vector<16xf32>
      %mul3A_584 = arith.mulf %unpack3A_521, %get3A_540 : vector<16xf32>
      %add3A_585 = arith.addf %mul3A_583, %mul3A_584 : vector<16xf32>
      %mul3A_586 = arith.mulf %unpack3A_522, %get3A_544 : vector<16xf32>
      %add3A_587 = arith.addf %add3A_585, %mul3A_586 : vector<16xf32>
      %add3A_588 = arith.constant 640 : i32
      %add3A_589 = arith.addi %add3A_485, %add3A_588 : i32
      %swap3A_590 = arith.index_cast %add3A_589 : i32 to index
      %swap3A_591 = tpu.vector_load %arg23[%swap3A_590] {strides = array<i32>} : memref<8192xf32, #tpu.memory_space<vmem>>, vector<16xf32>,
      tpu.vector_store %arg23[%swap3A_590], %add3A_587 {strides = array<i32>} : memref<8192xf32, #tpu.memory_space<vmem>>, vector<16xf32>,
      %add3A_592 = arith.constant 768 : i32
      %add3A_593 = arith.addi %add3A_485, %add3A_592 : i32
      %swap3A_594 = arith.index_cast %add3A_593 : i32 to index
      %swap3A_595 = tpu.vector_load %arg23[%swap3A_594] {strides = array<i32>} : memref<8192xf32, #tpu.memory_space<vmem>>, vector<16xf32>,
      tpu.vector_store %arg23[%swap3A_594], %get3A_548 {strides = array<i32>} : memref<8192xf32, #tpu.memory_space<vmem>>, vector<16xf32>,
      %add3A_596 = arith.constant 896 : i32
      %add3A_597 = arith.addi %add3A_485, %add3A_596 : i32
      %swap3A_598 = arith.index_cast %add3A_597 : i32 to index
      %swap3A_599 = tpu.vector_load %arg23[%swap3A_598] {strides = array<i32>} : memref<8192xf32, #tpu.memory_space<vmem>>, vector<16xf32>,
      tpu.vector_store %arg23[%swap3A_598], %get3A_552 {strides = array<i32>} : memref<8192xf32, #tpu.memory_space<vmem>>, vector<16xf32>,
      %mul3A_600 = arith.constant 2 : i32
      %mul3A_601 = arith.muli %scan3A_464, %mul3A_600 : i32
      %add3A_602 = arith.constant 1 : i32
      %add3A_603 = arith.addi %mul3A_601, %add3A_602 : i32
      %mul3A_604 = arith.constant 16 : i32
      %mul3A_605 = arith.muli %add3A_603, %mul3A_604 : i32
      %add3A_606 = arith.constant 16 : i32
      %add3A_607 = arith.addi %mul3A_605, %add3A_606 : i32
      %get3A_608 = arith.index_cast %add3A_607 : i32 to index
      %get3A_609 = tpu.vector_load %arg11[%get3A_608] {strides = array<i32>} : memref<1040xi32, #tpu.memory_space<vmem>>, vector<16xi32>,
      %get3A_610 = arith.index_cast %add3A_607 : i32 to index
      %get3A_611 = tpu.vector_load %arg15[%get3A_610] {strides = array<i32>} : memref<1040xi32, #tpu.memory_space<vmem>>, vector<16xi32>,
      %shift_right_arithmetic3A_612 = arith.constant 3 : i32
      %shift_right_arithmetic3A_613 = arith.shrsi %add3A_603, %shift_right_arithmetic3A_612 : i32
      %mul3A_614 = arith.constant 1024 : i32
      %mul3A_615 = arith.muli %shift_right_arithmetic3A_613, %mul3A_614 : i32
      %and3A_616 = arith.constant 7 : i32
      %and3A_617 = arith.andi %add3A_603, %and3A_616 : i32
      %mul3A_618 = arith.constant 16 : i32
      %mul3A_619 = arith.muli %and3A_617, %mul3A_618 : i32
      %add3A_620 = arith.addi %mul3A_615, %mul3A_619 : i32
      %eq3A_621 = arith.constant 1 : i32
      %eq3A_622 = vector.broadcast %eq3A_621 : i32 to vector<16xi32>
      %eq3A_623 = arith.cmpi eq, %get3A_478, %eq3A_622 : vector<16xi32>
      %jit3A_624 = arith.constant 2000 : i32
      %broadcast_in_dim3A_625 = vector.broadcast %jit3A_624 : i32 to vector<16xi32>
      %select_n3A_626 = arith.select %eq3A_623, %get3A_476, %broadcast_in_dim3A_625 : vector<16xi1>, vector<16xi32>
      %gather3A_627 = arith.constant 0 : i32
      %gather3A_628 = tpu.memref_slice %arg7[%gather3A_627] : memref<12288xi32, #tpu.memory_space<vmem>> -> memref<2048xi32, #tpu.memory_space<vmem>>
      %gather3A_629 = tpu.vector_load_idx %gather3A_628[%select_n3A_626] : memref<2048xi32, #tpu.memory_space<vmem>>[vector<16xi32>], vector<16xi32>,
      %bitcast3A_630 = vector.bitcast %gather3A_629 : vector<16xi32> to vector<32xbf16>
      %unpack3A_631 = tpu.unpack_subelements %bitcast3A_630, 0 {pack_format = #tpu.pack_format<interleaved>} : vector<32xbf16> -> vector<16xf32>
      %unpack3A_632 = tpu.unpack_subelements %bitcast3A_630, 1 {pack_format = #tpu.pack_format<interleaved>} : vector<32xbf16> -> vector<16xf32>
      %gather3A_633 = arith.constant 2048 : i32
      %gather3A_634 = tpu.memref_slice %arg7[%gather3A_633] : memref<12288xi32, #tpu.memory_space<vmem>> -> memref<2048xi32, #tpu.memory_space<vmem>>
      %gather3A_635 = tpu.vector_load_idx %gather3A_634[%select_n3A_626] : memref<2048xi32, #tpu.memory_space<vmem>>[vector<16xi32>], vector<16xi32>,
      %bitcast3A_636 = vector.bitcast %gather3A_635 : vector<16xi32> to vector<32xbf16>
      %unpack3A_637 = tpu.unpack_subelements %bitcast3A_636, 0 {pack_format = #tpu.pack_format<interleaved>} : vector<32xbf16> -> vector<16xf32>
      %unpack3A_638 = tpu.unpack_subelements %bitcast3A_636, 1 {pack_format = #tpu.pack_format<interleaved>} : vector<32xbf16> -> vector<16xf32>
      %gather3A_639 = arith.constant 4096 : i32
      %gather3A_640 = tpu.memref_slice %arg7[%gather3A_639] : memref<12288xi32, #tpu.memory_space<vmem>> -> memref<2048xi32, #tpu.memory_space<vmem>>
      %gather3A_641 = tpu.vector_load_idx %gather3A_640[%select_n3A_626] : memref<2048xi32, #tpu.memory_space<vmem>>[vector<16xi32>], vector<16xi32>,
      %bitcast3A_642 = vector.bitcast %gather3A_641 : vector<16xi32> to vector<32xbf16>
      %unpack3A_643 = tpu.unpack_subelements %bitcast3A_642, 0 {pack_format = #tpu.pack_format<interleaved>} : vector<32xbf16> -> vector<16xf32>
      %unpack3A_644 = tpu.unpack_subelements %bitcast3A_642, 1 {pack_format = #tpu.pack_format<interleaved>} : vector<32xbf16> -> vector<16xf32>
      %gather3A_645 = arith.constant 6144 : i32
      %gather3A_646 = tpu.memref_slice %arg7[%gather3A_645] : memref<12288xi32, #tpu.memory_space<vmem>> -> memref<2048xi32, #tpu.memory_space<vmem>>
      %gather3A_647 = tpu.vector_load_idx %gather3A_646[%select_n3A_626] : memref<2048xi32, #tpu.memory_space<vmem>>[vector<16xi32>], vector<16xi32>,
      %bitcast3A_648 = vector.bitcast %gather3A_647 : vector<16xi32> to vector<32xbf16>
      %unpack3A_649 = tpu.unpack_subelements %bitcast3A_648, 0 {pack_format = #tpu.pack_format<interleaved>} : vector<32xbf16> -> vector<16xf32>
      %unpack3A_650 = tpu.unpack_subelements %bitcast3A_648, 1 {pack_format = #tpu.pack_format<interleaved>} : vector<32xbf16> -> vector<16xf32>
      %gather3A_651 = arith.constant 8192 : i32
      %gather3A_652 = tpu.memref_slice %arg7[%gather3A_651] : memref<12288xi32, #tpu.memory_space<vmem>> -> memref<2048xi32, #tpu.memory_space<vmem>>
      %gather3A_653 = tpu.vector_load_idx %gather3A_652[%select_n3A_626] : memref<2048xi32, #tpu.memory_space<vmem>>[vector<16xi32>], vector<16xi32>,
      %bitcast3A_654 = vector.bitcast %gather3A_653 : vector<16xi32> to vector<32xbf16>
      %unpack3A_655 = tpu.unpack_subelements %bitcast3A_654, 0 {pack_format = #tpu.pack_format<interleaved>} : vector<32xbf16> -> vector<16xf32>
      %unpack3A_656 = tpu.unpack_subelements %bitcast3A_654, 1 {pack_format = #tpu.pack_format<interleaved>} : vector<32xbf16> -> vector<16xf32>
      %gather3A_657 = arith.constant 10240 : i32
      %gather3A_658 = tpu.memref_slice %arg7[%gather3A_657] : memref<12288xi32, #tpu.memory_space<vmem>> -> memref<2048xi32, #tpu.memory_space<vmem>>
      %gather3A_659 = tpu.vector_load_idx %gather3A_658[%select_n3A_626] : memref<2048xi32, #tpu.memory_space<vmem>>[vector<16xi32>], vector<16xi32>,
      %bitcast3A_660 = vector.bitcast %gather3A_659 : vector<16xi32> to vector<32xbf16>
      %unpack3A_661 = tpu.unpack_subelements %bitcast3A_660, 0 {pack_format = #tpu.pack_format<interleaved>} : vector<32xbf16> -> vector<16xf32>
      %unpack3A_662 = tpu.unpack_subelements %bitcast3A_660, 1 {pack_format = #tpu.pack_format<interleaved>} : vector<32xbf16> -> vector<16xf32>
      %get3A_663 = arith.index_cast %add3A_620 : i32 to index
      %get3A_664 = tpu.vector_load %arg19[%get3A_663] {strides = array<i32>} : memref<8192xf32, #tpu.memory_space<vmem>>, vector<16xf32>,
      %add3A_665 = arith.constant 128 : i32
      %add3A_666 = arith.addi %add3A_620, %add3A_665 : i32
      %get3A_667 = arith.index_cast %add3A_666 : i32 to index
      %get3A_668 = tpu.vector_load %arg19[%get3A_667] {strides = array<i32>} : memref<8192xf32, #tpu.memory_space<vmem>>, vector<16xf32>,
      %add3A_669 = arith.constant 256 : i32
      %add3A_670 = arith.addi %add3A_620, %add3A_669 : i32
      %get3A_671 = arith.index_cast %add3A_670 : i32 to index
      %get3A_672 = tpu.vector_load %arg19[%get3A_671] {strides = array<i32>} : memref<8192xf32, #tpu.memory_space<vmem>>, vector<16xf32>,
      %add3A_673 = arith.constant 384 : i32
      %add3A_674 = arith.addi %add3A_620, %add3A_673 : i32
      %get3A_675 = arith.index_cast %add3A_674 : i32 to index
      %get3A_676 = tpu.vector_load %arg19[%get3A_675] {strides = array<i32>} : memref<8192xf32, #tpu.memory_space<vmem>>, vector<16xf32>,
      %add3A_677 = arith.constant 512 : i32
      %add3A_678 = arith.addi %add3A_620, %add3A_677 : i32
      %get3A_679 = arith.index_cast %add3A_678 : i32 to index
      %get3A_680 = tpu.vector_load %arg19[%get3A_679] {strides = array<i32>} : memref<8192xf32, #tpu.memory_space<vmem>>, vector<16xf32>,
      %add3A_681 = arith.constant 640 : i32
      %add3A_682 = arith.addi %add3A_620, %add3A_681 : i32
      %get3A_683 = arith.index_cast %add3A_682 : i32 to index
      %get3A_684 = tpu.vector_load %arg19[%get3A_683] {strides = array<i32>} : memref<8192xf32, #tpu.memory_space<vmem>>, vector<16xf32>,
      %add3A_685 = arith.constant 768 : i32
      %add3A_686 = arith.addi %add3A_620, %add3A_685 : i32
      %get3A_687 = arith.index_cast %add3A_686 : i32 to index
      %get3A_688 = tpu.vector_load %arg19[%get3A_687] {strides = array<i32>} : memref<8192xf32, #tpu.memory_space<vmem>>, vector<16xf32>,
      %add3A_689 = arith.constant 896 : i32
      %add3A_690 = arith.addi %add3A_620, %add3A_689 : i32
      %get3A_691 = arith.index_cast %add3A_690 : i32 to index
      %get3A_692 = tpu.vector_load %arg19[%get3A_691] {strides = array<i32>} : memref<8192xf32, #tpu.memory_space<vmem>>, vector<16xf32>,
      %add3A_693 = arith.addf %get3A_664, %unpack3A_631 : vector<16xf32>
      %swap3A_694 = arith.index_cast %add3A_620 : i32 to index
      %swap3A_695 = tpu.vector_load %arg23[%swap3A_694] {strides = array<i32>} : memref<8192xf32, #tpu.memory_space<vmem>>, vector<16xf32>,
      tpu.vector_store %arg23[%swap3A_694], %add3A_693 {strides = array<i32>} : memref<8192xf32, #tpu.memory_space<vmem>>, vector<16xf32>,
      %add3A_696 = arith.addf %get3A_668, %unpack3A_632 : vector<16xf32>
      %add3A_697 = arith.constant 128 : i32
      %add3A_698 = arith.addi %add3A_620, %add3A_697 : i32
      %swap3A_699 = arith.index_cast %add3A_698 : i32 to index
      %swap3A_700 = tpu.vector_load %arg23[%swap3A_699] {strides = array<i32>} : memref<8192xf32, #tpu.memory_space<vmem>>, vector<16xf32>,
      tpu.vector_store %arg23[%swap3A_699], %add3A_696 {strides = array<i32>} : memref<8192xf32, #tpu.memory_space<vmem>>, vector<16xf32>,
      %add3A_701 = arith.addf %get3A_672, %unpack3A_637 : vector<16xf32>
      %add3A_702 = arith.constant 256 : i32
      %add3A_703 = arith.addi %add3A_620, %add3A_702 : i32
      %swap3A_704 = arith.index_cast %add3A_703 : i32 to index
      %swap3A_705 = tpu.vector_load %arg23[%swap3A_704] {strides = array<i32>} : memref<8192xf32, #tpu.memory_space<vmem>>, vector<16xf32>,
      tpu.vector_store %arg23[%swap3A_704], %add3A_701 {strides = array<i32>} : memref<8192xf32, #tpu.memory_space<vmem>>, vector<16xf32>,
      %mul3A_706 = arith.mulf %unpack3A_638, %get3A_676 : vector<16xf32>
      %mul3A_707 = arith.mulf %unpack3A_643, %get3A_680 : vector<16xf32>
      %add3A_708 = arith.addf %mul3A_706, %mul3A_707 : vector<16xf32>
      %mul3A_709 = arith.mulf %unpack3A_644, %get3A_684 : vector<16xf32>
      %add3A_710 = arith.addf %add3A_708, %mul3A_709 : vector<16xf32>
      %add3A_711 = arith.constant 384 : i32
      %add3A_712 = arith.addi %add3A_620, %add3A_711 : i32
      %swap3A_713 = arith.index_cast %add3A_712 : i32 to index
      %swap3A_714 = tpu.vector_load %arg23[%swap3A_713] {strides = array<i32>} : memref<8192xf32, #tpu.memory_space<vmem>>, vector<16xf32>,
      tpu.vector_store %arg23[%swap3A_713], %add3A_710 {strides = array<i32>} : memref<8192xf32, #tpu.memory_space<vmem>>, vector<16xf32>,
      %mul3A_715 = arith.mulf %unpack3A_649, %get3A_676 : vector<16xf32>
      %mul3A_716 = arith.mulf %unpack3A_650, %get3A_680 : vector<16xf32>
      %add3A_717 = arith.addf %mul3A_715, %mul3A_716 : vector<16xf32>
      %mul3A_718 = arith.mulf %unpack3A_655, %get3A_684 : vector<16xf32>
      %add3A_719 = arith.addf %add3A_717, %mul3A_718 : vector<16xf32>
      %add3A_720 = arith.constant 512 : i32
      %add3A_721 = arith.addi %add3A_620, %add3A_720 : i32
      %swap3A_722 = arith.index_cast %add3A_721 : i32 to index
      %swap3A_723 = tpu.vector_load %arg23[%swap3A_722] {strides = array<i32>} : memref<8192xf32, #tpu.memory_space<vmem>>, vector<16xf32>,
      tpu.vector_store %arg23[%swap3A_722], %add3A_719 {strides = array<i32>} : memref<8192xf32, #tpu.memory_space<vmem>>, vector<16xf32>,
      %mul3A_724 = arith.mulf %unpack3A_656, %get3A_676 : vector<16xf32>
      %mul3A_725 = arith.mulf %unpack3A_661, %get3A_680 : vector<16xf32>
      %add3A_726 = arith.addf %mul3A_724, %mul3A_725 : vector<16xf32>
      %mul3A_727 = arith.mulf %unpack3A_662, %get3A_684 : vector<16xf32>
      %add3A_728 = arith.addf %add3A_726, %mul3A_727 : vector<16xf32>
      %add3A_729 = arith.constant 640 : i32
      %add3A_730 = arith.addi %add3A_620, %add3A_729 : i32
      %swap3A_731 = arith.index_cast %add3A_730 : i32 to index
      %swap3A_732 = tpu.vector_load %arg23[%swap3A_731] {strides = array<i32>} : memref<8192xf32, #tpu.memory_space<vmem>>, vector<16xf32>,
      tpu.vector_store %arg23[%swap3A_731], %add3A_728 {strides = array<i32>} : memref<8192xf32, #tpu.memory_space<vmem>>, vector<16xf32>,
      %add3A_733 = arith.constant 768 : i32
      %add3A_734 = arith.addi %add3A_620, %add3A_733 : i32
      %swap3A_735 = arith.index_cast %add3A_734 : i32 to index
      %swap3A_736 = tpu.vector_load %arg23[%swap3A_735] {strides = array<i32>} : memref<8192xf32, #tpu.memory_space<vmem>>, vector<16xf32>,
      tpu.vector_store %arg23[%swap3A_735], %get3A_688 {strides = array<i32>} : memref<8192xf32, #tpu.memory_space<vmem>>, vector<16xf32>,
      %add3A_737 = arith.constant 896 : i32
      %add3A_738 = arith.addi %add3A_620, %add3A_737 : i32
      %swap3A_739 = arith.index_cast %add3A_738 : i32 to index
      %swap3A_740 = tpu.vector_load %arg23[%swap3A_739] {strides = array<i32>} : memref<8192xf32, #tpu.memory_space<vmem>>, vector<16xf32>,
      tpu.vector_store %arg23[%swap3A_739], %get3A_692 {strides = array<i32>} : memref<8192xf32, #tpu.memory_space<vmem>>, vector<16xf32>,
      scf.yield %get3A_609, %get3A_611 : vector<16xi32>, vector<16xi32>
    }
    %scan3A_447 = arith.constant 32 : i32
    %mul3A_448 = arith.constant 64 : i32
    %mul3A_449 = arith.muli %add3A, %mul3A_448 : i32
    %mul3A_450 = arith.constant 1024 : i32
    %mul3A_451 = arith.muli %mul3A_449, %mul3A_450 : i32
    %add3A_452 = arith.constant 57344 : i32
    %add3A_453 = arith.addi %mul3A_451, %add3A_452 : i32
    %dma_start3A_454 = tpu.memref_slice %arg6[%add3A_453] : memref<2097152xf32, #tpu.memory_space<hbm>> -> memref<8192xf32, #tpu.memory_space<hbm>>
    %dma_start3A_455 = tpu.memref_slice %arg6[%add3A_453] : memref<2097152xf32, #tpu.memory_space<hbm>> -> memref<8192xf32, #tpu.memory_space<hbm>>
    tpu.enqueue_dma source(%arg23 : memref<8192xf32, #tpu.memory_space<vmem>>) target(%dma_start3A_455 : memref<8192xf32, #tpu.memory_space<hbm>>) target_semaphore(%arg31 : memref<!tpu.dma_semaphore, #tpu.memory_space<semaphore_mem>>)
    %dma_wait3A_456 = tpu.memref_slice %arg6[%add3A_351] : memref<2097152xf32, #tpu.memory_space<hbm>> -> memref<8192xf32, #tpu.memory_space<hbm>>
    %dma_wait3A_457 = tpu.memref_slice %arg6[%add3A_351] : memref<2097152xf32, #tpu.memory_space<hbm>> -> memref<8192xf32, #tpu.memory_space<hbm>>
    tpu.wait_dma2 semaphore(%arg28 : memref<!tpu.dma_semaphore, #tpu.memory_space<semaphore_mem>>) src(%arg20 : memref<8192xf32, #tpu.memory_space<vmem>>) dst(%dma_wait3A_457 : memref<8192xf32, #tpu.memory_space<hbm>>)
    %dma_wait3A_458 = tpu.memref_slice %arg6[%add3A_385] : memref<2097152xf32, #tpu.memory_space<hbm>> -> memref<8192xf32, #tpu.memory_space<hbm>>
    %dma_wait3A_459 = tpu.memref_slice %arg6[%add3A_385] : memref<2097152xf32, #tpu.memory_space<hbm>> -> memref<8192xf32, #tpu.memory_space<hbm>>
    tpu.wait_dma2 semaphore(%arg29 : memref<!tpu.dma_semaphore, #tpu.memory_space<semaphore_mem>>) src(%arg21 : memref<8192xf32, #tpu.memory_space<vmem>>) dst(%dma_wait3A_459 : memref<8192xf32, #tpu.memory_space<hbm>>)
    %dma_wait3A_460 = tpu.memref_slice %arg6[%add3A_419] : memref<2097152xf32, #tpu.memory_space<hbm>> -> memref<8192xf32, #tpu.memory_space<hbm>>
    %dma_wait3A_461 = tpu.memref_slice %arg6[%add3A_419] : memref<2097152xf32, #tpu.memory_space<hbm>> -> memref<8192xf32, #tpu.memory_space<hbm>>
    tpu.wait_dma2 semaphore(%arg30 : memref<!tpu.dma_semaphore, #tpu.memory_space<semaphore_mem>>) src(%arg22 : memref<8192xf32, #tpu.memory_space<vmem>>) dst(%dma_wait3A_461 : memref<8192xf32, #tpu.memory_space<hbm>>)
    %dma_wait3A_462 = tpu.memref_slice %arg6[%add3A_453] : memref<2097152xf32, #tpu.memory_space<hbm>> -> memref<8192xf32, #tpu.memory_space<hbm>>
    %dma_wait3A_463 = tpu.memref_slice %arg6[%add3A_453] : memref<2097152xf32, #tpu.memory_space<hbm>> -> memref<8192xf32, #tpu.memory_space<hbm>>
    tpu.wait_dma2 semaphore(%arg31 : memref<!tpu.dma_semaphore, #tpu.memory_space<semaphore_mem>>) src(%arg23 : memref<8192xf32, #tpu.memory_space<vmem>>) dst(%dma_wait3A_463 : memref<8192xf32, #tpu.memory_space<hbm>>)
    return
  }
}

module attributes {stable_mosaic.version = 14 : i64} {
  func.func @_table_body(%arg0: memref<8x2048xf32, #tpu.memory_space<vmem>>, %arg1: memref<12288xi32, #tpu.memory_space<vmem>>) attributes {dimension_semantics = [], scalar_prefetch = 0 : i64, scratch_operands = 0 : i64, tpu.core_type = #tpu.core_type<tc>} {
    %get3A = arith.constant 0 : index
    %get3A_0 = arith.constant 0 : index
    %get3A_1 = vector.load %arg0[%get3A, %get3A_0] : memref<8x2048xf32, #tpu.memory_space<vmem>>, vector<8x2048xf32>
    %slice3A = vector.extract_strided_slice %get3A_1 {offsets = [0, 0], sizes = [1, 2048], strides = [1, 1]} : vector<8x2048xf32> to vector<1x2048xf32>
    %slice3A_2 = vector.extract_strided_slice %get3A_1 {offsets = [1, 0], sizes = [1, 2048], strides = [1, 1]} : vector<8x2048xf32> to vector<1x2048xf32>
    %slice3A_3 = vector.extract_strided_slice %get3A_1 {offsets = [2, 0], sizes = [1, 2048], strides = [1, 1]} : vector<8x2048xf32> to vector<1x2048xf32>
    %slice3A_4 = vector.extract_strided_slice %get3A_1 {offsets = [3, 0], sizes = [1, 2048], strides = [1, 1]} : vector<8x2048xf32> to vector<1x2048xf32>
    %slice3A_5 = vector.extract_strided_slice %get3A_1 {offsets = [4, 0], sizes = [1, 2048], strides = [1, 1]} : vector<8x2048xf32> to vector<1x2048xf32>
    %slice3A_6 = vector.extract_strided_slice %get3A_1 {offsets = [5, 0], sizes = [1, 2048], strides = [1, 1]} : vector<8x2048xf32> to vector<1x2048xf32>
    %mul3A = arith.mulf %slice3A_4, %slice3A_4 : vector<1x2048xf32>
    %mul3A_7 = arith.mulf %slice3A_5, %slice3A_5 : vector<1x2048xf32>
    %add3A = arith.addf %mul3A, %mul3A_7 : vector<1x2048xf32>
    %mul3A_8 = arith.mulf %slice3A_6, %slice3A_6 : vector<1x2048xf32>
    %add3A_9 = arith.addf %add3A, %mul3A_8 : vector<1x2048xf32>
    %lt3A = arith.constant 9.99999993E-9 : f32
    %lt3A_10 = vector.broadcast %lt3A : f32 to vector<1x2048xf32>
    %lt3A_11 = arith.cmpf olt, %add3A_9, %lt3A_10 : vector<1x2048xf32>
    %jit3A = arith.constant 1.000000e+00 : f32
    %broadcast_in_dim3A = vector.broadcast %jit3A : f32 to vector<1x2048xf32>
    %select_n3A = arith.select %lt3A_11, %broadcast_in_dim3A, %add3A_9 : vector<1x2048xi1>, vector<1x2048xf32>
    %sqrt3A = math.sqrt %select_n3A : vector<1x2048xf32>
    %sin3A = math.sin %sqrt3A : vector<1x2048xf32>
    %cos3A = math.cos %sqrt3A : vector<1x2048xf32>
    %div3A = arith.constant 6.000000e+00 : f32
    %div3A_12 = vector.broadcast %div3A : f32 to vector<1x2048xf32>
    %div3A_13 = arith.divf %add3A_9, %div3A_12 : vector<1x2048xf32>
    %sub3A = arith.constant 1.000000e+00 : f32
    %sub3A_14 = vector.broadcast %sub3A : f32 to vector<1x2048xf32>
    %sub3A_15 = arith.subf %sub3A_14, %div3A_13 : vector<1x2048xf32>
    %div3A_16 = arith.divf %sin3A, %sqrt3A : vector<1x2048xf32>
    %select_n3A_17 = arith.select %lt3A_11, %sub3A_15, %div3A_16 : vector<1x2048xi1>, vector<1x2048xf32>
    %div3A_18 = arith.constant 2.400000e+01 : f32
    %div3A_19 = vector.broadcast %div3A_18 : f32 to vector<1x2048xf32>
    %div3A_20 = arith.divf %add3A_9, %div3A_19 : vector<1x2048xf32>
    %sub3A_21 = arith.constant 5.000000e-01 : f32
    %sub3A_22 = vector.broadcast %sub3A_21 : f32 to vector<1x2048xf32>
    %sub3A_23 = arith.subf %sub3A_22, %div3A_20 : vector<1x2048xf32>
    %sub3A_24 = arith.constant 1.000000e+00 : f32
    %sub3A_25 = vector.broadcast %sub3A_24 : f32 to vector<1x2048xf32>
    %sub3A_26 = arith.subf %sub3A_25, %cos3A : vector<1x2048xf32>
    %div3A_27 = arith.divf %sub3A_26, %select_n3A : vector<1x2048xf32>
    %select_n3A_28 = arith.select %lt3A_11, %sub3A_23, %div3A_27 : vector<1x2048xi1>, vector<1x2048xf32>
    %div3A_29 = arith.constant 1.200000e+02 : f32
    %div3A_30 = vector.broadcast %div3A_29 : f32 to vector<1x2048xf32>
    %div3A_31 = arith.divf %add3A_9, %div3A_30 : vector<1x2048xf32>
    %sub3A_32 = arith.constant 0.166666672 : f32
    %sub3A_33 = vector.broadcast %sub3A_32 : f32 to vector<1x2048xf32>
    %sub3A_34 = arith.subf %sub3A_33, %div3A_31 : vector<1x2048xf32>
    %sub3A_35 = arith.subf %sqrt3A, %sin3A : vector<1x2048xf32>
    %mul3A_36 = arith.mulf %select_n3A, %sqrt3A : vector<1x2048xf32>
    %div3A_37 = arith.divf %sub3A_35, %mul3A_36 : vector<1x2048xf32>
    %select_n3A_38 = arith.select %lt3A_11, %sub3A_34, %div3A_37 : vector<1x2048xi1>, vector<1x2048xf32>
    %mul3A_39 = arith.mulf %slice3A_4, %slice3A_4 : vector<1x2048xf32>
    %mul3A_40 = arith.mulf %slice3A_5, %slice3A_5 : vector<1x2048xf32>
    %mul3A_41 = arith.mulf %slice3A_6, %slice3A_6 : vector<1x2048xf32>
    %mul3A_42 = arith.mulf %slice3A_4, %slice3A_5 : vector<1x2048xf32>
    %mul3A_43 = arith.mulf %slice3A_4, %slice3A_6 : vector<1x2048xf32>
    %mul3A_44 = arith.mulf %slice3A_5, %slice3A_6 : vector<1x2048xf32>
    %add3A_45 = arith.addf %mul3A_40, %mul3A_41 : vector<1x2048xf32>
    %mul3A_46 = arith.mulf %select_n3A_28, %add3A_45 : vector<1x2048xf32>
    %sub3A_47 = arith.constant 1.000000e+00 : f32
    %sub3A_48 = vector.broadcast %sub3A_47 : f32 to vector<1x2048xf32>
    %sub3A_49 = arith.subf %sub3A_48, %mul3A_46 : vector<1x2048xf32>
    %neg3A = arith.constant 0.000000e+00 : f32
    %neg3A_50 = vector.broadcast %neg3A : f32 to vector<1x2048xf32>
    %neg3A_51 = arith.subf %neg3A_50, %select_n3A_17 : vector<1x2048xf32>
    %mul3A_52 = arith.mulf %neg3A_51, %slice3A_6 : vector<1x2048xf32>
    %mul3A_53 = arith.mulf %select_n3A_28, %mul3A_42 : vector<1x2048xf32>
    %add3A_54 = arith.addf %mul3A_52, %mul3A_53 : vector<1x2048xf32>
    %mul3A_55 = arith.mulf %select_n3A_17, %slice3A_5 : vector<1x2048xf32>
    %mul3A_56 = arith.mulf %select_n3A_28, %mul3A_43 : vector<1x2048xf32>
    %add3A_57 = arith.addf %mul3A_55, %mul3A_56 : vector<1x2048xf32>
    %mul3A_58 = arith.mulf %select_n3A_17, %slice3A_6 : vector<1x2048xf32>
    %mul3A_59 = arith.mulf %select_n3A_28, %mul3A_42 : vector<1x2048xf32>
    %add3A_60 = arith.addf %mul3A_58, %mul3A_59 : vector<1x2048xf32>
    %add3A_61 = arith.addf %mul3A_39, %mul3A_41 : vector<1x2048xf32>
    %mul3A_62 = arith.mulf %select_n3A_28, %add3A_61 : vector<1x2048xf32>
    %sub3A_63 = arith.constant 1.000000e+00 : f32
    %sub3A_64 = vector.broadcast %sub3A_63 : f32 to vector<1x2048xf32>
    %sub3A_65 = arith.subf %sub3A_64, %mul3A_62 : vector<1x2048xf32>
    %neg3A_66 = arith.constant 0.000000e+00 : f32
    %neg3A_67 = vector.broadcast %neg3A_66 : f32 to vector<1x2048xf32>
    %neg3A_68 = arith.subf %neg3A_67, %select_n3A_17 : vector<1x2048xf32>
    %mul3A_69 = arith.mulf %neg3A_68, %slice3A_4 : vector<1x2048xf32>
    %mul3A_70 = arith.mulf %select_n3A_28, %mul3A_44 : vector<1x2048xf32>
    %add3A_71 = arith.addf %mul3A_69, %mul3A_70 : vector<1x2048xf32>
    %neg3A_72 = arith.constant 0.000000e+00 : f32
    %neg3A_73 = vector.broadcast %neg3A_72 : f32 to vector<1x2048xf32>
    %neg3A_74 = arith.subf %neg3A_73, %select_n3A_17 : vector<1x2048xf32>
    %mul3A_75 = arith.mulf %neg3A_74, %slice3A_5 : vector<1x2048xf32>
    %mul3A_76 = arith.mulf %select_n3A_28, %mul3A_43 : vector<1x2048xf32>
    %add3A_77 = arith.addf %mul3A_75, %mul3A_76 : vector<1x2048xf32>
    %mul3A_78 = arith.mulf %select_n3A_17, %slice3A_4 : vector<1x2048xf32>
    %mul3A_79 = arith.mulf %select_n3A_28, %mul3A_44 : vector<1x2048xf32>
    %add3A_80 = arith.addf %mul3A_78, %mul3A_79 : vector<1x2048xf32>
    %add3A_81 = arith.addf %mul3A_39, %mul3A_40 : vector<1x2048xf32>
    %mul3A_82 = arith.mulf %select_n3A_28, %add3A_81 : vector<1x2048xf32>
    %sub3A_83 = arith.constant 1.000000e+00 : f32
    %sub3A_84 = vector.broadcast %sub3A_83 : f32 to vector<1x2048xf32>
    %sub3A_85 = arith.subf %sub3A_84, %mul3A_82 : vector<1x2048xf32>
    %add3A_86 = arith.addf %mul3A_40, %mul3A_41 : vector<1x2048xf32>
    %mul3A_87 = arith.mulf %select_n3A_38, %add3A_86 : vector<1x2048xf32>
    %sub3A_88 = arith.constant 1.000000e+00 : f32
    %sub3A_89 = vector.broadcast %sub3A_88 : f32 to vector<1x2048xf32>
    %sub3A_90 = arith.subf %sub3A_89, %mul3A_87 : vector<1x2048xf32>
    %neg3A_91 = arith.constant 0.000000e+00 : f32
    %neg3A_92 = vector.broadcast %neg3A_91 : f32 to vector<1x2048xf32>
    %neg3A_93 = arith.subf %neg3A_92, %select_n3A_28 : vector<1x2048xf32>
    %mul3A_94 = arith.mulf %neg3A_93, %slice3A_6 : vector<1x2048xf32>
    %mul3A_95 = arith.mulf %select_n3A_38, %mul3A_42 : vector<1x2048xf32>
    %add3A_96 = arith.addf %mul3A_94, %mul3A_95 : vector<1x2048xf32>
    %mul3A_97 = arith.mulf %select_n3A_28, %slice3A_5 : vector<1x2048xf32>
    %mul3A_98 = arith.mulf %select_n3A_38, %mul3A_43 : vector<1x2048xf32>
    %add3A_99 = arith.addf %mul3A_97, %mul3A_98 : vector<1x2048xf32>
    %mul3A_100 = arith.mulf %select_n3A_28, %slice3A_6 : vector<1x2048xf32>
    %mul3A_101 = arith.mulf %select_n3A_38, %mul3A_42 : vector<1x2048xf32>
    %add3A_102 = arith.addf %mul3A_100, %mul3A_101 : vector<1x2048xf32>
    %add3A_103 = arith.addf %mul3A_39, %mul3A_41 : vector<1x2048xf32>
    %mul3A_104 = arith.mulf %select_n3A_38, %add3A_103 : vector<1x2048xf32>
    %sub3A_105 = arith.constant 1.000000e+00 : f32
    %sub3A_106 = vector.broadcast %sub3A_105 : f32 to vector<1x2048xf32>
    %sub3A_107 = arith.subf %sub3A_106, %mul3A_104 : vector<1x2048xf32>
    %neg3A_108 = arith.constant 0.000000e+00 : f32
    %neg3A_109 = vector.broadcast %neg3A_108 : f32 to vector<1x2048xf32>
    %neg3A_110 = arith.subf %neg3A_109, %select_n3A_28 : vector<1x2048xf32>
    %mul3A_111 = arith.mulf %neg3A_110, %slice3A_4 : vector<1x2048xf32>
    %mul3A_112 = arith.mulf %select_n3A_38, %mul3A_44 : vector<1x2048xf32>
    %add3A_113 = arith.addf %mul3A_111, %mul3A_112 : vector<1x2048xf32>
    %neg3A_114 = arith.constant 0.000000e+00 : f32
    %neg3A_115 = vector.broadcast %neg3A_114 : f32 to vector<1x2048xf32>
    %neg3A_116 = arith.subf %neg3A_115, %select_n3A_28 : vector<1x2048xf32>
    %mul3A_117 = arith.mulf %neg3A_116, %slice3A_5 : vector<1x2048xf32>
    %mul3A_118 = arith.mulf %select_n3A_38, %mul3A_43 : vector<1x2048xf32>
    %add3A_119 = arith.addf %mul3A_117, %mul3A_118 : vector<1x2048xf32>
    %mul3A_120 = arith.mulf %select_n3A_28, %slice3A_4 : vector<1x2048xf32>
    %mul3A_121 = arith.mulf %select_n3A_38, %mul3A_44 : vector<1x2048xf32>
    %add3A_122 = arith.addf %mul3A_120, %mul3A_121 : vector<1x2048xf32>
    %add3A_123 = arith.addf %mul3A_39, %mul3A_40 : vector<1x2048xf32>
    %mul3A_124 = arith.mulf %select_n3A_38, %add3A_123 : vector<1x2048xf32>
    %sub3A_125 = arith.constant 1.000000e+00 : f32
    %sub3A_126 = vector.broadcast %sub3A_125 : f32 to vector<1x2048xf32>
    %sub3A_127 = arith.subf %sub3A_126, %mul3A_124 : vector<1x2048xf32>
    %mul3A_128 = arith.mulf %sub3A_90, %slice3A : vector<1x2048xf32>
    %mul3A_129 = arith.mulf %add3A_96, %slice3A_2 : vector<1x2048xf32>
    %add3A_130 = arith.addf %mul3A_128, %mul3A_129 : vector<1x2048xf32>
    %mul3A_131 = arith.mulf %add3A_99, %slice3A_3 : vector<1x2048xf32>
    %add3A_132 = arith.addf %add3A_130, %mul3A_131 : vector<1x2048xf32>
    %mul3A_133 = arith.mulf %add3A_102, %slice3A : vector<1x2048xf32>
    %mul3A_134 = arith.mulf %sub3A_107, %slice3A_2 : vector<1x2048xf32>
    %add3A_135 = arith.addf %mul3A_133, %mul3A_134 : vector<1x2048xf32>
    %mul3A_136 = arith.mulf %add3A_113, %slice3A_3 : vector<1x2048xf32>
    %add3A_137 = arith.addf %add3A_135, %mul3A_136 : vector<1x2048xf32>
    %mul3A_138 = arith.mulf %add3A_119, %slice3A : vector<1x2048xf32>
    %mul3A_139 = arith.mulf %add3A_122, %slice3A_2 : vector<1x2048xf32>
    %add3A_140 = arith.addf %mul3A_138, %mul3A_139 : vector<1x2048xf32>
    %mul3A_141 = arith.mulf %sub3A_127, %slice3A_3 : vector<1x2048xf32>
    %add3A_142 = arith.addf %add3A_140, %mul3A_141 : vector<1x2048xf32>
    %bitcast_convert_type3A = tpu.bitcast %add3A_132 : vector<1x2048xf32> -> vector<1x2048xi32>
    %add3A_143 = arith.constant 32767 : i32
    %add3A_144 = vector.broadcast %add3A_143 : i32 to vector<1x2048xi32>
    %add3A_145 = arith.addi %bitcast_convert_type3A, %add3A_144 : vector<1x2048xi32>
    %shift_right_logical3A = arith.constant 16 : i32
    %shift_right_logical3A_146 = vector.broadcast %shift_right_logical3A : i32 to vector<1x2048xi32>
    %shift_right_logical3A_147 = arith.shrui %bitcast_convert_type3A, %shift_right_logical3A_146 : vector<1x2048xi32>
    %and3A = arith.constant 1 : i32
    %and3A_148 = vector.broadcast %and3A : i32 to vector<1x2048xi32>
    %and3A_149 = arith.andi %shift_right_logical3A_147, %and3A_148 : vector<1x2048xi32>
    %add3A_150 = arith.addi %add3A_145, %and3A_149 : vector<1x2048xi32>
    %shift_right_logical3A_151 = arith.constant 16 : i32
    %shift_right_logical3A_152 = vector.broadcast %shift_right_logical3A_151 : i32 to vector<1x2048xi32>
    %shift_right_logical3A_153 = arith.shrui %add3A_150, %shift_right_logical3A_152 : vector<1x2048xi32>
    %bitcast_convert_type3A_154 = tpu.bitcast %add3A_137 : vector<1x2048xf32> -> vector<1x2048xi32>
    %add3A_155 = arith.constant 32767 : i32
    %add3A_156 = vector.broadcast %add3A_155 : i32 to vector<1x2048xi32>
    %add3A_157 = arith.addi %bitcast_convert_type3A_154, %add3A_156 : vector<1x2048xi32>
    %shift_right_logical3A_158 = arith.constant 16 : i32
    %shift_right_logical3A_159 = vector.broadcast %shift_right_logical3A_158 : i32 to vector<1x2048xi32>
    %shift_right_logical3A_160 = arith.shrui %bitcast_convert_type3A_154, %shift_right_logical3A_159 : vector<1x2048xi32>
    %and3A_161 = arith.constant 1 : i32
    %and3A_162 = vector.broadcast %and3A_161 : i32 to vector<1x2048xi32>
    %and3A_163 = arith.andi %shift_right_logical3A_160, %and3A_162 : vector<1x2048xi32>
    %add3A_164 = arith.addi %add3A_157, %and3A_163 : vector<1x2048xi32>
    %shift_right_logical3A_165 = arith.constant 16 : i32
    %shift_right_logical3A_166 = vector.broadcast %shift_right_logical3A_165 : i32 to vector<1x2048xi32>
    %shift_right_logical3A_167 = arith.shrui %add3A_164, %shift_right_logical3A_166 : vector<1x2048xi32>
    %shift_left3A = arith.constant 16 : i32
    %shift_left3A_168 = vector.broadcast %shift_left3A : i32 to vector<1x2048xi32>
    %shift_left3A_169 = arith.shli %shift_right_logical3A_167, %shift_left3A_168 : vector<1x2048xi32>
    %or3A = arith.ori %shift_right_logical3A_153, %shift_left3A_169 : vector<1x2048xi32>
    %bitcast_convert_type3A_170 = tpu.bitcast %or3A : vector<1x2048xi32> -> vector<1x2048xi32>
    %reshape3A = vector.shape_cast %bitcast_convert_type3A_170 : vector<1x2048xi32> to vector<2048xi32>
    %swap3A = arith.constant 0 : index
    %swap3A_171 = vector.load %arg1[%swap3A] : memref<12288xi32, #tpu.memory_space<vmem>>, vector<2048xi32>
    tpu.vector_store %arg1[%swap3A], %reshape3A {strides = array<i32>} : memref<12288xi32, #tpu.memory_space<vmem>>, vector<2048xi32>,
    %bitcast_convert_type3A_172 = tpu.bitcast %add3A_142 : vector<1x2048xf32> -> vector<1x2048xi32>
    %add3A_173 = arith.constant 32767 : i32
    %add3A_174 = vector.broadcast %add3A_173 : i32 to vector<1x2048xi32>
    %add3A_175 = arith.addi %bitcast_convert_type3A_172, %add3A_174 : vector<1x2048xi32>
    %shift_right_logical3A_176 = arith.constant 16 : i32
    %shift_right_logical3A_177 = vector.broadcast %shift_right_logical3A_176 : i32 to vector<1x2048xi32>
    %shift_right_logical3A_178 = arith.shrui %bitcast_convert_type3A_172, %shift_right_logical3A_177 : vector<1x2048xi32>
    %and3A_179 = arith.constant 1 : i32
    %and3A_180 = vector.broadcast %and3A_179 : i32 to vector<1x2048xi32>
    %and3A_181 = arith.andi %shift_right_logical3A_178, %and3A_180 : vector<1x2048xi32>
    %add3A_182 = arith.addi %add3A_175, %and3A_181 : vector<1x2048xi32>
    %shift_right_logical3A_183 = arith.constant 16 : i32
    %shift_right_logical3A_184 = vector.broadcast %shift_right_logical3A_183 : i32 to vector<1x2048xi32>
    %shift_right_logical3A_185 = arith.shrui %add3A_182, %shift_right_logical3A_184 : vector<1x2048xi32>
    %bitcast_convert_type3A_186 = tpu.bitcast %sub3A_49 : vector<1x2048xf32> -> vector<1x2048xi32>
    %add3A_187 = arith.constant 32767 : i32
    %add3A_188 = vector.broadcast %add3A_187 : i32 to vector<1x2048xi32>
    %add3A_189 = arith.addi %bitcast_convert_type3A_186, %add3A_188 : vector<1x2048xi32>
    %shift_right_logical3A_190 = arith.constant 16 : i32
    %shift_right_logical3A_191 = vector.broadcast %shift_right_logical3A_190 : i32 to vector<1x2048xi32>
    %shift_right_logical3A_192 = arith.shrui %bitcast_convert_type3A_186, %shift_right_logical3A_191 : vector<1x2048xi32>
    %and3A_193 = arith.constant 1 : i32
    %and3A_194 = vector.broadcast %and3A_193 : i32 to vector<1x2048xi32>
    %and3A_195 = arith.andi %shift_right_logical3A_192, %and3A_194 : vector<1x2048xi32>
    %add3A_196 = arith.addi %add3A_189, %and3A_195 : vector<1x2048xi32>
    %shift_right_logical3A_197 = arith.constant 16 : i32
    %shift_right_logical3A_198 = vector.broadcast %shift_right_logical3A_197 : i32 to vector<1x2048xi32>
    %shift_right_logical3A_199 = arith.shrui %add3A_196, %shift_right_logical3A_198 : vector<1x2048xi32>
    %shift_left3A_200 = arith.constant 16 : i32
    %shift_left3A_201 = vector.broadcast %shift_left3A_200 : i32 to vector<1x2048xi32>
    %shift_left3A_202 = arith.shli %shift_right_logical3A_199, %shift_left3A_201 : vector<1x2048xi32>
    %or3A_203 = arith.ori %shift_right_logical3A_185, %shift_left3A_202 : vector<1x2048xi32>
    %bitcast_convert_type3A_204 = tpu.bitcast %or3A_203 : vector<1x2048xi32> -> vector<1x2048xi32>
    %reshape3A_205 = vector.shape_cast %bitcast_convert_type3A_204 : vector<1x2048xi32> to vector<2048xi32>
    %swap3A_206 = arith.constant 2048 : index
    %swap3A_207 = vector.load %arg1[%swap3A_206] : memref<12288xi32, #tpu.memory_space<vmem>>, vector<2048xi32>
    tpu.vector_store %arg1[%swap3A_206], %reshape3A_205 {strides = array<i32>} : memref<12288xi32, #tpu.memory_space<vmem>>, vector<2048xi32>,
    %bitcast_convert_type3A_208 = tpu.bitcast %add3A_54 : vector<1x2048xf32> -> vector<1x2048xi32>
    %add3A_209 = arith.constant 32767 : i32
    %add3A_210 = vector.broadcast %add3A_209 : i32 to vector<1x2048xi32>
    %add3A_211 = arith.addi %bitcast_convert_type3A_208, %add3A_210 : vector<1x2048xi32>
    %shift_right_logical3A_212 = arith.constant 16 : i32
    %shift_right_logical3A_213 = vector.broadcast %shift_right_logical3A_212 : i32 to vector<1x2048xi32>
    %shift_right_logical3A_214 = arith.shrui %bitcast_convert_type3A_208, %shift_right_logical3A_213 : vector<1x2048xi32>
    %and3A_215 = arith.constant 1 : i32
    %and3A_216 = vector.broadcast %and3A_215 : i32 to vector<1x2048xi32>
    %and3A_217 = arith.andi %shift_right_logical3A_214, %and3A_216 : vector<1x2048xi32>
    %add3A_218 = arith.addi %add3A_211, %and3A_217 : vector<1x2048xi32>
    %shift_right_logical3A_219 = arith.constant 16 : i32
    %shift_right_logical3A_220 = vector.broadcast %shift_right_logical3A_219 : i32 to vector<1x2048xi32>
    %shift_right_logical3A_221 = arith.shrui %add3A_218, %shift_right_logical3A_220 : vector<1x2048xi32>
    %bitcast_convert_type3A_222 = tpu.bitcast %add3A_57 : vector<1x2048xf32> -> vector<1x2048xi32>
    %add3A_223 = arith.constant 32767 : i32
    %add3A_224 = vector.broadcast %add3A_223 : i32 to vector<1x2048xi32>
    %add3A_225 = arith.addi %bitcast_convert_type3A_222, %add3A_224 : vector<1x2048xi32>
    %shift_right_logical3A_226 = arith.constant 16 : i32
    %shift_right_logical3A_227 = vector.broadcast %shift_right_logical3A_226 : i32 to vector<1x2048xi32>
    %shift_right_logical3A_228 = arith.shrui %bitcast_convert_type3A_222, %shift_right_logical3A_227 : vector<1x2048xi32>
    %and3A_229 = arith.constant 1 : i32
    %and3A_230 = vector.broadcast %and3A_229 : i32 to vector<1x2048xi32>
    %and3A_231 = arith.andi %shift_right_logical3A_228, %and3A_230 : vector<1x2048xi32>
    %add3A_232 = arith.addi %add3A_225, %and3A_231 : vector<1x2048xi32>
    %shift_right_logical3A_233 = arith.constant 16 : i32
    %shift_right_logical3A_234 = vector.broadcast %shift_right_logical3A_233 : i32 to vector<1x2048xi32>
    %shift_right_logical3A_235 = arith.shrui %add3A_232, %shift_right_logical3A_234 : vector<1x2048xi32>
    %shift_left3A_236 = arith.constant 16 : i32
    %shift_left3A_237 = vector.broadcast %shift_left3A_236 : i32 to vector<1x2048xi32>
    %shift_left3A_238 = arith.shli %shift_right_logical3A_235, %shift_left3A_237 : vector<1x2048xi32>
    %or3A_239 = arith.ori %shift_right_logical3A_221, %shift_left3A_238 : vector<1x2048xi32>
    %bitcast_convert_type3A_240 = tpu.bitcast %or3A_239 : vector<1x2048xi32> -> vector<1x2048xi32>
    %reshape3A_241 = vector.shape_cast %bitcast_convert_type3A_240 : vector<1x2048xi32> to vector<2048xi32>
    %swap3A_242 = arith.constant 4096 : index
    %swap3A_243 = vector.load %arg1[%swap3A_242] : memref<12288xi32, #tpu.memory_space<vmem>>, vector<2048xi32>
    tpu.vector_store %arg1[%swap3A_242], %reshape3A_241 {strides = array<i32>} : memref<12288xi32, #tpu.memory_space<vmem>>, vector<2048xi32>,
    %bitcast_convert_type3A_244 = tpu.bitcast %add3A_60 : vector<1x2048xf32> -> vector<1x2048xi32>
    %add3A_245 = arith.constant 32767 : i32
    %add3A_246 = vector.broadcast %add3A_245 : i32 to vector<1x2048xi32>
    %add3A_247 = arith.addi %bitcast_convert_type3A_244, %add3A_246 : vector<1x2048xi32>
    %shift_right_logical3A_248 = arith.constant 16 : i32
    %shift_right_logical3A_249 = vector.broadcast %shift_right_logical3A_248 : i32 to vector<1x2048xi32>
    %shift_right_logical3A_250 = arith.shrui %bitcast_convert_type3A_244, %shift_right_logical3A_249 : vector<1x2048xi32>
    %and3A_251 = arith.constant 1 : i32
    %and3A_252 = vector.broadcast %and3A_251 : i32 to vector<1x2048xi32>
    %and3A_253 = arith.andi %shift_right_logical3A_250, %and3A_252 : vector<1x2048xi32>
    %add3A_254 = arith.addi %add3A_247, %and3A_253 : vector<1x2048xi32>
    %shift_right_logical3A_255 = arith.constant 16 : i32
    %shift_right_logical3A_256 = vector.broadcast %shift_right_logical3A_255 : i32 to vector<1x2048xi32>
    %shift_right_logical3A_257 = arith.shrui %add3A_254, %shift_right_logical3A_256 : vector<1x2048xi32>
    %bitcast_convert_type3A_258 = tpu.bitcast %sub3A_65 : vector<1x2048xf32> -> vector<1x2048xi32>
    %add3A_259 = arith.constant 32767 : i32
    %add3A_260 = vector.broadcast %add3A_259 : i32 to vector<1x2048xi32>
    %add3A_261 = arith.addi %bitcast_convert_type3A_258, %add3A_260 : vector<1x2048xi32>
    %shift_right_logical3A_262 = arith.constant 16 : i32
    %shift_right_logical3A_263 = vector.broadcast %shift_right_logical3A_262 : i32 to vector<1x2048xi32>
    %shift_right_logical3A_264 = arith.shrui %bitcast_convert_type3A_258, %shift_right_logical3A_263 : vector<1x2048xi32>
    %and3A_265 = arith.constant 1 : i32
    %and3A_266 = vector.broadcast %and3A_265 : i32 to vector<1x2048xi32>
    %and3A_267 = arith.andi %shift_right_logical3A_264, %and3A_266 : vector<1x2048xi32>
    %add3A_268 = arith.addi %add3A_261, %and3A_267 : vector<1x2048xi32>
    %shift_right_logical3A_269 = arith.constant 16 : i32
    %shift_right_logical3A_270 = vector.broadcast %shift_right_logical3A_269 : i32 to vector<1x2048xi32>
    %shift_right_logical3A_271 = arith.shrui %add3A_268, %shift_right_logical3A_270 : vector<1x2048xi32>
    %shift_left3A_272 = arith.constant 16 : i32
    %shift_left3A_273 = vector.broadcast %shift_left3A_272 : i32 to vector<1x2048xi32>
    %shift_left3A_274 = arith.shli %shift_right_logical3A_271, %shift_left3A_273 : vector<1x2048xi32>
    %or3A_275 = arith.ori %shift_right_logical3A_257, %shift_left3A_274 : vector<1x2048xi32>
    %bitcast_convert_type3A_276 = tpu.bitcast %or3A_275 : vector<1x2048xi32> -> vector<1x2048xi32>
    %reshape3A_277 = vector.shape_cast %bitcast_convert_type3A_276 : vector<1x2048xi32> to vector<2048xi32>
    %swap3A_278 = arith.constant 6144 : index
    %swap3A_279 = vector.load %arg1[%swap3A_278] : memref<12288xi32, #tpu.memory_space<vmem>>, vector<2048xi32>
    tpu.vector_store %arg1[%swap3A_278], %reshape3A_277 {strides = array<i32>} : memref<12288xi32, #tpu.memory_space<vmem>>, vector<2048xi32>,
    %bitcast_convert_type3A_280 = tpu.bitcast %add3A_71 : vector<1x2048xf32> -> vector<1x2048xi32>
    %add3A_281 = arith.constant 32767 : i32
    %add3A_282 = vector.broadcast %add3A_281 : i32 to vector<1x2048xi32>
    %add3A_283 = arith.addi %bitcast_convert_type3A_280, %add3A_282 : vector<1x2048xi32>
    %shift_right_logical3A_284 = arith.constant 16 : i32
    %shift_right_logical3A_285 = vector.broadcast %shift_right_logical3A_284 : i32 to vector<1x2048xi32>
    %shift_right_logical3A_286 = arith.shrui %bitcast_convert_type3A_280, %shift_right_logical3A_285 : vector<1x2048xi32>
    %and3A_287 = arith.constant 1 : i32
    %and3A_288 = vector.broadcast %and3A_287 : i32 to vector<1x2048xi32>
    %and3A_289 = arith.andi %shift_right_logical3A_286, %and3A_288 : vector<1x2048xi32>
    %add3A_290 = arith.addi %add3A_283, %and3A_289 : vector<1x2048xi32>
    %shift_right_logical3A_291 = arith.constant 16 : i32
    %shift_right_logical3A_292 = vector.broadcast %shift_right_logical3A_291 : i32 to vector<1x2048xi32>
    %shift_right_logical3A_293 = arith.shrui %add3A_290, %shift_right_logical3A_292 : vector<1x2048xi32>
    %bitcast_convert_type3A_294 = tpu.bitcast %add3A_77 : vector<1x2048xf32> -> vector<1x2048xi32>
    %add3A_295 = arith.constant 32767 : i32
    %add3A_296 = vector.broadcast %add3A_295 : i32 to vector<1x2048xi32>
    %add3A_297 = arith.addi %bitcast_convert_type3A_294, %add3A_296 : vector<1x2048xi32>
    %shift_right_logical3A_298 = arith.constant 16 : i32
    %shift_right_logical3A_299 = vector.broadcast %shift_right_logical3A_298 : i32 to vector<1x2048xi32>
    %shift_right_logical3A_300 = arith.shrui %bitcast_convert_type3A_294, %shift_right_logical3A_299 : vector<1x2048xi32>
    %and3A_301 = arith.constant 1 : i32
    %and3A_302 = vector.broadcast %and3A_301 : i32 to vector<1x2048xi32>
    %and3A_303 = arith.andi %shift_right_logical3A_300, %and3A_302 : vector<1x2048xi32>
    %add3A_304 = arith.addi %add3A_297, %and3A_303 : vector<1x2048xi32>
    %shift_right_logical3A_305 = arith.constant 16 : i32
    %shift_right_logical3A_306 = vector.broadcast %shift_right_logical3A_305 : i32 to vector<1x2048xi32>
    %shift_right_logical3A_307 = arith.shrui %add3A_304, %shift_right_logical3A_306 : vector<1x2048xi32>
    %shift_left3A_308 = arith.constant 16 : i32
    %shift_left3A_309 = vector.broadcast %shift_left3A_308 : i32 to vector<1x2048xi32>
    %shift_left3A_310 = arith.shli %shift_right_logical3A_307, %shift_left3A_309 : vector<1x2048xi32>
    %or3A_311 = arith.ori %shift_right_logical3A_293, %shift_left3A_310 : vector<1x2048xi32>
    %bitcast_convert_type3A_312 = tpu.bitcast %or3A_311 : vector<1x2048xi32> -> vector<1x2048xi32>
    %reshape3A_313 = vector.shape_cast %bitcast_convert_type3A_312 : vector<1x2048xi32> to vector<2048xi32>
    %swap3A_314 = arith.constant 8192 : index
    %swap3A_315 = vector.load %arg1[%swap3A_314] : memref<12288xi32, #tpu.memory_space<vmem>>, vector<2048xi32>
    tpu.vector_store %arg1[%swap3A_314], %reshape3A_313 {strides = array<i32>} : memref<12288xi32, #tpu.memory_space<vmem>>, vector<2048xi32>,
    %bitcast_convert_type3A_316 = tpu.bitcast %add3A_80 : vector<1x2048xf32> -> vector<1x2048xi32>
    %add3A_317 = arith.constant 32767 : i32
    %add3A_318 = vector.broadcast %add3A_317 : i32 to vector<1x2048xi32>
    %add3A_319 = arith.addi %bitcast_convert_type3A_316, %add3A_318 : vector<1x2048xi32>
    %shift_right_logical3A_320 = arith.constant 16 : i32
    %shift_right_logical3A_321 = vector.broadcast %shift_right_logical3A_320 : i32 to vector<1x2048xi32>
    %shift_right_logical3A_322 = arith.shrui %bitcast_convert_type3A_316, %shift_right_logical3A_321 : vector<1x2048xi32>
    %and3A_323 = arith.constant 1 : i32
    %and3A_324 = vector.broadcast %and3A_323 : i32 to vector<1x2048xi32>
    %and3A_325 = arith.andi %shift_right_logical3A_322, %and3A_324 : vector<1x2048xi32>
    %add3A_326 = arith.addi %add3A_319, %and3A_325 : vector<1x2048xi32>
    %shift_right_logical3A_327 = arith.constant 16 : i32
    %shift_right_logical3A_328 = vector.broadcast %shift_right_logical3A_327 : i32 to vector<1x2048xi32>
    %shift_right_logical3A_329 = arith.shrui %add3A_326, %shift_right_logical3A_328 : vector<1x2048xi32>
    %bitcast_convert_type3A_330 = tpu.bitcast %sub3A_85 : vector<1x2048xf32> -> vector<1x2048xi32>
    %add3A_331 = arith.constant 32767 : i32
    %add3A_332 = vector.broadcast %add3A_331 : i32 to vector<1x2048xi32>
    %add3A_333 = arith.addi %bitcast_convert_type3A_330, %add3A_332 : vector<1x2048xi32>
    %shift_right_logical3A_334 = arith.constant 16 : i32
    %shift_right_logical3A_335 = vector.broadcast %shift_right_logical3A_334 : i32 to vector<1x2048xi32>
    %shift_right_logical3A_336 = arith.shrui %bitcast_convert_type3A_330, %shift_right_logical3A_335 : vector<1x2048xi32>
    %and3A_337 = arith.constant 1 : i32
    %and3A_338 = vector.broadcast %and3A_337 : i32 to vector<1x2048xi32>
    %and3A_339 = arith.andi %shift_right_logical3A_336, %and3A_338 : vector<1x2048xi32>
    %add3A_340 = arith.addi %add3A_333, %and3A_339 : vector<1x2048xi32>
    %shift_right_logical3A_341 = arith.constant 16 : i32
    %shift_right_logical3A_342 = vector.broadcast %shift_right_logical3A_341 : i32 to vector<1x2048xi32>
    %shift_right_logical3A_343 = arith.shrui %add3A_340, %shift_right_logical3A_342 : vector<1x2048xi32>
    %shift_left3A_344 = arith.constant 16 : i32
    %shift_left3A_345 = vector.broadcast %shift_left3A_344 : i32 to vector<1x2048xi32>
    %shift_left3A_346 = arith.shli %shift_right_logical3A_343, %shift_left3A_345 : vector<1x2048xi32>
    %or3A_347 = arith.ori %shift_right_logical3A_329, %shift_left3A_346 : vector<1x2048xi32>
    %bitcast_convert_type3A_348 = tpu.bitcast %or3A_347 : vector<1x2048xi32> -> vector<1x2048xi32>
    %reshape3A_349 = vector.shape_cast %bitcast_convert_type3A_348 : vector<1x2048xi32> to vector<2048xi32>
    %swap3A_350 = arith.constant 10240 : index
    %swap3A_351 = vector.load %arg1[%swap3A_350] : memref<12288xi32, #tpu.memory_space<vmem>>, vector<2048xi32>
    tpu.vector_store %arg1[%swap3A_350], %reshape3A_349 {strides = array<i32>} : memref<12288xi32, #tpu.memory_space<vmem>>, vector<2048xi32>,
    return
  }
}

</mosaic_0001>

<sc_bundles>
// kernel: kernel.4.cloned.1.call-start
scs
__scs_entry_jumppad:
0x0: {  	(pc) =	sbr.rel $0x88, $3  }
0x1: {  	(tag) =	ssettag $0x0;
	lr =	simm.s32 $0x1  }
0x2: {  	[smem:$0x3F9D] =	sst lr;
	_ =	strace $0xD0000000  }
0x3: {  	_ = 	snop  }
0x4: {  	_ = 	snop  }
0x5: {  	_ = 	snop  }
0x6: {  	_ = 	snop  }
0x7: {  	_ = 	snop  }
__scs_overlays_trampoline_lowered:
0x8: {  	[smem:$0x3FAC] =	sst s0  }
0x9: {  	[smem:$0x3FAD] =	sst s1  }
0xa: {  	[smem:$0x3FAE] =	sst s2  }
0xb: {  	[smem:$0x3FAF] =	sst s3  }
0xc: {  	[smem:$0x3FB0] =	sst s4  }
0xd: {  	[smem:$0x3FB1] =	sst s5  }
0xe: {  	[smem:$0x3FB2] =	sst s6  }
0xf: {  	[smem:$0x3FB3] =	sst s7  }
0x10: {  	[smem:$0x3FB4] =	sst s8  }
0x11: {  	[smem:$0x3FB5] =	sst s9;
	s0 =	simm.s32 @!p0 $0x0  }
0x12: {  	s1 =	sld [smem:$0x3F9B];
	s0 =	simm.s32 @p0 $0x1  }
0x13: {  	[smem:$0x3FB6] =	sst s0;
	s0 =	simm.s32 @!p1 $0x0  }
0x14: {  	s2 =	sld [smem:$0x3F9A];
	s0 =	simm.s32 @p1 $0x1  }
0x15: {  	[smem:$0x3FB7] =	sst s0;
	s0 =	simm.s32 @!p2 $0x0  }
0x16: {  	s3 =	sld [smem:$0x3FDB];
	s0 =	simm.s32 @p2 $0x1  }
0x17: {  	s4 =	simm.s32 $0x1BF5;
	[smem:$0x3FB9] =	sst s0  }
0x18: {  	s0 =	sld [smem:$0x3F9C];
	_ =	swait.ge [sflag:s4], $0x0  }
0x19: {  	s7 =	sld [smem:$0x3F9D]  }
0x1a: {  	s8 =	sadd.s32 $0xFFFFE003, lr  }
0x1b: {  	s9 =	sadd.s32 $0xFFFFFEF7, lr;
	s5 =	simm.s32 $0xFFFFFFFF;
	p2 =	slt.u32 s8, $0xFFFFF086  }
0x1c: {  	p1 =	slt.u32 s9, $0xF7A;
	s5 =	simm.s32 @!p2 $0x0  }
0x1d: {  	s5 =	simm.s32 @p1 $0x1;
	p0 =	seq.s32 s7, s2  }
0x1e: {  	s7 =	smul.u32 @!p0 $0xF7A, s2;
	p2 =	seq.s32 @!p0 s5, $0x0  }
0x1f: {  	s9 =	smul.u32 $0xF7A, s1;
	s8 =	simm.s32 @!p0 $0x1BF5;
	p2 =	por !p2, p0  }
0x20: {  	[sflag:s8] =	ssyncset.s32 @!p0 $0xFFFFF086;
	s6 =	sadd.s32 @!p0 s3, s7;
	s7 =	simm.s32 @!p0 $0x108  }
0x21: {  	s3 =	sadd.s32 s3, s9;
	s6 =	sadd.s32 @!p0 $0x88, s6;
	s7 =	simm.s32 @p2 $0x1082  }
0x22: {  	[simem:s7], [sflag:s8] =	dma.local @!p0 [hbm:s6], $0xF7A  }
0x23: {  	s9 =	sor.u32 $0xD0000000, s2;
	s6 =	simm.s32 $0x108;
	_ =	swait.ge @!p0 [sflag:s8], $0x0  }
0x24: {  	s3 =	sadd.s32 $0x88, s3;
	s6 =	simm.s32 @!p1 $0x1082;
	[sflag:s4] =	ssyncset.s32 $0xFFFFF086  }
0x25: {  	[simem:s6], [sflag:s4] =	dma.local [hbm:s3], $0xF7A  }
0x26: {  	[smem:$0x3F9D] =	sst s1;
	(tag) =	ssettag s2;
	_ =	strace s9  }
0x27: {  	s1 =	sld [smem:$0x3FAD]  }
0x28: {  	s2 =	sld [smem:$0x3FAE]  }
0x29: {  	s4 =	sld [smem:$0x3FB0]  }
0x2a: {  	p0 =	seq.s32 s5, $0x0;
	s5 =	sld [smem:$0x3FB1]  }
0x2b: {  	s6 =	sld [smem:$0x3FB2]  }
0x2c: {  	s7 =	sld [smem:$0x3FB3]  }
0x2d: {  	s3 =	simm.s32 $0x108;
	s8 =	sld [smem:$0x3FB4]  }
0x2e: {  	s3 =	simm.s32 @!p0 $0x1082;
	s9 =	sld [smem:$0x3FB5]  }
0x2f: {  	lr =	sadd.s32 s0, s3;
	s0 =	sld [smem:$0x3FAC]  }
0x30: {  	s3 =	sld [smem:$0x3FAF]  }
0x31: {  	[smem:$0x3FB8] =	sst s10  }
0x32: {  	s10 =	sld [smem:$0x3FB6];
	_ =	sdelay $0x3  }
0x33: {  	p0 =	seq.s32 s10, $0x1;
	s10 =	sld [smem:$0x3FB8];
	_ =	sdelay $0x3  }
0x34: {  	[smem:$0x3FB8] =	sst s10  }
0x35: {  	s10 =	sld [smem:$0x3FB7];
	_ =	sdelay $0x3  }
0x36: {  	p1 =	seq.s32 s10, $0x1;
	s10 =	sld [smem:$0x3FB8];
	_ =	sdelay $0x3  }
0x37: {  	[smem:$0x3FB8] =	sst s10  }
0x38: {  	s10 =	sld [smem:$0x3FB9]  }
0x39: {  	_ = 	snop;
	(pc) =	sbr.ind lr, $3  }
0x3a: {  	_ = 	snop  }
0x3b: {  	_ = 	snop  }
0x3c: {  	p2 =	seq.s32 s10, $0x1;
	s10 =	sld [smem:$0x3FB8]  }
0x3d: {  	_ =	shalt  }
0x3e: {  	_ =	shalt  }
0x3f: {  	_ =	shalt  }
0x40: {  	_ =	shalt  }
0x41: {  	_ =	shalt  }
0x42: {  	_ =	shalt  }
0x43: {  	_ =	shalt  }
0x44: {  	_ =	shalt  }
0x45: {  	_ =	shalt  }
0x46: {  	_ =	shalt  }
0x47: {  	_ =	shalt  }
0x48: {  	_ =	shalt  }
0x49: {  	_ =	shalt  }
0x4a: {  	_ =	shalt  }
0x4b: {  	_ =	shalt  }
0x4c: {  	_ =	shalt  }
0x4d: {  	_ =	shalt  }
0x4e: {  	_ =	shalt  }
0x4f: {  	_ =	shalt  }
0x50: {  	_ =	shalt  }
0x51: {  	_ =	shalt  }
0x52: {  	_ =	shalt  }
0x53: {  	_ =	shalt  }
0x54: {  	_ =	shalt  }
0x55: {  	_ =	shalt  }
0x56: {  	_ =	shalt  }
0x57: {  	_ =	shalt  }
0x58: {  	_ =	shalt  }
0x59: {  	_ =	shalt  }
0x5a: {  	_ =	shalt  }
0x5b: {  	_ =	shalt  }
0x5c: {  	_ =	shalt  }
0x5d: {  	_ =	shalt  }
0x5e: {  	_ =	shalt  }
0x5f: {  	_ =	shalt  }
0x60: {  	_ =	shalt  }
0x61: {  	_ =	shalt  }
0x62: {  	_ =	shalt  }
0x63: {  	_ =	shalt  }
0x64: {  	_ =	shalt  }
0x65: {  	_ =	shalt  }
0x66: {  	_ =	shalt  }
0x67: {  	_ =	shalt  }
0x68: {  	_ =	shalt  }
0x69: {  	_ =	shalt  }
0x6a: {  	_ =	shalt  }
0x6b: {  	_ =	shalt  }
0x6c: {  	_ =	shalt  }
0x6d: {  	_ =	shalt  }
0x6e: {  	_ =	shalt  }
0x6f: {  	_ =	shalt  }
0x70: {  	_ =	shalt  }
0x71: {  	_ =	shalt  }
0x72: {  	_ =	shalt  }
0x73: {  	_ =	shalt  }
0x74: {  	_ =	shalt  }
0x75: {  	_ =	shalt  }
0x76: {  	_ =	shalt  }
0x77: {  	_ =	shalt  }
0x78: {  	_ =	shalt  }
0x79: {  	_ =	shalt  }
0x7a: {  	_ =	shalt  }
0x7b: {  	_ =	shalt  }
0x7c: {  	_ =	shalt  }
0x7d: {  	_ =	shalt  }
0x7e: {  	_ =	shalt  }
0x7f: {  	_ =	shalt  }
0x80: {  	_ =	shalt  }
0x81: {  	_ =	shalt  }
0x82: {  	_ =	shalt  }
0x83: {  	_ =	shalt  }
0x84: {  	_ =	shalt  }
0x85: {  	_ =	shalt  }
0x86: {  	_ =	shalt  }
0x87: {  	_ =	shalt  }
.Lfunc_end0:
.L_simem_size_0:
called_computation_lowered:
.L_overlay_start_0:
0x88: {  	s2 =	sld [smem:$0x3FD9]  }
0x89: {  	s3 =	sld [smem:$0x3FFE];
	_ =	sdelay $0x1  }
0x8a: {  	s1 =	srdreg.scid  }
0x8b: {  	s0 =	sand.u32 $0x1, s1  }
0x8c: {  	s17 =	sshll.u32 s0, $0xA;
	s2 =	sadd.s32 s3, s2  }
0x8d: {  	s2 =	sadd.s32 s2, s17  }
0x8e: {  	[smem:$0x3FC4] =	sst s2  }
0x8f: {  	_ = 	snop  }
0x90: {  	s2 =	sld [smem:$0x3FC8]  }
0x91: {  	s18 =	sld [smem:$0x3FC7]  }
0x92: {  	s4 =	sld [smem:$0x3FC6]  }
0x93: {  	s5 =	sld [smem:$0x3FD0];
	(tm) =	ssettm $0x1  }
0x94: {  	s6 =	sld [smem:$0x3FFB];
	_ =	sdelay $0x3  }
0x95: {  	_ =	strace s6  }
0x96: {  	s6 =	sld [smem:$0x3FFC];
	_ =	sdelay $0x3  }
0x97: {  	_ =	strace s6  }
0x98: {  	s6 =	sld [smem:$0x3FFD];
	_ =	sdelay $0x3  }
0x99: {  	_ =	strace s6  }
0x9a: {  	_ =	strace $0x8FFFFFFF  }
0x9b: {  	s19 =	sld [smem:$0x3FDB];
	_ =	sdelay $0x1  }
0x9c: {  	s7 =	simm.s32 $_scs_section_size  }
0x9d: {  	s8 =	simm.s32 $_size__tile_overlayer_lowered;
	s9 =	simm.s32 $_tile_overlayer_lowered  }
0x9e: {  	s22 =	simm.s32 $0x1BFF;
	s21 =	sshll.u32 s9, $0x1;
	s6 =	sadd.s32 s7, s19  }
0x9f: {  	s10 =	simm.s32 $0x0;
	s20 =	sshll.u32 s8, $0x1;
	s8 =	sadd.s32 s21, s6  }
0xa0: {  	[timem:s10], [sflag:s22] =	dma.local [hbm:s8], s20  }
0xa1: {  	_ =	swait.ge [sflag:s22], s20  }
0xa2: {  	s7 =	ssub.s32 $0x0, s20;
	[sflag:s22] =	ssyncset.done $0x0  }
0xa3: {  	[sflag:s22] =	ssyncadd.s32 s7;
	_ =	sdelay $0x1  }
0xa4: {  	s23 =	simm.s32 $0x1B8B  }
0xa5: {  	_ =	swait.ge [sflag:s23], $0x1  }
0xa6: {  	[sflag:s23] =	ssyncset.done $0x0  }
0xa7: {  	s25 =	simm.s32 $0x1B8E;
	s24 =	sld [smem:$0x3FFE];
	[sflag:s23] =	ssyncadd.s32 $0xFFFFFFFF  }
0xa8: {  	s26 =	simm.s32 $execute0_lowered;
	[smem:$0x3FD2] =	sst s25  }
0xa9: {  	s8 =	sshll.u32 s26, $0x1;
	_ =	strace $0x80000046;
	[dreg:$0x1] =	wrdreg $0xFFFFFFFF  }
0xaa: {  	s28 =	simm.s32 $_size_execute0_lowered;
	s6 =	sadd.s32 s6, s8;
	[dreg:$0x0] =	wrdreg $0x0  }
0xab: {  	s8 =	sshll.u32 s28, $0x1;
	[dreg:$0x2] =	wrdreg s6  }
0xac: {  	[dreg:$0x3] =	wrdreg s8  }
0xad: {  	[dreg:$0x4] =	wrdreg $0xC0  }
0xae: {  	_ =	task [dreg:s10], $0x5FFFF  }
0xaf: {  	[dreg:$0x1] =	wrdreg $0xFFFFFFFF  }
0xb0: {  	[dreg:$0x0] =	wrdreg $0x60  }
0xb1: {  	[dreg:$0x2] =	wrdreg s24  }
0xb2: {  	[dreg:$0x3] =	wrdreg s2  }
0xb3: {  	[dreg:$0x4] =	wrdreg s18  }
0xb4: {  	[dreg:$0x5] =	wrdreg s4  }
0xb5: {  	[dreg:$0x6] =	wrdreg s5  }
0xb6: {  	[dreg:$0x7] =	wrdreg $0x9  }
0xb7: {  	_ =	task.clear_ibuf [dreg:s10], $0x8FFFF;
	_ =	strace $0x90000046  }
0xb8: {  	s29 =	simm.s32 $0x9;
	_ =	strace $0x80000048  }
0xb9: {  	_ =	swait.ge [sflag:s29], $0x1  }
0xba: {  	[sflag:s29] =	ssyncadd.s32 $0xFFFFFFFF  }
0xbb: {  	_ =	strace $0x90000048  }
0xbc: {  	_ =	sfence  }
0xbd: {  	s30 =	sld [smem:$0x0];
	_ =	sdelay $0x2  }
0xbe: {  	s31 =	sshll.u32 s1, $0xD;
	s1 =	sshrl.u32 s1, $0x2  }
0xbf: {  	s3 =	sand.u32 $0x4000, s31;
	s1 =	sadd.s32 s1, s30  }
0xc0: {  	s0 =	sor.u32 s3, s0;
	s1 =	sshll.u32 s1, $0x11  }
0xc1: {  	s0 =	sor.u32 s1, s0  }
0xc2: {  	s0 =	sadd.s32 $0x8F2B, s0  }
0xc3: {  	[sflag:s0] =	ssyncadd.remote.s32 $0x1  }
0xc4: {  	_ =	sfence.sel $0xFFFF  }
0xc5: {  	[dreg:$0x0] =	wrdreg $0xFFFFFFFF;
	(pc) =	sbr.abs _section_cstart, $3  }
0xc6: {  	[dreg:$0x1] =	wrdreg $0xFFFFFFFF  }
0xc7: {  	_ =	task.clear_ibuf [dreg:s10], $0x2FFFF;
	_ =	strace $0x9FFFFFFF  }
0xc8: {  	(tm) =	ssettm $0x7FFFFFFF  }
0xc9: {  	_ =	shalt  }
tec
execute0_lowered:
.L_overlay_start_1:
0x0: {  	(tag) =	ssettag $0x1  }
0x1: {  	s0 =	rddreg [dreg:$0x1]  }
0x2: {  	s1 =	srdreg.scid;
	s7 =	stileid.u32  }
0x3: {  	s2 =	rddreg [dreg:$0x2];
	s4 =	sand.u32 $0x1, s1;
	s7 =	sshll.u32 s7, $0x1  }
0x4: {  	s3 =	rddreg [dreg:$0x3];
	s6 =	ssub.s32 $0x2, s4;
	s4 =	sor.u32 s4, s7  }
0x5: {  	s5 =	rddreg [dreg:$0x4];
	s1 =	simm.s32 $0x0;
	s7 =	sshll.u32 s4, $0xA  }
0x6: {  	[smem:$0x7FF] =	sst s1;
	s18 =	sadd.s32 s2, s7  }
0x7: {  	s9 =	sor.u32 $0x80, s7;
	s10 =	sadd.s32 s3, s7;
	[dreg:$0x6] =	wrdreg s18  }
0x8: {  	s8 =	sshrl.u32 s6, $0x1;
	[dreg:$0x7] =	wrdreg s10;
	s19 =	sadd.s32 s2, s9  }
0x9: {  	s22 =	sor.u32 $0x100, s7;
	s9 =	sadd.s32 s3, s9;
	[dreg:$0x8] =	wrdreg s19  }
0xa: {  	s23 =	sor.u32 $0x180, s7;
	s11 =	sadd.s32 s2, s22;
	[dreg:$0x9] =	wrdreg s9  }
0xb: {  	s25 =	sor.u32 $0x200, s7;
	s24 =	sadd.s32 s2, s23;
	[dreg:$0xb] =	wrdreg s11  }
0xc: {  	s28 =	sor.u32 $0x280, s7;
	s26 =	sadd.s32 s2, s25;
	[dreg:$0xd] =	wrdreg s24  }
0xd: {  	s30 =	sor.u32 $0x300, s7;
	s29 =	sadd.s32 s2, s28;
	[dreg:$0xf] =	wrdreg s26  }
0xe: {  	s7 =	sor.u32 $0x380, s7;
	s31 =	sadd.s32 s2, s30;
	[dreg:$0x11] =	wrdreg s29  }
0xf: {  	s6 =	ssub.s32 s6, s8;
	s2 =	sadd.s32 s2, s7;
	[dreg:$0x13] =	wrdreg s31  }
0x10: {  	s8 =	sshll.u32 s4, $0xD;
	s12 =	sadd.s32 s3, s7;
	[dreg:$0x15] =	wrdreg s2  }
0x11: {  	p0 =	sne.s32 s4, $0x0;
	s20 =	sor.u32 $0x400, s8;
	[dreg:$0x16] =	wrdreg s12  }
0x12: {  	s13 =	sor.u32 $0x800, s8;
	s21 =	sadd.s32 s0, s20;
	s29 =	rddreg [dreg:$0x0]  }
0x13: {  	s16 =	sor.u32 $0xC00, s8;
	s9 =	sadd.s32 s3, s22;
	[dreg:$0xa] =	wrdreg s21  }
0x14: {  	s10 =	simm.s32 $0x800;
	s14 =	sadd.s32 s5, s20;
	[dreg:$0xc] =	wrdreg s9  }
0x15: {  	s7 =	simm.s32 $0x2800;
	s15 =	sadd.s32 s0, s13;
	[dreg:$0x17] =	wrdreg s14  }
0x16: {  	s2 =	sadd.s32 s5, s13;
	s17 =	sadd.s32 s0, s16;
	[dreg:$0x18] =	wrdreg s15  }
0x17: {  	s18 =	sadd.s32 s5, s16;
	s19 =	sadd.s32 s0, s8;
	[dreg:$0x19] =	wrdreg s2  }
0x18: {  	s20 =	sadd.s32 s5, s8;
	s22 =	sor.u32 $0x1400, s8;
	[dreg:$0x1a] =	wrdreg s17  }
0x19: {  	s12 =	simm.s32 $0x9;
	s13 =	simm.s32 $0x1000;
	[dreg:$0x1b] =	wrdreg s18  }
0x1a: {  	s16 =	simm.s32 $0x3;
	s11 =	simm.s32 $0x7;
	[dreg:$0x1c] =	wrdreg s19  }
0x1b: {  	s9 =	sadd.s32 s3, s23;
	[dreg:$0x1d] =	wrdreg s20;
	s21 =	sor.u32 $0x1000, s8  }
0x1c: {  	s23 =	sor.u32 $0x1800, s8;
	[dreg:$0xe] =	wrdreg s9;
	s9 =	sadd.s32 s3, s25  }
0x1d: {  	s8 =	sor.u32 $0x1C00, s8;
	s24 =	sadd.s32 s0, s21;
	[dreg:$0x10] =	wrdreg s9  }
0x1e: {  	s4 =	sadd.s32 $0x600, s29;
	s25 =	sadd.s32 s0, s22;
	[dreg:$0x1e] =	wrdreg s24  }
0x1f: {  	s14 =	simm.s32 $0x2000;
	s26 =	sadd.s32 s0, s23;
	[dreg:$0x1f] =	wrdreg s25  }
0x20: {  	s15 =	simm.s32 $0x2;
	s0 =	sadd.s32 s0, s8;
	[smem:$0x7F9] =	sst s26  }
0x21: {  	s18 =	simm.s32 $0x4;
	s31 =	sadd.s32 s5, s23;
	[smem:$0x7FA] =	sst s0  }
0x22: {  	s20 =	simm.s32 $0x5;
	s9 =	sadd.s32 s3, s28;
	[smem:$0x7FD] =	sst s31  }
0x23: {  	s23 =	simm.s32 $0x0;
	s28 =	sadd.s32 s5, s21;
	[dreg:$0x12] =	wrdreg s9  }
0x24: {  	s21 =	simm.s32 $0x6;
	s9 =	sadd.s32 s3, s30;
	[smem:$0x7FB] =	sst s28  }
0x25: {  	s30 =	sadd.s32 s5, s22;
	s3 =	sadd.s32 s5, s8;
	[dreg:$0x14] =	wrdreg s9  }
0x26: {  	s5 =	smax.u32 s6, $0x1;
	s8 =	simm.s32 $0x1;
	[smem:$0x7FC] =	sst s30  }
0x27: {  	s6 =	simm.s32 $0x1800;
	s22 =	simm.s32 $0x8;
	_ =	strace $0x80000047  }
.LBB2_1:
0x28: {  	s0 =	rddreg [dreg:$0x6];
	s2 =	simm.s32 $0x3000  }
0x29: {  	[tilespmem:s2], [sflag:$0x1] =	stream.linear.gather [hbm4b:s0+s1], $0x400, $0x38;
	[tilespmem:$0x15400] =	vst v63  }
0x2a: {  	s9 =	simm.s32 $0x4200;
	s2 =	rddreg [dreg:$0x7]  }
0x2b: {  	[tilespmem:s9], [sflag:$0x1] =	stream.linear.gather [hbm4b:s2+s1], $0x400, $0x38;
	[tilespmem:$0x15400] =	vst v63  }
0x2c: {  	s17 =	rddreg [dreg:$0x1c];
	s19 =	simm.s32 $0x5400  }
0x2d: {  	[tilespmem:s19], [sflag:$0x1] =	stream.linear.gather [hbm4b:s17+s1], $0x2000, $0x38;
	[tilespmem:$0x15400] =	vst v63  }
0x2e: {  	s24 =	rddreg [dreg:$0x8];
	s25 =	simm.s32 $0x3480  }
0x2f: {  	[tilespmem:s25], [sflag:$0x2] =	stream.linear.gather [hbm4b:s24+s1], $0x400, $0x38;
	[tilespmem:$0x15400] =	vst v63  }
0x30: {  	s26 =	rddreg [dreg:$0x9];
	s31 =	simm.s32 $0x4680  }
0x31: {  	[tilespmem:s31], [sflag:$0x2] =	stream.linear.gather [hbm4b:s26+s1], $0x400, $0x38;
	[tilespmem:$0x15400] =	vst v63  }
0x32: {  	s2 =	rddreg [dreg:$0xa];
	s9 =	simm.s32 $0x7400  }
0x33: {  	[tilespmem:s9], [sflag:$0x2] =	stream.linear.gather [hbm4b:s2+s1], $0x2000, $0x38;
	[tilespmem:$0x15400] =	vst v63  }
0x34: {  	s17 =	rddreg [dreg:$0xb];
	s19 =	simm.s32 $0x3900  }
0x35: {  	[tilespmem:s19], [sflag:$0x3] =	stream.linear.gather [hbm4b:s17+s1], $0x400, $0x38;
	[tilespmem:$0x15400] =	vst v63  }
0x36: {  	s24 =	rddreg [dreg:$0xc];
	s25 =	simm.s32 $0x4B00  }
0x37: {  	[tilespmem:s25], [sflag:$0x3] =	stream.linear.gather [hbm4b:s24+s1], $0x400, $0x38;
	[tilespmem:$0x15400] =	vst v63  }
0x38: {  	s26 =	rddreg [dreg:$0x18];
	s31 =	simm.s32 $0x9400  }
0x39: {  	[tilespmem:s31], [sflag:$0x3] =	stream.linear.gather [hbm4b:s26+s1], $0x2000, $0x38;
	[tilespmem:$0x15400] =	vst v63  }
0x3a: {  	s9 =	rddreg [dreg:$0xd];
	s17 =	simm.s32 $0x3D80  }
0x3b: {  	[tilespmem:s17], [sflag:$0x4] =	stream.linear.gather [hbm4b:s9+s1], $0x400, $0x38;
	[tilespmem:$0x15400] =	vst v63  }
0x3c: {  	s19 =	rddreg [dreg:$0xe];
	s24 =	simm.s32 $0x4F80  }
0x3d: {  	[tilespmem:s24], [sflag:$0x4] =	stream.linear.gather [hbm4b:s19+s1], $0x400, $0x38;
	[tilespmem:$0x15400] =	vst v63  }
0x3e: {  	s25 =	rddreg [dreg:$0x1a];
	s26 =	simm.s32 $0xB400  }
0x3f: {  	[tilespmem:s26], [sflag:$0x4] =	stream.linear.gather [hbm4b:s25+s1], $0x2000, $0x38;
	[tilespmem:$0x15400] =	vst v63  }
0x40: {  	_ = 	snop  }
0x41: {  	[tilespmem:s1], [sflag:$0x9] =	stream.linear.gather [hbm4b:s4+s1], $0x3000, $0x38;
	[tilespmem:$0x15400] =	vst v63  }
0x42: {  	_ =	swait.ge [sflag:s12], $0x3000  }
0x43: {  	[sflag:s12] =	ssyncset.done $0x0  }
0x44: {  	[sflag:s12] =	ssyncadd.s32 $0xFFFFD000  }
0x45: {  	_ =	swait.ge [sflag:s8], $0x400  }
0x46: {  	[sflag:s8] =	ssyncset.done $0x0  }
0x47: {  	[sflag:s8] =	ssyncadd.s32 $0xFFFFFC00  }
0x48: {  	_ =	swait.ge [sflag:s8], $0x400  }
0x49: {  	[sflag:s8] =	ssyncset.done $0x0  }
0x4a: {  	[sflag:s8] =	ssyncadd.s32 $0xFFFFFC00  }
0x4b: {  	_ =	swait.ge [sflag:s8], $0x2000  }
0x4c: {  	[sflag:s8] =	ssyncset.done $0x0  }
0x4d: {  	[sflag:s8] =	ssyncadd.s32 $0xFFFFE000  }
0x4e: {  	v0 =	vld [tilespmem:$0x4200]  }
0x4f: {  	v1 =	vld [tilespmem:$0x3000];
	_ =	sdelay $0x3  }
0x50: {  	vm0 =	veq.s32 v0, $0x1  }
0x51: {  	v0 =	vnsel vm0, $0x7D0, v1;
	_ =	sdelay $0x1  }
0x52: {  	s9 =	sand.u32 $0x1C00, s1;
	s17 =	sand.u32 $0x60, s1  }
0x53: {  	s9 =	sor.u32 s17, s9  }
0x54: {  	v1 =	vld [tilespmem:s9+$0x5600]  }
0x55: {  	v3 =	vld.idx.msk [tilespmem:v0+s7+$0x0], $0xffff  }
0x56: {  	v4 =	vld.idx.msk [tilespmem:v0+s14+$0x0], $0xffff  }
0x57: {  	v5 =	vld.idx.msk [tilespmem:v0+s6+$0x0], $0xffff  }
0x58: {  	v6 =	vld.idx.msk [tilespmem:v0+s13+$0x0], $0xffff  }
0x59: {  	v7 =	vld.idx.msk [tilespmem:v0+s10+$0x0], $0xffff  }
0x5a: {  	v2 =	vld [tilespmem:s9+$0x5580];
	_ =	sdelay $0x1  }
0x5b: {  	v8 =	vld [tilespmem:s9+$0x5680];
	v9 =	vunpack.i.u.bf16.f32 v3;
	v3 =	vunpack.i.l.bf16.f32 v3;
	v11 =	vunpack.i.u.bf16.f32 v4  }
0x5c: {  	v10 =	vld [tilespmem:s9+$0x5500];
	v4 =	vunpack.i.l.bf16.f32 v4;
	v12 =	vunpack.i.u.bf16.f32 v5;
	v5 =	vunpack.i.l.bf16.f32 v5  }
0x5d: {  	v14 =	vld [tilespmem:s9+$0x5400];
	v13 =	vunpack.i.l.bf16.f32 v6;
	v15 =	vunpack.i.u.bf16.f32 v7;
	v3 =	vmul.f32 v1, v3  }
0x5e: {  	v16 =	vld [tilespmem:s9+$0x5480];
	v7 =	vunpack.i.l.bf16.f32 v7;
	v11 =	vmul.f32 v2, v11;
	v5 =	vmul.f32 v2, v5  }
0x5f: {  	s19 =	sand.u32 $0x3, s1;
	s24 =	simm.s32 $0x4220;
	v0 =	vld.idx.msk [tilespmem:v0+s1+$0x0], $0xffff;
	v6 =	vunpack.i.u.bf16.f32 v6;
	v12 =	vmul.f32 v1, v12;
	v1 =	vmul.f32 v1, v13  }
0x60: {  	s31 =	sor.u32 s1, s1;
	s19 =	sshll.u32 s19, $0x5;
	s25 =	simm.s32 $0x3020;
	v62 =	vld [tilespmem:s24+$0xFFFFFFF0];
	v9 =	vmul.f32 v8, v9;
	v2 =	vmul.f32 v2, v15;
	v3 =	vadd.f32 v3, v11  }
0x61: {  	s17 =	sor.u32 $0x380, s31;
	s29 =	sadd.s32 $0x0, s19;
	v63 =	vld [tilespmem:s25+$0xFFFFFFF0];
	v4 =	vmul.f32 v8, v4;
	v7 =	vadd.f32 v10, v7;
	v5 =	vadd.f32 v12, v5  }
0x62: {  	s19 =	sor.u32 $0x300, s29;
	v61 =	vld [tilespmem:s17+$0x5400];
	v1 =	vadd.f32 v1, v2;
	v2 =	vmul.f32 v8, v6;
	v3 =	vadd.f32 v9, v3  }
0x63: {  	v6 =	vld [tilespmem:s19+$0x5400];
	[tilespmem:s9+$0xD500] =	vst v7;
	v4 =	vadd.f32 v4, v5  }
0x64: {  	v1 =	vadd.f32 v2, v1;
	[tilespmem:s9+$0xD680] =	vst v3;
	v3 =	vunpack.i.u.bf16.f32 v0  }
0x65: {  	vm15 =	veq.s32 v62, $0x1;
	v0 =	vunpack.i.l.bf16.f32 v0;
	[tilespmem:s9+$0xD600] =	vst v4;
	v3 =	vadd.f32 v16, v3  }
0x66: {  	v2 =	vnsel vm15, $0x7D0, v63;
	[tilespmem:s9+$0xD580] =	vst v1;
	v0 =	vadd.f32 v14, v0  }
0x67: {  	[tilespmem:s9+$0xD480] =	vst v3  }
0x68: {  	[tilespmem:s9+$0xD400] =	vst v0  }
0x69: {  	[tilespmem:s19+$0xD400] =	vst v6  }
0x6a: {  	[tilespmem:s17+$0xD400] =	vst v61  }
0x6b: {  	v5 =	vld.idx.msk [tilespmem:v2+s6+$0x0], $0xffff  }
0x6c: {  	v0 =	vld [tilespmem:s9+$0x5610]  }
0x6d: {  	v4 =	vld.idx.msk [tilespmem:v2+s10+$0x0], $0xffff  }
0x6e: {  	s28 =	simm.s32 $0x0;
	s30 =	simm.s32 $0x4220;
	v3 =	vld.idx.msk [tilespmem:v2+s13+$0x0], $0xffff  }
0x6f: {  	s26 =	simm.s32 $0x0;
	s19 =	simm.s32 $0x3040;
	s17 =	simm.s32 $0x20;
	v1 =	vld [tilespmem:s9+$0x5590]  }
.LBB2_2:
0x70: {  	v6 =	vld.idx.msk [tilespmem:v2+s14+$0x0], $0xffff;
	s26 =	sadd.s32 $0x100, s26;
	s28 =	sadd.s32 $0x1, s28;
	s24 =	sadd.s32 $0x20, s24  }
0x71: {  	p1 =	sne.s32 s17, $0x3E0;
	s31 =	smov.u32 s17;
	s17 =	sadd.s32 $0x20, s17;
	v7 =	vld.idx.msk [tilespmem:v2+s7+$0x0], $0xffff  }
0x72: {  	s0 =	sadd.s32 $0x10, s29;
	v8 =	vld [tilespmem:s9+$0x5690]  }
0x73: {  	v10 =	vunpack.i.u.bf16.f32 v5;
	v5 =	vunpack.i.l.bf16.f32 v5;
	s29 =	sor.u32 $0x380, s0;
	v9 =	vunpack.i.u.bf16.f32 v4;
	v2 =	vld.idx.msk [tilespmem:v2+s1+$0x0], $0xffff  }
0x74: {  	v10 =	vmul.f32 v0, v10;
	v11 =	vunpack.i.l.bf16.f32 v3;
	v12 =	vld [tilespmem:s29+$0x5400];
	v5 =	vmul.f32 v1, v5  }
0x75: {  	v4 =	vunpack.i.l.bf16.f32 v4;
	v9 =	vmul.f32 v1, v9;
	v11 =	vmul.f32 v0, v11;
	v13 =	vld [tilespmem:s9+$0x5510]  }
0x76: {  	v3 =	vunpack.i.u.bf16.f32 v3;
	v14 =	vunpack.i.u.bf16.f32 v6;
	v15 =	vld [tilespmem:s9+$0x5490];
	v5 =	vadd.f32 v10, v5  }
0x77: {  	v6 =	vunpack.i.l.bf16.f32 v6;
	v9 =	vadd.f32 v11, v9;
	v10 =	vld [tilespmem:s9+$0x5410];
	v3 =	vmul.f32 v8, v3  }
0x78: {  	v16 =	vunpack.i.l.bf16.f32 v7;
	v1 =	vmul.f32 v1, v14;
	v6 =	vmul.f32 v8, v6;
	v11 =	vld [tilespmem:s30+$0x0];
	s30 =	smov.u32 s24  }
0x79: {  	s0 =	sor.u32 $0x300, s0;
	v7 =	vunpack.i.u.bf16.f32 v7;
	v0 =	vmul.f32 v0, v16;
	v14 =	vld [tilespmem:s25+$0x0];
	v3 =	vadd.f32 v3, v9;
	s25 =	smov.u32 s19  }
0x7a: {  	v9 =	vunpack.i.u.bf16.f32 v2;
	v5 =	vadd.f32 v6, v5;
	v16 =	vld [tilespmem:s0+$0x5400];
	v4 =	vadd.f32 v13, v4  }
0x7b: {  	v2 =	vunpack.i.l.bf16.f32 v2;
	v0 =	vadd.f32 v0, v1;
	v1 =	vmul.f32 v8, v7;
	[tilespmem:s9+$0xD590] =	vst v3  }
0x7c: {  	v3 =	vadd.f32 v15, v9;
	v2 =	vadd.f32 v10, v2;
	[tilespmem:s9+$0xD610] =	vst v5  }
0x7d: {  	v0 =	vadd.f32 v1, v0;
	vm0 =	veq.s32 v11, $0x1;
	[tilespmem:s9+$0xD510] =	vst v4  }
0x7e: {  	v1 =	vnsel vm0, $0x7D0, v14;
	[tilespmem:s9+$0xD410] =	vst v2  }
0x7f: {  	[tilespmem:s9+$0xD490] =	vst v3  }
0x80: {  	[tilespmem:s9+$0xD690] =	vst v0  }
0x81: {  	s2 =	sand.u32 $0x60, s31;
	s9 =	sand.u32 $0x1C00, s26;
	[tilespmem:s0+$0xD400] =	vst v16  }
0x82: {  	s9 =	sor.u32 s2, s9;
	[tilespmem:s29+$0xD400] =	vst v12  }
0x83: {  	v0 =	vld [tilespmem:s9+$0x5600]  }
0x84: {  	v2 =	vld [tilespmem:s9+$0x5580]  }
0x85: {  	v3 =	vld.idx.msk [tilespmem:v1+s7+$0x0], $0xffff  }
0x86: {  	v4 =	vld.idx.msk [tilespmem:v1+s14+$0x0], $0xffff  }
0x87: {  	v5 =	vld.idx.msk [tilespmem:v1+s6+$0x0], $0xffff  }
0x88: {  	v6 =	vld.idx.msk [tilespmem:v1+s13+$0x0], $0xffff  }
0x89: {  	v7 =	vld.idx.msk [tilespmem:v1+s10+$0x0], $0xffff  }
0x8a: {  	v8 =	vld [tilespmem:s9+$0x5680]  }
0x8b: {  	v9 =	vunpack.i.u.bf16.f32 v3;
	v3 =	vunpack.i.l.bf16.f32 v3;
	v10 =	vld [tilespmem:s9+$0x5500]  }
0x8c: {  	v11 =	vunpack.i.u.bf16.f32 v4;
	v4 =	vunpack.i.l.bf16.f32 v4;
	v3 =	vmul.f32 v0, v3;
	v1 =	vld.idx.msk [tilespmem:v1+s1+$0x0], $0xffff  }
0x8d: {  	v12 =	vunpack.i.u.bf16.f32 v5;
	v5 =	vunpack.i.l.bf16.f32 v5;
	v11 =	vmul.f32 v2, v11  }
0x8e: {  	v13 =	vunpack.i.l.bf16.f32 v6;
	v5 =	vmul.f32 v2, v5;
	v12 =	vmul.f32 v0, v12;
	v14 =	vld [tilespmem:s9+$0x5400]  }
0x8f: {  	s0 =	sor.u32 s26, s31;
	v15 =	vunpack.i.u.bf16.f32 v7;
	v0 =	vmul.f32 v0, v13;
	v3 =	vadd.f32 v3, v11;
	v16 =	vld [tilespmem:s9+$0x5480]  }
0x90: {  	s2 =	sand.u32 $0x3, s28;
	s0 =	sor.u32 $0x380, s0;
	v6 =	vunpack.i.u.bf16.f32 v6;
	v7 =	vunpack.i.l.bf16.f32 v7;
	v2 =	vmul.f32 v2, v15  }
0x91: {  	s2 =	sshll.u32 s2, $0x5;
	v5 =	vadd.f32 v12, v5;
	v4 =	vmul.f32 v8, v4;
	v9 =	vmul.f32 v8, v9;
	v11 =	vld [tilespmem:s0+$0x5400]  }
0x92: {  	s29 =	sadd.s32 s2, s26;
	v13 =	vunpack.i.u.bf16.f32 v1;
	v1 =	vunpack.i.l.bf16.f32 v1;
	v0 =	vadd.f32 v0, v2;
	v12 =	vld [tilespmem:s24+$0xFFFFFFF0]  }
0x93: {  	s2 =	sor.u32 $0x300, s29;
	v6 =	vmul.f32 v8, v6;
	v3 =	vadd.f32 v9, v3;
	v2 =	vld [tilespmem:s19+$0xFFFFFFF0];
	v1 =	vadd.f32 v14, v1  }
0x94: {  	v7 =	vadd.f32 v10, v7;
	v8 =	vld [tilespmem:s2+$0x5400];
	v9 =	vadd.f32 v16, v13  }
0x95: {  	v4 =	vadd.f32 v4, v5;
	v0 =	vadd.f32 v6, v0;
	[tilespmem:s9+$0xD680] =	vst v3  }
0x96: {  	[tilespmem:s9+$0xD500] =	vst v7  }
0x97: {  	[tilespmem:s9+$0xD600] =	vst v4;
	vm0 =	veq.s32 v12, $0x1  }
0x98: {  	[tilespmem:s9+$0xD580] =	vst v0;
	v2 =	vnsel vm0, $0x7D0, v2  }
0x99: {  	[tilespmem:s9+$0xD480] =	vst v9  }
0x9a: {  	[tilespmem:s9+$0xD400] =	vst v1  }
0x9b: {  	[tilespmem:s2+$0xD400] =	vst v8  }
0x9c: {  	[tilespmem:s0+$0xD400] =	vst v11  }
.Ltmp0:
0x9d: {  	v5 =	vld.idx.msk [tilespmem:v2+s6+$0x0], $0xffff;
	(pc) =	sbr.rel @p1 .LBB2_2-.Ltmp0, $4  }
0x9e: {  	v0 =	vld [tilespmem:s9+$0x5610]  }
0x9f: {  	v4 =	vld.idx.msk [tilespmem:v2+s10+$0x0], $0xffff  }
0xa0: {  	v3 =	vld.idx.msk [tilespmem:v2+s13+$0x0], $0xffff  }
0xa1: {  	s19 =	sadd.s32 $0x20, s19;
	v1 =	vld [tilespmem:s9+$0x5590]  }
0xa2: {  	_ =	sdelay $0x3  }
0xa3: {  	v6 =	vld.idx.msk [tilespmem:v2+s14+$0x0], $0xffff  }
0xa4: {  	v7 =	vld [tilespmem:s9+$0x5690]  }
0xa5: {  	v9 =	vld.idx.msk [tilespmem:v2+s7+$0x0], $0xffff  }
0xa6: {  	v2 =	vld.idx.msk [tilespmem:v2+s1+$0x0], $0xffff  }
0xa7: {  	v8 =	vunpack.i.l.bf16.f32 v5;
	v5 =	vunpack.i.u.bf16.f32 v5;
	v12 =	vld [tilespmem:s9+$0x5510]  }
0xa8: {  	v5 =	vmul.f32 v0, v5;
	v10 =	vunpack.i.u.bf16.f32 v4;
	v4 =	vunpack.i.l.bf16.f32 v4  }
0xa9: {  	v14 =	vld [tilespmem:s9+$0x5410];
	v11 =	vunpack.i.l.bf16.f32 v3;
	v3 =	vunpack.i.u.bf16.f32 v3;
	v8 =	vmul.f32 v1, v8  }
0xaa: {  	v10 =	vmul.f32 v1, v10;
	v11 =	vmul.f32 v0, v11;
	v13 =	vunpack.i.l.bf16.f32 v6  }
0xab: {  	v3 =	vmul.f32 v7, v3;
	v6 =	vunpack.i.u.bf16.f32 v6;
	v15 =	vunpack.i.l.bf16.f32 v9  }
0xac: {  	s0 =	sadd.s32 $0x10, s29;
	v48 =	vld [tilespmem:s9+$0x5490];
	v52 =	vunpack.i.u.bf16.f32 v2;
	v4 =	vadd.f32 v12, v4;
	v2 =	vunpack.i.l.bf16.f32 v2  }
0xad: {  	s2 =	sor.u32 $0x380, s0;
	v10 =	vadd.f32 v11, v10;
	v5 =	vadd.f32 v5, v8;
	v49 =	vmul.f32 v7, v13  }
0xae: {  	s0 =	sor.u32 $0x300, s0;
	v50 =	vld [tilespmem:s2+$0x5400];
	v1 =	vmul.f32 v1, v6;
	v0 =	vmul.f32 v0, v15;
	v2 =	vadd.f32 v14, v2  }
0xaf: {  	v51 =	vld [tilespmem:s0+$0x5400];
	v6 =	vunpack.i.u.bf16.f32 v9;
	[tilespmem:s9+$0xD510] =	vst v4;
	v3 =	vadd.f32 v3, v10  }
0xb0: {  	v5 =	vadd.f32 v49, v5;
	v0 =	vadd.f32 v0, v1;
	v1 =	vmul.f32 v7, v6;
	[tilespmem:s9+$0xD410] =	vst v2  }
0xb1: {  	v4 =	vlaneseq.u32 @!p0;
	[tilespmem:s9+$0xD590] =	vst v3;
	v3 =	vadd.f32 v48, v52  }
0xb2: {  	[tilespmem:s9+$0xD610] =	vst v5;
	v0 =	vadd.f32 v1, v0;
	v1 =	vor.u32 @!p0 $0x300, v4  }
0xb3: {  	v2 =	vor.u32 @!p0 $0x380, v4;
	[tilespmem:s9+$0xD490] =	vst v3  }
0xb4: {  	[tilespmem:s9+$0xD690] =	vst v0  }
0xb5: {  	[tilespmem:s0+$0xD400] =	vst v51  }
0xb6: {  	v0 =	vimm.f32 @!p0 $0.0e+00;
	s0 =	simm.s32 @!p0 $0xD400;
	[tilespmem:s2+$0xD400] =	vst v50  }
0xb7: {  	[tilespmem:v1+s0+$0x0] =	vst.idx.msk @!p0 $0x3f, v0  }
0xb8: {  	s24 =	simm.s32 $0x0;
	s17 =	simm.s32 $0xD400;
	s9 =	rddreg [dreg:$0x1d];
	[tilespmem:v2+s0+$0x0] =	vst.idx.msk @!p0 $0x3f, v0  }
0xb9: {  	[hbm4b:s9+s24] =	stream.linear.scatter [tilespmem:s17], [sflag:$0x5], $0x2000, $0x38;
	[tilespmem:$0x15400] =	vst v63  }
0xba: {  	s19 =	rddreg [dreg:$0xf];
	s25 =	simm.s32 $0x3000  }
0xbb: {  	[tilespmem:s25], [sflag:$0x1] =	stream.linear.gather [hbm4b:s19+s24], $0x400, $0x38;
	[tilespmem:$0x15400] =	vst v63  }
0xbc: {  	s26 =	rddreg [dreg:$0x10];
	s31 =	simm.s32 $0x4200  }
0xbd: {  	[tilespmem:s31], [sflag:$0x1] =	stream.linear.gather [hbm4b:s26+s24], $0x400, $0x38;
	[tilespmem:$0x15400] =	vst v63  }
0xbe: {  	s9 =	rddreg [dreg:$0x1e];
	s17 =	simm.s32 $0x5400  }
0xbf: {  	[tilespmem:s17], [sflag:$0x1] =	stream.linear.gather [hbm4b:s9+s24], $0x2000, $0x38;
	[tilespmem:$0x15400] =	vst v63  }
0xc0: {  	_ =	swait.ge [sflag:s15], $0x400  }
0xc1: {  	[sflag:s15] =	ssyncset.done $0x0  }
0xc2: {  	[sflag:s15] =	ssyncadd.s32 $0xFFFFFC00  }
0xc3: {  	_ =	swait.ge [sflag:s15], $0x400  }
0xc4: {  	[sflag:s15] =	ssyncset.done $0x0  }
0xc5: {  	[sflag:s15] =	ssyncadd.s32 $0xFFFFFC00  }
0xc6: {  	_ =	swait.ge [sflag:s15], $0x2000  }
0xc7: {  	[sflag:s15] =	ssyncset.done $0x0  }
0xc8: {  	[sflag:s15] =	ssyncadd.s32 $0xFFFFE000  }
0xc9: {  	v0 =	vld [tilespmem:$0x4680]  }
0xca: {  	v1 =	vld [tilespmem:$0x3480];
	_ =	sdelay $0x3  }
0xcb: {  	vm0 =	veq.s32 v0, $0x1  }
0xcc: {  	v0 =	vnsel vm0, $0x7D0, v1;
	_ =	sdelay $0x1  }
0xcd: {  	s19 =	sand.u32 $0x1C00, s24;
	s25 =	sand.u32 $0x60, s24  }
0xce: {  	s9 =	sor.u32 s25, s19  }
0xcf: {  	v1 =	vld [tilespmem:s9+$0x7600]  }
0xd0: {  	v3 =	vld.idx.msk [tilespmem:v0+s7+$0x0], $0xffff  }
0xd1: {  	v4 =	vld.idx.msk [tilespmem:v0+s14+$0x0], $0xffff  }
0xd2: {  	v5 =	vld.idx.msk [tilespmem:v0+s6+$0x0], $0xffff  }
0xd3: {  	v6 =	vld.idx.msk [tilespmem:v0+s13+$0x0], $0xffff  }
0xd4: {  	v7 =	vld.idx.msk [tilespmem:v0+s10+$0x0], $0xffff  }
0xd5: {  	v2 =	vld [tilespmem:s9+$0x7580];
	_ =	sdelay $0x1  }
0xd6: {  	v53 =	vld [tilespmem:s9+$0x7680];
	v54 =	vunpack.i.u.bf16.f32 v3;
	v3 =	vunpack.i.l.bf16.f32 v3;
	v56 =	vunpack.i.u.bf16.f32 v4  }
0xd7: {  	v55 =	vld [tilespmem:s9+$0x7500];
	v4 =	vunpack.i.l.bf16.f32 v4;
	v57 =	vunpack.i.u.bf16.f32 v5;
	v5 =	vunpack.i.l.bf16.f32 v5  }
0xd8: {  	v59 =	vld [tilespmem:s9+$0x7400];
	v58 =	vunpack.i.l.bf16.f32 v6;
	v60 =	vunpack.i.u.bf16.f32 v7;
	v3 =	vmul.f32 v1, v3  }
0xd9: {  	v16 =	vld [tilespmem:s9+$0x7480];
	v7 =	vunpack.i.l.bf16.f32 v7;
	v11 =	vmul.f32 v2, v56;
	v5 =	vmul.f32 v2, v5  }
0xda: {  	s31 =	sand.u32 $0x3, s24;
	s25 =	simm.s32 $0x46A0;
	v0 =	vld.idx.msk [tilespmem:v0+s1+$0x0], $0xffff;
	v6 =	vunpack.i.u.bf16.f32 v6;
	v12 =	vmul.f32 v1, v57;
	v1 =	vmul.f32 v1, v58  }
0xdb: {  	s26 =	sor.u32 s24, s24;
	s2 =	sshll.u32 s31, $0x5;
	s17 =	simm.s32 $0x34A0;
	v62 =	vld [tilespmem:s25+$0xFFFFFFF0];
	v9 =	vmul.f32 v53, v54;
	v2 =	vmul.f32 v2, v60;
	v3 =	vadd.f32 v3, v11  }
0xdc: {  	s0 =	sor.u32 $0x380, s26;
	s29 =	sadd.s32 $0x0, s2;
	v63 =	vld [tilespmem:s17+$0xFFFFFFF0];
	v4 =	vmul.f32 v53, v4;
	v7 =	vadd.f32 v55, v7;
	v5 =	vadd.f32 v12, v5  }
0xdd: {  	s2 =	sor.u32 $0x300, s29;
	v61 =	vld [tilespmem:s0+$0x7400];
	v1 =	vadd.f32 v1, v2;
	v2 =	vmul.f32 v53, v6;
	v3 =	vadd.f32 v9, v3  }
0xde: {  	v6 =	vld [tilespmem:s2+$0x7400];
	[tilespmem:s9+$0xF500] =	vst v7;
	v4 =	vadd.f32 v4, v5  }
0xdf: {  	v1 =	vadd.f32 v2, v1;
	[tilespmem:s9+$0xF680] =	vst v3;
	v3 =	vunpack.i.u.bf16.f32 v0  }
0xe0: {  	vm15 =	veq.s32 v62, $0x1;
	v0 =	vunpack.i.l.bf16.f32 v0;
	[tilespmem:s9+$0xF600] =	vst v4;
	v3 =	vadd.f32 v16, v3  }
0xe1: {  	v2 =	vnsel vm15, $0x7D0, v63;
	[tilespmem:s9+$0xF580] =	vst v1;
	v0 =	vadd.f32 v59, v0  }
0xe2: {  	[tilespmem:s9+$0xF480] =	vst v3  }
0xe3: {  	[tilespmem:s9+$0xF400] =	vst v0  }
0xe4: {  	[tilespmem:s2+$0xF400] =	vst v6  }
0xe5: {  	[tilespmem:s0+$0xF400] =	vst v61  }
0xe6: {  	v5 =	vld.idx.msk [tilespmem:v2+s6+$0x0], $0xffff  }
0xe7: {  	v0 =	vld [tilespmem:s9+$0x7610]  }
0xe8: {  	v4 =	vld.idx.msk [tilespmem:v2+s10+$0x0], $0xffff  }
0xe9: {  	s28 =	simm.s32 $0x0;
	v3 =	vld.idx.msk [tilespmem:v2+s13+$0x0], $0xffff  }
0xea: {  	s30 =	simm.s32 $0x46A0;
	s26 =	simm.s32 $0x34C0;
	s19 =	simm.s32 $0x20;
	v1 =	vld [tilespmem:s9+$0x7590]  }
.LBB2_4:
0xeb: {  	v6 =	vld.idx.msk [tilespmem:v2+s14+$0x0], $0xffff;
	s24 =	sadd.s32 $0x100, s24;
	s28 =	sadd.s32 $0x1, s28;
	s25 =	sadd.s32 $0x20, s25  }
0xec: {  	p1 =	sne.s32 s19, $0x3E0;
	s31 =	smov.u32 s19;
	s19 =	sadd.s32 $0x20, s19;
	v7 =	vld.idx.msk [tilespmem:v2+s7+$0x0], $0xffff  }
0xed: {  	s0 =	sadd.s32 $0x10, s29;
	v8 =	vld [tilespmem:s9+$0x7690]  }
0xee: {  	v10 =	vunpack.i.u.bf16.f32 v5;
	v5 =	vunpack.i.l.bf16.f32 v5;
	s29 =	sor.u32 $0x380, s0;
	v9 =	vunpack.i.u.bf16.f32 v4;
	v2 =	vld.idx.msk [tilespmem:v2+s1+$0x0], $0xffff  }
0xef: {  	v10 =	vmul.f32 v0, v10;
	v11 =	vunpack.i.l.bf16.f32 v3;
	v12 =	vld [tilespmem:s29+$0x7400];
	v5 =	vmul.f32 v1, v5  }
0xf0: {  	v4 =	vunpack.i.l.bf16.f32 v4;
	v9 =	vmul.f32 v1, v9;
	v11 =	vmul.f32 v0, v11;
	v13 =	vld [tilespmem:s9+$0x7510]  }
0xf1: {  	v3 =	vunpack.i.u.bf16.f32 v3;
	v14 =	vunpack.i.u.bf16.f32 v6;
	v15 =	vld [tilespmem:s9+$0x7490];
	v5 =	vadd.f32 v10, v5  }
0xf2: {  	v6 =	vunpack.i.l.bf16.f32 v6;
	v9 =	vadd.f32 v11, v9;
	v10 =	vld [tilespmem:s9+$0x7410];
	v3 =	vmul.f32 v8, v3  }
0xf3: {  	v16 =	vunpack.i.l.bf16.f32 v7;
	v1 =	vmul.f32 v1, v14;
	v6 =	vmul.f32 v8, v6;
	v11 =	vld [tilespmem:s30+$0x0];
	s30 =	smov.u32 s25  }
0xf4: {  	s0 =	sor.u32 $0x300, s0;
	v7 =	vunpack.i.u.bf16.f32 v7;
	v0 =	vmul.f32 v0, v16;
	v14 =	vld [tilespmem:s17+$0x0];
	v3 =	vadd.f32 v3, v9;
	s17 =	smov.u32 s26  }
0xf5: {  	v9 =	vunpack.i.u.bf16.f32 v2;
	v5 =	vadd.f32 v6, v5;
	v16 =	vld [tilespmem:s0+$0x7400];
	v4 =	vadd.f32 v13, v4  }
0xf6: {  	v2 =	vunpack.i.l.bf16.f32 v2;
	v0 =	vadd.f32 v0, v1;
	v1 =	vmul.f32 v8, v7;
	[tilespmem:s9+$0xF590] =	vst v3  }
0xf7: {  	v3 =	vadd.f32 v15, v9;
	v2 =	vadd.f32 v10, v2;
	[tilespmem:s9+$0xF610] =	vst v5  }
0xf8: {  	v0 =	vadd.f32 v1, v0;
	vm0 =	veq.s32 v11, $0x1;
	[tilespmem:s9+$0xF510] =	vst v4  }
0xf9: {  	v1 =	vnsel vm0, $0x7D0, v14;
	[tilespmem:s9+$0xF410] =	vst v2  }
0xfa: {  	[tilespmem:s9+$0xF490] =	vst v3  }
0xfb: {  	[tilespmem:s9+$0xF690] =	vst v0  }
0xfc: {  	s2 =	sand.u32 $0x1C00, s24;
	s9 =	sand.u32 $0x60, s31;
	[tilespmem:s0+$0xF400] =	vst v16  }
0xfd: {  	s9 =	sor.u32 s9, s2;
	[tilespmem:s29+$0xF400] =	vst v12  }
0xfe: {  	v0 =	vld [tilespmem:s9+$0x7600]  }
0xff: {  	v2 =	vld [tilespmem:s9+$0x7580]  }
0x100: {  	v3 =	vld.idx.msk [tilespmem:v1+s7+$0x0], $0xffff  }
0x101: {  	v4 =	vld.idx.msk [tilespmem:v1+s14+$0x0], $0xffff  }
0x102: {  	v5 =	vld.idx.msk [tilespmem:v1+s6+$0x0], $0xffff  }
0x103: {  	v6 =	vld.idx.msk [tilespmem:v1+s13+$0x0], $0xffff  }
0x104: {  	v7 =	vld.idx.msk [tilespmem:v1+s10+$0x0], $0xffff  }
0x105: {  	v8 =	vld [tilespmem:s9+$0x7680]  }
0x106: {  	v9 =	vunpack.i.u.bf16.f32 v3;
	v3 =	vunpack.i.l.bf16.f32 v3;
	v10 =	vld [tilespmem:s9+$0x7500]  }
0x107: {  	v11 =	vunpack.i.u.bf16.f32 v4;
	v4 =	vunpack.i.l.bf16.f32 v4;
	v3 =	vmul.f32 v0, v3;
	v1 =	vld.idx.msk [tilespmem:v1+s1+$0x0], $0xffff  }
0x108: {  	v12 =	vunpack.i.u.bf16.f32 v5;
	v5 =	vunpack.i.l.bf16.f32 v5;
	v11 =	vmul.f32 v2, v11  }
0x109: {  	v13 =	vunpack.i.l.bf16.f32 v6;
	v5 =	vmul.f32 v2, v5;
	v12 =	vmul.f32 v0, v12;
	v14 =	vld [tilespmem:s9+$0x7400]  }
0x10a: {  	s0 =	sor.u32 s24, s31;
	v15 =	vunpack.i.u.bf16.f32 v7;
	v0 =	vmul.f32 v0, v13;
	v3 =	vadd.f32 v3, v11;
	v16 =	vld [tilespmem:s9+$0x7480]  }
0x10b: {  	s2 =	sand.u32 $0x3, s28;
	s0 =	sor.u32 $0x380, s0;
	v6 =	vunpack.i.u.bf16.f32 v6;
	v7 =	vunpack.i.l.bf16.f32 v7;
	v2 =	vmul.f32 v2, v15  }
0x10c: {  	s2 =	sshll.u32 s2, $0x5;
	v5 =	vadd.f32 v12, v5;
	v4 =	vmul.f32 v8, v4;
	v9 =	vmul.f32 v8, v9;
	v11 =	vld [tilespmem:s0+$0x7400]  }
0x10d: {  	s29 =	sadd.s32 s2, s24;
	v13 =	vunpack.i.u.bf16.f32 v1;
	v1 =	vunpack.i.l.bf16.f32 v1;
	v0 =	vadd.f32 v0, v2;
	v12 =	vld [tilespmem:s25+$0xFFFFFFF0]  }
0x10e: {  	s2 =	sor.u32 $0x300, s29;
	v6 =	vmul.f32 v8, v6;
	v3 =	vadd.f32 v9, v3;
	v2 =	vld [tilespmem:s26+$0xFFFFFFF0];
	v1 =	vadd.f32 v14, v1  }
0x10f: {  	v7 =	vadd.f32 v10, v7;
	v8 =	vld [tilespmem:s2+$0x7400];
	v9 =	vadd.f32 v16, v13  }
0x110: {  	v4 =	vadd.f32 v4, v5;
	v0 =	vadd.f32 v6, v0;
	[tilespmem:s9+$0xF680] =	vst v3  }
0x111: {  	[tilespmem:s9+$0xF500] =	vst v7  }
0x112: {  	[tilespmem:s9+$0xF600] =	vst v4;
	vm0 =	veq.s32 v12, $0x1  }
0x113: {  	[tilespmem:s9+$0xF580] =	vst v0;
	v2 =	vnsel vm0, $0x7D0, v2  }
0x114: {  	[tilespmem:s9+$0xF480] =	vst v9  }
0x115: {  	[tilespmem:s9+$0xF400] =	vst v1  }
0x116: {  	[tilespmem:s2+$0xF400] =	vst v8  }
0x117: {  	[tilespmem:s0+$0xF400] =	vst v11  }
.Ltmp1:
0x118: {  	v5 =	vld.idx.msk [tilespmem:v2+s6+$0x0], $0xffff;
	(pc) =	sbr.rel @p1 .LBB2_4-.Ltmp1, $4  }
0x119: {  	v0 =	vld [tilespmem:s9+$0x7610]  }
0x11a: {  	v4 =	vld.idx.msk [tilespmem:v2+s10+$0x0], $0xffff  }
0x11b: {  	v3 =	vld.idx.msk [tilespmem:v2+s13+$0x0], $0xffff  }
0x11c: {  	s26 =	sadd.s32 $0x20, s26;
	v1 =	vld [tilespmem:s9+$0x7590]  }
0x11d: {  	_ =	sdelay $0x3  }
0x11e: {  	v6 =	vld.idx.msk [tilespmem:v2+s14+$0x0], $0xffff  }
0x11f: {  	v7 =	vld [tilespmem:s9+$0x7690]  }
0x120: {  	v9 =	vld.idx.msk [tilespmem:v2+s7+$0x0], $0xffff  }
0x121: {  	v2 =	vld.idx.msk [tilespmem:v2+s1+$0x0], $0xffff  }
0x122: {  	v8 =	vunpack.i.l.bf16.f32 v5;
	v5 =	vunpack.i.u.bf16.f32 v5;
	v12 =	vld [tilespmem:s9+$0x7510]  }
0x123: {  	v5 =	vmul.f32 v0, v5;
	v10 =	vunpack.i.u.bf16.f32 v4;
	v4 =	vunpack.i.l.bf16.f32 v4  }
0x124: {  	v14 =	vld [tilespmem:s9+$0x7410];
	v11 =	vunpack.i.l.bf16.f32 v3;
	v3 =	vunpack.i.u.bf16.f32 v3;
	v8 =	vmul.f32 v1, v8  }
0x125: {  	v10 =	vmul.f32 v1, v10;
	v11 =	vmul.f32 v0, v11;
	v13 =	vunpack.i.l.bf16.f32 v6  }
0x126: {  	v3 =	vmul.f32 v7, v3;
	v6 =	vunpack.i.u.bf16.f32 v6;
	v15 =	vunpack.i.l.bf16.f32 v9  }
0x127: {  	s0 =	sadd.s32 $0x10, s29;
	v48 =	vld [tilespmem:s9+$0x7490];
	v52 =	vunpack.i.u.bf16.f32 v2;
	v4 =	vadd.f32 v12, v4;
	v2 =	vunpack.i.l.bf16.f32 v2  }
0x128: {  	s2 =	sor.u32 $0x380, s0;
	v10 =	vadd.f32 v11, v10;
	v5 =	vadd.f32 v5, v8;
	v49 =	vmul.f32 v7, v13  }
0x129: {  	s0 =	sor.u32 $0x300, s0;
	v50 =	vld [tilespmem:s2+$0x7400];
	v1 =	vmul.f32 v1, v6;
	v0 =	vmul.f32 v0, v15;
	v2 =	vadd.f32 v14, v2  }
0x12a: {  	v51 =	vld [tilespmem:s0+$0x7400];
	v6 =	vunpack.i.u.bf16.f32 v9;
	[tilespmem:s9+$0xF510] =	vst v4;
	v3 =	vadd.f32 v3, v10  }
0x12b: {  	v5 =	vadd.f32 v49, v5;
	v0 =	vadd.f32 v0, v1;
	v1 =	vmul.f32 v7, v6;
	[tilespmem:s9+$0xF410] =	vst v2  }
0x12c: {  	[tilespmem:s9+$0xF590] =	vst v3;
	v3 =	vadd.f32 v48, v52  }
0x12d: {  	[tilespmem:s9+$0xF610] =	vst v5;
	v0 =	vadd.f32 v1, v0  }
0x12e: {  	[tilespmem:s9+$0xF490] =	vst v3  }
0x12f: {  	[tilespmem:s9+$0xF690] =	vst v0  }
0x130: {  	[tilespmem:s0+$0xF400] =	vst v51  }
0x131: {  	s24 =	simm.s32 $0x0;
	s17 =	simm.s32 $0xF400;
	s9 =	rddreg [dreg:$0x17];
	[tilespmem:s2+$0xF400] =	vst v50  }
0x132: {  	[hbm4b:s9+s24] =	stream.linear.scatter [tilespmem:s17], [sflag:$0x6], $0x2000, $0x38;
	[tilespmem:$0x15400] =	vst v63  }
0x133: {  	s19 =	rddreg [dreg:$0x11];
	s25 =	simm.s32 $0x3480  }
0x134: {  	[tilespmem:s25], [sflag:$0x2] =	stream.linear.gather [hbm4b:s19+s24], $0x400, $0x38;
	[tilespmem:$0x15400] =	vst v63  }
0x135: {  	s26 =	rddreg [dreg:$0x12];
	s31 =	simm.s32 $0x4680  }
0x136: {  	[tilespmem:s31], [sflag:$0x2] =	stream.linear.gather [hbm4b:s26+s24], $0x400, $0x38;
	[tilespmem:$0x15400] =	vst v63  }
0x137: {  	s9 =	rddreg [dreg:$0x1f];
	s17 =	simm.s32 $0x7400  }
0x138: {  	[tilespmem:s17], [sflag:$0x2] =	stream.linear.gather [hbm4b:s9+s24], $0x2000, $0x38;
	[tilespmem:$0x15400] =	vst v63  }
0x139: {  	_ =	swait.ge [sflag:s16], $0x400  }
0x13a: {  	[sflag:s16] =	ssyncset.done $0x0  }
0x13b: {  	[sflag:s16] =	ssyncadd.s32 $0xFFFFFC00  }
0x13c: {  	_ =	swait.ge [sflag:s16], $0x400  }
0x13d: {  	[sflag:s16] =	ssyncset.done $0x0  }
0x13e: {  	[sflag:s16] =	ssyncadd.s32 $0xFFFFFC00  }
0x13f: {  	_ =	swait.ge [sflag:s16], $0x2000  }
0x140: {  	[sflag:s16] =	ssyncset.done $0x0  }
0x141: {  	[sflag:s16] =	ssyncadd.s32 $0xFFFFE000  }
0x142: {  	v0 =	vld [tilespmem:$0x4B00]  }
0x143: {  	v1 =	vld [tilespmem:$0x3900];
	_ =	sdelay $0x3  }
0x144: {  	vm0 =	veq.s32 v0, $0x1  }
0x145: {  	v0 =	vnsel vm0, $0x7D0, v1;
	_ =	sdelay $0x1  }
0x146: {  	s19 =	sand.u32 $0x1C00, s24;
	s25 =	sand.u32 $0x60, s24  }
0x147: {  	s9 =	sor.u32 s25, s19  }
0x148: {  	v1 =	vld [tilespmem:s9+$0x9600]  }
0x149: {  	v3 =	vld.idx.msk [tilespmem:v0+s7+$0x0], $0xffff  }
0x14a: {  	v4 =	vld.idx.msk [tilespmem:v0+s14+$0x0], $0xffff  }
0x14b: {  	v5 =	vld.idx.msk [tilespmem:v0+s6+$0x0], $0xffff  }
0x14c: {  	v6 =	vld.idx.msk [tilespmem:v0+s13+$0x0], $0xffff  }
0x14d: {  	v7 =	vld.idx.msk [tilespmem:v0+s10+$0x0], $0xffff  }
0x14e: {  	v2 =	vld [tilespmem:s9+$0x9580];
	_ =	sdelay $0x1  }
0x14f: {  	v53 =	vld [tilespmem:s9+$0x9680];
	v54 =	vunpack.i.u.bf16.f32 v3;
	v3 =	vunpack.i.l.bf16.f32 v3;
	v56 =	vunpack.i.u.bf16.f32 v4  }
0x150: {  	v55 =	vld [tilespmem:s9+$0x9500];
	v4 =	vunpack.i.l.bf16.f32 v4;
	v57 =	vunpack.i.u.bf16.f32 v5;
	v5 =	vunpack.i.l.bf16.f32 v5  }
0x151: {  	v59 =	vld [tilespmem:s9+$0x9400];
	v58 =	vunpack.i.l.bf16.f32 v6;
	v60 =	vunpack.i.u.bf16.f32 v7;
	v3 =	vmul.f32 v1, v3  }
0x152: {  	v16 =	vld [tilespmem:s9+$0x9480];
	v7 =	vunpack.i.l.bf16.f32 v7;
	v11 =	vmul.f32 v2, v56;
	v5 =	vmul.f32 v2, v5  }
0x153: {  	s31 =	sand.u32 $0x3, s24;
	s25 =	simm.s32 $0x4B20;
	v0 =	vld.idx.msk [tilespmem:v0+s1+$0x0], $0xffff;
	v6 =	vunpack.i.u.bf16.f32 v6;
	v12 =	vmul.f32 v1, v57;
	v1 =	vmul.f32 v1, v58  }
0x154: {  	s26 =	sor.u32 s24, s24;
	s2 =	sshll.u32 s31, $0x5;
	s17 =	simm.s32 $0x3920;
	v62 =	vld [tilespmem:s25+$0xFFFFFFF0];
	v9 =	vmul.f32 v53, v54;
	v2 =	vmul.f32 v2, v60;
	v3 =	vadd.f32 v3, v11  }
0x155: {  	s0 =	sor.u32 $0x380, s26;
	s29 =	sadd.s32 $0x0, s2;
	v63 =	vld [tilespmem:s17+$0xFFFFFFF0];
	v4 =	vmul.f32 v53, v4;
	v7 =	vadd.f32 v55, v7;
	v5 =	vadd.f32 v12, v5  }
0x156: {  	s2 =	sor.u32 $0x300, s29;
	v61 =	vld [tilespmem:s0+$0x9400];
	v1 =	vadd.f32 v1, v2;
	v2 =	vmul.f32 v53, v6;
	v3 =	vadd.f32 v9, v3  }
0x157: {  	v6 =	vld [tilespmem:s2+$0x9400];
	[tilespmem:s9+$0x11500] =	vst v7;
	v4 =	vadd.f32 v4, v5  }
0x158: {  	v1 =	vadd.f32 v2, v1;
	[tilespmem:s9+$0x11680] =	vst v3;
	v3 =	vunpack.i.u.bf16.f32 v0  }
0x159: {  	vm15 =	veq.s32 v62, $0x1;
	v0 =	vunpack.i.l.bf16.f32 v0;
	[tilespmem:s9+$0x11600] =	vst v4;
	v3 =	vadd.f32 v16, v3  }
0x15a: {  	v2 =	vnsel vm15, $0x7D0, v63;
	[tilespmem:s9+$0x11580] =	vst v1;
	v0 =	vadd.f32 v59, v0  }
0x15b: {  	[tilespmem:s9+$0x11480] =	vst v3  }
0x15c: {  	[tilespmem:s9+$0x11400] =	vst v0  }
0x15d: {  	[tilespmem:s2+$0x11400] =	vst v6  }
0x15e: {  	[tilespmem:s0+$0x11400] =	vst v61  }
0x15f: {  	v5 =	vld.idx.msk [tilespmem:v2+s6+$0x0], $0xffff  }
0x160: {  	v0 =	vld [tilespmem:s9+$0x9610]  }
0x161: {  	v4 =	vld.idx.msk [tilespmem:v2+s10+$0x0], $0xffff  }
0x162: {  	s28 =	simm.s32 $0x0;
	v3 =	vld.idx.msk [tilespmem:v2+s13+$0x0], $0xffff  }
0x163: {  	s30 =	simm.s32 $0x4B20;
	s26 =	simm.s32 $0x3940;
	s19 =	simm.s32 $0x20;
	v1 =	vld [tilespmem:s9+$0x9590]  }
.LBB2_6:
0x164: {  	v6 =	vld.idx.msk [tilespmem:v2+s14+$0x0], $0xffff;
	s24 =	sadd.s32 $0x100, s24;
	s28 =	sadd.s32 $0x1, s28;
	s25 =	sadd.s32 $0x20, s25  }
0x165: {  	p1 =	sne.s32 s19, $0x3E0;
	s31 =	smov.u32 s19;
	s19 =	sadd.s32 $0x20, s19;
	v7 =	vld.idx.msk [tilespmem:v2+s7+$0x0], $0xffff  }
0x166: {  	s0 =	sadd.s32 $0x10, s29;
	v8 =	vld [tilespmem:s9+$0x9690]  }
0x167: {  	v10 =	vunpack.i.u.bf16.f32 v5;
	v5 =	vunpack.i.l.bf16.f32 v5;
	s29 =	sor.u32 $0x380, s0;
	v9 =	vunpack.i.u.bf16.f32 v4;
	v2 =	vld.idx.msk [tilespmem:v2+s1+$0x0], $0xffff  }
0x168: {  	v10 =	vmul.f32 v0, v10;
	v11 =	vunpack.i.l.bf16.f32 v3;
	v12 =	vld [tilespmem:s29+$0x9400];
	v5 =	vmul.f32 v1, v5  }
0x169: {  	v4 =	vunpack.i.l.bf16.f32 v4;
	v9 =	vmul.f32 v1, v9;
	v11 =	vmul.f32 v0, v11;
	v13 =	vld [tilespmem:s9+$0x9510]  }
0x16a: {  	v3 =	vunpack.i.u.bf16.f32 v3;
	v14 =	vunpack.i.u.bf16.f32 v6;
	v15 =	vld [tilespmem:s9+$0x9490];
	v5 =	vadd.f32 v10, v5  }
0x16b: {  	v6 =	vunpack.i.l.bf16.f32 v6;
	v9 =	vadd.f32 v11, v9;
	v10 =	vld [tilespmem:s9+$0x9410];
	v3 =	vmul.f32 v8, v3  }
0x16c: {  	v16 =	vunpack.i.l.bf16.f32 v7;
	v1 =	vmul.f32 v1, v14;
	v6 =	vmul.f32 v8, v6;
	v11 =	vld [tilespmem:s30+$0x0];
	s30 =	smov.u32 s25  }
0x16d: {  	s0 =	sor.u32 $0x300, s0;
	v7 =	vunpack.i.u.bf16.f32 v7;
	v0 =	vmul.f32 v0, v16;
	v14 =	vld [tilespmem:s17+$0x0];
	v3 =	vadd.f32 v3, v9;
	s17 =	smov.u32 s26  }
0x16e: {  	v9 =	vunpack.i.u.bf16.f32 v2;
	v5 =	vadd.f32 v6, v5;
	v16 =	vld [tilespmem:s0+$0x9400];
	v4 =	vadd.f32 v13, v4  }
0x16f: {  	v2 =	vunpack.i.l.bf16.f32 v2;
	v0 =	vadd.f32 v0, v1;
	v1 =	vmul.f32 v8, v7;
	[tilespmem:s9+$0x11590] =	vst v3  }
0x170: {  	v3 =	vadd.f32 v15, v9;
	v2 =	vadd.f32 v10, v2;
	[tilespmem:s9+$0x11610] =	vst v5  }
0x171: {  	v0 =	vadd.f32 v1, v0;
	vm0 =	veq.s32 v11, $0x1;
	[tilespmem:s9+$0x11510] =	vst v4  }
0x172: {  	v1 =	vnsel vm0, $0x7D0, v14;
	[tilespmem:s9+$0x11410] =	vst v2  }
0x173: {  	[tilespmem:s9+$0x11490] =	vst v3  }
0x174: {  	[tilespmem:s9+$0x11690] =	vst v0  }
0x175: {  	s2 =	sand.u32 $0x1C00, s24;
	s9 =	sand.u32 $0x60, s31;
	[tilespmem:s0+$0x11400] =	vst v16  }
0x176: {  	s9 =	sor.u32 s9, s2;
	[tilespmem:s29+$0x11400] =	vst v12  }
0x177: {  	v0 =	vld [tilespmem:s9+$0x9600]  }
0x178: {  	v2 =	vld [tilespmem:s9+$0x9580]  }
0x179: {  	v3 =	vld.idx.msk [tilespmem:v1+s7+$0x0], $0xffff  }
0x17a: {  	v4 =	vld.idx.msk [tilespmem:v1+s14+$0x0], $0xffff  }
0x17b: {  	v5 =	vld.idx.msk [tilespmem:v1+s6+$0x0], $0xffff  }
0x17c: {  	v6 =	vld.idx.msk [tilespmem:v1+s13+$0x0], $0xffff  }
0x17d: {  	v7 =	vld.idx.msk [tilespmem:v1+s10+$0x0], $0xffff  }
0x17e: {  	v8 =	vld [tilespmem:s9+$0x9680]  }
0x17f: {  	v9 =	vunpack.i.u.bf16.f32 v3;
	v3 =	vunpack.i.l.bf16.f32 v3;
	v10 =	vld [tilespmem:s9+$0x9500]  }
0x180: {  	v11 =	vunpack.i.u.bf16.f32 v4;
	v4 =	vunpack.i.l.bf16.f32 v4;
	v3 =	vmul.f32 v0, v3;
	v1 =	vld.idx.msk [tilespmem:v1+s1+$0x0], $0xffff  }
0x181: {  	v12 =	vunpack.i.u.bf16.f32 v5;
	v5 =	vunpack.i.l.bf16.f32 v5;
	v11 =	vmul.f32 v2, v11  }
0x182: {  	v13 =	vunpack.i.l.bf16.f32 v6;
	v5 =	vmul.f32 v2, v5;
	v12 =	vmul.f32 v0, v12;
	v14 =	vld [tilespmem:s9+$0x9400]  }
0x183: {  	s0 =	sor.u32 s24, s31;
	v15 =	vunpack.i.u.bf16.f32 v7;
	v0 =	vmul.f32 v0, v13;
	v3 =	vadd.f32 v3, v11;
	v16 =	vld [tilespmem:s9+$0x9480]  }
0x184: {  	s2 =	sand.u32 $0x3, s28;
	s0 =	sor.u32 $0x380, s0;
	v6 =	vunpack.i.u.bf16.f32 v6;
	v7 =	vunpack.i.l.bf16.f32 v7;
	v2 =	vmul.f32 v2, v15  }
0x185: {  	s2 =	sshll.u32 s2, $0x5;
	v5 =	vadd.f32 v12, v5;
	v4 =	vmul.f32 v8, v4;
	v9 =	vmul.f32 v8, v9;
	v11 =	vld [tilespmem:s0+$0x9400]  }
0x186: {  	s29 =	sadd.s32 s2, s24;
	v13 =	vunpack.i.u.bf16.f32 v1;
	v1 =	vunpack.i.l.bf16.f32 v1;
	v0 =	vadd.f32 v0, v2;
	v12 =	vld [tilespmem:s25+$0xFFFFFFF0]  }
0x187: {  	s2 =	sor.u32 $0x300, s29;
	v6 =	vmul.f32 v8, v6;
	v3 =	vadd.f32 v9, v3;
	v2 =	vld [tilespmem:s26+$0xFFFFFFF0];
	v1 =	vadd.f32 v14, v1  }
0x188: {  	v7 =	vadd.f32 v10, v7;
	v8 =	vld [tilespmem:s2+$0x9400];
	v9 =	vadd.f32 v16, v13  }
0x189: {  	v4 =	vadd.f32 v4, v5;
	v0 =	vadd.f32 v6, v0;
	[tilespmem:s9+$0x11680] =	vst v3  }
0x18a: {  	[tilespmem:s9+$0x11500] =	vst v7  }
0x18b: {  	[tilespmem:s9+$0x11600] =	vst v4;
	vm0 =	veq.s32 v12, $0x1  }
0x18c: {  	[tilespmem:s9+$0x11580] =	vst v0;
	v2 =	vnsel vm0, $0x7D0, v2  }
0x18d: {  	[tilespmem:s9+$0x11480] =	vst v9  }
0x18e: {  	[tilespmem:s9+$0x11400] =	vst v1  }
0x18f: {  	[tilespmem:s2+$0x11400] =	vst v8  }
0x190: {  	[tilespmem:s0+$0x11400] =	vst v11  }
.Ltmp2:
0x191: {  	v5 =	vld.idx.msk [tilespmem:v2+s6+$0x0], $0xffff;
	(pc) =	sbr.rel @p1 .LBB2_6-.Ltmp2, $4  }
0x192: {  	v0 =	vld [tilespmem:s9+$0x9610]  }
0x193: {  	v4 =	vld.idx.msk [tilespmem:v2+s10+$0x0], $0xffff  }
0x194: {  	v3 =	vld.idx.msk [tilespmem:v2+s13+$0x0], $0xffff  }
0x195: {  	s26 =	sadd.s32 $0x20, s26;
	v1 =	vld [tilespmem:s9+$0x9590]  }
0x196: {  	_ =	sdelay $0x3  }
0x197: {  	v6 =	vld.idx.msk [tilespmem:v2+s14+$0x0], $0xffff  }
0x198: {  	v7 =	vld [tilespmem:s9+$0x9690]  }
0x199: {  	v9 =	vld.idx.msk [tilespmem:v2+s7+$0x0], $0xffff  }
0x19a: {  	v2 =	vld.idx.msk [tilespmem:v2+s1+$0x0], $0xffff  }
0x19b: {  	v8 =	vunpack.i.l.bf16.f32 v5;
	v5 =	vunpack.i.u.bf16.f32 v5;
	v12 =	vld [tilespmem:s9+$0x9510]  }
0x19c: {  	v5 =	vmul.f32 v0, v5;
	v10 =	vunpack.i.u.bf16.f32 v4;
	v4 =	vunpack.i.l.bf16.f32 v4  }
0x19d: {  	v14 =	vld [tilespmem:s9+$0x9410];
	v11 =	vunpack.i.l.bf16.f32 v3;
	v3 =	vunpack.i.u.bf16.f32 v3;
	v8 =	vmul.f32 v1, v8  }
0x19e: {  	v10 =	vmul.f32 v1, v10;
	v11 =	vmul.f32 v0, v11;
	v13 =	vunpack.i.l.bf16.f32 v6  }
0x19f: {  	v3 =	vmul.f32 v7, v3;
	v6 =	vunpack.i.u.bf16.f32 v6;
	v15 =	vunpack.i.l.bf16.f32 v9  }
0x1a0: {  	s0 =	sadd.s32 $0x10, s29;
	v48 =	vld [tilespmem:s9+$0x9490];
	v52 =	vunpack.i.u.bf16.f32 v2;
	v4 =	vadd.f32 v12, v4;
	v2 =	vunpack.i.l.bf16.f32 v2  }
0x1a1: {  	s2 =	sor.u32 $0x380, s0;
	v10 =	vadd.f32 v11, v10;
	v5 =	vadd.f32 v5, v8;
	v49 =	vmul.f32 v7, v13  }
0x1a2: {  	s0 =	sor.u32 $0x300, s0;
	v50 =	vld [tilespmem:s2+$0x9400];
	v1 =	vmul.f32 v1, v6;
	v0 =	vmul.f32 v0, v15;
	v2 =	vadd.f32 v14, v2  }
0x1a3: {  	v51 =	vld [tilespmem:s0+$0x9400];
	v6 =	vunpack.i.u.bf16.f32 v9;
	[tilespmem:s9+$0x11510] =	vst v4;
	v3 =	vadd.f32 v3, v10  }
0x1a4: {  	v5 =	vadd.f32 v49, v5;
	v0 =	vadd.f32 v0, v1;
	v1 =	vmul.f32 v7, v6;
	[tilespmem:s9+$0x11410] =	vst v2  }
0x1a5: {  	[tilespmem:s9+$0x11590] =	vst v3;
	v3 =	vadd.f32 v48, v52  }
0x1a6: {  	[tilespmem:s9+$0x11610] =	vst v5;
	v0 =	vadd.f32 v1, v0  }
0x1a7: {  	[tilespmem:s9+$0x11490] =	vst v3  }
0x1a8: {  	[tilespmem:s9+$0x11690] =	vst v0  }
0x1a9: {  	s19 =	rddreg [dreg:$0x13];
	[tilespmem:s0+$0x11400] =	vst v51  }
0x1aa: {  	s24 =	simm.s32 $0x0;
	s17 =	simm.s32 $0x11400;
	s9 =	rddreg [dreg:$0x19];
	[tilespmem:s2+$0x11400] =	vst v50  }
0x1ab: {  	[hbm4b:s9+s24] =	stream.linear.scatter [tilespmem:s17], [sflag:$0x7], $0x2000, $0x38;
	[tilespmem:$0x15400] =	vst v63  }
0x1ac: {  	s25 =	simm.s32 $0x3900;
	s26 =	rddreg [dreg:$0x14]  }
0x1ad: {  	[tilespmem:s25], [sflag:$0x3] =	stream.linear.gather [hbm4b:s19+s24], $0x400, $0x38;
	[tilespmem:$0x15400] =	vst v63  }
0x1ae: {  	s31 =	simm.s32 $0x4B00;
	s9 =	sld [smem:$0x7F9]  }
0x1af: {  	[tilespmem:s31], [sflag:$0x3] =	stream.linear.gather [hbm4b:s26+s24], $0x400, $0x38;
	[tilespmem:$0x15400] =	vst v63  }
0x1b0: {  	s17 =	simm.s32 $0x9400  }
0x1b1: {  	[tilespmem:s17], [sflag:$0x3] =	stream.linear.gather [hbm4b:s9+s24], $0x2000, $0x38;
	[tilespmem:$0x15400] =	vst v63  }
0x1b2: {  	_ =	swait.ge [sflag:s18], $0x400  }
0x1b3: {  	[sflag:s18] =	ssyncset.done $0x0  }
0x1b4: {  	[sflag:s18] =	ssyncadd.s32 $0xFFFFFC00  }
0x1b5: {  	_ =	swait.ge [sflag:s18], $0x400  }
0x1b6: {  	[sflag:s18] =	ssyncset.done $0x0  }
0x1b7: {  	[sflag:s18] =	ssyncadd.s32 $0xFFFFFC00  }
0x1b8: {  	_ =	swait.ge [sflag:s18], $0x2000  }
0x1b9: {  	[sflag:s18] =	ssyncset.done $0x0  }
0x1ba: {  	[sflag:s18] =	ssyncadd.s32 $0xFFFFE000  }
0x1bb: {  	v0 =	vld [tilespmem:$0x4F80]  }
0x1bc: {  	v1 =	vld [tilespmem:$0x3D80];
	_ =	sdelay $0x3  }
0x1bd: {  	vm0 =	veq.s32 v0, $0x1  }
0x1be: {  	v0 =	vnsel vm0, $0x7D0, v1;
	_ =	sdelay $0x1  }
0x1bf: {  	s19 =	sand.u32 $0x1C00, s24;
	s25 =	sand.u32 $0x60, s24  }
0x1c0: {  	s9 =	sor.u32 s25, s19  }
0x1c1: {  	v1 =	vld [tilespmem:s9+$0xB600]  }
0x1c2: {  	v3 =	vld.idx.msk [tilespmem:v0+s7+$0x0], $0xffff  }
0x1c3: {  	v4 =	vld.idx.msk [tilespmem:v0+s14+$0x0], $0xffff  }
0x1c4: {  	v5 =	vld.idx.msk [tilespmem:v0+s6+$0x0], $0xffff  }
0x1c5: {  	v6 =	vld.idx.msk [tilespmem:v0+s13+$0x0], $0xffff  }
0x1c6: {  	v7 =	vld.idx.msk [tilespmem:v0+s10+$0x0], $0xffff  }
0x1c7: {  	v2 =	vld [tilespmem:s9+$0xB580];
	_ =	sdelay $0x1  }
0x1c8: {  	v53 =	vld [tilespmem:s9+$0xB680];
	v54 =	vunpack.i.u.bf16.f32 v3;
	v3 =	vunpack.i.l.bf16.f32 v3;
	v56 =	vunpack.i.u.bf16.f32 v4  }
0x1c9: {  	v55 =	vld [tilespmem:s9+$0xB500];
	v4 =	vunpack.i.l.bf16.f32 v4;
	v57 =	vunpack.i.u.bf16.f32 v5;
	v5 =	vunpack.i.l.bf16.f32 v5  }
0x1ca: {  	v59 =	vld [tilespmem:s9+$0xB400];
	v58 =	vunpack.i.l.bf16.f32 v6;
	v60 =	vunpack.i.u.bf16.f32 v7;
	v3 =	vmul.f32 v1, v3  }
0x1cb: {  	v16 =	vld [tilespmem:s9+$0xB480];
	v7 =	vunpack.i.l.bf16.f32 v7;
	v11 =	vmul.f32 v2, v56;
	v5 =	vmul.f32 v2, v5  }
0x1cc: {  	s31 =	sand.u32 $0x3, s24;
	s25 =	simm.s32 $0x4FA0;
	v0 =	vld.idx.msk [tilespmem:v0+s1+$0x0], $0xffff;
	v6 =	vunpack.i.u.bf16.f32 v6;
	v12 =	vmul.f32 v1, v57;
	v1 =	vmul.f32 v1, v58  }
0x1cd: {  	s26 =	sor.u32 s24, s24;
	s2 =	sshll.u32 s31, $0x5;
	s17 =	simm.s32 $0x3DA0;
	v62 =	vld [tilespmem:s25+$0xFFFFFFF0];
	v9 =	vmul.f32 v53, v54;
	v2 =	vmul.f32 v2, v60;
	v3 =	vadd.f32 v3, v11  }
0x1ce: {  	s0 =	sor.u32 $0x380, s26;
	s29 =	sadd.s32 $0x0, s2;
	v63 =	vld [tilespmem:s17+$0xFFFFFFF0];
	v4 =	vmul.f32 v53, v4;
	v7 =	vadd.f32 v55, v7;
	v5 =	vadd.f32 v12, v5  }
0x1cf: {  	s2 =	sor.u32 $0x300, s29;
	v61 =	vld [tilespmem:s0+$0xB400];
	v1 =	vadd.f32 v1, v2;
	v2 =	vmul.f32 v53, v6;
	v3 =	vadd.f32 v9, v3  }
0x1d0: {  	v6 =	vld [tilespmem:s2+$0xB400];
	[tilespmem:s9+$0x13500] =	vst v7;
	v4 =	vadd.f32 v4, v5  }
0x1d1: {  	v1 =	vadd.f32 v2, v1;
	[tilespmem:s9+$0x13680] =	vst v3;
	v3 =	vunpack.i.u.bf16.f32 v0  }
0x1d2: {  	vm15 =	veq.s32 v62, $0x1;
	v0 =	vunpack.i.l.bf16.f32 v0;
	[tilespmem:s9+$0x13600] =	vst v4;
	v3 =	vadd.f32 v16, v3  }
0x1d3: {  	v2 =	vnsel vm15, $0x7D0, v63;
	[tilespmem:s9+$0x13580] =	vst v1;
	v0 =	vadd.f32 v59, v0  }
0x1d4: {  	[tilespmem:s9+$0x13480] =	vst v3  }
0x1d5: {  	[tilespmem:s9+$0x13400] =	vst v0  }
0x1d6: {  	[tilespmem:s2+$0x13400] =	vst v6  }
0x1d7: {  	[tilespmem:s0+$0x13400] =	vst v61  }
0x1d8: {  	v5 =	vld.idx.msk [tilespmem:v2+s6+$0x0], $0xffff  }
0x1d9: {  	v0 =	vld [tilespmem:s9+$0xB610]  }
0x1da: {  	v4 =	vld.idx.msk [tilespmem:v2+s10+$0x0], $0xffff  }
0x1db: {  	s28 =	simm.s32 $0x0;
	v3 =	vld.idx.msk [tilespmem:v2+s13+$0x0], $0xffff  }
0x1dc: {  	s30 =	simm.s32 $0x4FA0;
	s26 =	simm.s32 $0x3DC0;
	s19 =	simm.s32 $0x20;
	v1 =	vld [tilespmem:s9+$0xB590]  }
.LBB2_8:
0x1dd: {  	v6 =	vld.idx.msk [tilespmem:v2+s14+$0x0], $0xffff;
	s24 =	sadd.s32 $0x100, s24;
	s28 =	sadd.s32 $0x1, s28;
	s25 =	sadd.s32 $0x20, s25  }
0x1de: {  	p1 =	sne.s32 s19, $0x3E0;
	s31 =	smov.u32 s19;
	s19 =	sadd.s32 $0x20, s19;
	v7 =	vld.idx.msk [tilespmem:v2+s7+$0x0], $0xffff  }
0x1df: {  	s0 =	sadd.s32 $0x10, s29;
	v8 =	vld [tilespmem:s9+$0xB690]  }
0x1e0: {  	v10 =	vunpack.i.u.bf16.f32 v5;
	v5 =	vunpack.i.l.bf16.f32 v5;
	s29 =	sor.u32 $0x380, s0;
	v9 =	vunpack.i.u.bf16.f32 v4;
	v2 =	vld.idx.msk [tilespmem:v2+s1+$0x0], $0xffff  }
0x1e1: {  	v10 =	vmul.f32 v0, v10;
	v11 =	vunpack.i.l.bf16.f32 v3;
	v12 =	vld [tilespmem:s29+$0xB400];
	v5 =	vmul.f32 v1, v5  }
0x1e2: {  	v4 =	vunpack.i.l.bf16.f32 v4;
	v9 =	vmul.f32 v1, v9;
	v11 =	vmul.f32 v0, v11;
	v13 =	vld [tilespmem:s9+$0xB510]  }
0x1e3: {  	v3 =	vunpack.i.u.bf16.f32 v3;
	v14 =	vunpack.i.u.bf16.f32 v6;
	v15 =	vld [tilespmem:s9+$0xB490];
	v5 =	vadd.f32 v10, v5  }
0x1e4: {  	v6 =	vunpack.i.l.bf16.f32 v6;
	v9 =	vadd.f32 v11, v9;
	v10 =	vld [tilespmem:s9+$0xB410];
	v3 =	vmul.f32 v8, v3  }
0x1e5: {  	v16 =	vunpack.i.l.bf16.f32 v7;
	v1 =	vmul.f32 v1, v14;
	v6 =	vmul.f32 v8, v6;
	v11 =	vld [tilespmem:s30+$0x0];
	s30 =	smov.u32 s25  }
0x1e6: {  	s0 =	sor.u32 $0x300, s0;
	v7 =	vunpack.i.u.bf16.f32 v7;
	v0 =	vmul.f32 v0, v16;
	v14 =	vld [tilespmem:s17+$0x0];
	v3 =	vadd.f32 v3, v9;
	s17 =	smov.u32 s26  }
0x1e7: {  	v9 =	vunpack.i.u.bf16.f32 v2;
	v5 =	vadd.f32 v6, v5;
	v16 =	vld [tilespmem:s0+$0xB400];
	v4 =	vadd.f32 v13, v4  }
0x1e8: {  	v2 =	vunpack.i.l.bf16.f32 v2;
	v0 =	vadd.f32 v0, v1;
	v1 =	vmul.f32 v8, v7;
	[tilespmem:s9+$0x13590] =	vst v3  }
0x1e9: {  	v3 =	vadd.f32 v15, v9;
	v2 =	vadd.f32 v10, v2;
	[tilespmem:s9+$0x13610] =	vst v5  }
0x1ea: {  	v0 =	vadd.f32 v1, v0;
	vm0 =	veq.s32 v11, $0x1;
	[tilespmem:s9+$0x13510] =	vst v4  }
0x1eb: {  	v1 =	vnsel vm0, $0x7D0, v14;
	[tilespmem:s9+$0x13410] =	vst v2  }
0x1ec: {  	[tilespmem:s9+$0x13490] =	vst v3  }
0x1ed: {  	[tilespmem:s9+$0x13690] =	vst v0  }
0x1ee: {  	s2 =	sand.u32 $0x1C00, s24;
	s9 =	sand.u32 $0x60, s31;
	[tilespmem:s0+$0x13400] =	vst v16  }
0x1ef: {  	s9 =	sor.u32 s9, s2;
	[tilespmem:s29+$0x13400] =	vst v12  }
0x1f0: {  	v0 =	vld [tilespmem:s9+$0xB600]  }
0x1f1: {  	v2 =	vld [tilespmem:s9+$0xB580]  }
0x1f2: {  	v3 =	vld.idx.msk [tilespmem:v1+s7+$0x0], $0xffff  }
0x1f3: {  	v4 =	vld.idx.msk [tilespmem:v1+s14+$0x0], $0xffff  }
0x1f4: {  	v5 =	vld.idx.msk [tilespmem:v1+s6+$0x0], $0xffff  }
0x1f5: {  	v6 =	vld.idx.msk [tilespmem:v1+s13+$0x0], $0xffff  }
0x1f6: {  	v7 =	vld.idx.msk [tilespmem:v1+s10+$0x0], $0xffff  }
0x1f7: {  	v8 =	vld [tilespmem:s9+$0xB680]  }
0x1f8: {  	v9 =	vunpack.i.u.bf16.f32 v3;
	v3 =	vunpack.i.l.bf16.f32 v3;
	v10 =	vld [tilespmem:s9+$0xB500]  }
0x1f9: {  	v11 =	vunpack.i.u.bf16.f32 v4;
	v4 =	vunpack.i.l.bf16.f32 v4;
	v3 =	vmul.f32 v0, v3;
	v1 =	vld.idx.msk [tilespmem:v1+s1+$0x0], $0xffff  }
0x1fa: {  	v12 =	vunpack.i.u.bf16.f32 v5;
	v5 =	vunpack.i.l.bf16.f32 v5;
	v11 =	vmul.f32 v2, v11  }
0x1fb: {  	v13 =	vunpack.i.l.bf16.f32 v6;
	v5 =	vmul.f32 v2, v5;
	v12 =	vmul.f32 v0, v12;
	v14 =	vld [tilespmem:s9+$0xB400]  }
0x1fc: {  	s0 =	sor.u32 s24, s31;
	v15 =	vunpack.i.u.bf16.f32 v7;
	v0 =	vmul.f32 v0, v13;
	v3 =	vadd.f32 v3, v11;
	v16 =	vld [tilespmem:s9+$0xB480]  }
0x1fd: {  	s2 =	sand.u32 $0x3, s28;
	s0 =	sor.u32 $0x380, s0;
	v6 =	vunpack.i.u.bf16.f32 v6;
	v7 =	vunpack.i.l.bf16.f32 v7;
	v2 =	vmul.f32 v2, v15  }
0x1fe: {  	s2 =	sshll.u32 s2, $0x5;
	v5 =	vadd.f32 v12, v5;
	v4 =	vmul.f32 v8, v4;
	v9 =	vmul.f32 v8, v9;
	v11 =	vld [tilespmem:s0+$0xB400]  }
0x1ff: {  	s29 =	sadd.s32 s2, s24;
	v13 =	vunpack.i.u.bf16.f32 v1;
	v1 =	vunpack.i.l.bf16.f32 v1;
	v0 =	vadd.f32 v0, v2;
	v12 =	vld [tilespmem:s25+$0xFFFFFFF0]  }
0x200: {  	s2 =	sor.u32 $0x300, s29;
	v6 =	vmul.f32 v8, v6;
	v3 =	vadd.f32 v9, v3;
	v2 =	vld [tilespmem:s26+$0xFFFFFFF0];
	v1 =	vadd.f32 v14, v1  }
0x201: {  	v7 =	vadd.f32 v10, v7;
	v8 =	vld [tilespmem:s2+$0xB400];
	v9 =	vadd.f32 v16, v13  }
0x202: {  	v4 =	vadd.f32 v4, v5;
	v0 =	vadd.f32 v6, v0;
	[tilespmem:s9+$0x13680] =	vst v3  }
0x203: {  	[tilespmem:s9+$0x13500] =	vst v7  }
0x204: {  	[tilespmem:s9+$0x13600] =	vst v4;
	vm0 =	veq.s32 v12, $0x1  }
0x205: {  	[tilespmem:s9+$0x13580] =	vst v0;
	v2 =	vnsel vm0, $0x7D0, v2  }
0x206: {  	[tilespmem:s9+$0x13480] =	vst v9  }
0x207: {  	[tilespmem:s9+$0x13400] =	vst v1  }
0x208: {  	[tilespmem:s2+$0x13400] =	vst v8  }
0x209: {  	[tilespmem:s0+$0x13400] =	vst v11  }
.Ltmp3:
0x20a: {  	v5 =	vld.idx.msk [tilespmem:v2+s6+$0x0], $0xffff;
	(pc) =	sbr.rel @p1 .LBB2_8-.Ltmp3, $4  }
0x20b: {  	v0 =	vld [tilespmem:s9+$0xB610]  }
0x20c: {  	v4 =	vld.idx.msk [tilespmem:v2+s10+$0x0], $0xffff  }
0x20d: {  	v3 =	vld.idx.msk [tilespmem:v2+s13+$0x0], $0xffff  }
0x20e: {  	s26 =	sadd.s32 $0x20, s26;
	v1 =	vld [tilespmem:s9+$0xB590]  }
0x20f: {  	_ =	sdelay $0x3  }
0x210: {  	v6 =	vld.idx.msk [tilespmem:v2+s14+$0x0], $0xffff  }
0x211: {  	v7 =	vld [tilespmem:s9+$0xB690]  }
0x212: {  	v9 =	vld.idx.msk [tilespmem:v2+s7+$0x0], $0xffff  }
0x213: {  	v2 =	vld.idx.msk [tilespmem:v2+s1+$0x0], $0xffff  }
0x214: {  	v8 =	vunpack.i.l.bf16.f32 v5;
	v5 =	vunpack.i.u.bf16.f32 v5;
	v12 =	vld [tilespmem:s9+$0xB510]  }
0x215: {  	v5 =	vmul.f32 v0, v5;
	v10 =	vunpack.i.u.bf16.f32 v4;
	v4 =	vunpack.i.l.bf16.f32 v4  }
0x216: {  	v14 =	vld [tilespmem:s9+$0xB410];
	v11 =	vunpack.i.l.bf16.f32 v3;
	v3 =	vunpack.i.u.bf16.f32 v3;
	v8 =	vmul.f32 v1, v8  }
0x217: {  	v10 =	vmul.f32 v1, v10;
	v11 =	vmul.f32 v0, v11;
	v13 =	vunpack.i.l.bf16.f32 v6  }
0x218: {  	v3 =	vmul.f32 v7, v3;
	v6 =	vunpack.i.u.bf16.f32 v6;
	v15 =	vunpack.i.l.bf16.f32 v9  }
0x219: {  	s0 =	sadd.s32 $0x10, s29;
	v48 =	vld [tilespmem:s9+$0xB490];
	v52 =	vunpack.i.u.bf16.f32 v2;
	v4 =	vadd.f32 v12, v4;
	v2 =	vunpack.i.l.bf16.f32 v2  }
0x21a: {  	s2 =	sor.u32 $0x380, s0;
	v10 =	vadd.f32 v11, v10;
	v5 =	vadd.f32 v5, v8;
	v49 =	vmul.f32 v7, v13  }
0x21b: {  	s0 =	sor.u32 $0x300, s0;
	v50 =	vld [tilespmem:s2+$0xB400];
	v1 =	vmul.f32 v1, v6;
	v0 =	vmul.f32 v0, v15;
	v2 =	vadd.f32 v14, v2  }
0x21c: {  	v51 =	vld [tilespmem:s0+$0xB400];
	v6 =	vunpack.i.u.bf16.f32 v9;
	[tilespmem:s9+$0x13510] =	vst v4;
	v3 =	vadd.f32 v3, v10  }
0x21d: {  	v5 =	vadd.f32 v49, v5;
	v0 =	vadd.f32 v0, v1;
	v1 =	vmul.f32 v7, v6;
	[tilespmem:s9+$0x13410] =	vst v2  }
0x21e: {  	[tilespmem:s9+$0x13590] =	vst v3;
	v3 =	vadd.f32 v48, v52  }
0x21f: {  	[tilespmem:s9+$0x13610] =	vst v5;
	v0 =	vadd.f32 v1, v0  }
0x220: {  	[tilespmem:s9+$0x13490] =	vst v3  }
0x221: {  	[tilespmem:s9+$0x13690] =	vst v0  }
0x222: {  	s19 =	rddreg [dreg:$0x15];
	[tilespmem:s0+$0x13400] =	vst v51  }
0x223: {  	s24 =	simm.s32 $0x0;
	s17 =	simm.s32 $0x13400;
	s9 =	rddreg [dreg:$0x1b];
	[tilespmem:s2+$0x13400] =	vst v50  }
0x224: {  	[hbm4b:s9+s24] =	stream.linear.scatter [tilespmem:s17], [sflag:$0x8], $0x2000, $0x38;
	[tilespmem:$0x15400] =	vst v63  }
0x225: {  	s25 =	simm.s32 $0x3D80;
	s26 =	rddreg [dreg:$0x16]  }
0x226: {  	[tilespmem:s25], [sflag:$0x4] =	stream.linear.gather [hbm4b:s19+s24], $0x400, $0x38;
	[tilespmem:$0x15400] =	vst v63  }
0x227: {  	s31 =	simm.s32 $0x4F80;
	s9 =	sld [smem:$0x7FA]  }
0x228: {  	[tilespmem:s31], [sflag:$0x4] =	stream.linear.gather [hbm4b:s26+s24], $0x400, $0x38;
	[tilespmem:$0x15400] =	vst v63  }
0x229: {  	s17 =	simm.s32 $0xB400  }
0x22a: {  	[tilespmem:s17], [sflag:$0x4] =	stream.linear.gather [hbm4b:s9+s24], $0x2000, $0x38;
	[tilespmem:$0x15400] =	vst v63  }
0x22b: {  	_ =	swait.ge [sflag:s8], $0x400  }
0x22c: {  	[sflag:s8] =	ssyncset.done $0x0  }
0x22d: {  	[sflag:s8] =	ssyncadd.s32 $0xFFFFFC00  }
0x22e: {  	_ =	swait.ge [sflag:s8], $0x400  }
0x22f: {  	[sflag:s8] =	ssyncset.done $0x0  }
0x230: {  	[sflag:s8] =	ssyncadd.s32 $0xFFFFFC00  }
0x231: {  	_ =	swait.ge [sflag:s8], $0x2000  }
0x232: {  	[sflag:s8] =	ssyncset.done $0x0  }
0x233: {  	[sflag:s8] =	ssyncadd.s32 $0xFFFFE000  }
0x234: {  	_ =	swait.ge [sflag:s20], $0x2000  }
0x235: {  	[sflag:s20] =	ssyncset.done $0x0  }
0x236: {  	[sflag:s20] =	ssyncadd.s32 $0xFFFFE000  }
0x237: {  	v0 =	vld [tilespmem:$0x4200]  }
0x238: {  	v1 =	vld [tilespmem:$0x3000];
	_ =	sdelay $0x3  }
0x239: {  	vm0 =	veq.s32 v0, $0x1  }
0x23a: {  	v0 =	vnsel vm0, $0x7D0, v1;
	_ =	sdelay $0x1  }
0x23b: {  	s19 =	sand.u32 $0x1C00, s24;
	s25 =	sand.u32 $0x60, s24  }
0x23c: {  	s9 =	sor.u32 s25, s19  }
0x23d: {  	v1 =	vld [tilespmem:s9+$0x5600]  }
0x23e: {  	v3 =	vld.idx.msk [tilespmem:v0+s7+$0x0], $0xffff  }
0x23f: {  	v4 =	vld.idx.msk [tilespmem:v0+s14+$0x0], $0xffff  }
0x240: {  	v5 =	vld.idx.msk [tilespmem:v0+s6+$0x0], $0xffff  }
0x241: {  	v6 =	vld.idx.msk [tilespmem:v0+s13+$0x0], $0xffff  }
0x242: {  	v7 =	vld.idx.msk [tilespmem:v0+s10+$0x0], $0xffff  }
0x243: {  	v2 =	vld [tilespmem:s9+$0x5580];
	_ =	sdelay $0x1  }
0x244: {  	v53 =	vld [tilespmem:s9+$0x5680];
	v54 =	vunpack.i.u.bf16.f32 v3;
	v3 =	vunpack.i.l.bf16.f32 v3;
	v56 =	vunpack.i.u.bf16.f32 v4  }
0x245: {  	v55 =	vld [tilespmem:s9+$0x5500];
	v4 =	vunpack.i.l.bf16.f32 v4;
	v57 =	vunpack.i.u.bf16.f32 v5;
	v5 =	vunpack.i.l.bf16.f32 v5  }
0x246: {  	v59 =	vld [tilespmem:s9+$0x5400];
	v58 =	vunpack.i.l.bf16.f32 v6;
	v60 =	vunpack.i.u.bf16.f32 v7;
	v3 =	vmul.f32 v1, v3  }
0x247: {  	v16 =	vld [tilespmem:s9+$0x5480];
	v7 =	vunpack.i.l.bf16.f32 v7;
	v11 =	vmul.f32 v2, v56;
	v5 =	vmul.f32 v2, v5  }
0x248: {  	s31 =	sand.u32 $0x3, s24;
	s25 =	simm.s32 $0x4220;
	v0 =	vld.idx.msk [tilespmem:v0+s1+$0x0], $0xffff;
	v6 =	vunpack.i.u.bf16.f32 v6;
	v12 =	vmul.f32 v1, v57;
	v1 =	vmul.f32 v1, v58  }
0x249: {  	s26 =	sor.u32 s24, s24;
	s2 =	sshll.u32 s31, $0x5;
	s17 =	simm.s32 $0x3020;
	v62 =	vld [tilespmem:s25+$0xFFFFFFF0];
	v9 =	vmul.f32 v53, v54;
	v2 =	vmul.f32 v2, v60;
	v3 =	vadd.f32 v3, v11  }
0x24a: {  	s0 =	sor.u32 $0x380, s26;
	s29 =	sadd.s32 $0x0, s2;
	v63 =	vld [tilespmem:s17+$0xFFFFFFF0];
	v4 =	vmul.f32 v53, v4;
	v7 =	vadd.f32 v55, v7;
	v5 =	vadd.f32 v12, v5  }
0x24b: {  	s2 =	sor.u32 $0x300, s29;
	v61 =	vld [tilespmem:s0+$0x5400];
	v1 =	vadd.f32 v1, v2;
	v2 =	vmul.f32 v53, v6;
	v3 =	vadd.f32 v9, v3  }
0x24c: {  	v6 =	vld [tilespmem:s2+$0x5400];
	[tilespmem:s9+$0xD500] =	vst v7;
	v4 =	vadd.f32 v4, v5  }
0x24d: {  	v1 =	vadd.f32 v2, v1;
	[tilespmem:s9+$0xD680] =	vst v3;
	v3 =	vunpack.i.u.bf16.f32 v0  }
0x24e: {  	vm15 =	veq.s32 v62, $0x1;
	v0 =	vunpack.i.l.bf16.f32 v0;
	[tilespmem:s9+$0xD600] =	vst v4;
	v3 =	vadd.f32 v16, v3  }
0x24f: {  	v2 =	vnsel vm15, $0x7D0, v63;
	[tilespmem:s9+$0xD580] =	vst v1;
	v0 =	vadd.f32 v59, v0  }
0x250: {  	[tilespmem:s9+$0xD480] =	vst v3  }
0x251: {  	[tilespmem:s9+$0xD400] =	vst v0  }
0x252: {  	[tilespmem:s2+$0xD400] =	vst v6  }
0x253: {  	[tilespmem:s0+$0xD400] =	vst v61  }
0x254: {  	v5 =	vld.idx.msk [tilespmem:v2+s6+$0x0], $0xffff  }
0x255: {  	v0 =	vld [tilespmem:s9+$0x5610]  }
0x256: {  	v4 =	vld.idx.msk [tilespmem:v2+s10+$0x0], $0xffff  }
0x257: {  	s28 =	simm.s32 $0x0;
	v3 =	vld.idx.msk [tilespmem:v2+s13+$0x0], $0xffff  }
0x258: {  	s30 =	simm.s32 $0x4220;
	s26 =	simm.s32 $0x3040;
	s19 =	simm.s32 $0x20;
	v1 =	vld [tilespmem:s9+$0x5590]  }
.LBB2_10:
0x259: {  	v6 =	vld.idx.msk [tilespmem:v2+s14+$0x0], $0xffff;
	s24 =	sadd.s32 $0x100, s24;
	s28 =	sadd.s32 $0x1, s28;
	s25 =	sadd.s32 $0x20, s25  }
0x25a: {  	p1 =	sne.s32 s19, $0x3E0;
	s31 =	smov.u32 s19;
	s19 =	sadd.s32 $0x20, s19;
	v7 =	vld.idx.msk [tilespmem:v2+s7+$0x0], $0xffff  }
0x25b: {  	s0 =	sadd.s32 $0x10, s29;
	v8 =	vld [tilespmem:s9+$0x5690]  }
0x25c: {  	v10 =	vunpack.i.u.bf16.f32 v5;
	v5 =	vunpack.i.l.bf16.f32 v5;
	s29 =	sor.u32 $0x380, s0;
	v9 =	vunpack.i.u.bf16.f32 v4;
	v2 =	vld.idx.msk [tilespmem:v2+s1+$0x0], $0xffff  }
0x25d: {  	v10 =	vmul.f32 v0, v10;
	v11 =	vunpack.i.l.bf16.f32 v3;
	v12 =	vld [tilespmem:s29+$0x5400];
	v5 =	vmul.f32 v1, v5  }
0x25e: {  	v4 =	vunpack.i.l.bf16.f32 v4;
	v9 =	vmul.f32 v1, v9;
	v11 =	vmul.f32 v0, v11;
	v13 =	vld [tilespmem:s9+$0x5510]  }
0x25f: {  	v3 =	vunpack.i.u.bf16.f32 v3;
	v14 =	vunpack.i.u.bf16.f32 v6;
	v15 =	vld [tilespmem:s9+$0x5490];
	v5 =	vadd.f32 v10, v5  }
0x260: {  	v6 =	vunpack.i.l.bf16.f32 v6;
	v9 =	vadd.f32 v11, v9;
	v10 =	vld [tilespmem:s9+$0x5410];
	v3 =	vmul.f32 v8, v3  }
0x261: {  	v16 =	vunpack.i.l.bf16.f32 v7;
	v1 =	vmul.f32 v1, v14;
	v6 =	vmul.f32 v8, v6;
	v11 =	vld [tilespmem:s30+$0x0];
	s30 =	smov.u32 s25  }
0x262: {  	s0 =	sor.u32 $0x300, s0;
	v7 =	vunpack.i.u.bf16.f32 v7;
	v0 =	vmul.f32 v0, v16;
	v14 =	vld [tilespmem:s17+$0x0];
	v3 =	vadd.f32 v3, v9;
	s17 =	smov.u32 s26  }
0x263: {  	v9 =	vunpack.i.u.bf16.f32 v2;
	v5 =	vadd.f32 v6, v5;
	v16 =	vld [tilespmem:s0+$0x5400];
	v4 =	vadd.f32 v13, v4  }
0x264: {  	v2 =	vunpack.i.l.bf16.f32 v2;
	v0 =	vadd.f32 v0, v1;
	v1 =	vmul.f32 v8, v7;
	[tilespmem:s9+$0xD590] =	vst v3  }
0x265: {  	v3 =	vadd.f32 v15, v9;
	v2 =	vadd.f32 v10, v2;
	[tilespmem:s9+$0xD610] =	vst v5  }
0x266: {  	v0 =	vadd.f32 v1, v0;
	vm0 =	veq.s32 v11, $0x1;
	[tilespmem:s9+$0xD510] =	vst v4  }
0x267: {  	v1 =	vnsel vm0, $0x7D0, v14;
	[tilespmem:s9+$0xD410] =	vst v2  }
0x268: {  	[tilespmem:s9+$0xD490] =	vst v3  }
0x269: {  	[tilespmem:s9+$0xD690] =	vst v0  }
0x26a: {  	s2 =	sand.u32 $0x1C00, s24;
	s9 =	sand.u32 $0x60, s31;
	[tilespmem:s0+$0xD400] =	vst v16  }
0x26b: {  	s9 =	sor.u32 s9, s2;
	[tilespmem:s29+$0xD400] =	vst v12  }
0x26c: {  	v0 =	vld [tilespmem:s9+$0x5600]  }
0x26d: {  	v2 =	vld [tilespmem:s9+$0x5580]  }
0x26e: {  	v3 =	vld.idx.msk [tilespmem:v1+s7+$0x0], $0xffff  }
0x26f: {  	v4 =	vld.idx.msk [tilespmem:v1+s14+$0x0], $0xffff  }
0x270: {  	v5 =	vld.idx.msk [tilespmem:v1+s6+$0x0], $0xffff  }
0x271: {  	v6 =	vld.idx.msk [tilespmem:v1+s13+$0x0], $0xffff  }
0x272: {  	v7 =	vld.idx.msk [tilespmem:v1+s10+$0x0], $0xffff  }
0x273: {  	v8 =	vld [tilespmem:s9+$0x5680]  }
0x274: {  	v9 =	vunpack.i.u.bf16.f32 v3;
	v3 =	vunpack.i.l.bf16.f32 v3;
	v10 =	vld [tilespmem:s9+$0x5500]  }
0x275: {  	v11 =	vunpack.i.u.bf16.f32 v4;
	v4 =	vunpack.i.l.bf16.f32 v4;
	v3 =	vmul.f32 v0, v3;
	v1 =	vld.idx.msk [tilespmem:v1+s1+$0x0], $0xffff  }
0x276: {  	v12 =	vunpack.i.u.bf16.f32 v5;
	v5 =	vunpack.i.l.bf16.f32 v5;
	v11 =	vmul.f32 v2, v11  }
0x277: {  	v13 =	vunpack.i.l.bf16.f32 v6;
	v5 =	vmul.f32 v2, v5;
	v12 =	vmul.f32 v0, v12;
	v14 =	vld [tilespmem:s9+$0x5400]  }
0x278: {  	s0 =	sor.u32 s24, s31;
	v15 =	vunpack.i.u.bf16.f32 v7;
	v0 =	vmul.f32 v0, v13;
	v3 =	vadd.f32 v3, v11;
	v16 =	vld [tilespmem:s9+$0x5480]  }
0x279: {  	s2 =	sand.u32 $0x3, s28;
	s0 =	sor.u32 $0x380, s0;
	v6 =	vunpack.i.u.bf16.f32 v6;
	v7 =	vunpack.i.l.bf16.f32 v7;
	v2 =	vmul.f32 v2, v15  }
0x27a: {  	s2 =	sshll.u32 s2, $0x5;
	v5 =	vadd.f32 v12, v5;
	v4 =	vmul.f32 v8, v4;
	v9 =	vmul.f32 v8, v9;
	v11 =	vld [tilespmem:s0+$0x5400]  }
0x27b: {  	s29 =	sadd.s32 s2, s24;
	v13 =	vunpack.i.u.bf16.f32 v1;
	v1 =	vunpack.i.l.bf16.f32 v1;
	v0 =	vadd.f32 v0, v2;
	v12 =	vld [tilespmem:s25+$0xFFFFFFF0]  }
0x27c: {  	s2 =	sor.u32 $0x300, s29;
	v6 =	vmul.f32 v8, v6;
	v3 =	vadd.f32 v9, v3;
	v2 =	vld [tilespmem:s26+$0xFFFFFFF0];
	v1 =	vadd.f32 v14, v1  }
0x27d: {  	v7 =	vadd.f32 v10, v7;
	v8 =	vld [tilespmem:s2+$0x5400];
	v9 =	vadd.f32 v16, v13  }
0x27e: {  	v4 =	vadd.f32 v4, v5;
	v0 =	vadd.f32 v6, v0;
	[tilespmem:s9+$0xD680] =	vst v3  }
0x27f: {  	[tilespmem:s9+$0xD500] =	vst v7  }
0x280: {  	[tilespmem:s9+$0xD600] =	vst v4;
	vm0 =	veq.s32 v12, $0x1  }
0x281: {  	[tilespmem:s9+$0xD580] =	vst v0;
	v2 =	vnsel vm0, $0x7D0, v2  }
0x282: {  	[tilespmem:s9+$0xD480] =	vst v9  }
0x283: {  	[tilespmem:s9+$0xD400] =	vst v1  }
0x284: {  	[tilespmem:s2+$0xD400] =	vst v8  }
0x285: {  	[tilespmem:s0+$0xD400] =	vst v11  }
.Ltmp4:
0x286: {  	v5 =	vld.idx.msk [tilespmem:v2+s6+$0x0], $0xffff;
	(pc) =	sbr.rel @p1 .LBB2_10-.Ltmp4, $4  }
0x287: {  	v0 =	vld [tilespmem:s9+$0x5610]  }
0x288: {  	v4 =	vld.idx.msk [tilespmem:v2+s10+$0x0], $0xffff  }
0x289: {  	v3 =	vld.idx.msk [tilespmem:v2+s13+$0x0], $0xffff  }
0x28a: {  	s26 =	sadd.s32 $0x20, s26;
	v1 =	vld [tilespmem:s9+$0x5590]  }
0x28b: {  	_ =	sdelay $0x3  }
0x28c: {  	v6 =	vld.idx.msk [tilespmem:v2+s14+$0x0], $0xffff  }
0x28d: {  	v7 =	vld [tilespmem:s9+$0x5690]  }
0x28e: {  	v9 =	vld.idx.msk [tilespmem:v2+s7+$0x0], $0xffff  }
0x28f: {  	v2 =	vld.idx.msk [tilespmem:v2+s1+$0x0], $0xffff  }
0x290: {  	v8 =	vunpack.i.l.bf16.f32 v5;
	v5 =	vunpack.i.u.bf16.f32 v5;
	v12 =	vld [tilespmem:s9+$0x5510]  }
0x291: {  	v5 =	vmul.f32 v0, v5;
	v10 =	vunpack.i.u.bf16.f32 v4;
	v4 =	vunpack.i.l.bf16.f32 v4  }
0x292: {  	v14 =	vld [tilespmem:s9+$0x5410];
	v11 =	vunpack.i.l.bf16.f32 v3;
	v3 =	vunpack.i.u.bf16.f32 v3;
	v8 =	vmul.f32 v1, v8  }
0x293: {  	v10 =	vmul.f32 v1, v10;
	v11 =	vmul.f32 v0, v11;
	v13 =	vunpack.i.l.bf16.f32 v6  }
0x294: {  	v3 =	vmul.f32 v7, v3;
	v6 =	vunpack.i.u.bf16.f32 v6;
	v15 =	vunpack.i.l.bf16.f32 v9  }
0x295: {  	s0 =	sadd.s32 $0x10, s29;
	v48 =	vld [tilespmem:s9+$0x5490];
	v52 =	vunpack.i.u.bf16.f32 v2;
	v4 =	vadd.f32 v12, v4;
	v2 =	vunpack.i.l.bf16.f32 v2  }
0x296: {  	s2 =	sor.u32 $0x380, s0;
	v10 =	vadd.f32 v11, v10;
	v5 =	vadd.f32 v5, v8;
	v49 =	vmul.f32 v7, v13  }
0x297: {  	s0 =	sor.u32 $0x300, s0;
	v50 =	vld [tilespmem:s2+$0x5400];
	v1 =	vmul.f32 v1, v6;
	v0 =	vmul.f32 v0, v15;
	v2 =	vadd.f32 v14, v2  }
0x298: {  	v51 =	vld [tilespmem:s0+$0x5400];
	v6 =	vunpack.i.u.bf16.f32 v9;
	[tilespmem:s9+$0xD510] =	vst v4;
	v3 =	vadd.f32 v3, v10  }
0x299: {  	v5 =	vadd.f32 v49, v5;
	v0 =	vadd.f32 v0, v1;
	v1 =	vmul.f32 v7, v6;
	[tilespmem:s9+$0xD410] =	vst v2  }
0x29a: {  	[tilespmem:s9+$0xD590] =	vst v3;
	v3 =	vadd.f32 v48, v52  }
0x29b: {  	[tilespmem:s9+$0xD610] =	vst v5;
	v0 =	vadd.f32 v1, v0  }
0x29c: {  	[tilespmem:s9+$0xD490] =	vst v3  }
0x29d: {  	[tilespmem:s9+$0xD690] =	vst v0;
	s9 =	sld [smem:$0x7FB]  }
0x29e: {  	[tilespmem:s0+$0xD400] =	vst v51  }
0x29f: {  	s24 =	simm.s32 $0x0;
	s17 =	simm.s32 $0xD400;
	[tilespmem:s2+$0xD400] =	vst v50  }
0x2a0: {  	[hbm4b:s9+s24] =	stream.linear.scatter [tilespmem:s17], [sflag:$0x5], $0x2000, $0x38;
	[tilespmem:$0x15400] =	vst v63  }
0x2a1: {  	_ =	swait.ge [sflag:s15], $0x400  }
0x2a2: {  	[sflag:s15] =	ssyncset.done $0x0  }
0x2a3: {  	[sflag:s15] =	ssyncadd.s32 $0xFFFFFC00  }
0x2a4: {  	_ =	swait.ge [sflag:s15], $0x400  }
0x2a5: {  	[sflag:s15] =	ssyncset.done $0x0  }
0x2a6: {  	[sflag:s15] =	ssyncadd.s32 $0xFFFFFC00  }
0x2a7: {  	_ =	swait.ge [sflag:s15], $0x2000  }
0x2a8: {  	[sflag:s15] =	ssyncset.done $0x0  }
0x2a9: {  	[sflag:s15] =	ssyncadd.s32 $0xFFFFE000  }
0x2aa: {  	_ =	swait.ge [sflag:s21], $0x2000  }
0x2ab: {  	[sflag:s21] =	ssyncset.done $0x0  }
0x2ac: {  	[sflag:s21] =	ssyncadd.s32 $0xFFFFE000  }
0x2ad: {  	v0 =	vld [tilespmem:$0x4680]  }
0x2ae: {  	v1 =	vld [tilespmem:$0x3480];
	_ =	sdelay $0x3  }
0x2af: {  	vm0 =	veq.s32 v0, $0x1  }
0x2b0: {  	v0 =	vnsel vm0, $0x7D0, v1;
	_ =	sdelay $0x1  }
0x2b1: {  	s19 =	sand.u32 $0x1C00, s24;
	s25 =	sand.u32 $0x60, s24  }
0x2b2: {  	s9 =	sor.u32 s25, s19  }
0x2b3: {  	v1 =	vld [tilespmem:s9+$0x7600]  }
0x2b4: {  	v3 =	vld.idx.msk [tilespmem:v0+s7+$0x0], $0xffff  }
0x2b5: {  	v4 =	vld.idx.msk [tilespmem:v0+s14+$0x0], $0xffff  }
0x2b6: {  	v5 =	vld.idx.msk [tilespmem:v0+s6+$0x0], $0xffff  }
0x2b7: {  	v6 =	vld.idx.msk [tilespmem:v0+s13+$0x0], $0xffff  }
0x2b8: {  	v7 =	vld.idx.msk [tilespmem:v0+s10+$0x0], $0xffff  }
0x2b9: {  	v2 =	vld [tilespmem:s9+$0x7580];
	_ =	sdelay $0x1  }
0x2ba: {  	v53 =	vld [tilespmem:s9+$0x7680];
	v54 =	vunpack.i.u.bf16.f32 v3;
	v3 =	vunpack.i.l.bf16.f32 v3;
	v56 =	vunpack.i.u.bf16.f32 v4  }
0x2bb: {  	v55 =	vld [tilespmem:s9+$0x7500];
	v4 =	vunpack.i.l.bf16.f32 v4;
	v57 =	vunpack.i.u.bf16.f32 v5;
	v5 =	vunpack.i.l.bf16.f32 v5  }
0x2bc: {  	v59 =	vld [tilespmem:s9+$0x7400];
	v58 =	vunpack.i.l.bf16.f32 v6;
	v60 =	vunpack.i.u.bf16.f32 v7;
	v3 =	vmul.f32 v1, v3  }
0x2bd: {  	v16 =	vld [tilespmem:s9+$0x7480];
	v7 =	vunpack.i.l.bf16.f32 v7;
	v11 =	vmul.f32 v2, v56;
	v5 =	vmul.f32 v2, v5  }
0x2be: {  	s31 =	sand.u32 $0x3, s24;
	s25 =	simm.s32 $0x46A0;
	v0 =	vld.idx.msk [tilespmem:v0+s1+$0x0], $0xffff;
	v6 =	vunpack.i.u.bf16.f32 v6;
	v12 =	vmul.f32 v1, v57;
	v1 =	vmul.f32 v1, v58  }
0x2bf: {  	s26 =	sor.u32 s24, s24;
	s2 =	sshll.u32 s31, $0x5;
	s17 =	simm.s32 $0x34A0;
	v62 =	vld [tilespmem:s25+$0xFFFFFFF0];
	v9 =	vmul.f32 v53, v54;
	v2 =	vmul.f32 v2, v60;
	v3 =	vadd.f32 v3, v11  }
0x2c0: {  	s0 =	sor.u32 $0x380, s26;
	s29 =	sadd.s32 $0x0, s2;
	v63 =	vld [tilespmem:s17+$0xFFFFFFF0];
	v4 =	vmul.f32 v53, v4;
	v7 =	vadd.f32 v55, v7;
	v5 =	vadd.f32 v12, v5  }
0x2c1: {  	s2 =	sor.u32 $0x300, s29;
	v61 =	vld [tilespmem:s0+$0x7400];
	v1 =	vadd.f32 v1, v2;
	v2 =	vmul.f32 v53, v6;
	v3 =	vadd.f32 v9, v3  }
0x2c2: {  	v6 =	vld [tilespmem:s2+$0x7400];
	[tilespmem:s9+$0xF500] =	vst v7;
	v4 =	vadd.f32 v4, v5  }
0x2c3: {  	v1 =	vadd.f32 v2, v1;
	[tilespmem:s9+$0xF680] =	vst v3;
	v3 =	vunpack.i.u.bf16.f32 v0  }
0x2c4: {  	vm15 =	veq.s32 v62, $0x1;
	v0 =	vunpack.i.l.bf16.f32 v0;
	[tilespmem:s9+$0xF600] =	vst v4;
	v3 =	vadd.f32 v16, v3  }
0x2c5: {  	v2 =	vnsel vm15, $0x7D0, v63;
	[tilespmem:s9+$0xF580] =	vst v1;
	v0 =	vadd.f32 v59, v0  }
0x2c6: {  	[tilespmem:s9+$0xF480] =	vst v3  }
0x2c7: {  	[tilespmem:s9+$0xF400] =	vst v0  }
0x2c8: {  	[tilespmem:s2+$0xF400] =	vst v6  }
0x2c9: {  	[tilespmem:s0+$0xF400] =	vst v61  }
0x2ca: {  	v5 =	vld.idx.msk [tilespmem:v2+s6+$0x0], $0xffff  }
0x2cb: {  	v0 =	vld [tilespmem:s9+$0x7610]  }
0x2cc: {  	v4 =	vld.idx.msk [tilespmem:v2+s10+$0x0], $0xffff  }
0x2cd: {  	s28 =	simm.s32 $0x0;
	v3 =	vld.idx.msk [tilespmem:v2+s13+$0x0], $0xffff  }
0x2ce: {  	s30 =	simm.s32 $0x46A0;
	s26 =	simm.s32 $0x34C0;
	s19 =	simm.s32 $0x20;
	v1 =	vld [tilespmem:s9+$0x7590]  }
.LBB2_12:
0x2cf: {  	v6 =	vld.idx.msk [tilespmem:v2+s14+$0x0], $0xffff;
	s24 =	sadd.s32 $0x100, s24;
	s28 =	sadd.s32 $0x1, s28;
	s25 =	sadd.s32 $0x20, s25  }
0x2d0: {  	p1 =	sne.s32 s19, $0x3E0;
	s31 =	smov.u32 s19;
	s19 =	sadd.s32 $0x20, s19;
	v7 =	vld.idx.msk [tilespmem:v2+s7+$0x0], $0xffff  }
0x2d1: {  	s0 =	sadd.s32 $0x10, s29;
	v8 =	vld [tilespmem:s9+$0x7690]  }
0x2d2: {  	v10 =	vunpack.i.u.bf16.f32 v5;
	v5 =	vunpack.i.l.bf16.f32 v5;
	s29 =	sor.u32 $0x380, s0;
	v9 =	vunpack.i.u.bf16.f32 v4;
	v2 =	vld.idx.msk [tilespmem:v2+s1+$0x0], $0xffff  }
0x2d3: {  	v10 =	vmul.f32 v0, v10;
	v11 =	vunpack.i.l.bf16.f32 v3;
	v12 =	vld [tilespmem:s29+$0x7400];
	v5 =	vmul.f32 v1, v5  }
0x2d4: {  	v4 =	vunpack.i.l.bf16.f32 v4;
	v9 =	vmul.f32 v1, v9;
	v11 =	vmul.f32 v0, v11;
	v13 =	vld [tilespmem:s9+$0x7510]  }
0x2d5: {  	v3 =	vunpack.i.u.bf16.f32 v3;
	v14 =	vunpack.i.u.bf16.f32 v6;
	v15 =	vld [tilespmem:s9+$0x7490];
	v5 =	vadd.f32 v10, v5  }
0x2d6: {  	v6 =	vunpack.i.l.bf16.f32 v6;
	v9 =	vadd.f32 v11, v9;
	v10 =	vld [tilespmem:s9+$0x7410];
	v3 =	vmul.f32 v8, v3  }
0x2d7: {  	v16 =	vunpack.i.l.bf16.f32 v7;
	v1 =	vmul.f32 v1, v14;
	v6 =	vmul.f32 v8, v6;
	v11 =	vld [tilespmem:s30+$0x0];
	s30 =	smov.u32 s25  }
0x2d8: {  	s0 =	sor.u32 $0x300, s0;
	v7 =	vunpack.i.u.bf16.f32 v7;
	v0 =	vmul.f32 v0, v16;
	v14 =	vld [tilespmem:s17+$0x0];
	v3 =	vadd.f32 v3, v9;
	s17 =	smov.u32 s26  }
0x2d9: {  	v9 =	vunpack.i.u.bf16.f32 v2;
	v5 =	vadd.f32 v6, v5;
	v16 =	vld [tilespmem:s0+$0x7400];
	v4 =	vadd.f32 v13, v4  }
0x2da: {  	v2 =	vunpack.i.l.bf16.f32 v2;
	v0 =	vadd.f32 v0, v1;
	v1 =	vmul.f32 v8, v7;
	[tilespmem:s9+$0xF590] =	vst v3  }
0x2db: {  	v3 =	vadd.f32 v15, v9;
	v2 =	vadd.f32 v10, v2;
	[tilespmem:s9+$0xF610] =	vst v5  }
0x2dc: {  	v0 =	vadd.f32 v1, v0;
	vm0 =	veq.s32 v11, $0x1;
	[tilespmem:s9+$0xF510] =	vst v4  }
0x2dd: {  	v1 =	vnsel vm0, $0x7D0, v14;
	[tilespmem:s9+$0xF410] =	vst v2  }
0x2de: {  	[tilespmem:s9+$0xF490] =	vst v3  }
0x2df: {  	[tilespmem:s9+$0xF690] =	vst v0  }
0x2e0: {  	s2 =	sand.u32 $0x1C00, s24;
	s9 =	sand.u32 $0x60, s31;
	[tilespmem:s0+$0xF400] =	vst v16  }
0x2e1: {  	s9 =	sor.u32 s9, s2;
	[tilespmem:s29+$0xF400] =	vst v12  }
0x2e2: {  	v0 =	vld [tilespmem:s9+$0x7600]  }
0x2e3: {  	v2 =	vld [tilespmem:s9+$0x7580]  }
0x2e4: {  	v3 =	vld.idx.msk [tilespmem:v1+s7+$0x0], $0xffff  }
0x2e5: {  	v4 =	vld.idx.msk [tilespmem:v1+s14+$0x0], $0xffff  }
0x2e6: {  	v5 =	vld.idx.msk [tilespmem:v1+s6+$0x0], $0xffff  }
0x2e7: {  	v6 =	vld.idx.msk [tilespmem:v1+s13+$0x0], $0xffff  }
0x2e8: {  	v7 =	vld.idx.msk [tilespmem:v1+s10+$0x0], $0xffff  }
0x2e9: {  	v8 =	vld [tilespmem:s9+$0x7680]  }
0x2ea: {  	v9 =	vunpack.i.u.bf16.f32 v3;
	v3 =	vunpack.i.l.bf16.f32 v3;
	v10 =	vld [tilespmem:s9+$0x7500]  }
0x2eb: {  	v11 =	vunpack.i.u.bf16.f32 v4;
	v4 =	vunpack.i.l.bf16.f32 v4;
	v3 =	vmul.f32 v0, v3;
	v1 =	vld.idx.msk [tilespmem:v1+s1+$0x0], $0xffff  }
0x2ec: {  	v12 =	vunpack.i.u.bf16.f32 v5;
	v5 =	vunpack.i.l.bf16.f32 v5;
	v11 =	vmul.f32 v2, v11  }
0x2ed: {  	v13 =	vunpack.i.l.bf16.f32 v6;
	v5 =	vmul.f32 v2, v5;
	v12 =	vmul.f32 v0, v12;
	v14 =	vld [tilespmem:s9+$0x7400]  }
0x2ee: {  	s0 =	sor.u32 s24, s31;
	v15 =	vunpack.i.u.bf16.f32 v7;
	v0 =	vmul.f32 v0, v13;
	v3 =	vadd.f32 v3, v11;
	v16 =	vld [tilespmem:s9+$0x7480]  }
0x2ef: {  	s2 =	sand.u32 $0x3, s28;
	s0 =	sor.u32 $0x380, s0;
	v6 =	vunpack.i.u.bf16.f32 v6;
	v7 =	vunpack.i.l.bf16.f32 v7;
	v2 =	vmul.f32 v2, v15  }
0x2f0: {  	s2 =	sshll.u32 s2, $0x5;
	v5 =	vadd.f32 v12, v5;
	v4 =	vmul.f32 v8, v4;
	v9 =	vmul.f32 v8, v9;
	v11 =	vld [tilespmem:s0+$0x7400]  }
0x2f1: {  	s29 =	sadd.s32 s2, s24;
	v13 =	vunpack.i.u.bf16.f32 v1;
	v1 =	vunpack.i.l.bf16.f32 v1;
	v0 =	vadd.f32 v0, v2;
	v12 =	vld [tilespmem:s25+$0xFFFFFFF0]  }
0x2f2: {  	s2 =	sor.u32 $0x300, s29;
	v6 =	vmul.f32 v8, v6;
	v3 =	vadd.f32 v9, v3;
	v2 =	vld [tilespmem:s26+$0xFFFFFFF0];
	v1 =	vadd.f32 v14, v1  }
0x2f3: {  	v7 =	vadd.f32 v10, v7;
	v8 =	vld [tilespmem:s2+$0x7400];
	v9 =	vadd.f32 v16, v13  }
0x2f4: {  	v4 =	vadd.f32 v4, v5;
	v0 =	vadd.f32 v6, v0;
	[tilespmem:s9+$0xF680] =	vst v3  }
0x2f5: {  	[tilespmem:s9+$0xF500] =	vst v7  }
0x2f6: {  	[tilespmem:s9+$0xF600] =	vst v4;
	vm0 =	veq.s32 v12, $0x1  }
0x2f7: {  	[tilespmem:s9+$0xF580] =	vst v0;
	v2 =	vnsel vm0, $0x7D0, v2  }
0x2f8: {  	[tilespmem:s9+$0xF480] =	vst v9  }
0x2f9: {  	[tilespmem:s9+$0xF400] =	vst v1  }
0x2fa: {  	[tilespmem:s2+$0xF400] =	vst v8  }
0x2fb: {  	[tilespmem:s0+$0xF400] =	vst v11  }
.Ltmp5:
0x2fc: {  	v5 =	vld.idx.msk [tilespmem:v2+s6+$0x0], $0xffff;
	(pc) =	sbr.rel @p1 .LBB2_12-.Ltmp5, $4  }
0x2fd: {  	v0 =	vld [tilespmem:s9+$0x7610]  }
0x2fe: {  	v4 =	vld.idx.msk [tilespmem:v2+s10+$0x0], $0xffff  }
0x2ff: {  	v3 =	vld.idx.msk [tilespmem:v2+s13+$0x0], $0xffff  }
0x300: {  	s26 =	sadd.s32 $0x20, s26;
	v1 =	vld [tilespmem:s9+$0x7590]  }
0x301: {  	_ =	sdelay $0x3  }
0x302: {  	v6 =	vld.idx.msk [tilespmem:v2+s14+$0x0], $0xffff  }
0x303: {  	v7 =	vld [tilespmem:s9+$0x7690]  }
0x304: {  	v9 =	vld.idx.msk [tilespmem:v2+s7+$0x0], $0xffff  }
0x305: {  	v2 =	vld.idx.msk [tilespmem:v2+s1+$0x0], $0xffff  }
0x306: {  	v8 =	vunpack.i.l.bf16.f32 v5;
	v5 =	vunpack.i.u.bf16.f32 v5;
	v12 =	vld [tilespmem:s9+$0x7510]  }
0x307: {  	v5 =	vmul.f32 v0, v5;
	v10 =	vunpack.i.u.bf16.f32 v4;
	v4 =	vunpack.i.l.bf16.f32 v4  }
0x308: {  	v14 =	vld [tilespmem:s9+$0x7410];
	v11 =	vunpack.i.l.bf16.f32 v3;
	v3 =	vunpack.i.u.bf16.f32 v3;
	v8 =	vmul.f32 v1, v8  }
0x309: {  	v10 =	vmul.f32 v1, v10;
	v11 =	vmul.f32 v0, v11;
	v13 =	vunpack.i.l.bf16.f32 v6  }
0x30a: {  	v3 =	vmul.f32 v7, v3;
	v6 =	vunpack.i.u.bf16.f32 v6;
	v15 =	vunpack.i.l.bf16.f32 v9  }
0x30b: {  	s0 =	sadd.s32 $0x10, s29;
	v48 =	vld [tilespmem:s9+$0x7490];
	v52 =	vunpack.i.u.bf16.f32 v2;
	v4 =	vadd.f32 v12, v4;
	v2 =	vunpack.i.l.bf16.f32 v2  }
0x30c: {  	s2 =	sor.u32 $0x380, s0;
	v10 =	vadd.f32 v11, v10;
	v5 =	vadd.f32 v5, v8;
	v49 =	vmul.f32 v7, v13  }
0x30d: {  	s0 =	sor.u32 $0x300, s0;
	v50 =	vld [tilespmem:s2+$0x7400];
	v1 =	vmul.f32 v1, v6;
	v0 =	vmul.f32 v0, v15;
	v2 =	vadd.f32 v14, v2  }
0x30e: {  	v51 =	vld [tilespmem:s0+$0x7400];
	v6 =	vunpack.i.u.bf16.f32 v9;
	[tilespmem:s9+$0xF510] =	vst v4;
	v3 =	vadd.f32 v3, v10  }
0x30f: {  	v5 =	vadd.f32 v49, v5;
	v0 =	vadd.f32 v0, v1;
	v1 =	vmul.f32 v7, v6;
	[tilespmem:s9+$0xF410] =	vst v2  }
0x310: {  	[tilespmem:s9+$0xF590] =	vst v3;
	v3 =	vadd.f32 v48, v52  }
0x311: {  	[tilespmem:s9+$0xF610] =	vst v5;
	v0 =	vadd.f32 v1, v0  }
0x312: {  	[tilespmem:s9+$0xF490] =	vst v3  }
0x313: {  	[tilespmem:s9+$0xF690] =	vst v0;
	s9 =	sld [smem:$0x7FC]  }
0x314: {  	[tilespmem:s0+$0xF400] =	vst v51  }
0x315: {  	s24 =	simm.s32 $0x0;
	s17 =	simm.s32 $0xF400;
	[tilespmem:s2+$0xF400] =	vst v50  }
0x316: {  	[hbm4b:s9+s24] =	stream.linear.scatter [tilespmem:s17], [sflag:$0x6], $0x2000, $0x38;
	[tilespmem:$0x15400] =	vst v63  }
0x317: {  	_ =	swait.ge [sflag:s16], $0x400  }
0x318: {  	[sflag:s16] =	ssyncset.done $0x0  }
0x319: {  	[sflag:s16] =	ssyncadd.s32 $0xFFFFFC00  }
0x31a: {  	_ =	swait.ge [sflag:s16], $0x400  }
0x31b: {  	[sflag:s16] =	ssyncset.done $0x0  }
0x31c: {  	[sflag:s16] =	ssyncadd.s32 $0xFFFFFC00  }
0x31d: {  	_ =	swait.ge [sflag:s16], $0x2000  }
0x31e: {  	[sflag:s16] =	ssyncset.done $0x0  }
0x31f: {  	[sflag:s16] =	ssyncadd.s32 $0xFFFFE000  }
0x320: {  	_ =	swait.ge [sflag:s11], $0x2000  }
0x321: {  	[sflag:s11] =	ssyncset.done $0x0  }
0x322: {  	[sflag:s11] =	ssyncadd.s32 $0xFFFFE000  }
0x323: {  	v0 =	vld [tilespmem:$0x4B00]  }
0x324: {  	v1 =	vld [tilespmem:$0x3900];
	_ =	sdelay $0x3  }
0x325: {  	vm0 =	veq.s32 v0, $0x1  }
0x326: {  	v0 =	vnsel vm0, $0x7D0, v1;
	_ =	sdelay $0x1  }
0x327: {  	s19 =	sand.u32 $0x1C00, s24;
	s25 =	sand.u32 $0x60, s24  }
0x328: {  	s9 =	sor.u32 s25, s19  }
0x329: {  	v1 =	vld [tilespmem:s9+$0x9600]  }
0x32a: {  	v3 =	vld.idx.msk [tilespmem:v0+s7+$0x0], $0xffff  }
0x32b: {  	v4 =	vld.idx.msk [tilespmem:v0+s14+$0x0], $0xffff  }
0x32c: {  	v5 =	vld.idx.msk [tilespmem:v0+s6+$0x0], $0xffff  }
0x32d: {  	v6 =	vld.idx.msk [tilespmem:v0+s13+$0x0], $0xffff  }
0x32e: {  	v7 =	vld.idx.msk [tilespmem:v0+s10+$0x0], $0xffff  }
0x32f: {  	v2 =	vld [tilespmem:s9+$0x9580];
	_ =	sdelay $0x1  }
0x330: {  	v53 =	vld [tilespmem:s9+$0x9680];
	v54 =	vunpack.i.u.bf16.f32 v3;
	v3 =	vunpack.i.l.bf16.f32 v3;
	v56 =	vunpack.i.u.bf16.f32 v4  }
0x331: {  	v55 =	vld [tilespmem:s9+$0x9500];
	v4 =	vunpack.i.l.bf16.f32 v4;
	v57 =	vunpack.i.u.bf16.f32 v5;
	v5 =	vunpack.i.l.bf16.f32 v5  }
0x332: {  	v59 =	vld [tilespmem:s9+$0x9400];
	v58 =	vunpack.i.l.bf16.f32 v6;
	v60 =	vunpack.i.u.bf16.f32 v7;
	v3 =	vmul.f32 v1, v3  }
0x333: {  	v16 =	vld [tilespmem:s9+$0x9480];
	v7 =	vunpack.i.l.bf16.f32 v7;
	v11 =	vmul.f32 v2, v56;
	v5 =	vmul.f32 v2, v5  }
0x334: {  	s31 =	sand.u32 $0x3, s24;
	s25 =	simm.s32 $0x4B20;
	v0 =	vld.idx.msk [tilespmem:v0+s1+$0x0], $0xffff;
	v6 =	vunpack.i.u.bf16.f32 v6;
	v12 =	vmul.f32 v1, v57;
	v1 =	vmul.f32 v1, v58  }
0x335: {  	s26 =	sor.u32 s24, s24;
	s2 =	sshll.u32 s31, $0x5;
	s17 =	simm.s32 $0x3920;
	v62 =	vld [tilespmem:s25+$0xFFFFFFF0];
	v9 =	vmul.f32 v53, v54;
	v2 =	vmul.f32 v2, v60;
	v3 =	vadd.f32 v3, v11  }
0x336: {  	s0 =	sor.u32 $0x380, s26;
	s29 =	sadd.s32 $0x0, s2;
	v63 =	vld [tilespmem:s17+$0xFFFFFFF0];
	v4 =	vmul.f32 v53, v4;
	v7 =	vadd.f32 v55, v7;
	v5 =	vadd.f32 v12, v5  }
0x337: {  	s2 =	sor.u32 $0x300, s29;
	v61 =	vld [tilespmem:s0+$0x9400];
	v1 =	vadd.f32 v1, v2;
	v2 =	vmul.f32 v53, v6;
	v3 =	vadd.f32 v9, v3  }
0x338: {  	v6 =	vld [tilespmem:s2+$0x9400];
	[tilespmem:s9+$0x11500] =	vst v7;
	v4 =	vadd.f32 v4, v5  }
0x339: {  	v1 =	vadd.f32 v2, v1;
	[tilespmem:s9+$0x11680] =	vst v3;
	v3 =	vunpack.i.u.bf16.f32 v0  }
0x33a: {  	vm15 =	veq.s32 v62, $0x1;
	v0 =	vunpack.i.l.bf16.f32 v0;
	[tilespmem:s9+$0x11600] =	vst v4;
	v3 =	vadd.f32 v16, v3  }
0x33b: {  	v2 =	vnsel vm15, $0x7D0, v63;
	[tilespmem:s9+$0x11580] =	vst v1;
	v0 =	vadd.f32 v59, v0  }
0x33c: {  	[tilespmem:s9+$0x11480] =	vst v3  }
0x33d: {  	[tilespmem:s9+$0x11400] =	vst v0  }
0x33e: {  	[tilespmem:s2+$0x11400] =	vst v6  }
0x33f: {  	[tilespmem:s0+$0x11400] =	vst v61  }
0x340: {  	v5 =	vld.idx.msk [tilespmem:v2+s6+$0x0], $0xffff  }
0x341: {  	v0 =	vld [tilespmem:s9+$0x9610]  }
0x342: {  	v4 =	vld.idx.msk [tilespmem:v2+s10+$0x0], $0xffff  }
0x343: {  	s28 =	simm.s32 $0x0;
	v3 =	vld.idx.msk [tilespmem:v2+s13+$0x0], $0xffff  }
0x344: {  	s30 =	simm.s32 $0x4B20;
	s26 =	simm.s32 $0x3940;
	s19 =	simm.s32 $0x20;
	v1 =	vld [tilespmem:s9+$0x9590]  }
.LBB2_14:
0x345: {  	v6 =	vld.idx.msk [tilespmem:v2+s14+$0x0], $0xffff;
	s24 =	sadd.s32 $0x100, s24;
	s28 =	sadd.s32 $0x1, s28;
	s25 =	sadd.s32 $0x20, s25  }
0x346: {  	p1 =	sne.s32 s19, $0x3E0;
	s31 =	smov.u32 s19;
	s19 =	sadd.s32 $0x20, s19;
	v7 =	vld.idx.msk [tilespmem:v2+s7+$0x0], $0xffff  }
0x347: {  	s0 =	sadd.s32 $0x10, s29;
	v8 =	vld [tilespmem:s9+$0x9690]  }
0x348: {  	v10 =	vunpack.i.u.bf16.f32 v5;
	v5 =	vunpack.i.l.bf16.f32 v5;
	s29 =	sor.u32 $0x380, s0;
	v9 =	vunpack.i.u.bf16.f32 v4;
	v2 =	vld.idx.msk [tilespmem:v2+s1+$0x0], $0xffff  }
0x349: {  	v10 =	vmul.f32 v0, v10;
	v11 =	vunpack.i.l.bf16.f32 v3;
	v12 =	vld [tilespmem:s29+$0x9400];
	v5 =	vmul.f32 v1, v5  }
0x34a: {  	v4 =	vunpack.i.l.bf16.f32 v4;
	v9 =	vmul.f32 v1, v9;
	v11 =	vmul.f32 v0, v11;
	v13 =	vld [tilespmem:s9+$0x9510]  }
0x34b: {  	v3 =	vunpack.i.u.bf16.f32 v3;
	v14 =	vunpack.i.u.bf16.f32 v6;
	v15 =	vld [tilespmem:s9+$0x9490];
	v5 =	vadd.f32 v10, v5  }
0x34c: {  	v6 =	vunpack.i.l.bf16.f32 v6;
	v9 =	vadd.f32 v11, v9;
	v10 =	vld [tilespmem:s9+$0x9410];
	v3 =	vmul.f32 v8, v3  }
0x34d: {  	v16 =	vunpack.i.l.bf16.f32 v7;
	v1 =	vmul.f32 v1, v14;
	v6 =	vmul.f32 v8, v6;
	v11 =	vld [tilespmem:s30+$0x0];
	s30 =	smov.u32 s25  }
0x34e: {  	s0 =	sor.u32 $0x300, s0;
	v7 =	vunpack.i.u.bf16.f32 v7;
	v0 =	vmul.f32 v0, v16;
	v14 =	vld [tilespmem:s17+$0x0];
	v3 =	vadd.f32 v3, v9;
	s17 =	smov.u32 s26  }
0x34f: {  	v9 =	vunpack.i.u.bf16.f32 v2;
	v5 =	vadd.f32 v6, v5;
	v16 =	vld [tilespmem:s0+$0x9400];
	v4 =	vadd.f32 v13, v4  }
0x350: {  	v2 =	vunpack.i.l.bf16.f32 v2;
	v0 =	vadd.f32 v0, v1;
	v1 =	vmul.f32 v8, v7;
	[tilespmem:s9+$0x11590] =	vst v3  }
0x351: {  	v3 =	vadd.f32 v15, v9;
	v2 =	vadd.f32 v10, v2;
	[tilespmem:s9+$0x11610] =	vst v5  }
0x352: {  	v0 =	vadd.f32 v1, v0;
	vm0 =	veq.s32 v11, $0x1;
	[tilespmem:s9+$0x11510] =	vst v4  }
0x353: {  	v1 =	vnsel vm0, $0x7D0, v14;
	[tilespmem:s9+$0x11410] =	vst v2  }
0x354: {  	[tilespmem:s9+$0x11490] =	vst v3  }
0x355: {  	[tilespmem:s9+$0x11690] =	vst v0  }
0x356: {  	s2 =	sand.u32 $0x1C00, s24;
	s9 =	sand.u32 $0x60, s31;
	[tilespmem:s0+$0x11400] =	vst v16  }
0x357: {  	s9 =	sor.u32 s9, s2;
	[tilespmem:s29+$0x11400] =	vst v12  }
0x358: {  	v0 =	vld [tilespmem:s9+$0x9600]  }
0x359: {  	v2 =	vld [tilespmem:s9+$0x9580]  }
0x35a: {  	v3 =	vld.idx.msk [tilespmem:v1+s7+$0x0], $0xffff  }
0x35b: {  	v4 =	vld.idx.msk [tilespmem:v1+s14+$0x0], $0xffff  }
0x35c: {  	v5 =	vld.idx.msk [tilespmem:v1+s6+$0x0], $0xffff  }
0x35d: {  	v6 =	vld.idx.msk [tilespmem:v1+s13+$0x0], $0xffff  }
0x35e: {  	v7 =	vld.idx.msk [tilespmem:v1+s10+$0x0], $0xffff  }
0x35f: {  	v8 =	vld [tilespmem:s9+$0x9680]  }
0x360: {  	v9 =	vunpack.i.u.bf16.f32 v3;
	v3 =	vunpack.i.l.bf16.f32 v3;
	v10 =	vld [tilespmem:s9+$0x9500]  }
0x361: {  	v11 =	vunpack.i.u.bf16.f32 v4;
	v4 =	vunpack.i.l.bf16.f32 v4;
	v3 =	vmul.f32 v0, v3;
	v1 =	vld.idx.msk [tilespmem:v1+s1+$0x0], $0xffff  }
0x362: {  	v12 =	vunpack.i.u.bf16.f32 v5;
	v5 =	vunpack.i.l.bf16.f32 v5;
	v11 =	vmul.f32 v2, v11  }
0x363: {  	v13 =	vunpack.i.l.bf16.f32 v6;
	v5 =	vmul.f32 v2, v5;
	v12 =	vmul.f32 v0, v12;
	v14 =	vld [tilespmem:s9+$0x9400]  }
0x364: {  	s0 =	sor.u32 s24, s31;
	v15 =	vunpack.i.u.bf16.f32 v7;
	v0 =	vmul.f32 v0, v13;
	v3 =	vadd.f32 v3, v11;
	v16 =	vld [tilespmem:s9+$0x9480]  }
0x365: {  	s2 =	sand.u32 $0x3, s28;
	s0 =	sor.u32 $0x380, s0;
	v6 =	vunpack.i.u.bf16.f32 v6;
	v7 =	vunpack.i.l.bf16.f32 v7;
	v2 =	vmul.f32 v2, v15  }
0x366: {  	s2 =	sshll.u32 s2, $0x5;
	v5 =	vadd.f32 v12, v5;
	v4 =	vmul.f32 v8, v4;
	v9 =	vmul.f32 v8, v9;
	v11 =	vld [tilespmem:s0+$0x9400]  }
0x367: {  	s29 =	sadd.s32 s2, s24;
	v13 =	vunpack.i.u.bf16.f32 v1;
	v1 =	vunpack.i.l.bf16.f32 v1;
	v0 =	vadd.f32 v0, v2;
	v12 =	vld [tilespmem:s25+$0xFFFFFFF0]  }
0x368: {  	s2 =	sor.u32 $0x300, s29;
	v6 =	vmul.f32 v8, v6;
	v3 =	vadd.f32 v9, v3;
	v2 =	vld [tilespmem:s26+$0xFFFFFFF0];
	v1 =	vadd.f32 v14, v1  }
0x369: {  	v7 =	vadd.f32 v10, v7;
	v8 =	vld [tilespmem:s2+$0x9400];
	v9 =	vadd.f32 v16, v13  }
0x36a: {  	v4 =	vadd.f32 v4, v5;
	v0 =	vadd.f32 v6, v0;
	[tilespmem:s9+$0x11680] =	vst v3  }
0x36b: {  	[tilespmem:s9+$0x11500] =	vst v7  }
0x36c: {  	[tilespmem:s9+$0x11600] =	vst v4;
	vm0 =	veq.s32 v12, $0x1  }
0x36d: {  	[tilespmem:s9+$0x11580] =	vst v0;
	v2 =	vnsel vm0, $0x7D0, v2  }
0x36e: {  	[tilespmem:s9+$0x11480] =	vst v9  }
0x36f: {  	[tilespmem:s9+$0x11400] =	vst v1  }
0x370: {  	[tilespmem:s2+$0x11400] =	vst v8  }
0x371: {  	[tilespmem:s0+$0x11400] =	vst v11  }
.Ltmp6:
0x372: {  	v5 =	vld.idx.msk [tilespmem:v2+s6+$0x0], $0xffff;
	(pc) =	sbr.rel @p1 .LBB2_14-.Ltmp6, $4  }
0x373: {  	v0 =	vld [tilespmem:s9+$0x9610]  }
0x374: {  	v4 =	vld.idx.msk [tilespmem:v2+s10+$0x0], $0xffff  }
0x375: {  	v3 =	vld.idx.msk [tilespmem:v2+s13+$0x0], $0xffff  }
0x376: {  	s26 =	sadd.s32 $0x20, s26;
	v1 =	vld [tilespmem:s9+$0x9590]  }
0x377: {  	_ =	sdelay $0x3  }
0x378: {  	v6 =	vld.idx.msk [tilespmem:v2+s14+$0x0], $0xffff  }
0x379: {  	v7 =	vld [tilespmem:s9+$0x9690]  }
0x37a: {  	v9 =	vld.idx.msk [tilespmem:v2+s7+$0x0], $0xffff  }
0x37b: {  	v2 =	vld.idx.msk [tilespmem:v2+s1+$0x0], $0xffff  }
0x37c: {  	v8 =	vunpack.i.l.bf16.f32 v5;
	v5 =	vunpack.i.u.bf16.f32 v5;
	v12 =	vld [tilespmem:s9+$0x9510]  }
0x37d: {  	v5 =	vmul.f32 v0, v5;
	v10 =	vunpack.i.u.bf16.f32 v4;
	v4 =	vunpack.i.l.bf16.f32 v4  }
0x37e: {  	v14 =	vld [tilespmem:s9+$0x9410];
	v11 =	vunpack.i.l.bf16.f32 v3;
	v3 =	vunpack.i.u.bf16.f32 v3;
	v8 =	vmul.f32 v1, v8  }
0x37f: {  	v10 =	vmul.f32 v1, v10;
	v11 =	vmul.f32 v0, v11;
	v13 =	vunpack.i.l.bf16.f32 v6  }
0x380: {  	v3 =	vmul.f32 v7, v3;
	v6 =	vunpack.i.u.bf16.f32 v6;
	v15 =	vunpack.i.l.bf16.f32 v9  }
0x381: {  	s0 =	sadd.s32 $0x10, s29;
	v48 =	vld [tilespmem:s9+$0x9490];
	v52 =	vunpack.i.u.bf16.f32 v2;
	v4 =	vadd.f32 v12, v4;
	v2 =	vunpack.i.l.bf16.f32 v2  }
0x382: {  	s2 =	sor.u32 $0x380, s0;
	v10 =	vadd.f32 v11, v10;
	v5 =	vadd.f32 v5, v8;
	v49 =	vmul.f32 v7, v13  }
0x383: {  	s0 =	sor.u32 $0x300, s0;
	v50 =	vld [tilespmem:s2+$0x9400];
	v1 =	vmul.f32 v1, v6;
	v0 =	vmul.f32 v0, v15;
	v2 =	vadd.f32 v14, v2  }
0x384: {  	v51 =	vld [tilespmem:s0+$0x9400];
	v6 =	vunpack.i.u.bf16.f32 v9;
	[tilespmem:s9+$0x11510] =	vst v4;
	v3 =	vadd.f32 v3, v10  }
0x385: {  	v5 =	vadd.f32 v49, v5;
	v0 =	vadd.f32 v0, v1;
	v1 =	vmul.f32 v7, v6;
	[tilespmem:s9+$0x11410] =	vst v2  }
0x386: {  	[tilespmem:s9+$0x11590] =	vst v3;
	v3 =	vadd.f32 v48, v52  }
0x387: {  	[tilespmem:s9+$0x11610] =	vst v5;
	v0 =	vadd.f32 v1, v0  }
0x388: {  	[tilespmem:s9+$0x11490] =	vst v3  }
0x389: {  	[tilespmem:s9+$0x11690] =	vst v0;
	s9 =	sld [smem:$0x7FD]  }
0x38a: {  	[tilespmem:s0+$0x11400] =	vst v51  }
0x38b: {  	s24 =	simm.s32 $0x0;
	s17 =	simm.s32 $0x11400;
	[tilespmem:s2+$0x11400] =	vst v50  }
0x38c: {  	[hbm4b:s9+s24] =	stream.linear.scatter [tilespmem:s17], [sflag:$0x7], $0x2000, $0x38;
	[tilespmem:$0x15400] =	vst v63  }
0x38d: {  	_ =	swait.ge [sflag:s18], $0x400  }
0x38e: {  	[sflag:s18] =	ssyncset.done $0x0  }
0x38f: {  	[sflag:s18] =	ssyncadd.s32 $0xFFFFFC00  }
0x390: {  	_ =	swait.ge [sflag:s18], $0x400  }
0x391: {  	[sflag:s18] =	ssyncset.done $0x0  }
0x392: {  	[sflag:s18] =	ssyncadd.s32 $0xFFFFFC00  }
0x393: {  	_ =	swait.ge [sflag:s18], $0x2000  }
0x394: {  	[sflag:s18] =	ssyncset.done $0x0  }
0x395: {  	[sflag:s18] =	ssyncadd.s32 $0xFFFFE000  }
0x396: {  	_ =	swait.ge [sflag:s22], $0x2000  }
0x397: {  	[sflag:s22] =	ssyncset.done $0x0  }
0x398: {  	[sflag:s22] =	ssyncadd.s32 $0xFFFFE000  }
0x399: {  	v0 =	vld [tilespmem:$0x4F80]  }
0x39a: {  	v1 =	vld [tilespmem:$0x3D80];
	_ =	sdelay $0x3  }
0x39b: {  	vm0 =	veq.s32 v0, $0x1  }
0x39c: {  	v0 =	vnsel vm0, $0x7D0, v1;
	_ =	sdelay $0x1  }
0x39d: {  	s19 =	sand.u32 $0x1C00, s24;
	s25 =	sand.u32 $0x60, s24  }
0x39e: {  	s9 =	sor.u32 s25, s19  }
0x39f: {  	v1 =	vld [tilespmem:s9+$0xB600]  }
0x3a0: {  	v3 =	vld.idx.msk [tilespmem:v0+s7+$0x0], $0xffff  }
0x3a1: {  	v4 =	vld.idx.msk [tilespmem:v0+s14+$0x0], $0xffff  }
0x3a2: {  	v5 =	vld.idx.msk [tilespmem:v0+s6+$0x0], $0xffff  }
0x3a3: {  	v6 =	vld.idx.msk [tilespmem:v0+s13+$0x0], $0xffff  }
0x3a4: {  	v7 =	vld.idx.msk [tilespmem:v0+s10+$0x0], $0xffff  }
0x3a5: {  	v2 =	vld [tilespmem:s9+$0xB580];
	_ =	sdelay $0x1  }
0x3a6: {  	v53 =	vld [tilespmem:s9+$0xB680];
	v54 =	vunpack.i.u.bf16.f32 v3;
	v3 =	vunpack.i.l.bf16.f32 v3;
	v56 =	vunpack.i.u.bf16.f32 v4  }
0x3a7: {  	v55 =	vld [tilespmem:s9+$0xB500];
	v4 =	vunpack.i.l.bf16.f32 v4;
	v57 =	vunpack.i.u.bf16.f32 v5;
	v5 =	vunpack.i.l.bf16.f32 v5  }
0x3a8: {  	v59 =	vld [tilespmem:s9+$0xB400];
	v58 =	vunpack.i.l.bf16.f32 v6;
	v60 =	vunpack.i.u.bf16.f32 v7;
	v3 =	vmul.f32 v1, v3  }
0x3a9: {  	v16 =	vld [tilespmem:s9+$0xB480];
	v7 =	vunpack.i.l.bf16.f32 v7;
	v11 =	vmul.f32 v2, v56;
	v5 =	vmul.f32 v2, v5  }
0x3aa: {  	s31 =	sand.u32 $0x3, s24;
	s25 =	simm.s32 $0x4FA0;
	v0 =	vld.idx.msk [tilespmem:v0+s1+$0x0], $0xffff;
	v6 =	vunpack.i.u.bf16.f32 v6;
	v12 =	vmul.f32 v1, v57;
	v1 =	vmul.f32 v1, v58  }
0x3ab: {  	s26 =	sor.u32 s24, s24;
	s2 =	sshll.u32 s31, $0x5;
	s17 =	simm.s32 $0x3DA0;
	v62 =	vld [tilespmem:s25+$0xFFFFFFF0];
	v9 =	vmul.f32 v53, v54;
	v2 =	vmul.f32 v2, v60;
	v3 =	vadd.f32 v3, v11  }
0x3ac: {  	s0 =	sor.u32 $0x380, s26;
	s29 =	sadd.s32 $0x0, s2;
	v63 =	vld [tilespmem:s17+$0xFFFFFFF0];
	v4 =	vmul.f32 v53, v4;
	v7 =	vadd.f32 v55, v7;
	v5 =	vadd.f32 v12, v5  }
0x3ad: {  	s2 =	sor.u32 $0x300, s29;
	v61 =	vld [tilespmem:s0+$0xB400];
	v1 =	vadd.f32 v1, v2;
	v2 =	vmul.f32 v53, v6;
	v3 =	vadd.f32 v9, v3  }
0x3ae: {  	v6 =	vld [tilespmem:s2+$0xB400];
	[tilespmem:s9+$0x13500] =	vst v7;
	v4 =	vadd.f32 v4, v5  }
0x3af: {  	v1 =	vadd.f32 v2, v1;
	[tilespmem:s9+$0x13680] =	vst v3;
	v3 =	vunpack.i.u.bf16.f32 v0  }
0x3b0: {  	vm15 =	veq.s32 v62, $0x1;
	v0 =	vunpack.i.l.bf16.f32 v0;
	[tilespmem:s9+$0x13600] =	vst v4;
	v3 =	vadd.f32 v16, v3  }
0x3b1: {  	v2 =	vnsel vm15, $0x7D0, v63;
	[tilespmem:s9+$0x13580] =	vst v1;
	v0 =	vadd.f32 v59, v0  }
0x3b2: {  	[tilespmem:s9+$0x13480] =	vst v3  }
0x3b3: {  	[tilespmem:s9+$0x13400] =	vst v0  }
0x3b4: {  	[tilespmem:s2+$0x13400] =	vst v6  }
0x3b5: {  	[tilespmem:s0+$0x13400] =	vst v61  }
0x3b6: {  	v5 =	vld.idx.msk [tilespmem:v2+s6+$0x0], $0xffff  }
0x3b7: {  	v0 =	vld [tilespmem:s9+$0xB610]  }
0x3b8: {  	v4 =	vld.idx.msk [tilespmem:v2+s10+$0x0], $0xffff  }
0x3b9: {  	s28 =	simm.s32 $0x0;
	v3 =	vld.idx.msk [tilespmem:v2+s13+$0x0], $0xffff  }
0x3ba: {  	s30 =	simm.s32 $0x4FA0;
	s26 =	simm.s32 $0x3DC0;
	s19 =	simm.s32 $0x20;
	v1 =	vld [tilespmem:s9+$0xB590]  }
.LBB2_16:
0x3bb: {  	v6 =	vld.idx.msk [tilespmem:v2+s14+$0x0], $0xffff;
	s24 =	sadd.s32 $0x100, s24;
	s28 =	sadd.s32 $0x1, s28;
	s25 =	sadd.s32 $0x20, s25  }
0x3bc: {  	p1 =	sne.s32 s19, $0x3E0;
	s31 =	smov.u32 s19;
	s19 =	sadd.s32 $0x20, s19;
	v7 =	vld.idx.msk [tilespmem:v2+s7+$0x0], $0xffff  }
0x3bd: {  	s0 =	sadd.s32 $0x10, s29;
	v8 =	vld [tilespmem:s9+$0xB690]  }
0x3be: {  	v10 =	vunpack.i.u.bf16.f32 v5;
	v5 =	vunpack.i.l.bf16.f32 v5;
	s29 =	sor.u32 $0x380, s0;
	v9 =	vunpack.i.u.bf16.f32 v4;
	v2 =	vld.idx.msk [tilespmem:v2+s1+$0x0], $0xffff  }
0x3bf: {  	v10 =	vmul.f32 v0, v10;
	v11 =	vunpack.i.l.bf16.f32 v3;
	v12 =	vld [tilespmem:s29+$0xB400];
	v5 =	vmul.f32 v1, v5  }
0x3c0: {  	v4 =	vunpack.i.l.bf16.f32 v4;
	v9 =	vmul.f32 v1, v9;
	v11 =	vmul.f32 v0, v11;
	v13 =	vld [tilespmem:s9+$0xB510]  }
0x3c1: {  	v3 =	vunpack.i.u.bf16.f32 v3;
	v14 =	vunpack.i.u.bf16.f32 v6;
	v15 =	vld [tilespmem:s9+$0xB490];
	v5 =	vadd.f32 v10, v5  }
0x3c2: {  	v6 =	vunpack.i.l.bf16.f32 v6;
	v9 =	vadd.f32 v11, v9;
	v10 =	vld [tilespmem:s9+$0xB410];
	v3 =	vmul.f32 v8, v3  }
0x3c3: {  	v16 =	vunpack.i.l.bf16.f32 v7;
	v1 =	vmul.f32 v1, v14;
	v6 =	vmul.f32 v8, v6;
	v11 =	vld [tilespmem:s30+$0x0];
	s30 =	smov.u32 s25  }
0x3c4: {  	s0 =	sor.u32 $0x300, s0;
	v7 =	vunpack.i.u.bf16.f32 v7;
	v0 =	vmul.f32 v0, v16;
	v14 =	vld [tilespmem:s17+$0x0];
	v3 =	vadd.f32 v3, v9;
	s17 =	smov.u32 s26  }
0x3c5: {  	v9 =	vunpack.i.u.bf16.f32 v2;
	v5 =	vadd.f32 v6, v5;
	v16 =	vld [tilespmem:s0+$0xB400];
	v4 =	vadd.f32 v13, v4  }
0x3c6: {  	v2 =	vunpack.i.l.bf16.f32 v2;
	v0 =	vadd.f32 v0, v1;
	v1 =	vmul.f32 v8, v7;
	[tilespmem:s9+$0x13590] =	vst v3  }
0x3c7: {  	v3 =	vadd.f32 v15, v9;
	v2 =	vadd.f32 v10, v2;
	[tilespmem:s9+$0x13610] =	vst v5  }
0x3c8: {  	v0 =	vadd.f32 v1, v0;
	vm0 =	veq.s32 v11, $0x1;
	[tilespmem:s9+$0x13510] =	vst v4  }
0x3c9: {  	v1 =	vnsel vm0, $0x7D0, v14;
	[tilespmem:s9+$0x13410] =	vst v2  }
0x3ca: {  	[tilespmem:s9+$0x13490] =	vst v3  }
0x3cb: {  	[tilespmem:s9+$0x13690] =	vst v0  }
0x3cc: {  	s2 =	sand.u32 $0x1C00, s24;
	s9 =	sand.u32 $0x60, s31;
	[tilespmem:s0+$0x13400] =	vst v16  }
0x3cd: {  	s9 =	sor.u32 s9, s2;
	[tilespmem:s29+$0x13400] =	vst v12  }
0x3ce: {  	v0 =	vld [tilespmem:s9+$0xB600]  }
0x3cf: {  	v2 =	vld [tilespmem:s9+$0xB580]  }
0x3d0: {  	v3 =	vld.idx.msk [tilespmem:v1+s7+$0x0], $0xffff  }
0x3d1: {  	v4 =	vld.idx.msk [tilespmem:v1+s14+$0x0], $0xffff  }
0x3d2: {  	v5 =	vld.idx.msk [tilespmem:v1+s6+$0x0], $0xffff  }
0x3d3: {  	v6 =	vld.idx.msk [tilespmem:v1+s13+$0x0], $0xffff  }
0x3d4: {  	v7 =	vld.idx.msk [tilespmem:v1+s10+$0x0], $0xffff  }
0x3d5: {  	v8 =	vld [tilespmem:s9+$0xB680]  }
0x3d6: {  	v9 =	vunpack.i.u.bf16.f32 v3;
	v3 =	vunpack.i.l.bf16.f32 v3;
	v10 =	vld [tilespmem:s9+$0xB500]  }
0x3d7: {  	v11 =	vunpack.i.u.bf16.f32 v4;
	v4 =	vunpack.i.l.bf16.f32 v4;
	v3 =	vmul.f32 v0, v3;
	v1 =	vld.idx.msk [tilespmem:v1+s1+$0x0], $0xffff  }
0x3d8: {  	v12 =	vunpack.i.u.bf16.f32 v5;
	v5 =	vunpack.i.l.bf16.f32 v5;
	v11 =	vmul.f32 v2, v11  }
0x3d9: {  	v13 =	vunpack.i.l.bf16.f32 v6;
	v5 =	vmul.f32 v2, v5;
	v12 =	vmul.f32 v0, v12;
	v14 =	vld [tilespmem:s9+$0xB400]  }
0x3da: {  	s0 =	sor.u32 s24, s31;
	v15 =	vunpack.i.u.bf16.f32 v7;
	v0 =	vmul.f32 v0, v13;
	v3 =	vadd.f32 v3, v11;
	v16 =	vld [tilespmem:s9+$0xB480]  }
0x3db: {  	s2 =	sand.u32 $0x3, s28;
	s0 =	sor.u32 $0x380, s0;
	v6 =	vunpack.i.u.bf16.f32 v6;
	v7 =	vunpack.i.l.bf16.f32 v7;
	v2 =	vmul.f32 v2, v15  }
0x3dc: {  	s2 =	sshll.u32 s2, $0x5;
	v5 =	vadd.f32 v12, v5;
	v4 =	vmul.f32 v8, v4;
	v9 =	vmul.f32 v8, v9;
	v11 =	vld [tilespmem:s0+$0xB400]  }
0x3dd: {  	s29 =	sadd.s32 s2, s24;
	v13 =	vunpack.i.u.bf16.f32 v1;
	v1 =	vunpack.i.l.bf16.f32 v1;
	v0 =	vadd.f32 v0, v2;
	v12 =	vld [tilespmem:s25+$0xFFFFFFF0]  }
0x3de: {  	s2 =	sor.u32 $0x300, s29;
	v6 =	vmul.f32 v8, v6;
	v3 =	vadd.f32 v9, v3;
	v2 =	vld [tilespmem:s26+$0xFFFFFFF0];
	v1 =	vadd.f32 v14, v1  }
0x3df: {  	v7 =	vadd.f32 v10, v7;
	v8 =	vld [tilespmem:s2+$0xB400];
	v9 =	vadd.f32 v16, v13  }
0x3e0: {  	v4 =	vadd.f32 v4, v5;
	v0 =	vadd.f32 v6, v0;
	[tilespmem:s9+$0x13680] =	vst v3  }
0x3e1: {  	[tilespmem:s9+$0x13500] =	vst v7  }
0x3e2: {  	[tilespmem:s9+$0x13600] =	vst v4;
	vm0 =	veq.s32 v12, $0x1  }
0x3e3: {  	[tilespmem:s9+$0x13580] =	vst v0;
	v2 =	vnsel vm0, $0x7D0, v2  }
0x3e4: {  	[tilespmem:s9+$0x13480] =	vst v9  }
0x3e5: {  	[tilespmem:s9+$0x13400] =	vst v1  }
0x3e6: {  	[tilespmem:s2+$0x13400] =	vst v8  }
0x3e7: {  	[tilespmem:s0+$0x13400] =	vst v11  }
.Ltmp7:
0x3e8: {  	v5 =	vld.idx.msk [tilespmem:v2+s6+$0x0], $0xffff;
	(pc) =	sbr.rel @p1 .LBB2_16-.Ltmp7, $4  }
0x3e9: {  	v0 =	vld [tilespmem:s9+$0xB610]  }
0x3ea: {  	v4 =	vld.idx.msk [tilespmem:v2+s10+$0x0], $0xffff  }
0x3eb: {  	v3 =	vld.idx.msk [tilespmem:v2+s13+$0x0], $0xffff  }
0x3ec: {  	s26 =	sadd.s32 $0x20, s26;
	v1 =	vld [tilespmem:s9+$0xB590]  }
0x3ed: {  	_ =	sdelay $0x3  }
0x3ee: {  	v6 =	vld.idx.msk [tilespmem:v2+s14+$0x0], $0xffff  }
0x3ef: {  	v7 =	vld [tilespmem:s9+$0xB690]  }
0x3f0: {  	v9 =	vld.idx.msk [tilespmem:v2+s7+$0x0], $0xffff  }
0x3f1: {  	v50 =	vld.idx.msk [tilespmem:v2+s1+$0x0], $0xffff;
	v51 =	vunpack.i.u.bf16.f32 v5  }
0x3f2: {  	v8 =	vunpack.i.l.bf16.f32 v5;
	v12 =	vld [tilespmem:s9+$0xB510];
	v5 =	vmul.f32 v0, v51;
	v10 =	vunpack.i.u.bf16.f32 v4  }
0x3f3: {  	v14 =	vld [tilespmem:s9+$0xB410];
	v52 =	vunpack.i.l.bf16.f32 v4;
	v11 =	vunpack.i.l.bf16.f32 v3;
	v8 =	vmul.f32 v1, v8  }
0x3f4: {  	v54 =	vld [tilespmem:s9+$0xB490];
	v53 =	vunpack.i.u.bf16.f32 v3;
	v10 =	vmul.f32 v1, v10;
	v11 =	vmul.f32 v0, v11  }
0x3f5: {  	v13 =	vunpack.i.l.bf16.f32 v6;
	v3 =	vmul.f32 v7, v53;
	v6 =	vunpack.i.u.bf16.f32 v6  }
0x3f6: {  	s0 =	sadd.s32 $0x10, s29;
	v15 =	vunpack.i.l.bf16.f32 v9;
	v58 =	vunpack.i.u.bf16.f32 v9;
	v61 =	vunpack.i.u.bf16.f32 v50  }
0x3f7: {  	s2 =	sor.u32 $0x380, s0;
	v4 =	vadd.f32 v12, v52;
	v2 =	vunpack.i.l.bf16.f32 v50;
	v10 =	vadd.f32 v11, v10  }
0x3f8: {  	s0 =	sor.u32 $0x300, s0;
	v56 =	vld [tilespmem:s2+$0xB400];
	v57 =	vmul.f32 v1, v6;
	v59 =	vmul.f32 v0, v15;
	v2 =	vadd.f32 v14, v2  }
0x3f9: {  	v60 =	vld [tilespmem:s0+$0xB400];
	v5 =	vadd.f32 v5, v8;
	v55 =	vmul.f32 v7, v13;
	v63 =	vadd.f32 v54, v61;
	[tilespmem:s9+$0x13510] =	vst v4  }
0x3fa: {  	v62 =	vmul.f32 v7, v58;
	v3 =	vadd.f32 v3, v10;
	v0 =	vadd.f32 v59, v57;
	[tilespmem:s9+$0x13410] =	vst v2  }
0x3fb: {  	v5 =	vadd.f32 v55, v5;
	[tilespmem:s9+$0x13490] =	vst v63  }
0x3fc: {  	[tilespmem:s9+$0x13590] =	vst v3;
	v0 =	vadd.f32 v62, v0  }
0x3fd: {  	[tilespmem:s9+$0x13610] =	vst v5  }
0x3fe: {  	[tilespmem:s9+$0x13690] =	vst v0  }
0x3ff: {  	[tilespmem:s0+$0x13400] =	vst v60  }
0x400: {  	s31 =	simm.s32 $0x13400;
	[tilespmem:s2+$0x13400] =	vst v56  }
0x401: {  	[hbm4b:s3+s1] =	stream.linear.scatter [tilespmem:s31], [sflag:$0x8], $0x2000, $0x38;
	[tilespmem:$0x15400] =	vst v63  }
0x402: {  	_ =	swait.ge [sflag:s20], $0x2000  }
0x403: {  	[sflag:s20] =	ssyncset.done $0x0  }
0x404: {  	[sflag:s20] =	ssyncadd.s32 $0xFFFFE000  }
0x405: {  	_ =	swait.ge [sflag:s21], $0x2000  }
0x406: {  	[sflag:s21] =	ssyncset.done $0x0  }
0x407: {  	s23 =	sadd.s32 $0x1, s23;
	[sflag:s21] =	ssyncadd.s32 $0xFFFFE000  }
0x408: {  	p1 =	sne.s32 s23, s5;
	_ =	swait.ge [sflag:s11], $0x2000  }
.Ltmp8:
0x409: {  	[sflag:s11] =	ssyncset.done $0x0;
	(pc) =	sbr.rel @p1 .LBB2_1-.Ltmp8, $4  }
0x40a: {  	[sflag:s11] =	ssyncadd.s32 $0xFFFFE000  }
0x40b: {  	_ =	swait.ge [sflag:s22], $0x2000  }
0x40c: {  	[sflag:s22] =	ssyncset.done $0x0  }
0x40d: {  	[sflag:s22] =	ssyncadd.s32 $0xFFFFE000  }
0x40e: {  	_ =	sfence.sel $0x180000  }
0x40f: {  	[bflag:$0x0] =	sbarrier.arrive $0xFFFF  }
0x410: {  	_ =	strace $0x90000047  }
0x411: {  	s0 =	stileid.u32;
	[bflag:$0x2] =	sbarrier.arrive $0xFFFF  }
0x412: {  	p0 =	sne.s32 s0, $0x0;
	s0 =	rddreg [dreg:$0x5]  }
0x413: {  	s0 =	sadd.s32 @!p0 $0x100000, s0  }
0x414: {  	[sflag:s0] =	ssyncadd.tile.s32 @!p0 $0x1;
	_ =	shalt  }
.Lfunc_end2:
_tile_overlayer_lowered:
.L_overlay_start_2:
0x415: {  	(tag) =	ssettag $0x2  }
0x416: {  	s0 =	rddreg [dreg:$0x0];
	s2 =	stileid.u32  }
0x417: {  	s1 =	rddreg [dreg:$0x1];
	p0 =	sne.s32 s2, $0x0  }
0x418: {  	s3 =	rddreg [dreg:$0x2];
	[bflag:$0x3] =	sbarrier.arrive $0xFFFF;
	s2 =	simm.s32 @!p0 $0x1C09  }
0x419: {  	[timem:s3], [sflag:s2] =	dma.local @!p0 [hbm:s0], s1  }
0x41a: {  	s0 =	simm.s32 @!p0 $0x9  }
0x41b: {  	_ =	swait.ge @!p0 [sflag:s0], s1  }
0x41c: {  	s1 =	ssub.s32 @!p0 $0x0, s1;
	[sflag:s0] =	ssyncset.done @!p0 $0x0  }
0x41d: {  	[sflag:s0] =	ssyncadd.s32 @!p0 s1  }
0x41e: {  	[bflag:$0x3] =	sbarrier.arrive $0xFFFF  }
0x41f: {  	_ =	shalt  }

</sc_bundles>
